<compile_context>
chip_gen: v7x
topology: tpu7x:2x2x1
jax: 0.10.2.dev20260603
libtpu: 0.0.44.dev20260713+nightly
codegen_flags: <defaults>
</compile_context>

<pallas_src>
import functools

import jax
import jax.numpy as jnp
from jax import lax
from jax.experimental import pallas as pl
from jax.experimental.pallas import tpu as pltpu
from jax.experimental.pallas import tpu_sc as plsc

N_WORDS = 100000
EMBED_DIM = 300
PAD_DIM = 304
BATCH = 16384

_info = plsc.get_sparse_core_info()
_NC = _info.num_cores
_NS = _info.num_subcores
_NW = _NC * _NS
_BPW = BATCH // _NW
_CHUNK = 128
_NCHUNK = _BPW // _CHUNK
_NT = 3 * _NCHUNK

_mesh = plsc.VectorSubcoreMesh(core_axis_name="c", subcore_axis_name="s")

_PAD_ROWS = 2000


def _pad_body(x_ref, o_ref):
    o_ref[:, :256] = x_ref[:, :256]
    edge = jnp.concatenate(
        [x_ref[:, 256:EMBED_DIM],
         jnp.zeros((_PAD_ROWS, PAD_DIM - EMBED_DIM), jnp.float32)],
        axis=1,
    )
    o_ref[:, 256:] = edge


_pad_table = pl.pallas_call(
    _pad_body,
    grid=(N_WORDS // _PAD_ROWS,),
    in_specs=[pl.BlockSpec((_PAD_ROWS, EMBED_DIM), lambda i: (i, 0))],
    out_specs=pl.BlockSpec((_PAD_ROWS, PAD_DIM), lambda i: (i, 0)),
    out_shape=jax.ShapeDtypeStruct((N_WORDS, PAD_DIM), jnp.float32),
)


@functools.partial(
    pl.kernel,
    mesh=_mesh,
    compiler_params=pltpu.CompilerParams(use_tc_tiling_on_sc=False),
    out_type=[jax.ShapeDtypeStruct((BATCH, EMBED_DIM), jnp.float32)] * 3,
    scratch_types=[
        pltpu.VMEM((_NT, _CHUNK), jnp.int32),
        pltpu.VMEM((_CHUNK, PAD_DIM), jnp.float32),
        pltpu.VMEM((_CHUNK, PAD_DIM), jnp.float32),
        pltpu.VMEM((_CHUNK, EMBED_DIM), jnp.float32),
        pltpu.SemaphoreType.DMA,
        pltpu.SemaphoreType.DMA,
        pltpu.SemaphoreType.DMA,
        pltpu.SemaphoreType.DMA,
    ],
)
def _embed3(tw_hbm, syn_hbm, ant_hbm, table_hbm, out_tw, out_syn, out_ant,
            idx_v, rows0, rows1, buf, sem0, sem1, semw1, semw2):
    wid = lax.axis_index("s") * _NC + lax.axis_index("c")
    base = wid * _BPW
    pltpu.sync_copy(tw_hbm.at[wid], idx_v.at[pl.ds(0, _NCHUNK)])
    pltpu.sync_copy(syn_hbm.at[wid], idx_v.at[pl.ds(_NCHUNK, _NCHUNK)])
    pltpu.sync_copy(ant_hbm.at[wid], idx_v.at[pl.ds(2 * _NCHUNK, _NCHUNK)])
    outs = (out_tw, out_syn, out_ant)
    rows = (rows0, rows1)
    sems = (sem0, sem1)

    def fire(t):
        cp = pltpu.make_async_copy(
            table_hbm.at[idx_v.at[t]], rows[t % 2], sems[t % 2]
        )
        cp.start()
        return cp

    cp = fire(0)
    for t in range(_NT):
        cp.wait()
        if t + 1 < _NT:
            nxt = fire(t + 1)
        src = rows[t % 2]
        out_hbm = outs[t // _NCHUNK]
        off = base + (t % _NCHUNK) * _CHUNK

        @pl.loop(0, _CHUNK)
        def _repack(k):
            for j in range(18):
                buf[k, pl.ds(j * 16, 16)] = src[k, pl.ds(j * 16, 16)]
            buf[k, pl.ds(284, 16)] = src[k, pl.ds(284, 16)]

        pltpu.sync_copy(buf, out_hbm.at[pl.ds(off, _CHUNK)])
        if t + 1 < _NT:
            cp = nxt


def kernel(target_word, synonym, antonym, embedding_weight):
    tw = target_word.astype(jnp.int32).reshape(_NW, _NCHUNK, _CHUNK)
    syn = synonym.astype(jnp.int32).reshape(_NW, _NCHUNK, _CHUNK)
    ant = antonym.astype(jnp.int32).reshape(_NW, _NCHUNK, _CHUNK)
    tab = _pad_table(embedding_weight)
    o = _embed3(tw, syn, ant, tab)
    return (o[0], o[1], o[2])

# --- scband reference (transcript-rebuilt; emitter-appended) ---
"""Pipeline reference for scband-language-model-20950850469920 (READ-ONLY COPY).

The authoritative reference and input builder live on the scoring server;
editing this copy changes nothing except your own understanding.
"""

import jax, jax.numpy as jnp
import numpy as np

N_WORDS = 100000
EMBED_DIM = 300
BATCH = 16384

def setup_inputs(seed: int = 0) -> dict:
    key = jax.random.key(seed)
    k_tw, k_syn, k_ant, k_tab = jax.random.split(key, 4)
    target_word = jax.random.randint(k_tw, (BATCH,), 0, N_WORDS, dtype=jnp.int64)
    synonym = jax.random.randint(k_syn, (BATCH,), 0, N_WORDS, dtype=jnp.int64)
    antonym = jax.random.randint(k_ant, (BATCH,), 0, N_WORDS, dtype=jnp.int64)
    embedding_weight = jax.random.normal(k_tab, (N_WORDS, EMBED_DIM), dtype=jnp.float32)
    return {
        "target_word": target_word,
        "synonym": synonym,
        "antonym": antonym,
        "embedding_weight": embedding_weight,
    }

def reference(target_word, synonym, antonym, embedding_weight):
    # Faithful translation of LanguageModel.forward: three embedding lookups
    # into the same shared table, returned as a tuple.
    tw = jnp.take(embedding_weight, target_word, axis=0)
    syn = jnp.take(embedding_weight, synonym, axis=0)
    ant = jnp.take(embedding_weight, antonym, axis=0)
    return (tw, syn, ant)

if __name__ == "__main__":
    import jax
    _d = setup_inputs()
    print(jax.jit(kernel)(*tuple(_d.values())))

</pallas_src>

<mosaic_0001>
#map = affine_map<(d0, d1) -> (0, 0, 0)>
#map1 = affine_map<(d0, d1) -> (0, 0)>
module attributes {stable_mosaic.version = 14 : i64} {
  func.func @_embed3(%arg0: i32, %arg1: i32, %arg2: memref<32x4x128xi32, #tpu.memory_space<hbm>>, %arg3: memref<32x4x128xi32, #tpu.memory_space<hbm>>, %arg4: memref<32x4x128xi32, #tpu.memory_space<hbm>>, %arg5: memref<100000x304xf32, #tpu.memory_space<hbm>>, %arg6: memref<16384x300xf32, #tpu.memory_space<hbm>>, %arg7: memref<16384x300xf32, #tpu.memory_space<hbm>>, %arg8: memref<16384x300xf32, #tpu.memory_space<hbm>>, %arg9: memref<12x128xi32, #tpu.memory_space<vmem>>, %arg10: memref<128x304xf32, #tpu.memory_space<vmem>>, %arg11: memref<128x304xf32, #tpu.memory_space<vmem>>, %arg12: memref<128x300xf32, #tpu.memory_space<vmem>>, %arg13: memref<!tpu.dma_semaphore, #tpu.memory_space<semaphore_mem>>, %arg14: memref<!tpu.dma_semaphore, #tpu.memory_space<semaphore_mem>>, %arg15: memref<!tpu.dma_semaphore, #tpu.memory_space<semaphore_mem>>, %arg16: memref<!tpu.dma_semaphore, #tpu.memory_space<semaphore_mem>>) attributes {dimension_semantics = [#tpu.dimension_semantics<core_parallel>, #tpu.dimension_semantics<subcore_parallel>], iteration_bounds = array<i64: 2, 16>, scalar_prefetch = 0 : i64, scratch_operands = 8 : i64, tpu.core_type = #tpu.core_type<sc_vector_subcore>, window_params = [{transform_indices = #map}, {transform_indices = #map}, {transform_indices = #map}, {transform_indices = #map1}, {transform_indices = #map1}, {transform_indices = #map1}, {transform_indices = #map1}]} {
    %mul3A = arith.constant 2 : i32
    %mul3A_0 = arith.muli %arg1, %mul3A : i32
    %add3A = arith.addi %mul3A_0, %arg0 : i32
    %mul3A_1 = arith.constant 512 : i32
    %mul3A_2 = arith.muli %add3A, %mul3A_1 : i32
    "tpu.region"() ({
      %run_scoped3A = tpu.sem_alloc : memref<!tpu.dma_semaphore, #tpu.memory_space<semaphore_mem>>
      %dma_start3A_252 = arith.constant 0 : i32
      %dma_start3A_253 = arith.constant 0 : i32
      %dma_start3A_254 = tpu.memref_slice %arg9[%dma_start3A_252, %dma_start3A_253] : memref<12x128xi32, #tpu.memory_space<vmem>> -> memref<4x128xi32, #tpu.memory_space<vmem>>
      %dma_start3A_255 = arith.constant 0 : i32
      %dma_start3A_256 = arith.constant 0 : i32
      %dma_start3A_257 = tpu.memref_slice %arg2[%add3A, %dma_start3A_255, %dma_start3A_256] : memref<32x4x128xi32, #tpu.memory_space<hbm>> -> memref<1x4x128xi32, #tpu.memory_space<hbm>>
      %dma_start3A_258 = tpu.memref_squeeze %dma_start3A_257 : memref<1x4x128xi32, #tpu.memory_space<hbm>> -> memref<4x128xi32, #tpu.memory_space<hbm>>
      %dma_start3A_259 = arith.constant 0 : i32
      %dma_start3A_260 = arith.constant 0 : i32
      %dma_start3A_261 = tpu.memref_slice %arg9[%dma_start3A_259, %dma_start3A_260] : memref<12x128xi32, #tpu.memory_space<vmem>> -> memref<4x128xi32, #tpu.memory_space<vmem>>
      %dma_start3A_262 = arith.constant 0 : i32
      %dma_start3A_263 = arith.constant 0 : i32
      %dma_start3A_264 = tpu.memref_slice %arg2[%add3A, %dma_start3A_262, %dma_start3A_263] : memref<32x4x128xi32, #tpu.memory_space<hbm>> -> memref<1x4x128xi32, #tpu.memory_space<hbm>>
      %dma_start3A_265 = tpu.memref_squeeze %dma_start3A_264 : memref<1x4x128xi32, #tpu.memory_space<hbm>> -> memref<4x128xi32, #tpu.memory_space<hbm>>
      tpu.enqueue_dma source(%dma_start3A_265 : memref<4x128xi32, #tpu.memory_space<hbm>>) target(%dma_start3A_261 : memref<4x128xi32, #tpu.memory_space<vmem>>) target_semaphore(%run_scoped3A : memref<!tpu.dma_semaphore, #tpu.memory_space<semaphore_mem>>)
      %dma_wait3A_266 = arith.constant 0 : i32
      %dma_wait3A_267 = arith.constant 0 : i32
      %dma_wait3A_268 = tpu.memref_slice %arg9[%dma_wait3A_266, %dma_wait3A_267] : memref<12x128xi32, #tpu.memory_space<vmem>> -> memref<4x128xi32, #tpu.memory_space<vmem>>
      %dma_wait3A_269 = arith.constant 0 : i32
      %dma_wait3A_270 = arith.constant 0 : i32
      %dma_wait3A_271 = tpu.memref_slice %arg2[%add3A, %dma_wait3A_269, %dma_wait3A_270] : memref<32x4x128xi32, #tpu.memory_space<hbm>> -> memref<1x4x128xi32, #tpu.memory_space<hbm>>
      %dma_wait3A_272 = tpu.memref_squeeze %dma_wait3A_271 : memref<1x4x128xi32, #tpu.memory_space<hbm>> -> memref<4x128xi32, #tpu.memory_space<hbm>>
      %dma_wait3A_273 = arith.constant 0 : i32
      %dma_wait3A_274 = arith.constant 0 : i32
      %dma_wait3A_275 = tpu.memref_slice %arg9[%dma_wait3A_273, %dma_wait3A_274] : memref<12x128xi32, #tpu.memory_space<vmem>> -> memref<4x128xi32, #tpu.memory_space<vmem>>
      %dma_wait3A_276 = arith.constant 0 : i32
      %dma_wait3A_277 = arith.constant 0 : i32
      %dma_wait3A_278 = tpu.memref_slice %arg2[%add3A, %dma_wait3A_276, %dma_wait3A_277] : memref<32x4x128xi32, #tpu.memory_space<hbm>> -> memref<1x4x128xi32, #tpu.memory_space<hbm>>
      %dma_wait3A_279 = tpu.memref_squeeze %dma_wait3A_278 : memref<1x4x128xi32, #tpu.memory_space<hbm>> -> memref<4x128xi32, #tpu.memory_space<hbm>>
      tpu.wait_dma2 semaphore(%run_scoped3A : memref<!tpu.dma_semaphore, #tpu.memory_space<semaphore_mem>>) src(%dma_wait3A_279 : memref<4x128xi32, #tpu.memory_space<hbm>>) dst(%dma_wait3A_275 : memref<4x128xi32, #tpu.memory_space<vmem>>)
      tpu.yield
    }) : () -> ()
    "tpu.region"() ({
      %run_scoped3A = tpu.sem_alloc : memref<!tpu.dma_semaphore, #tpu.memory_space<semaphore_mem>>
      %dma_start3A_252 = arith.constant 4 : i32
      %dma_start3A_253 = arith.constant 0 : i32
      %dma_start3A_254 = tpu.memref_slice %arg9[%dma_start3A_252, %dma_start3A_253] : memref<12x128xi32, #tpu.memory_space<vmem>> -> memref<4x128xi32, #tpu.memory_space<vmem>>
      %dma_start3A_255 = arith.constant 0 : i32
      %dma_start3A_256 = arith.constant 0 : i32
      %dma_start3A_257 = tpu.memref_slice %arg3[%add3A, %dma_start3A_255, %dma_start3A_256] : memref<32x4x128xi32, #tpu.memory_space<hbm>> -> memref<1x4x128xi32, #tpu.memory_space<hbm>>
      %dma_start3A_258 = tpu.memref_squeeze %dma_start3A_257 : memref<1x4x128xi32, #tpu.memory_space<hbm>> -> memref<4x128xi32, #tpu.memory_space<hbm>>
      %dma_start3A_259 = arith.constant 4 : i32
      %dma_start3A_260 = arith.constant 0 : i32
      %dma_start3A_261 = tpu.memref_slice %arg9[%dma_start3A_259, %dma_start3A_260] : memref<12x128xi32, #tpu.memory_space<vmem>> -> memref<4x128xi32, #tpu.memory_space<vmem>>
      %dma_start3A_262 = arith.constant 0 : i32
      %dma_start3A_263 = arith.constant 0 : i32
      %dma_start3A_264 = tpu.memref_slice %arg3[%add3A, %dma_start3A_262, %dma_start3A_263] : memref<32x4x128xi32, #tpu.memory_space<hbm>> -> memref<1x4x128xi32, #tpu.memory_space<hbm>>
      %dma_start3A_265 = tpu.memref_squeeze %dma_start3A_264 : memref<1x4x128xi32, #tpu.memory_space<hbm>> -> memref<4x128xi32, #tpu.memory_space<hbm>>
      tpu.enqueue_dma source(%dma_start3A_265 : memref<4x128xi32, #tpu.memory_space<hbm>>) target(%dma_start3A_261 : memref<4x128xi32, #tpu.memory_space<vmem>>) target_semaphore(%run_scoped3A : memref<!tpu.dma_semaphore, #tpu.memory_space<semaphore_mem>>)
      %dma_wait3A_266 = arith.constant 4 : i32
      %dma_wait3A_267 = arith.constant 0 : i32
      %dma_wait3A_268 = tpu.memref_slice %arg9[%dma_wait3A_266, %dma_wait3A_267] : memref<12x128xi32, #tpu.memory_space<vmem>> -> memref<4x128xi32, #tpu.memory_space<vmem>>
      %dma_wait3A_269 = arith.constant 0 : i32
      %dma_wait3A_270 = arith.constant 0 : i32
      %dma_wait3A_271 = tpu.memref_slice %arg3[%add3A, %dma_wait3A_269, %dma_wait3A_270] : memref<32x4x128xi32, #tpu.memory_space<hbm>> -> memref<1x4x128xi32, #tpu.memory_space<hbm>>
      %dma_wait3A_272 = tpu.memref_squeeze %dma_wait3A_271 : memref<1x4x128xi32, #tpu.memory_space<hbm>> -> memref<4x128xi32, #tpu.memory_space<hbm>>
      %dma_wait3A_273 = arith.constant 4 : i32
      %dma_wait3A_274 = arith.constant 0 : i32
      %dma_wait3A_275 = tpu.memref_slice %arg9[%dma_wait3A_273, %dma_wait3A_274] : memref<12x128xi32, #tpu.memory_space<vmem>> -> memref<4x128xi32, #tpu.memory_space<vmem>>
      %dma_wait3A_276 = arith.constant 0 : i32
      %dma_wait3A_277 = arith.constant 0 : i32
      %dma_wait3A_278 = tpu.memref_slice %arg3[%add3A, %dma_wait3A_276, %dma_wait3A_277] : memref<32x4x128xi32, #tpu.memory_space<hbm>> -> memref<1x4x128xi32, #tpu.memory_space<hbm>>
      %dma_wait3A_279 = tpu.memref_squeeze %dma_wait3A_278 : memref<1x4x128xi32, #tpu.memory_space<hbm>> -> memref<4x128xi32, #tpu.memory_space<hbm>>
      tpu.wait_dma2 semaphore(%run_scoped3A : memref<!tpu.dma_semaphore, #tpu.memory_space<semaphore_mem>>) src(%dma_wait3A_279 : memref<4x128xi32, #tpu.memory_space<hbm>>) dst(%dma_wait3A_275 : memref<4x128xi32, #tpu.memory_space<vmem>>)
      tpu.yield
    }) : () -> ()
    "tpu.region"() ({
      %run_scoped3A = tpu.sem_alloc : memref<!tpu.dma_semaphore, #tpu.memory_space<semaphore_mem>>
      %dma_start3A_252 = arith.constant 8 : i32
      %dma_start3A_253 = arith.constant 0 : i32
      %dma_start3A_254 = tpu.memref_slice %arg9[%dma_start3A_252, %dma_start3A_253] : memref<12x128xi32, #tpu.memory_space<vmem>> -> memref<4x128xi32, #tpu.memory_space<vmem>>
      %dma_start3A_255 = arith.constant 0 : i32
      %dma_start3A_256 = arith.constant 0 : i32
      %dma_start3A_257 = tpu.memref_slice %arg4[%add3A, %dma_start3A_255, %dma_start3A_256] : memref<32x4x128xi32, #tpu.memory_space<hbm>> -> memref<1x4x128xi32, #tpu.memory_space<hbm>>
      %dma_start3A_258 = tpu.memref_squeeze %dma_start3A_257 : memref<1x4x128xi32, #tpu.memory_space<hbm>> -> memref<4x128xi32, #tpu.memory_space<hbm>>
      %dma_start3A_259 = arith.constant 8 : i32
      %dma_start3A_260 = arith.constant 0 : i32
      %dma_start3A_261 = tpu.memref_slice %arg9[%dma_start3A_259, %dma_start3A_260] : memref<12x128xi32, #tpu.memory_space<vmem>> -> memref<4x128xi32, #tpu.memory_space<vmem>>
      %dma_start3A_262 = arith.constant 0 : i32
      %dma_start3A_263 = arith.constant 0 : i32
      %dma_start3A_264 = tpu.memref_slice %arg4[%add3A, %dma_start3A_262, %dma_start3A_263] : memref<32x4x128xi32, #tpu.memory_space<hbm>> -> memref<1x4x128xi32, #tpu.memory_space<hbm>>
      %dma_start3A_265 = tpu.memref_squeeze %dma_start3A_264 : memref<1x4x128xi32, #tpu.memory_space<hbm>> -> memref<4x128xi32, #tpu.memory_space<hbm>>
      tpu.enqueue_dma source(%dma_start3A_265 : memref<4x128xi32, #tpu.memory_space<hbm>>) target(%dma_start3A_261 : memref<4x128xi32, #tpu.memory_space<vmem>>) target_semaphore(%run_scoped3A : memref<!tpu.dma_semaphore, #tpu.memory_space<semaphore_mem>>)
      %dma_wait3A_266 = arith.constant 8 : i32
      %dma_wait3A_267 = arith.constant 0 : i32
      %dma_wait3A_268 = tpu.memref_slice %arg9[%dma_wait3A_266, %dma_wait3A_267] : memref<12x128xi32, #tpu.memory_space<vmem>> -> memref<4x128xi32, #tpu.memory_space<vmem>>
      %dma_wait3A_269 = arith.constant 0 : i32
      %dma_wait3A_270 = arith.constant 0 : i32
      %dma_wait3A_271 = tpu.memref_slice %arg4[%add3A, %dma_wait3A_269, %dma_wait3A_270] : memref<32x4x128xi32, #tpu.memory_space<hbm>> -> memref<1x4x128xi32, #tpu.memory_space<hbm>>
      %dma_wait3A_272 = tpu.memref_squeeze %dma_wait3A_271 : memref<1x4x128xi32, #tpu.memory_space<hbm>> -> memref<4x128xi32, #tpu.memory_space<hbm>>
      %dma_wait3A_273 = arith.constant 8 : i32
      %dma_wait3A_274 = arith.constant 0 : i32
      %dma_wait3A_275 = tpu.memref_slice %arg9[%dma_wait3A_273, %dma_wait3A_274] : memref<12x128xi32, #tpu.memory_space<vmem>> -> memref<4x128xi32, #tpu.memory_space<vmem>>
      %dma_wait3A_276 = arith.constant 0 : i32
      %dma_wait3A_277 = arith.constant 0 : i32
      %dma_wait3A_278 = tpu.memref_slice %arg4[%add3A, %dma_wait3A_276, %dma_wait3A_277] : memref<32x4x128xi32, #tpu.memory_space<hbm>> -> memref<1x4x128xi32, #tpu.memory_space<hbm>>
      %dma_wait3A_279 = tpu.memref_squeeze %dma_wait3A_278 : memref<1x4x128xi32, #tpu.memory_space<hbm>> -> memref<4x128xi32, #tpu.memory_space<hbm>>
      tpu.wait_dma2 semaphore(%run_scoped3A : memref<!tpu.dma_semaphore, #tpu.memory_space<semaphore_mem>>) src(%dma_wait3A_279 : memref<4x128xi32, #tpu.memory_space<hbm>>) dst(%dma_wait3A_275 : memref<4x128xi32, #tpu.memory_space<vmem>>)
      tpu.yield
    }) : () -> ()
    %dma_start3A = arith.constant 0 : i32
    %dma_start3A_3 = arith.constant 0 : i32
    %dma_start3A_4 = tpu.memref_slice %arg9[%dma_start3A, %dma_start3A_3] : memref<12x128xi32, #tpu.memory_space<vmem>> -> memref<1x128xi32, #tpu.memory_space<vmem>>
    %dma_start3A_5 = tpu.memref_squeeze %dma_start3A_4 : memref<1x128xi32, #tpu.memory_space<vmem>> -> memref<128xi32, #tpu.memory_space<vmem>>
    %dma_start3A_6 = arith.constant 0 : i32
    %dma_start3A_7 = arith.constant 0 : i32
    %dma_start3A_8 = tpu.memref_slice %arg5[%dma_start3A_6, %dma_start3A_7] : memref<100000x304xf32, #tpu.memory_space<hbm>> -> memref<100000x304xf32, #tpu.memory_space<hbm>>
    tpu.enqueue_indirect_dma source(%dma_start3A_8 : memref<100000x304xf32, #tpu.memory_space<hbm>>) target(%arg10 : memref<128x304xf32, #tpu.memory_space<vmem>>) offsets(%dma_start3A_5 : memref<128xi32, #tpu.memory_space<vmem>>) semaphore(%arg13 : memref<!tpu.dma_semaphore, #tpu.memory_space<semaphore_mem>>)
    %dma_wait3A = arith.constant 0 : i32
    %dma_wait3A_9 = arith.constant 0 : i32
    %dma_wait3A_10 = tpu.memref_slice %arg9[%dma_wait3A, %dma_wait3A_9] : memref<12x128xi32, #tpu.memory_space<vmem>> -> memref<1x128xi32, #tpu.memory_space<vmem>>
    %dma_wait3A_11 = tpu.memref_squeeze %dma_wait3A_10 : memref<1x128xi32, #tpu.memory_space<vmem>> -> memref<128xi32, #tpu.memory_space<vmem>>
    %dma_wait3A_12 = arith.constant 0 : i32
    %dma_wait3A_13 = arith.constant 0 : i32
    %dma_wait3A_14 = tpu.memref_slice %arg5[%dma_wait3A_12, %dma_wait3A_13] : memref<100000x304xf32, #tpu.memory_space<hbm>> -> memref<100000x304xf32, #tpu.memory_space<hbm>>
    tpu.wait_indirect_dma semaphore(%arg13 : memref<!tpu.dma_semaphore, #tpu.memory_space<semaphore_mem>>) src(%dma_wait3A_14 : memref<100000x304xf32, #tpu.memory_space<hbm>>) dst(%arg10 : memref<128x304xf32, #tpu.memory_space<vmem>>)
    %dma_start3A_15 = arith.constant 1 : i32
    %dma_start3A_16 = arith.constant 0 : i32
    %dma_start3A_17 = tpu.memref_slice %arg9[%dma_start3A_15, %dma_start3A_16] : memref<12x128xi32, #tpu.memory_space<vmem>> -> memref<1x128xi32, #tpu.memory_space<vmem>>
    %dma_start3A_18 = tpu.memref_squeeze %dma_start3A_17 : memref<1x128xi32, #tpu.memory_space<vmem>> -> memref<128xi32, #tpu.memory_space<vmem>>
    %dma_start3A_19 = arith.constant 0 : i32
    %dma_start3A_20 = arith.constant 0 : i32
    %dma_start3A_21 = tpu.memref_slice %arg5[%dma_start3A_19, %dma_start3A_20] : memref<100000x304xf32, #tpu.memory_space<hbm>> -> memref<100000x304xf32, #tpu.memory_space<hbm>>
    tpu.enqueue_indirect_dma source(%dma_start3A_21 : memref<100000x304xf32, #tpu.memory_space<hbm>>) target(%arg11 : memref<128x304xf32, #tpu.memory_space<vmem>>) offsets(%dma_start3A_18 : memref<128xi32, #tpu.memory_space<vmem>>) semaphore(%arg14 : memref<!tpu.dma_semaphore, #tpu.memory_space<semaphore_mem>>)
    %add3A_22 = arith.constant 0 : i32
    %add3A_23 = arith.addi %mul3A_2, %add3A_22 : i32
    %scan3A = arith.constant 0 : i32
    %scan3A_24 = arith.constant 128 : i32
    %scan3A_25 = arith.addi %scan3A, %scan3A_24 : i32
    %scan3A_26 = arith.constant 1 : i32
    scf.for %scan3A_252 = %scan3A to %scan3A_25 step %scan3A_26  : i32 {
      %mul3A_253 = arith.constant 1 : i32
      %mul3A_254 = arith.muli %scan3A_252, %mul3A_253 : i32
      %add3A_255 = arith.constant 0 : i32
      %add3A_256 = arith.addi %add3A_255, %mul3A_254 : i32
      %get3A = arith.index_cast %add3A_256 : i32 to index
      %get3A_257 = arith.constant 0 : index
      %get3A_258 = tpu.vector_load %arg10[%get3A, %get3A_257] {strides = array<i32>} : memref<128x304xf32, #tpu.memory_space<vmem>>, vector<1x16xf32>,
      %get3A_259 = vector.shape_cast %get3A_258 : vector<1x16xf32> to vector<16xf32>
      %swap3A = arith.index_cast %add3A_256 : i32 to index
      %swap3A_260 = arith.constant 0 : index
      %swap3A_261 = tpu.vector_load %arg12[%swap3A, %swap3A_260] {strides = array<i32>} : memref<128x300xf32, #tpu.memory_space<vmem>>, vector<1x16xf32>,
      %swap3A_262 = vector.shape_cast %swap3A_261 : vector<1x16xf32> to vector<16xf32>
      %swap3A_263 = vector.shape_cast %get3A_259 : vector<16xf32> to vector<1x16xf32>
      tpu.vector_store %arg12[%swap3A, %swap3A_260], %swap3A_263 {strides = array<i32>} : memref<128x300xf32, #tpu.memory_space<vmem>>, vector<1x16xf32>,
      %get3A_264 = arith.index_cast %add3A_256 : i32 to index
      %get3A_265 = arith.constant 16 : index
      %get3A_266 = tpu.vector_load %arg10[%get3A_264, %get3A_265] {strides = array<i32>} : memref<128x304xf32, #tpu.memory_space<vmem>>, vector<1x16xf32>,
      %get3A_267 = vector.shape_cast %get3A_266 : vector<1x16xf32> to vector<16xf32>
      %swap3A_268 = arith.index_cast %add3A_256 : i32 to index
      %swap3A_269 = arith.constant 16 : index
      %swap3A_270 = tpu.vector_load %arg12[%swap3A_268, %swap3A_269] {strides = array<i32>} : memref<128x300xf32, #tpu.memory_space<vmem>>, vector<1x16xf32>,
      %swap3A_271 = vector.shape_cast %swap3A_270 : vector<1x16xf32> to vector<16xf32>
      %swap3A_272 = vector.shape_cast %get3A_267 : vector<16xf32> to vector<1x16xf32>
      tpu.vector_store %arg12[%swap3A_268, %swap3A_269], %swap3A_272 {strides = array<i32>} : memref<128x300xf32, #tpu.memory_space<vmem>>, vector<1x16xf32>,
      %get3A_273 = arith.index_cast %add3A_256 : i32 to index
      %get3A_274 = arith.constant 32 : index
      %get3A_275 = tpu.vector_load %arg10[%get3A_273, %get3A_274] {strides = array<i32>} : memref<128x304xf32, #tpu.memory_space<vmem>>, vector<1x16xf32>,
      %get3A_276 = vector.shape_cast %get3A_275 : vector<1x16xf32> to vector<16xf32>
      %swap3A_277 = arith.index_cast %add3A_256 : i32 to index
      %swap3A_278 = arith.constant 32 : index
      %swap3A_279 = tpu.vector_load %arg12[%swap3A_277, %swap3A_278] {strides = array<i32>} : memref<128x300xf32, #tpu.memory_space<vmem>>, vector<1x16xf32>,
      %swap3A_280 = vector.shape_cast %swap3A_279 : vector<1x16xf32> to vector<16xf32>
      %swap3A_281 = vector.shape_cast %get3A_276 : vector<16xf32> to vector<1x16xf32>
      tpu.vector_store %arg12[%swap3A_277, %swap3A_278], %swap3A_281 {strides = array<i32>} : memref<128x300xf32, #tpu.memory_space<vmem>>, vector<1x16xf32>,
      %get3A_282 = arith.index_cast %add3A_256 : i32 to index
      %get3A_283 = arith.constant 48 : index
      %get3A_284 = tpu.vector_load %arg10[%get3A_282, %get3A_283] {strides = array<i32>} : memref<128x304xf32, #tpu.memory_space<vmem>>, vector<1x16xf32>,
      %get3A_285 = vector.shape_cast %get3A_284 : vector<1x16xf32> to vector<16xf32>
      %swap3A_286 = arith.index_cast %add3A_256 : i32 to index
      %swap3A_287 = arith.constant 48 : index
      %swap3A_288 = tpu.vector_load %arg12[%swap3A_286, %swap3A_287] {strides = array<i32>} : memref<128x300xf32, #tpu.memory_space<vmem>>, vector<1x16xf32>,
      %swap3A_289 = vector.shape_cast %swap3A_288 : vector<1x16xf32> to vector<16xf32>
      %swap3A_290 = vector.shape_cast %get3A_285 : vector<16xf32> to vector<1x16xf32>
      tpu.vector_store %arg12[%swap3A_286, %swap3A_287], %swap3A_290 {strides = array<i32>} : memref<128x300xf32, #tpu.memory_space<vmem>>, vector<1x16xf32>,
      %get3A_291 = arith.index_cast %add3A_256 : i32 to index
      %get3A_292 = arith.constant 64 : index
      %get3A_293 = tpu.vector_load %arg10[%get3A_291, %get3A_292] {strides = array<i32>} : memref<128x304xf32, #tpu.memory_space<vmem>>, vector<1x16xf32>,
      %get3A_294 = vector.shape_cast %get3A_293 : vector<1x16xf32> to vector<16xf32>
      %swap3A_295 = arith.index_cast %add3A_256 : i32 to index
      %swap3A_296 = arith.constant 64 : index
      %swap3A_297 = tpu.vector_load %arg12[%swap3A_295, %swap3A_296] {strides = array<i32>} : memref<128x300xf32, #tpu.memory_space<vmem>>, vector<1x16xf32>,
      %swap3A_298 = vector.shape_cast %swap3A_297 : vector<1x16xf32> to vector<16xf32>
      %swap3A_299 = vector.shape_cast %get3A_294 : vector<16xf32> to vector<1x16xf32>
      tpu.vector_store %arg12[%swap3A_295, %swap3A_296], %swap3A_299 {strides = array<i32>} : memref<128x300xf32, #tpu.memory_space<vmem>>, vector<1x16xf32>,
      %get3A_300 = arith.index_cast %add3A_256 : i32 to index
      %get3A_301 = arith.constant 80 : index
      %get3A_302 = tpu.vector_load %arg10[%get3A_300, %get3A_301] {strides = array<i32>} : memref<128x304xf32, #tpu.memory_space<vmem>>, vector<1x16xf32>,
      %get3A_303 = vector.shape_cast %get3A_302 : vector<1x16xf32> to vector<16xf32>
      %swap3A_304 = arith.index_cast %add3A_256 : i32 to index
      %swap3A_305 = arith.constant 80 : index
      %swap3A_306 = tpu.vector_load %arg12[%swap3A_304, %swap3A_305] {strides = array<i32>} : memref<128x300xf32, #tpu.memory_space<vmem>>, vector<1x16xf32>,
      %swap3A_307 = vector.shape_cast %swap3A_306 : vector<1x16xf32> to vector<16xf32>
      %swap3A_308 = vector.shape_cast %get3A_303 : vector<16xf32> to vector<1x16xf32>
      tpu.vector_store %arg12[%swap3A_304, %swap3A_305], %swap3A_308 {strides = array<i32>} : memref<128x300xf32, #tpu.memory_space<vmem>>, vector<1x16xf32>,
      %get3A_309 = arith.index_cast %add3A_256 : i32 to index
      %get3A_310 = arith.constant 96 : index
      %get3A_311 = tpu.vector_load %arg10[%get3A_309, %get3A_310] {strides = array<i32>} : memref<128x304xf32, #tpu.memory_space<vmem>>, vector<1x16xf32>,
      %get3A_312 = vector.shape_cast %get3A_311 : vector<1x16xf32> to vector<16xf32>
      %swap3A_313 = arith.index_cast %add3A_256 : i32 to index
      %swap3A_314 = arith.constant 96 : index
      %swap3A_315 = tpu.vector_load %arg12[%swap3A_313, %swap3A_314] {strides = array<i32>} : memref<128x300xf32, #tpu.memory_space<vmem>>, vector<1x16xf32>,
      %swap3A_316 = vector.shape_cast %swap3A_315 : vector<1x16xf32> to vector<16xf32>
      %swap3A_317 = vector.shape_cast %get3A_312 : vector<16xf32> to vector<1x16xf32>
      tpu.vector_store %arg12[%swap3A_313, %swap3A_314], %swap3A_317 {strides = array<i32>} : memref<128x300xf32, #tpu.memory_space<vmem>>, vector<1x16xf32>,
      %get3A_318 = arith.index_cast %add3A_256 : i32 to index
      %get3A_319 = arith.constant 112 : index
      %get3A_320 = tpu.vector_load %arg10[%get3A_318, %get3A_319] {strides = array<i32>} : memref<128x304xf32, #tpu.memory_space<vmem>>, vector<1x16xf32>,
      %get3A_321 = vector.shape_cast %get3A_320 : vector<1x16xf32> to vector<16xf32>
      %swap3A_322 = arith.index_cast %add3A_256 : i32 to index
      %swap3A_323 = arith.constant 112 : index
      %swap3A_324 = tpu.vector_load %arg12[%swap3A_322, %swap3A_323] {strides = array<i32>} : memref<128x300xf32, #tpu.memory_space<vmem>>, vector<1x16xf32>,
      %swap3A_325 = vector.shape_cast %swap3A_324 : vector<1x16xf32> to vector<16xf32>
      %swap3A_326 = vector.shape_cast %get3A_321 : vector<16xf32> to vector<1x16xf32>
      tpu.vector_store %arg12[%swap3A_322, %swap3A_323], %swap3A_326 {strides = array<i32>} : memref<128x300xf32, #tpu.memory_space<vmem>>, vector<1x16xf32>,
      %get3A_327 = arith.index_cast %add3A_256 : i32 to index
      %get3A_328 = arith.constant 128 : index
      %get3A_329 = tpu.vector_load %arg10[%get3A_327, %get3A_328] {strides = array<i32>} : memref<128x304xf32, #tpu.memory_space<vmem>>, vector<1x16xf32>,
      %get3A_330 = vector.shape_cast %get3A_329 : vector<1x16xf32> to vector<16xf32>
      %swap3A_331 = arith.index_cast %add3A_256 : i32 to index
      %swap3A_332 = arith.constant 128 : index
      %swap3A_333 = tpu.vector_load %arg12[%swap3A_331, %swap3A_332] {strides = array<i32>} : memref<128x300xf32, #tpu.memory_space<vmem>>, vector<1x16xf32>,
      %swap3A_334 = vector.shape_cast %swap3A_333 : vector<1x16xf32> to vector<16xf32>
      %swap3A_335 = vector.shape_cast %get3A_330 : vector<16xf32> to vector<1x16xf32>
      tpu.vector_store %arg12[%swap3A_331, %swap3A_332], %swap3A_335 {strides = array<i32>} : memref<128x300xf32, #tpu.memory_space<vmem>>, vector<1x16xf32>,
      %get3A_336 = arith.index_cast %add3A_256 : i32 to index
      %get3A_337 = arith.constant 144 : index
      %get3A_338 = tpu.vector_load %arg10[%get3A_336, %get3A_337] {strides = array<i32>} : memref<128x304xf32, #tpu.memory_space<vmem>>, vector<1x16xf32>,
      %get3A_339 = vector.shape_cast %get3A_338 : vector<1x16xf32> to vector<16xf32>
      %swap3A_340 = arith.index_cast %add3A_256 : i32 to index
      %swap3A_341 = arith.constant 144 : index
      %swap3A_342 = tpu.vector_load %arg12[%swap3A_340, %swap3A_341] {strides = array<i32>} : memref<128x300xf32, #tpu.memory_space<vmem>>, vector<1x16xf32>,
      %swap3A_343 = vector.shape_cast %swap3A_342 : vector<1x16xf32> to vector<16xf32>
      %swap3A_344 = vector.shape_cast %get3A_339 : vector<16xf32> to vector<1x16xf32>
      tpu.vector_store %arg12[%swap3A_340, %swap3A_341], %swap3A_344 {strides = array<i32>} : memref<128x300xf32, #tpu.memory_space<vmem>>, vector<1x16xf32>,
      %get3A_345 = arith.index_cast %add3A_256 : i32 to index
      %get3A_346 = arith.constant 160 : index
      %get3A_347 = tpu.vector_load %arg10[%get3A_345, %get3A_346] {strides = array<i32>} : memref<128x304xf32, #tpu.memory_space<vmem>>, vector<1x16xf32>,
      %get3A_348 = vector.shape_cast %get3A_347 : vector<1x16xf32> to vector<16xf32>
      %swap3A_349 = arith.index_cast %add3A_256 : i32 to index
      %swap3A_350 = arith.constant 160 : index
      %swap3A_351 = tpu.vector_load %arg12[%swap3A_349, %swap3A_350] {strides = array<i32>} : memref<128x300xf32, #tpu.memory_space<vmem>>, vector<1x16xf32>,
      %swap3A_352 = vector.shape_cast %swap3A_351 : vector<1x16xf32> to vector<16xf32>
      %swap3A_353 = vector.shape_cast %get3A_348 : vector<16xf32> to vector<1x16xf32>
      tpu.vector_store %arg12[%swap3A_349, %swap3A_350], %swap3A_353 {strides = array<i32>} : memref<128x300xf32, #tpu.memory_space<vmem>>, vector<1x16xf32>,
      %get3A_354 = arith.index_cast %add3A_256 : i32 to index
      %get3A_355 = arith.constant 176 : index
      %get3A_356 = tpu.vector_load %arg10[%get3A_354, %get3A_355] {strides = array<i32>} : memref<128x304xf32, #tpu.memory_space<vmem>>, vector<1x16xf32>,
      %get3A_357 = vector.shape_cast %get3A_356 : vector<1x16xf32> to vector<16xf32>
      %swap3A_358 = arith.index_cast %add3A_256 : i32 to index
      %swap3A_359 = arith.constant 176 : index
      %swap3A_360 = tpu.vector_load %arg12[%swap3A_358, %swap3A_359] {strides = array<i32>} : memref<128x300xf32, #tpu.memory_space<vmem>>, vector<1x16xf32>,
      %swap3A_361 = vector.shape_cast %swap3A_360 : vector<1x16xf32> to vector<16xf32>
      %swap3A_362 = vector.shape_cast %get3A_357 : vector<16xf32> to vector<1x16xf32>
      tpu.vector_store %arg12[%swap3A_358, %swap3A_359], %swap3A_362 {strides = array<i32>} : memref<128x300xf32, #tpu.memory_space<vmem>>, vector<1x16xf32>,
      %get3A_363 = arith.index_cast %add3A_256 : i32 to index
      %get3A_364 = arith.constant 192 : index
      %get3A_365 = tpu.vector_load %arg10[%get3A_363, %get3A_364] {strides = array<i32>} : memref<128x304xf32, #tpu.memory_space<vmem>>, vector<1x16xf32>,
      %get3A_366 = vector.shape_cast %get3A_365 : vector<1x16xf32> to vector<16xf32>
      %swap3A_367 = arith.index_cast %add3A_256 : i32 to index
      %swap3A_368 = arith.constant 192 : index
      %swap3A_369 = tpu.vector_load %arg12[%swap3A_367, %swap3A_368] {strides = array<i32>} : memref<128x300xf32, #tpu.memory_space<vmem>>, vector<1x16xf32>,
      %swap3A_370 = vector.shape_cast %swap3A_369 : vector<1x16xf32> to vector<16xf32>
      %swap3A_371 = vector.shape_cast %get3A_366 : vector<16xf32> to vector<1x16xf32>
      tpu.vector_store %arg12[%swap3A_367, %swap3A_368], %swap3A_371 {strides = array<i32>} : memref<128x300xf32, #tpu.memory_space<vmem>>, vector<1x16xf32>,
      %get3A_372 = arith.index_cast %add3A_256 : i32 to index
      %get3A_373 = arith.constant 208 : index
      %get3A_374 = tpu.vector_load %arg10[%get3A_372, %get3A_373] {strides = array<i32>} : memref<128x304xf32, #tpu.memory_space<vmem>>, vector<1x16xf32>,
      %get3A_375 = vector.shape_cast %get3A_374 : vector<1x16xf32> to vector<16xf32>
      %swap3A_376 = arith.index_cast %add3A_256 : i32 to index
      %swap3A_377 = arith.constant 208 : index
      %swap3A_378 = tpu.vector_load %arg12[%swap3A_376, %swap3A_377] {strides = array<i32>} : memref<128x300xf32, #tpu.memory_space<vmem>>, vector<1x16xf32>,
      %swap3A_379 = vector.shape_cast %swap3A_378 : vector<1x16xf32> to vector<16xf32>
      %swap3A_380 = vector.shape_cast %get3A_375 : vector<16xf32> to vector<1x16xf32>
      tpu.vector_store %arg12[%swap3A_376, %swap3A_377], %swap3A_380 {strides = array<i32>} : memref<128x300xf32, #tpu.memory_space<vmem>>, vector<1x16xf32>,
      %get3A_381 = arith.index_cast %add3A_256 : i32 to index
      %get3A_382 = arith.constant 224 : index
      %get3A_383 = tpu.vector_load %arg10[%get3A_381, %get3A_382] {strides = array<i32>} : memref<128x304xf32, #tpu.memory_space<vmem>>, vector<1x16xf32>,
      %get3A_384 = vector.shape_cast %get3A_383 : vector<1x16xf32> to vector<16xf32>
      %swap3A_385 = arith.index_cast %add3A_256 : i32 to index
      %swap3A_386 = arith.constant 224 : index
      %swap3A_387 = tpu.vector_load %arg12[%swap3A_385, %swap3A_386] {strides = array<i32>} : memref<128x300xf32, #tpu.memory_space<vmem>>, vector<1x16xf32>,
      %swap3A_388 = vector.shape_cast %swap3A_387 : vector<1x16xf32> to vector<16xf32>
      %swap3A_389 = vector.shape_cast %get3A_384 : vector<16xf32> to vector<1x16xf32>
      tpu.vector_store %arg12[%swap3A_385, %swap3A_386], %swap3A_389 {strides = array<i32>} : memref<128x300xf32, #tpu.memory_space<vmem>>, vector<1x16xf32>,
      %get3A_390 = arith.index_cast %add3A_256 : i32 to index
      %get3A_391 = arith.constant 240 : index
      %get3A_392 = tpu.vector_load %arg10[%get3A_390, %get3A_391] {strides = array<i32>} : memref<128x304xf32, #tpu.memory_space<vmem>>, vector<1x16xf32>,
      %get3A_393 = vector.shape_cast %get3A_392 : vector<1x16xf32> to vector<16xf32>
      %swap3A_394 = arith.index_cast %add3A_256 : i32 to index
      %swap3A_395 = arith.constant 240 : index
      %swap3A_396 = tpu.vector_load %arg12[%swap3A_394, %swap3A_395] {strides = array<i32>} : memref<128x300xf32, #tpu.memory_space<vmem>>, vector<1x16xf32>,
      %swap3A_397 = vector.shape_cast %swap3A_396 : vector<1x16xf32> to vector<16xf32>
      %swap3A_398 = vector.shape_cast %get3A_393 : vector<16xf32> to vector<1x16xf32>
      tpu.vector_store %arg12[%swap3A_394, %swap3A_395], %swap3A_398 {strides = array<i32>} : memref<128x300xf32, #tpu.memory_space<vmem>>, vector<1x16xf32>,
      %get3A_399 = arith.index_cast %add3A_256 : i32 to index
      %get3A_400 = arith.constant 256 : index
      %get3A_401 = tpu.vector_load %arg10[%get3A_399, %get3A_400] {strides = array<i32>} : memref<128x304xf32, #tpu.memory_space<vmem>>, vector<1x16xf32>,
      %get3A_402 = vector.shape_cast %get3A_401 : vector<1x16xf32> to vector<16xf32>
      %swap3A_403 = arith.index_cast %add3A_256 : i32 to index
      %swap3A_404 = arith.constant 256 : index
      %swap3A_405 = tpu.vector_load %arg12[%swap3A_403, %swap3A_404] {strides = array<i32>} : memref<128x300xf32, #tpu.memory_space<vmem>>, vector<1x16xf32>,
      %swap3A_406 = vector.shape_cast %swap3A_405 : vector<1x16xf32> to vector<16xf32>
      %swap3A_407 = vector.shape_cast %get3A_402 : vector<16xf32> to vector<1x16xf32>
      tpu.vector_store %arg12[%swap3A_403, %swap3A_404], %swap3A_407 {strides = array<i32>} : memref<128x300xf32, #tpu.memory_space<vmem>>, vector<1x16xf32>,
      %get3A_408 = arith.index_cast %add3A_256 : i32 to index
      %get3A_409 = arith.constant 272 : index
      %get3A_410 = tpu.vector_load %arg10[%get3A_408, %get3A_409] {strides = array<i32>} : memref<128x304xf32, #tpu.memory_space<vmem>>, vector<1x16xf32>,
      %get3A_411 = vector.shape_cast %get3A_410 : vector<1x16xf32> to vector<16xf32>
      %swap3A_412 = arith.index_cast %add3A_256 : i32 to index
      %swap3A_413 = arith.constant 272 : index
      %swap3A_414 = tpu.vector_load %arg12[%swap3A_412, %swap3A_413] {strides = array<i32>} : memref<128x300xf32, #tpu.memory_space<vmem>>, vector<1x16xf32>,
      %swap3A_415 = vector.shape_cast %swap3A_414 : vector<1x16xf32> to vector<16xf32>
      %swap3A_416 = vector.shape_cast %get3A_411 : vector<16xf32> to vector<1x16xf32>
      tpu.vector_store %arg12[%swap3A_412, %swap3A_413], %swap3A_416 {strides = array<i32>} : memref<128x300xf32, #tpu.memory_space<vmem>>, vector<1x16xf32>,
      %get3A_417 = arith.index_cast %add3A_256 : i32 to index
      %get3A_418 = arith.constant 284 : index
      %get3A_419 = tpu.vector_load %arg10[%get3A_417, %get3A_418] {strides = array<i32>} : memref<128x304xf32, #tpu.memory_space<vmem>>, vector<1x16xf32>,
      %get3A_420 = vector.shape_cast %get3A_419 : vector<1x16xf32> to vector<16xf32>
      %swap3A_421 = arith.index_cast %add3A_256 : i32 to index
      %swap3A_422 = arith.constant 284 : index
      %swap3A_423 = tpu.vector_load %arg12[%swap3A_421, %swap3A_422] {strides = array<i32>} : memref<128x300xf32, #tpu.memory_space<vmem>>, vector<1x16xf32>,
      %swap3A_424 = vector.shape_cast %swap3A_423 : vector<1x16xf32> to vector<16xf32>
      %swap3A_425 = vector.shape_cast %get3A_420 : vector<16xf32> to vector<1x16xf32>
      tpu.vector_store %arg12[%swap3A_421, %swap3A_422], %swap3A_425 {strides = array<i32>} : memref<128x300xf32, #tpu.memory_space<vmem>>, vector<1x16xf32>,
    }
    %scan3A_27 = arith.constant 128 : i32
    "tpu.region"() ({
      %run_scoped3A = tpu.sem_alloc : memref<!tpu.dma_semaphore, #tpu.memory_space<semaphore_mem>>
      %dma_start3A_252 = arith.constant 0 : i32
      %dma_start3A_253 = tpu.memref_slice %arg6[%add3A_23, %dma_start3A_252] : memref<16384x300xf32, #tpu.memory_space<hbm>> -> memref<128x300xf32, #tpu.memory_space<hbm>>
      %dma_start3A_254 = arith.constant 0 : i32
      %dma_start3A_255 = tpu.memref_slice %arg6[%add3A_23, %dma_start3A_254] : memref<16384x300xf32, #tpu.memory_space<hbm>> -> memref<128x300xf32, #tpu.memory_space<hbm>>
      tpu.enqueue_dma source(%arg12 : memref<128x300xf32, #tpu.memory_space<vmem>>) target(%dma_start3A_255 : memref<128x300xf32, #tpu.memory_space<hbm>>) target_semaphore(%run_scoped3A : memref<!tpu.dma_semaphore, #tpu.memory_space<semaphore_mem>>)
      %dma_wait3A_256 = arith.constant 0 : i32
      %dma_wait3A_257 = tpu.memref_slice %arg6[%add3A_23, %dma_wait3A_256] : memref<16384x300xf32, #tpu.memory_space<hbm>> -> memref<128x300xf32, #tpu.memory_space<hbm>>
      %dma_wait3A_258 = arith.constant 0 : i32
      %dma_wait3A_259 = tpu.memref_slice %arg6[%add3A_23, %dma_wait3A_258] : memref<16384x300xf32, #tpu.memory_space<hbm>> -> memref<128x300xf32, #tpu.memory_space<hbm>>
      tpu.wait_dma2 semaphore(%run_scoped3A : memref<!tpu.dma_semaphore, #tpu.memory_space<semaphore_mem>>) src(%arg12 : memref<128x300xf32, #tpu.memory_space<vmem>>) dst(%dma_wait3A_259 : memref<128x300xf32, #tpu.memory_space<hbm>>)
      tpu.yield
    }) : () -> ()
    %dma_wait3A_28 = arith.constant 1 : i32
    %dma_wait3A_29 = arith.constant 0 : i32
    %dma_wait3A_30 = tpu.memref_slice %arg9[%dma_wait3A_28, %dma_wait3A_29] : memref<12x128xi32, #tpu.memory_space<vmem>> -> memref<1x128xi32, #tpu.memory_space<vmem>>
    %dma_wait3A_31 = tpu.memref_squeeze %dma_wait3A_30 : memref<1x128xi32, #tpu.memory_space<vmem>> -> memref<128xi32, #tpu.memory_space<vmem>>
    %dma_wait3A_32 = arith.constant 0 : i32
    %dma_wait3A_33 = arith.constant 0 : i32
    %dma_wait3A_34 = tpu.memref_slice %arg5[%dma_wait3A_32, %dma_wait3A_33] : memref<100000x304xf32, #tpu.memory_space<hbm>> -> memref<100000x304xf32, #tpu.memory_space<hbm>>
    tpu.wait_indirect_dma semaphore(%arg14 : memref<!tpu.dma_semaphore, #tpu.memory_space<semaphore_mem>>) src(%dma_wait3A_34 : memref<100000x304xf32, #tpu.memory_space<hbm>>) dst(%arg11 : memref<128x304xf32, #tpu.memory_space<vmem>>)
    %dma_start3A_35 = arith.constant 2 : i32
    %dma_start3A_36 = arith.constant 0 : i32
    %dma_start3A_37 = tpu.memref_slice %arg9[%dma_start3A_35, %dma_start3A_36] : memref<12x128xi32, #tpu.memory_space<vmem>> -> memref<1x128xi32, #tpu.memory_space<vmem>>
    %dma_start3A_38 = tpu.memref_squeeze %dma_start3A_37 : memref<1x128xi32, #tpu.memory_space<vmem>> -> memref<128xi32, #tpu.memory_space<vmem>>
    %dma_start3A_39 = arith.constant 0 : i32
    %dma_start3A_40 = arith.constant 0 : i32
    %dma_start3A_41 = tpu.memref_slice %arg5[%dma_start3A_39, %dma_start3A_40] : memref<100000x304xf32, #tpu.memory_space<hbm>> -> memref<100000x304xf32, #tpu.memory_space<hbm>>
    tpu.enqueue_indirect_dma source(%dma_start3A_41 : memref<100000x304xf32, #tpu.memory_space<hbm>>) target(%arg10 : memref<128x304xf32, #tpu.memory_space<vmem>>) offsets(%dma_start3A_38 : memref<128xi32, #tpu.memory_space<vmem>>) semaphore(%arg13 : memref<!tpu.dma_semaphore, #tpu.memory_space<semaphore_mem>>)
    %add3A_42 = arith.constant 128 : i32
    %add3A_43 = arith.addi %mul3A_2, %add3A_42 : i32
    %scan3A_44 = arith.constant 0 : i32
    %scan3A_45 = arith.constant 128 : i32
    %scan3A_46 = arith.addi %scan3A_44, %scan3A_45 : i32
    %scan3A_47 = arith.constant 1 : i32
    scf.for %scan3A_252 = %scan3A_44 to %scan3A_46 step %scan3A_47  : i32 {
      %mul3A_253 = arith.constant 1 : i32
      %mul3A_254 = arith.muli %scan3A_252, %mul3A_253 : i32
      %add3A_255 = arith.constant 0 : i32
      %add3A_256 = arith.addi %add3A_255, %mul3A_254 : i32
      %get3A = arith.index_cast %add3A_256 : i32 to index
      %get3A_257 = arith.constant 0 : index
      %get3A_258 = tpu.vector_load %arg11[%get3A, %get3A_257] {strides = array<i32>} : memref<128x304xf32, #tpu.memory_space<vmem>>, vector<1x16xf32>,
      %get3A_259 = vector.shape_cast %get3A_258 : vector<1x16xf32> to vector<16xf32>
      %swap3A = arith.index_cast %add3A_256 : i32 to index
      %swap3A_260 = arith.constant 0 : index
      %swap3A_261 = tpu.vector_load %arg12[%swap3A, %swap3A_260] {strides = array<i32>} : memref<128x300xf32, #tpu.memory_space<vmem>>, vector<1x16xf32>,
      %swap3A_262 = vector.shape_cast %swap3A_261 : vector<1x16xf32> to vector<16xf32>
      %swap3A_263 = vector.shape_cast %get3A_259 : vector<16xf32> to vector<1x16xf32>
      tpu.vector_store %arg12[%swap3A, %swap3A_260], %swap3A_263 {strides = array<i32>} : memref<128x300xf32, #tpu.memory_space<vmem>>, vector<1x16xf32>,
      %get3A_264 = arith.index_cast %add3A_256 : i32 to index
      %get3A_265 = arith.constant 16 : index
      %get3A_266 = tpu.vector_load %arg11[%get3A_264, %get3A_265] {strides = array<i32>} : memref<128x304xf32, #tpu.memory_space<vmem>>, vector<1x16xf32>,
      %get3A_267 = vector.shape_cast %get3A_266 : vector<1x16xf32> to vector<16xf32>
      %swap3A_268 = arith.index_cast %add3A_256 : i32 to index
      %swap3A_269 = arith.constant 16 : index
      %swap3A_270 = tpu.vector_load %arg12[%swap3A_268, %swap3A_269] {strides = array<i32>} : memref<128x300xf32, #tpu.memory_space<vmem>>, vector<1x16xf32>,
      %swap3A_271 = vector.shape_cast %swap3A_270 : vector<1x16xf32> to vector<16xf32>
      %swap3A_272 = vector.shape_cast %get3A_267 : vector<16xf32> to vector<1x16xf32>
      tpu.vector_store %arg12[%swap3A_268, %swap3A_269], %swap3A_272 {strides = array<i32>} : memref<128x300xf32, #tpu.memory_space<vmem>>, vector<1x16xf32>,
      %get3A_273 = arith.index_cast %add3A_256 : i32 to index
      %get3A_274 = arith.constant 32 : index
      %get3A_275 = tpu.vector_load %arg11[%get3A_273, %get3A_274] {strides = array<i32>} : memref<128x304xf32, #tpu.memory_space<vmem>>, vector<1x16xf32>,
      %get3A_276 = vector.shape_cast %get3A_275 : vector<1x16xf32> to vector<16xf32>
      %swap3A_277 = arith.index_cast %add3A_256 : i32 to index
      %swap3A_278 = arith.constant 32 : index
      %swap3A_279 = tpu.vector_load %arg12[%swap3A_277, %swap3A_278] {strides = array<i32>} : memref<128x300xf32, #tpu.memory_space<vmem>>, vector<1x16xf32>,
      %swap3A_280 = vector.shape_cast %swap3A_279 : vector<1x16xf32> to vector<16xf32>
      %swap3A_281 = vector.shape_cast %get3A_276 : vector<16xf32> to vector<1x16xf32>
      tpu.vector_store %arg12[%swap3A_277, %swap3A_278], %swap3A_281 {strides = array<i32>} : memref<128x300xf32, #tpu.memory_space<vmem>>, vector<1x16xf32>,
      %get3A_282 = arith.index_cast %add3A_256 : i32 to index
      %get3A_283 = arith.constant 48 : index
      %get3A_284 = tpu.vector_load %arg11[%get3A_282, %get3A_283] {strides = array<i32>} : memref<128x304xf32, #tpu.memory_space<vmem>>, vector<1x16xf32>,
      %get3A_285 = vector.shape_cast %get3A_284 : vector<1x16xf32> to vector<16xf32>
      %swap3A_286 = arith.index_cast %add3A_256 : i32 to index
      %swap3A_287 = arith.constant 48 : index
      %swap3A_288 = tpu.vector_load %arg12[%swap3A_286, %swap3A_287] {strides = array<i32>} : memref<128x300xf32, #tpu.memory_space<vmem>>, vector<1x16xf32>,
      %swap3A_289 = vector.shape_cast %swap3A_288 : vector<1x16xf32> to vector<16xf32>
      %swap3A_290 = vector.shape_cast %get3A_285 : vector<16xf32> to vector<1x16xf32>
      tpu.vector_store %arg12[%swap3A_286, %swap3A_287], %swap3A_290 {strides = array<i32>} : memref<128x300xf32, #tpu.memory_space<vmem>>, vector<1x16xf32>,
      %get3A_291 = arith.index_cast %add3A_256 : i32 to index
      %get3A_292 = arith.constant 64 : index
      %get3A_293 = tpu.vector_load %arg11[%get3A_291, %get3A_292] {strides = array<i32>} : memref<128x304xf32, #tpu.memory_space<vmem>>, vector<1x16xf32>,
      %get3A_294 = vector.shape_cast %get3A_293 : vector<1x16xf32> to vector<16xf32>
      %swap3A_295 = arith.index_cast %add3A_256 : i32 to index
      %swap3A_296 = arith.constant 64 : index
      %swap3A_297 = tpu.vector_load %arg12[%swap3A_295, %swap3A_296] {strides = array<i32>} : memref<128x300xf32, #tpu.memory_space<vmem>>, vector<1x16xf32>,
      %swap3A_298 = vector.shape_cast %swap3A_297 : vector<1x16xf32> to vector<16xf32>
      %swap3A_299 = vector.shape_cast %get3A_294 : vector<16xf32> to vector<1x16xf32>
      tpu.vector_store %arg12[%swap3A_295, %swap3A_296], %swap3A_299 {strides = array<i32>} : memref<128x300xf32, #tpu.memory_space<vmem>>, vector<1x16xf32>,
      %get3A_300 = arith.index_cast %add3A_256 : i32 to index
      %get3A_301 = arith.constant 80 : index
      %get3A_302 = tpu.vector_load %arg11[%get3A_300, %get3A_301] {strides = array<i32>} : memref<128x304xf32, #tpu.memory_space<vmem>>, vector<1x16xf32>,
      %get3A_303 = vector.shape_cast %get3A_302 : vector<1x16xf32> to vector<16xf32>
      %swap3A_304 = arith.index_cast %add3A_256 : i32 to index
      %swap3A_305 = arith.constant 80 : index
      %swap3A_306 = tpu.vector_load %arg12[%swap3A_304, %swap3A_305] {strides = array<i32>} : memref<128x300xf32, #tpu.memory_space<vmem>>, vector<1x16xf32>,
      %swap3A_307 = vector.shape_cast %swap3A_306 : vector<1x16xf32> to vector<16xf32>
      %swap3A_308 = vector.shape_cast %get3A_303 : vector<16xf32> to vector<1x16xf32>
      tpu.vector_store %arg12[%swap3A_304, %swap3A_305], %swap3A_308 {strides = array<i32>} : memref<128x300xf32, #tpu.memory_space<vmem>>, vector<1x16xf32>,
      %get3A_309 = arith.index_cast %add3A_256 : i32 to index
      %get3A_310 = arith.constant 96 : index
      %get3A_311 = tpu.vector_load %arg11[%get3A_309, %get3A_310] {strides = array<i32>} : memref<128x304xf32, #tpu.memory_space<vmem>>, vector<1x16xf32>,
      %get3A_312 = vector.shape_cast %get3A_311 : vector<1x16xf32> to vector<16xf32>
      %swap3A_313 = arith.index_cast %add3A_256 : i32 to index
      %swap3A_314 = arith.constant 96 : index
      %swap3A_315 = tpu.vector_load %arg12[%swap3A_313, %swap3A_314] {strides = array<i32>} : memref<128x300xf32, #tpu.memory_space<vmem>>, vector<1x16xf32>,
      %swap3A_316 = vector.shape_cast %swap3A_315 : vector<1x16xf32> to vector<16xf32>
      %swap3A_317 = vector.shape_cast %get3A_312 : vector<16xf32> to vector<1x16xf32>
      tpu.vector_store %arg12[%swap3A_313, %swap3A_314], %swap3A_317 {strides = array<i32>} : memref<128x300xf32, #tpu.memory_space<vmem>>, vector<1x16xf32>,
      %get3A_318 = arith.index_cast %add3A_256 : i32 to index
      %get3A_319 = arith.constant 112 : index
      %get3A_320 = tpu.vector_load %arg11[%get3A_318, %get3A_319] {strides = array<i32>} : memref<128x304xf32, #tpu.memory_space<vmem>>, vector<1x16xf32>,
      %get3A_321 = vector.shape_cast %get3A_320 : vector<1x16xf32> to vector<16xf32>
      %swap3A_322 = arith.index_cast %add3A_256 : i32 to index
      %swap3A_323 = arith.constant 112 : index
      %swap3A_324 = tpu.vector_load %arg12[%swap3A_322, %swap3A_323] {strides = array<i32>} : memref<128x300xf32, #tpu.memory_space<vmem>>, vector<1x16xf32>,
      %swap3A_325 = vector.shape_cast %swap3A_324 : vector<1x16xf32> to vector<16xf32>
      %swap3A_326 = vector.shape_cast %get3A_321 : vector<16xf32> to vector<1x16xf32>
      tpu.vector_store %arg12[%swap3A_322, %swap3A_323], %swap3A_326 {strides = array<i32>} : memref<128x300xf32, #tpu.memory_space<vmem>>, vector<1x16xf32>,
      %get3A_327 = arith.index_cast %add3A_256 : i32 to index
      %get3A_328 = arith.constant 128 : index
      %get3A_329 = tpu.vector_load %arg11[%get3A_327, %get3A_328] {strides = array<i32>} : memref<128x304xf32, #tpu.memory_space<vmem>>, vector<1x16xf32>,
      %get3A_330 = vector.shape_cast %get3A_329 : vector<1x16xf32> to vector<16xf32>
      %swap3A_331 = arith.index_cast %add3A_256 : i32 to index
      %swap3A_332 = arith.constant 128 : index
      %swap3A_333 = tpu.vector_load %arg12[%swap3A_331, %swap3A_332] {strides = array<i32>} : memref<128x300xf32, #tpu.memory_space<vmem>>, vector<1x16xf32>,
      %swap3A_334 = vector.shape_cast %swap3A_333 : vector<1x16xf32> to vector<16xf32>
      %swap3A_335 = vector.shape_cast %get3A_330 : vector<16xf32> to vector<1x16xf32>
      tpu.vector_store %arg12[%swap3A_331, %swap3A_332], %swap3A_335 {strides = array<i32>} : memref<128x300xf32, #tpu.memory_space<vmem>>, vector<1x16xf32>,
      %get3A_336 = arith.index_cast %add3A_256 : i32 to index
      %get3A_337 = arith.constant 144 : index
      %get3A_338 = tpu.vector_load %arg11[%get3A_336, %get3A_337] {strides = array<i32>} : memref<128x304xf32, #tpu.memory_space<vmem>>, vector<1x16xf32>,
      %get3A_339 = vector.shape_cast %get3A_338 : vector<1x16xf32> to vector<16xf32>
      %swap3A_340 = arith.index_cast %add3A_256 : i32 to index
      %swap3A_341 = arith.constant 144 : index
      %swap3A_342 = tpu.vector_load %arg12[%swap3A_340, %swap3A_341] {strides = array<i32>} : memref<128x300xf32, #tpu.memory_space<vmem>>, vector<1x16xf32>,
      %swap3A_343 = vector.shape_cast %swap3A_342 : vector<1x16xf32> to vector<16xf32>
      %swap3A_344 = vector.shape_cast %get3A_339 : vector<16xf32> to vector<1x16xf32>
      tpu.vector_store %arg12[%swap3A_340, %swap3A_341], %swap3A_344 {strides = array<i32>} : memref<128x300xf32, #tpu.memory_space<vmem>>, vector<1x16xf32>,
      %get3A_345 = arith.index_cast %add3A_256 : i32 to index
      %get3A_346 = arith.constant 160 : index
      %get3A_347 = tpu.vector_load %arg11[%get3A_345, %get3A_346] {strides = array<i32>} : memref<128x304xf32, #tpu.memory_space<vmem>>, vector<1x16xf32>,
      %get3A_348 = vector.shape_cast %get3A_347 : vector<1x16xf32> to vector<16xf32>
      %swap3A_349 = arith.index_cast %add3A_256 : i32 to index
      %swap3A_350 = arith.constant 160 : index
      %swap3A_351 = tpu.vector_load %arg12[%swap3A_349, %swap3A_350] {strides = array<i32>} : memref<128x300xf32, #tpu.memory_space<vmem>>, vector<1x16xf32>,
      %swap3A_352 = vector.shape_cast %swap3A_351 : vector<1x16xf32> to vector<16xf32>
      %swap3A_353 = vector.shape_cast %get3A_348 : vector<16xf32> to vector<1x16xf32>
      tpu.vector_store %arg12[%swap3A_349, %swap3A_350], %swap3A_353 {strides = array<i32>} : memref<128x300xf32, #tpu.memory_space<vmem>>, vector<1x16xf32>,
      %get3A_354 = arith.index_cast %add3A_256 : i32 to index
      %get3A_355 = arith.constant 176 : index
      %get3A_356 = tpu.vector_load %arg11[%get3A_354, %get3A_355] {strides = array<i32>} : memref<128x304xf32, #tpu.memory_space<vmem>>, vector<1x16xf32>,
      %get3A_357 = vector.shape_cast %get3A_356 : vector<1x16xf32> to vector<16xf32>
      %swap3A_358 = arith.index_cast %add3A_256 : i32 to index
      %swap3A_359 = arith.constant 176 : index
      %swap3A_360 = tpu.vector_load %arg12[%swap3A_358, %swap3A_359] {strides = array<i32>} : memref<128x300xf32, #tpu.memory_space<vmem>>, vector<1x16xf32>,
      %swap3A_361 = vector.shape_cast %swap3A_360 : vector<1x16xf32> to vector<16xf32>
      %swap3A_362 = vector.shape_cast %get3A_357 : vector<16xf32> to vector<1x16xf32>
      tpu.vector_store %arg12[%swap3A_358, %swap3A_359], %swap3A_362 {strides = array<i32>} : memref<128x300xf32, #tpu.memory_space<vmem>>, vector<1x16xf32>,
      %get3A_363 = arith.index_cast %add3A_256 : i32 to index
      %get3A_364 = arith.constant 192 : index
      %get3A_365 = tpu.vector_load %arg11[%get3A_363, %get3A_364] {strides = array<i32>} : memref<128x304xf32, #tpu.memory_space<vmem>>, vector<1x16xf32>,
      %get3A_366 = vector.shape_cast %get3A_365 : vector<1x16xf32> to vector<16xf32>
      %swap3A_367 = arith.index_cast %add3A_256 : i32 to index
      %swap3A_368 = arith.constant 192 : index
      %swap3A_369 = tpu.vector_load %arg12[%swap3A_367, %swap3A_368] {strides = array<i32>} : memref<128x300xf32, #tpu.memory_space<vmem>>, vector<1x16xf32>,
      %swap3A_370 = vector.shape_cast %swap3A_369 : vector<1x16xf32> to vector<16xf32>
      %swap3A_371 = vector.shape_cast %get3A_366 : vector<16xf32> to vector<1x16xf32>
      tpu.vector_store %arg12[%swap3A_367, %swap3A_368], %swap3A_371 {strides = array<i32>} : memref<128x300xf32, #tpu.memory_space<vmem>>, vector<1x16xf32>,
      %get3A_372 = arith.index_cast %add3A_256 : i32 to index
      %get3A_373 = arith.constant 208 : index
      %get3A_374 = tpu.vector_load %arg11[%get3A_372, %get3A_373] {strides = array<i32>} : memref<128x304xf32, #tpu.memory_space<vmem>>, vector<1x16xf32>,
      %get3A_375 = vector.shape_cast %get3A_374 : vector<1x16xf32> to vector<16xf32>
      %swap3A_376 = arith.index_cast %add3A_256 : i32 to index
      %swap3A_377 = arith.constant 208 : index
      %swap3A_378 = tpu.vector_load %arg12[%swap3A_376, %swap3A_377] {strides = array<i32>} : memref<128x300xf32, #tpu.memory_space<vmem>>, vector<1x16xf32>,
      %swap3A_379 = vector.shape_cast %swap3A_378 : vector<1x16xf32> to vector<16xf32>
      %swap3A_380 = vector.shape_cast %get3A_375 : vector<16xf32> to vector<1x16xf32>
      tpu.vector_store %arg12[%swap3A_376, %swap3A_377], %swap3A_380 {strides = array<i32>} : memref<128x300xf32, #tpu.memory_space<vmem>>, vector<1x16xf32>,
      %get3A_381 = arith.index_cast %add3A_256 : i32 to index
      %get3A_382 = arith.constant 224 : index
      %get3A_383 = tpu.vector_load %arg11[%get3A_381, %get3A_382] {strides = array<i32>} : memref<128x304xf32, #tpu.memory_space<vmem>>, vector<1x16xf32>,
      %get3A_384 = vector.shape_cast %get3A_383 : vector<1x16xf32> to vector<16xf32>
      %swap3A_385 = arith.index_cast %add3A_256 : i32 to index
      %swap3A_386 = arith.constant 224 : index
      %swap3A_387 = tpu.vector_load %arg12[%swap3A_385, %swap3A_386] {strides = array<i32>} : memref<128x300xf32, #tpu.memory_space<vmem>>, vector<1x16xf32>,
      %swap3A_388 = vector.shape_cast %swap3A_387 : vector<1x16xf32> to vector<16xf32>
      %swap3A_389 = vector.shape_cast %get3A_384 : vector<16xf32> to vector<1x16xf32>
      tpu.vector_store %arg12[%swap3A_385, %swap3A_386], %swap3A_389 {strides = array<i32>} : memref<128x300xf32, #tpu.memory_space<vmem>>, vector<1x16xf32>,
      %get3A_390 = arith.index_cast %add3A_256 : i32 to index
      %get3A_391 = arith.constant 240 : index
      %get3A_392 = tpu.vector_load %arg11[%get3A_390, %get3A_391] {strides = array<i32>} : memref<128x304xf32, #tpu.memory_space<vmem>>, vector<1x16xf32>,
      %get3A_393 = vector.shape_cast %get3A_392 : vector<1x16xf32> to vector<16xf32>
      %swap3A_394 = arith.index_cast %add3A_256 : i32 to index
      %swap3A_395 = arith.constant 240 : index
      %swap3A_396 = tpu.vector_load %arg12[%swap3A_394, %swap3A_395] {strides = array<i32>} : memref<128x300xf32, #tpu.memory_space<vmem>>, vector<1x16xf32>,
      %swap3A_397 = vector.shape_cast %swap3A_396 : vector<1x16xf32> to vector<16xf32>
      %swap3A_398 = vector.shape_cast %get3A_393 : vector<16xf32> to vector<1x16xf32>
      tpu.vector_store %arg12[%swap3A_394, %swap3A_395], %swap3A_398 {strides = array<i32>} : memref<128x300xf32, #tpu.memory_space<vmem>>, vector<1x16xf32>,
      %get3A_399 = arith.index_cast %add3A_256 : i32 to index
      %get3A_400 = arith.constant 256 : index
      %get3A_401 = tpu.vector_load %arg11[%get3A_399, %get3A_400] {strides = array<i32>} : memref<128x304xf32, #tpu.memory_space<vmem>>, vector<1x16xf32>,
      %get3A_402 = vector.shape_cast %get3A_401 : vector<1x16xf32> to vector<16xf32>
      %swap3A_403 = arith.index_cast %add3A_256 : i32 to index
      %swap3A_404 = arith.constant 256 : index
      %swap3A_405 = tpu.vector_load %arg12[%swap3A_403, %swap3A_404] {strides = array<i32>} : memref<128x300xf32, #tpu.memory_space<vmem>>, vector<1x16xf32>,
      %swap3A_406 = vector.shape_cast %swap3A_405 : vector<1x16xf32> to vector<16xf32>
      %swap3A_407 = vector.shape_cast %get3A_402 : vector<16xf32> to vector<1x16xf32>
      tpu.vector_store %arg12[%swap3A_403, %swap3A_404], %swap3A_407 {strides = array<i32>} : memref<128x300xf32, #tpu.memory_space<vmem>>, vector<1x16xf32>,
      %get3A_408 = arith.index_cast %add3A_256 : i32 to index
      %get3A_409 = arith.constant 272 : index
      %get3A_410 = tpu.vector_load %arg11[%get3A_408, %get3A_409] {strides = array<i32>} : memref<128x304xf32, #tpu.memory_space<vmem>>, vector<1x16xf32>,
      %get3A_411 = vector.shape_cast %get3A_410 : vector<1x16xf32> to vector<16xf32>
      %swap3A_412 = arith.index_cast %add3A_256 : i32 to index
      %swap3A_413 = arith.constant 272 : index
      %swap3A_414 = tpu.vector_load %arg12[%swap3A_412, %swap3A_413] {strides = array<i32>} : memref<128x300xf32, #tpu.memory_space<vmem>>, vector<1x16xf32>,
      %swap3A_415 = vector.shape_cast %swap3A_414 : vector<1x16xf32> to vector<16xf32>
      %swap3A_416 = vector.shape_cast %get3A_411 : vector<16xf32> to vector<1x16xf32>
      tpu.vector_store %arg12[%swap3A_412, %swap3A_413], %swap3A_416 {strides = array<i32>} : memref<128x300xf32, #tpu.memory_space<vmem>>, vector<1x16xf32>,
      %get3A_417 = arith.index_cast %add3A_256 : i32 to index
      %get3A_418 = arith.constant 284 : index
      %get3A_419 = tpu.vector_load %arg11[%get3A_417, %get3A_418] {strides = array<i32>} : memref<128x304xf32, #tpu.memory_space<vmem>>, vector<1x16xf32>,
      %get3A_420 = vector.shape_cast %get3A_419 : vector<1x16xf32> to vector<16xf32>
      %swap3A_421 = arith.index_cast %add3A_256 : i32 to index
      %swap3A_422 = arith.constant 284 : index
      %swap3A_423 = tpu.vector_load %arg12[%swap3A_421, %swap3A_422] {strides = array<i32>} : memref<128x300xf32, #tpu.memory_space<vmem>>, vector<1x16xf32>,
      %swap3A_424 = vector.shape_cast %swap3A_423 : vector<1x16xf32> to vector<16xf32>
      %swap3A_425 = vector.shape_cast %get3A_420 : vector<16xf32> to vector<1x16xf32>
      tpu.vector_store %arg12[%swap3A_421, %swap3A_422], %swap3A_425 {strides = array<i32>} : memref<128x300xf32, #tpu.memory_space<vmem>>, vector<1x16xf32>,
    }
    %scan3A_48 = arith.constant 128 : i32
    "tpu.region"() ({
      %run_scoped3A = tpu.sem_alloc : memref<!tpu.dma_semaphore, #tpu.memory_space<semaphore_mem>>
      %dma_start3A_252 = arith.constant 0 : i32
      %dma_start3A_253 = tpu.memref_slice %arg6[%add3A_43, %dma_start3A_252] : memref<16384x300xf32, #tpu.memory_space<hbm>> -> memref<128x300xf32, #tpu.memory_space<hbm>>
      %dma_start3A_254 = arith.constant 0 : i32
      %dma_start3A_255 = tpu.memref_slice %arg6[%add3A_43, %dma_start3A_254] : memref<16384x300xf32, #tpu.memory_space<hbm>> -> memref<128x300xf32, #tpu.memory_space<hbm>>
      tpu.enqueue_dma source(%arg12 : memref<128x300xf32, #tpu.memory_space<vmem>>) target(%dma_start3A_255 : memref<128x300xf32, #tpu.memory_space<hbm>>) target_semaphore(%run_scoped3A : memref<!tpu.dma_semaphore, #tpu.memory_space<semaphore_mem>>)
      %dma_wait3A_256 = arith.constant 0 : i32
      %dma_wait3A_257 = tpu.memref_slice %arg6[%add3A_43, %dma_wait3A_256] : memref<16384x300xf32, #tpu.memory_space<hbm>> -> memref<128x300xf32, #tpu.memory_space<hbm>>
      %dma_wait3A_258 = arith.constant 0 : i32
      %dma_wait3A_259 = tpu.memref_slice %arg6[%add3A_43, %dma_wait3A_258] : memref<16384x300xf32, #tpu.memory_space<hbm>> -> memref<128x300xf32, #tpu.memory_space<hbm>>
      tpu.wait_dma2 semaphore(%run_scoped3A : memref<!tpu.dma_semaphore, #tpu.memory_space<semaphore_mem>>) src(%arg12 : memref<128x300xf32, #tpu.memory_space<vmem>>) dst(%dma_wait3A_259 : memref<128x300xf32, #tpu.memory_space<hbm>>)
      tpu.yield
    }) : () -> ()
    %dma_wait3A_49 = arith.constant 2 : i32
    %dma_wait3A_50 = arith.constant 0 : i32
    %dma_wait3A_51 = tpu.memref_slice %arg9[%dma_wait3A_49, %dma_wait3A_50] : memref<12x128xi32, #tpu.memory_space<vmem>> -> memref<1x128xi32, #tpu.memory_space<vmem>>
    %dma_wait3A_52 = tpu.memref_squeeze %dma_wait3A_51 : memref<1x128xi32, #tpu.memory_space<vmem>> -> memref<128xi32, #tpu.memory_space<vmem>>
    %dma_wait3A_53 = arith.constant 0 : i32
    %dma_wait3A_54 = arith.constant 0 : i32
    %dma_wait3A_55 = tpu.memref_slice %arg5[%dma_wait3A_53, %dma_wait3A_54] : memref<100000x304xf32, #tpu.memory_space<hbm>> -> memref<100000x304xf32, #tpu.memory_space<hbm>>
    tpu.wait_indirect_dma semaphore(%arg13 : memref<!tpu.dma_semaphore, #tpu.memory_space<semaphore_mem>>) src(%dma_wait3A_55 : memref<100000x304xf32, #tpu.memory_space<hbm>>) dst(%arg10 : memref<128x304xf32, #tpu.memory_space<vmem>>)
    %dma_start3A_56 = arith.constant 3 : i32
    %dma_start3A_57 = arith.constant 0 : i32
    %dma_start3A_58 = tpu.memref_slice %arg9[%dma_start3A_56, %dma_start3A_57] : memref<12x128xi32, #tpu.memory_space<vmem>> -> memref<1x128xi32, #tpu.memory_space<vmem>>
    %dma_start3A_59 = tpu.memref_squeeze %dma_start3A_58 : memref<1x128xi32, #tpu.memory_space<vmem>> -> memref<128xi32, #tpu.memory_space<vmem>>
    %dma_start3A_60 = arith.constant 0 : i32
    %dma_start3A_61 = arith.constant 0 : i32
    %dma_start3A_62 = tpu.memref_slice %arg5[%dma_start3A_60, %dma_start3A_61] : memref<100000x304xf32, #tpu.memory_space<hbm>> -> memref<100000x304xf32, #tpu.memory_space<hbm>>
    tpu.enqueue_indirect_dma source(%dma_start3A_62 : memref<100000x304xf32, #tpu.memory_space<hbm>>) target(%arg11 : memref<128x304xf32, #tpu.memory_space<vmem>>) offsets(%dma_start3A_59 : memref<128xi32, #tpu.memory_space<vmem>>) semaphore(%arg14 : memref<!tpu.dma_semaphore, #tpu.memory_space<semaphore_mem>>)
    %add3A_63 = arith.constant 256 : i32
    %add3A_64 = arith.addi %mul3A_2, %add3A_63 : i32
    %scan3A_65 = arith.constant 0 : i32
    %scan3A_66 = arith.constant 128 : i32
    %scan3A_67 = arith.addi %scan3A_65, %scan3A_66 : i32
    %scan3A_68 = arith.constant 1 : i32
    scf.for %scan3A_252 = %scan3A_65 to %scan3A_67 step %scan3A_68  : i32 {
      %mul3A_253 = arith.constant 1 : i32
      %mul3A_254 = arith.muli %scan3A_252, %mul3A_253 : i32
      %add3A_255 = arith.constant 0 : i32
      %add3A_256 = arith.addi %add3A_255, %mul3A_254 : i32
      %get3A = arith.index_cast %add3A_256 : i32 to index
      %get3A_257 = arith.constant 0 : index
      %get3A_258 = tpu.vector_load %arg10[%get3A, %get3A_257] {strides = array<i32>} : memref<128x304xf32, #tpu.memory_space<vmem>>, vector<1x16xf32>,
      %get3A_259 = vector.shape_cast %get3A_258 : vector<1x16xf32> to vector<16xf32>
      %swap3A = arith.index_cast %add3A_256 : i32 to index
      %swap3A_260 = arith.constant 0 : index
      %swap3A_261 = tpu.vector_load %arg12[%swap3A, %swap3A_260] {strides = array<i32>} : memref<128x300xf32, #tpu.memory_space<vmem>>, vector<1x16xf32>,
      %swap3A_262 = vector.shape_cast %swap3A_261 : vector<1x16xf32> to vector<16xf32>
      %swap3A_263 = vector.shape_cast %get3A_259 : vector<16xf32> to vector<1x16xf32>
      tpu.vector_store %arg12[%swap3A, %swap3A_260], %swap3A_263 {strides = array<i32>} : memref<128x300xf32, #tpu.memory_space<vmem>>, vector<1x16xf32>,
      %get3A_264 = arith.index_cast %add3A_256 : i32 to index
      %get3A_265 = arith.constant 16 : index
      %get3A_266 = tpu.vector_load %arg10[%get3A_264, %get3A_265] {strides = array<i32>} : memref<128x304xf32, #tpu.memory_space<vmem>>, vector<1x16xf32>,
      %get3A_267 = vector.shape_cast %get3A_266 : vector<1x16xf32> to vector<16xf32>
      %swap3A_268 = arith.index_cast %add3A_256 : i32 to index
      %swap3A_269 = arith.constant 16 : index
      %swap3A_270 = tpu.vector_load %arg12[%swap3A_268, %swap3A_269] {strides = array<i32>} : memref<128x300xf32, #tpu.memory_space<vmem>>, vector<1x16xf32>,
      %swap3A_271 = vector.shape_cast %swap3A_270 : vector<1x16xf32> to vector<16xf32>
      %swap3A_272 = vector.shape_cast %get3A_267 : vector<16xf32> to vector<1x16xf32>
      tpu.vector_store %arg12[%swap3A_268, %swap3A_269], %swap3A_272 {strides = array<i32>} : memref<128x300xf32, #tpu.memory_space<vmem>>, vector<1x16xf32>,
      %get3A_273 = arith.index_cast %add3A_256 : i32 to index
      %get3A_274 = arith.constant 32 : index
      %get3A_275 = tpu.vector_load %arg10[%get3A_273, %get3A_274] {strides = array<i32>} : memref<128x304xf32, #tpu.memory_space<vmem>>, vector<1x16xf32>,
      %get3A_276 = vector.shape_cast %get3A_275 : vector<1x16xf32> to vector<16xf32>
      %swap3A_277 = arith.index_cast %add3A_256 : i32 to index
      %swap3A_278 = arith.constant 32 : index
      %swap3A_279 = tpu.vector_load %arg12[%swap3A_277, %swap3A_278] {strides = array<i32>} : memref<128x300xf32, #tpu.memory_space<vmem>>, vector<1x16xf32>,
      %swap3A_280 = vector.shape_cast %swap3A_279 : vector<1x16xf32> to vector<16xf32>
      %swap3A_281 = vector.shape_cast %get3A_276 : vector<16xf32> to vector<1x16xf32>
      tpu.vector_store %arg12[%swap3A_277, %swap3A_278], %swap3A_281 {strides = array<i32>} : memref<128x300xf32, #tpu.memory_space<vmem>>, vector<1x16xf32>,
      %get3A_282 = arith.index_cast %add3A_256 : i32 to index
      %get3A_283 = arith.constant 48 : index
      %get3A_284 = tpu.vector_load %arg10[%get3A_282, %get3A_283] {strides = array<i32>} : memref<128x304xf32, #tpu.memory_space<vmem>>, vector<1x16xf32>,
      %get3A_285 = vector.shape_cast %get3A_284 : vector<1x16xf32> to vector<16xf32>
      %swap3A_286 = arith.index_cast %add3A_256 : i32 to index
      %swap3A_287 = arith.constant 48 : index
      %swap3A_288 = tpu.vector_load %arg12[%swap3A_286, %swap3A_287] {strides = array<i32>} : memref<128x300xf32, #tpu.memory_space<vmem>>, vector<1x16xf32>,
      %swap3A_289 = vector.shape_cast %swap3A_288 : vector<1x16xf32> to vector<16xf32>
      %swap3A_290 = vector.shape_cast %get3A_285 : vector<16xf32> to vector<1x16xf32>
      tpu.vector_store %arg12[%swap3A_286, %swap3A_287], %swap3A_290 {strides = array<i32>} : memref<128x300xf32, #tpu.memory_space<vmem>>, vector<1x16xf32>,
      %get3A_291 = arith.index_cast %add3A_256 : i32 to index
      %get3A_292 = arith.constant 64 : index
      %get3A_293 = tpu.vector_load %arg10[%get3A_291, %get3A_292] {strides = array<i32>} : memref<128x304xf32, #tpu.memory_space<vmem>>, vector<1x16xf32>,
      %get3A_294 = vector.shape_cast %get3A_293 : vector<1x16xf32> to vector<16xf32>
      %swap3A_295 = arith.index_cast %add3A_256 : i32 to index
      %swap3A_296 = arith.constant 64 : index
      %swap3A_297 = tpu.vector_load %arg12[%swap3A_295, %swap3A_296] {strides = array<i32>} : memref<128x300xf32, #tpu.memory_space<vmem>>, vector<1x16xf32>,
      %swap3A_298 = vector.shape_cast %swap3A_297 : vector<1x16xf32> to vector<16xf32>
      %swap3A_299 = vector.shape_cast %get3A_294 : vector<16xf32> to vector<1x16xf32>
      tpu.vector_store %arg12[%swap3A_295, %swap3A_296], %swap3A_299 {strides = array<i32>} : memref<128x300xf32, #tpu.memory_space<vmem>>, vector<1x16xf32>,
      %get3A_300 = arith.index_cast %add3A_256 : i32 to index
      %get3A_301 = arith.constant 80 : index
      %get3A_302 = tpu.vector_load %arg10[%get3A_300, %get3A_301] {strides = array<i32>} : memref<128x304xf32, #tpu.memory_space<vmem>>, vector<1x16xf32>,
      %get3A_303 = vector.shape_cast %get3A_302 : vector<1x16xf32> to vector<16xf32>
      %swap3A_304 = arith.index_cast %add3A_256 : i32 to index
      %swap3A_305 = arith.constant 80 : index
      %swap3A_306 = tpu.vector_load %arg12[%swap3A_304, %swap3A_305] {strides = array<i32>} : memref<128x300xf32, #tpu.memory_space<vmem>>, vector<1x16xf32>,
      %swap3A_307 = vector.shape_cast %swap3A_306 : vector<1x16xf32> to vector<16xf32>
      %swap3A_308 = vector.shape_cast %get3A_303 : vector<16xf32> to vector<1x16xf32>
      tpu.vector_store %arg12[%swap3A_304, %swap3A_305], %swap3A_308 {strides = array<i32>} : memref<128x300xf32, #tpu.memory_space<vmem>>, vector<1x16xf32>,
      %get3A_309 = arith.index_cast %add3A_256 : i32 to index
      %get3A_310 = arith.constant 96 : index
      %get3A_311 = tpu.vector_load %arg10[%get3A_309, %get3A_310] {strides = array<i32>} : memref<128x304xf32, #tpu.memory_space<vmem>>, vector<1x16xf32>,
      %get3A_312 = vector.shape_cast %get3A_311 : vector<1x16xf32> to vector<16xf32>
      %swap3A_313 = arith.index_cast %add3A_256 : i32 to index
      %swap3A_314 = arith.constant 96 : index
      %swap3A_315 = tpu.vector_load %arg12[%swap3A_313, %swap3A_314] {strides = array<i32>} : memref<128x300xf32, #tpu.memory_space<vmem>>, vector<1x16xf32>,
      %swap3A_316 = vector.shape_cast %swap3A_315 : vector<1x16xf32> to vector<16xf32>
      %swap3A_317 = vector.shape_cast %get3A_312 : vector<16xf32> to vector<1x16xf32>
      tpu.vector_store %arg12[%swap3A_313, %swap3A_314], %swap3A_317 {strides = array<i32>} : memref<128x300xf32, #tpu.memory_space<vmem>>, vector<1x16xf32>,
      %get3A_318 = arith.index_cast %add3A_256 : i32 to index
      %get3A_319 = arith.constant 112 : index
      %get3A_320 = tpu.vector_load %arg10[%get3A_318, %get3A_319] {strides = array<i32>} : memref<128x304xf32, #tpu.memory_space<vmem>>, vector<1x16xf32>,
      %get3A_321 = vector.shape_cast %get3A_320 : vector<1x16xf32> to vector<16xf32>
      %swap3A_322 = arith.index_cast %add3A_256 : i32 to index
      %swap3A_323 = arith.constant 112 : index
      %swap3A_324 = tpu.vector_load %arg12[%swap3A_322, %swap3A_323] {strides = array<i32>} : memref<128x300xf32, #tpu.memory_space<vmem>>, vector<1x16xf32>,
      %swap3A_325 = vector.shape_cast %swap3A_324 : vector<1x16xf32> to vector<16xf32>
      %swap3A_326 = vector.shape_cast %get3A_321 : vector<16xf32> to vector<1x16xf32>
      tpu.vector_store %arg12[%swap3A_322, %swap3A_323], %swap3A_326 {strides = array<i32>} : memref<128x300xf32, #tpu.memory_space<vmem>>, vector<1x16xf32>,
      %get3A_327 = arith.index_cast %add3A_256 : i32 to index
      %get3A_328 = arith.constant 128 : index
      %get3A_329 = tpu.vector_load %arg10[%get3A_327, %get3A_328] {strides = array<i32>} : memref<128x304xf32, #tpu.memory_space<vmem>>, vector<1x16xf32>,
      %get3A_330 = vector.shape_cast %get3A_329 : vector<1x16xf32> to vector<16xf32>
      %swap3A_331 = arith.index_cast %add3A_256 : i32 to index
      %swap3A_332 = arith.constant 128 : index
      %swap3A_333 = tpu.vector_load %arg12[%swap3A_331, %swap3A_332] {strides = array<i32>} : memref<128x300xf32, #tpu.memory_space<vmem>>, vector<1x16xf32>,
      %swap3A_334 = vector.shape_cast %swap3A_333 : vector<1x16xf32> to vector<16xf32>
      %swap3A_335 = vector.shape_cast %get3A_330 : vector<16xf32> to vector<1x16xf32>
      tpu.vector_store %arg12[%swap3A_331, %swap3A_332], %swap3A_335 {strides = array<i32>} : memref<128x300xf32, #tpu.memory_space<vmem>>, vector<1x16xf32>,
      %get3A_336 = arith.index_cast %add3A_256 : i32 to index
      %get3A_337 = arith.constant 144 : index
      %get3A_338 = tpu.vector_load %arg10[%get3A_336, %get3A_337] {strides = array<i32>} : memref<128x304xf32, #tpu.memory_space<vmem>>, vector<1x16xf32>,
      %get3A_339 = vector.shape_cast %get3A_338 : vector<1x16xf32> to vector<16xf32>
      %swap3A_340 = arith.index_cast %add3A_256 : i32 to index
      %swap3A_341 = arith.constant 144 : index
      %swap3A_342 = tpu.vector_load %arg12[%swap3A_340, %swap3A_341] {strides = array<i32>} : memref<128x300xf32, #tpu.memory_space<vmem>>, vector<1x16xf32>,
      %swap3A_343 = vector.shape_cast %swap3A_342 : vector<1x16xf32> to vector<16xf32>
      %swap3A_344 = vector.shape_cast %get3A_339 : vector<16xf32> to vector<1x16xf32>
      tpu.vector_store %arg12[%swap3A_340, %swap3A_341], %swap3A_344 {strides = array<i32>} : memref<128x300xf32, #tpu.memory_space<vmem>>, vector<1x16xf32>,
      %get3A_345 = arith.index_cast %add3A_256 : i32 to index
      %get3A_346 = arith.constant 160 : index
      %get3A_347 = tpu.vector_load %arg10[%get3A_345, %get3A_346] {strides = array<i32>} : memref<128x304xf32, #tpu.memory_space<vmem>>, vector<1x16xf32>,
      %get3A_348 = vector.shape_cast %get3A_347 : vector<1x16xf32> to vector<16xf32>
      %swap3A_349 = arith.index_cast %add3A_256 : i32 to index
      %swap3A_350 = arith.constant 160 : index
      %swap3A_351 = tpu.vector_load %arg12[%swap3A_349, %swap3A_350] {strides = array<i32>} : memref<128x300xf32, #tpu.memory_space<vmem>>, vector<1x16xf32>,
      %swap3A_352 = vector.shape_cast %swap3A_351 : vector<1x16xf32> to vector<16xf32>
      %swap3A_353 = vector.shape_cast %get3A_348 : vector<16xf32> to vector<1x16xf32>
      tpu.vector_store %arg12[%swap3A_349, %swap3A_350], %swap3A_353 {strides = array<i32>} : memref<128x300xf32, #tpu.memory_space<vmem>>, vector<1x16xf32>,
      %get3A_354 = arith.index_cast %add3A_256 : i32 to index
      %get3A_355 = arith.constant 176 : index
      %get3A_356 = tpu.vector_load %arg10[%get3A_354, %get3A_355] {strides = array<i32>} : memref<128x304xf32, #tpu.memory_space<vmem>>, vector<1x16xf32>,
      %get3A_357 = vector.shape_cast %get3A_356 : vector<1x16xf32> to vector<16xf32>
      %swap3A_358 = arith.index_cast %add3A_256 : i32 to index
      %swap3A_359 = arith.constant 176 : index
      %swap3A_360 = tpu.vector_load %arg12[%swap3A_358, %swap3A_359] {strides = array<i32>} : memref<128x300xf32, #tpu.memory_space<vmem>>, vector<1x16xf32>,
      %swap3A_361 = vector.shape_cast %swap3A_360 : vector<1x16xf32> to vector<16xf32>
      %swap3A_362 = vector.shape_cast %get3A_357 : vector<16xf32> to vector<1x16xf32>
      tpu.vector_store %arg12[%swap3A_358, %swap3A_359], %swap3A_362 {strides = array<i32>} : memref<128x300xf32, #tpu.memory_space<vmem>>, vector<1x16xf32>,
      %get3A_363 = arith.index_cast %add3A_256 : i32 to index
      %get3A_364 = arith.constant 192 : index
      %get3A_365 = tpu.vector_load %arg10[%get3A_363, %get3A_364] {strides = array<i32>} : memref<128x304xf32, #tpu.memory_space<vmem>>, vector<1x16xf32>,
      %get3A_366 = vector.shape_cast %get3A_365 : vector<1x16xf32> to vector<16xf32>
      %swap3A_367 = arith.index_cast %add3A_256 : i32 to index
      %swap3A_368 = arith.constant 192 : index
      %swap3A_369 = tpu.vector_load %arg12[%swap3A_367, %swap3A_368] {strides = array<i32>} : memref<128x300xf32, #tpu.memory_space<vmem>>, vector<1x16xf32>,
      %swap3A_370 = vector.shape_cast %swap3A_369 : vector<1x16xf32> to vector<16xf32>
      %swap3A_371 = vector.shape_cast %get3A_366 : vector<16xf32> to vector<1x16xf32>
      tpu.vector_store %arg12[%swap3A_367, %swap3A_368], %swap3A_371 {strides = array<i32>} : memref<128x300xf32, #tpu.memory_space<vmem>>, vector<1x16xf32>,
      %get3A_372 = arith.index_cast %add3A_256 : i32 to index
      %get3A_373 = arith.constant 208 : index
      %get3A_374 = tpu.vector_load %arg10[%get3A_372, %get3A_373] {strides = array<i32>} : memref<128x304xf32, #tpu.memory_space<vmem>>, vector<1x16xf32>,
      %get3A_375 = vector.shape_cast %get3A_374 : vector<1x16xf32> to vector<16xf32>
      %swap3A_376 = arith.index_cast %add3A_256 : i32 to index
      %swap3A_377 = arith.constant 208 : index
      %swap3A_378 = tpu.vector_load %arg12[%swap3A_376, %swap3A_377] {strides = array<i32>} : memref<128x300xf32, #tpu.memory_space<vmem>>, vector<1x16xf32>,
      %swap3A_379 = vector.shape_cast %swap3A_378 : vector<1x16xf32> to vector<16xf32>
      %swap3A_380 = vector.shape_cast %get3A_375 : vector<16xf32> to vector<1x16xf32>
      tpu.vector_store %arg12[%swap3A_376, %swap3A_377], %swap3A_380 {strides = array<i32>} : memref<128x300xf32, #tpu.memory_space<vmem>>, vector<1x16xf32>,
      %get3A_381 = arith.index_cast %add3A_256 : i32 to index
      %get3A_382 = arith.constant 224 : index
      %get3A_383 = tpu.vector_load %arg10[%get3A_381, %get3A_382] {strides = array<i32>} : memref<128x304xf32, #tpu.memory_space<vmem>>, vector<1x16xf32>,
      %get3A_384 = vector.shape_cast %get3A_383 : vector<1x16xf32> to vector<16xf32>
      %swap3A_385 = arith.index_cast %add3A_256 : i32 to index
      %swap3A_386 = arith.constant 224 : index
      %swap3A_387 = tpu.vector_load %arg12[%swap3A_385, %swap3A_386] {strides = array<i32>} : memref<128x300xf32, #tpu.memory_space<vmem>>, vector<1x16xf32>,
      %swap3A_388 = vector.shape_cast %swap3A_387 : vector<1x16xf32> to vector<16xf32>
      %swap3A_389 = vector.shape_cast %get3A_384 : vector<16xf32> to vector<1x16xf32>
      tpu.vector_store %arg12[%swap3A_385, %swap3A_386], %swap3A_389 {strides = array<i32>} : memref<128x300xf32, #tpu.memory_space<vmem>>, vector<1x16xf32>,
      %get3A_390 = arith.index_cast %add3A_256 : i32 to index
      %get3A_391 = arith.constant 240 : index
      %get3A_392 = tpu.vector_load %arg10[%get3A_390, %get3A_391] {strides = array<i32>} : memref<128x304xf32, #tpu.memory_space<vmem>>, vector<1x16xf32>,
      %get3A_393 = vector.shape_cast %get3A_392 : vector<1x16xf32> to vector<16xf32>
      %swap3A_394 = arith.index_cast %add3A_256 : i32 to index
      %swap3A_395 = arith.constant 240 : index
      %swap3A_396 = tpu.vector_load %arg12[%swap3A_394, %swap3A_395] {strides = array<i32>} : memref<128x300xf32, #tpu.memory_space<vmem>>, vector<1x16xf32>,
      %swap3A_397 = vector.shape_cast %swap3A_396 : vector<1x16xf32> to vector<16xf32>
      %swap3A_398 = vector.shape_cast %get3A_393 : vector<16xf32> to vector<1x16xf32>
      tpu.vector_store %arg12[%swap3A_394, %swap3A_395], %swap3A_398 {strides = array<i32>} : memref<128x300xf32, #tpu.memory_space<vmem>>, vector<1x16xf32>,
      %get3A_399 = arith.index_cast %add3A_256 : i32 to index
      %get3A_400 = arith.constant 256 : index
      %get3A_401 = tpu.vector_load %arg10[%get3A_399, %get3A_400] {strides = array<i32>} : memref<128x304xf32, #tpu.memory_space<vmem>>, vector<1x16xf32>,
      %get3A_402 = vector.shape_cast %get3A_401 : vector<1x16xf32> to vector<16xf32>
      %swap3A_403 = arith.index_cast %add3A_256 : i32 to index
      %swap3A_404 = arith.constant 256 : index
      %swap3A_405 = tpu.vector_load %arg12[%swap3A_403, %swap3A_404] {strides = array<i32>} : memref<128x300xf32, #tpu.memory_space<vmem>>, vector<1x16xf32>,
      %swap3A_406 = vector.shape_cast %swap3A_405 : vector<1x16xf32> to vector<16xf32>
      %swap3A_407 = vector.shape_cast %get3A_402 : vector<16xf32> to vector<1x16xf32>
      tpu.vector_store %arg12[%swap3A_403, %swap3A_404], %swap3A_407 {strides = array<i32>} : memref<128x300xf32, #tpu.memory_space<vmem>>, vector<1x16xf32>,
      %get3A_408 = arith.index_cast %add3A_256 : i32 to index
      %get3A_409 = arith.constant 272 : index
      %get3A_410 = tpu.vector_load %arg10[%get3A_408, %get3A_409] {strides = array<i32>} : memref<128x304xf32, #tpu.memory_space<vmem>>, vector<1x16xf32>,
      %get3A_411 = vector.shape_cast %get3A_410 : vector<1x16xf32> to vector<16xf32>
      %swap3A_412 = arith.index_cast %add3A_256 : i32 to index
      %swap3A_413 = arith.constant 272 : index
      %swap3A_414 = tpu.vector_load %arg12[%swap3A_412, %swap3A_413] {strides = array<i32>} : memref<128x300xf32, #tpu.memory_space<vmem>>, vector<1x16xf32>,
      %swap3A_415 = vector.shape_cast %swap3A_414 : vector<1x16xf32> to vector<16xf32>
      %swap3A_416 = vector.shape_cast %get3A_411 : vector<16xf32> to vector<1x16xf32>
      tpu.vector_store %arg12[%swap3A_412, %swap3A_413], %swap3A_416 {strides = array<i32>} : memref<128x300xf32, #tpu.memory_space<vmem>>, vector<1x16xf32>,
      %get3A_417 = arith.index_cast %add3A_256 : i32 to index
      %get3A_418 = arith.constant 284 : index
      %get3A_419 = tpu.vector_load %arg10[%get3A_417, %get3A_418] {strides = array<i32>} : memref<128x304xf32, #tpu.memory_space<vmem>>, vector<1x16xf32>,
      %get3A_420 = vector.shape_cast %get3A_419 : vector<1x16xf32> to vector<16xf32>
      %swap3A_421 = arith.index_cast %add3A_256 : i32 to index
      %swap3A_422 = arith.constant 284 : index
      %swap3A_423 = tpu.vector_load %arg12[%swap3A_421, %swap3A_422] {strides = array<i32>} : memref<128x300xf32, #tpu.memory_space<vmem>>, vector<1x16xf32>,
      %swap3A_424 = vector.shape_cast %swap3A_423 : vector<1x16xf32> to vector<16xf32>
      %swap3A_425 = vector.shape_cast %get3A_420 : vector<16xf32> to vector<1x16xf32>
      tpu.vector_store %arg12[%swap3A_421, %swap3A_422], %swap3A_425 {strides = array<i32>} : memref<128x300xf32, #tpu.memory_space<vmem>>, vector<1x16xf32>,
    }
    %scan3A_69 = arith.constant 128 : i32
    "tpu.region"() ({
      %run_scoped3A = tpu.sem_alloc : memref<!tpu.dma_semaphore, #tpu.memory_space<semaphore_mem>>
      %dma_start3A_252 = arith.constant 0 : i32
      %dma_start3A_253 = tpu.memref_slice %arg6[%add3A_64, %dma_start3A_252] : memref<16384x300xf32, #tpu.memory_space<hbm>> -> memref<128x300xf32, #tpu.memory_space<hbm>>
      %dma_start3A_254 = arith.constant 0 : i32
      %dma_start3A_255 = tpu.memref_slice %arg6[%add3A_64, %dma_start3A_254] : memref<16384x300xf32, #tpu.memory_space<hbm>> -> memref<128x300xf32, #tpu.memory_space<hbm>>
      tpu.enqueue_dma source(%arg12 : memref<128x300xf32, #tpu.memory_space<vmem>>) target(%dma_start3A_255 : memref<128x300xf32, #tpu.memory_space<hbm>>) target_semaphore(%run_scoped3A : memref<!tpu.dma_semaphore, #tpu.memory_space<semaphore_mem>>)
      %dma_wait3A_256 = arith.constant 0 : i32
      %dma_wait3A_257 = tpu.memref_slice %arg6[%add3A_64, %dma_wait3A_256] : memref<16384x300xf32, #tpu.memory_space<hbm>> -> memref<128x300xf32, #tpu.memory_space<hbm>>
      %dma_wait3A_258 = arith.constant 0 : i32
      %dma_wait3A_259 = tpu.memref_slice %arg6[%add3A_64, %dma_wait3A_258] : memref<16384x300xf32, #tpu.memory_space<hbm>> -> memref<128x300xf32, #tpu.memory_space<hbm>>
      tpu.wait_dma2 semaphore(%run_scoped3A : memref<!tpu.dma_semaphore, #tpu.memory_space<semaphore_mem>>) src(%arg12 : memref<128x300xf32, #tpu.memory_space<vmem>>) dst(%dma_wait3A_259 : memref<128x300xf32, #tpu.memory_space<hbm>>)
      tpu.yield
    }) : () -> ()
    %dma_wait3A_70 = arith.constant 3 : i32
    %dma_wait3A_71 = arith.constant 0 : i32
    %dma_wait3A_72 = tpu.memref_slice %arg9[%dma_wait3A_70, %dma_wait3A_71] : memref<12x128xi32, #tpu.memory_space<vmem>> -> memref<1x128xi32, #tpu.memory_space<vmem>>
    %dma_wait3A_73 = tpu.memref_squeeze %dma_wait3A_72 : memref<1x128xi32, #tpu.memory_space<vmem>> -> memref<128xi32, #tpu.memory_space<vmem>>
    %dma_wait3A_74 = arith.constant 0 : i32
    %dma_wait3A_75 = arith.constant 0 : i32
    %dma_wait3A_76 = tpu.memref_slice %arg5[%dma_wait3A_74, %dma_wait3A_75] : memref<100000x304xf32, #tpu.memory_space<hbm>> -> memref<100000x304xf32, #tpu.memory_space<hbm>>
    tpu.wait_indirect_dma semaphore(%arg14 : memref<!tpu.dma_semaphore, #tpu.memory_space<semaphore_mem>>) src(%dma_wait3A_76 : memref<100000x304xf32, #tpu.memory_space<hbm>>) dst(%arg11 : memref<128x304xf32, #tpu.memory_space<vmem>>)
    %dma_start3A_77 = arith.constant 4 : i32
    %dma_start3A_78 = arith.constant 0 : i32
    %dma_start3A_79 = tpu.memref_slice %arg9[%dma_start3A_77, %dma_start3A_78] : memref<12x128xi32, #tpu.memory_space<vmem>> -> memref<1x128xi32, #tpu.memory_space<vmem>>
    %dma_start3A_80 = tpu.memref_squeeze %dma_start3A_79 : memref<1x128xi32, #tpu.memory_space<vmem>> -> memref<128xi32, #tpu.memory_space<vmem>>
    %dma_start3A_81 = arith.constant 0 : i32
    %dma_start3A_82 = arith.constant 0 : i32
    %dma_start3A_83 = tpu.memref_slice %arg5[%dma_start3A_81, %dma_start3A_82] : memref<100000x304xf32, #tpu.memory_space<hbm>> -> memref<100000x304xf32, #tpu.memory_space<hbm>>
    tpu.enqueue_indirect_dma source(%dma_start3A_83 : memref<100000x304xf32, #tpu.memory_space<hbm>>) target(%arg10 : memref<128x304xf32, #tpu.memory_space<vmem>>) offsets(%dma_start3A_80 : memref<128xi32, #tpu.memory_space<vmem>>) semaphore(%arg13 : memref<!tpu.dma_semaphore, #tpu.memory_space<semaphore_mem>>)
    %add3A_84 = arith.constant 384 : i32
    %add3A_85 = arith.addi %mul3A_2, %add3A_84 : i32
    %scan3A_86 = arith.constant 0 : i32
    %scan3A_87 = arith.constant 128 : i32
    %scan3A_88 = arith.addi %scan3A_86, %scan3A_87 : i32
    %scan3A_89 = arith.constant 1 : i32
    scf.for %scan3A_252 = %scan3A_86 to %scan3A_88 step %scan3A_89  : i32 {
      %mul3A_253 = arith.constant 1 : i32
      %mul3A_254 = arith.muli %scan3A_252, %mul3A_253 : i32
      %add3A_255 = arith.constant 0 : i32
      %add3A_256 = arith.addi %add3A_255, %mul3A_254 : i32
      %get3A = arith.index_cast %add3A_256 : i32 to index
      %get3A_257 = arith.constant 0 : index
      %get3A_258 = tpu.vector_load %arg11[%get3A, %get3A_257] {strides = array<i32>} : memref<128x304xf32, #tpu.memory_space<vmem>>, vector<1x16xf32>,
      %get3A_259 = vector.shape_cast %get3A_258 : vector<1x16xf32> to vector<16xf32>
      %swap3A = arith.index_cast %add3A_256 : i32 to index
      %swap3A_260 = arith.constant 0 : index
      %swap3A_261 = tpu.vector_load %arg12[%swap3A, %swap3A_260] {strides = array<i32>} : memref<128x300xf32, #tpu.memory_space<vmem>>, vector<1x16xf32>,
      %swap3A_262 = vector.shape_cast %swap3A_261 : vector<1x16xf32> to vector<16xf32>
      %swap3A_263 = vector.shape_cast %get3A_259 : vector<16xf32> to vector<1x16xf32>
      tpu.vector_store %arg12[%swap3A, %swap3A_260], %swap3A_263 {strides = array<i32>} : memref<128x300xf32, #tpu.memory_space<vmem>>, vector<1x16xf32>,
      %get3A_264 = arith.index_cast %add3A_256 : i32 to index
      %get3A_265 = arith.constant 16 : index
      %get3A_266 = tpu.vector_load %arg11[%get3A_264, %get3A_265] {strides = array<i32>} : memref<128x304xf32, #tpu.memory_space<vmem>>, vector<1x16xf32>,
      %get3A_267 = vector.shape_cast %get3A_266 : vector<1x16xf32> to vector<16xf32>
      %swap3A_268 = arith.index_cast %add3A_256 : i32 to index
      %swap3A_269 = arith.constant 16 : index
      %swap3A_270 = tpu.vector_load %arg12[%swap3A_268, %swap3A_269] {strides = array<i32>} : memref<128x300xf32, #tpu.memory_space<vmem>>, vector<1x16xf32>,
      %swap3A_271 = vector.shape_cast %swap3A_270 : vector<1x16xf32> to vector<16xf32>
      %swap3A_272 = vector.shape_cast %get3A_267 : vector<16xf32> to vector<1x16xf32>
      tpu.vector_store %arg12[%swap3A_268, %swap3A_269], %swap3A_272 {strides = array<i32>} : memref<128x300xf32, #tpu.memory_space<vmem>>, vector<1x16xf32>,
      %get3A_273 = arith.index_cast %add3A_256 : i32 to index
      %get3A_274 = arith.constant 32 : index
      %get3A_275 = tpu.vector_load %arg11[%get3A_273, %get3A_274] {strides = array<i32>} : memref<128x304xf32, #tpu.memory_space<vmem>>, vector<1x16xf32>,
      %get3A_276 = vector.shape_cast %get3A_275 : vector<1x16xf32> to vector<16xf32>
      %swap3A_277 = arith.index_cast %add3A_256 : i32 to index
      %swap3A_278 = arith.constant 32 : index
      %swap3A_279 = tpu.vector_load %arg12[%swap3A_277, %swap3A_278] {strides = array<i32>} : memref<128x300xf32, #tpu.memory_space<vmem>>, vector<1x16xf32>,
      %swap3A_280 = vector.shape_cast %swap3A_279 : vector<1x16xf32> to vector<16xf32>
      %swap3A_281 = vector.shape_cast %get3A_276 : vector<16xf32> to vector<1x16xf32>
      tpu.vector_store %arg12[%swap3A_277, %swap3A_278], %swap3A_281 {strides = array<i32>} : memref<128x300xf32, #tpu.memory_space<vmem>>, vector<1x16xf32>,
      %get3A_282 = arith.index_cast %add3A_256 : i32 to index
      %get3A_283 = arith.constant 48 : index
      %get3A_284 = tpu.vector_load %arg11[%get3A_282, %get3A_283] {strides = array<i32>} : memref<128x304xf32, #tpu.memory_space<vmem>>, vector<1x16xf32>,
      %get3A_285 = vector.shape_cast %get3A_284 : vector<1x16xf32> to vector<16xf32>
      %swap3A_286 = arith.index_cast %add3A_256 : i32 to index
      %swap3A_287 = arith.constant 48 : index
      %swap3A_288 = tpu.vector_load %arg12[%swap3A_286, %swap3A_287] {strides = array<i32>} : memref<128x300xf32, #tpu.memory_space<vmem>>, vector<1x16xf32>,
      %swap3A_289 = vector.shape_cast %swap3A_288 : vector<1x16xf32> to vector<16xf32>
      %swap3A_290 = vector.shape_cast %get3A_285 : vector<16xf32> to vector<1x16xf32>
      tpu.vector_store %arg12[%swap3A_286, %swap3A_287], %swap3A_290 {strides = array<i32>} : memref<128x300xf32, #tpu.memory_space<vmem>>, vector<1x16xf32>,
      %get3A_291 = arith.index_cast %add3A_256 : i32 to index
      %get3A_292 = arith.constant 64 : index
      %get3A_293 = tpu.vector_load %arg11[%get3A_291, %get3A_292] {strides = array<i32>} : memref<128x304xf32, #tpu.memory_space<vmem>>, vector<1x16xf32>,
      %get3A_294 = vector.shape_cast %get3A_293 : vector<1x16xf32> to vector<16xf32>
      %swap3A_295 = arith.index_cast %add3A_256 : i32 to index
      %swap3A_296 = arith.constant 64 : index
      %swap3A_297 = tpu.vector_load %arg12[%swap3A_295, %swap3A_296] {strides = array<i32>} : memref<128x300xf32, #tpu.memory_space<vmem>>, vector<1x16xf32>,
      %swap3A_298 = vector.shape_cast %swap3A_297 : vector<1x16xf32> to vector<16xf32>
      %swap3A_299 = vector.shape_cast %get3A_294 : vector<16xf32> to vector<1x16xf32>
      tpu.vector_store %arg12[%swap3A_295, %swap3A_296], %swap3A_299 {strides = array<i32>} : memref<128x300xf32, #tpu.memory_space<vmem>>, vector<1x16xf32>,
      %get3A_300 = arith.index_cast %add3A_256 : i32 to index
      %get3A_301 = arith.constant 80 : index
      %get3A_302 = tpu.vector_load %arg11[%get3A_300, %get3A_301] {strides = array<i32>} : memref<128x304xf32, #tpu.memory_space<vmem>>, vector<1x16xf32>,
      %get3A_303 = vector.shape_cast %get3A_302 : vector<1x16xf32> to vector<16xf32>
      %swap3A_304 = arith.index_cast %add3A_256 : i32 to index
      %swap3A_305 = arith.constant 80 : index
      %swap3A_306 = tpu.vector_load %arg12[%swap3A_304, %swap3A_305] {strides = array<i32>} : memref<128x300xf32, #tpu.memory_space<vmem>>, vector<1x16xf32>,
      %swap3A_307 = vector.shape_cast %swap3A_306 : vector<1x16xf32> to vector<16xf32>
      %swap3A_308 = vector.shape_cast %get3A_303 : vector<16xf32> to vector<1x16xf32>
      tpu.vector_store %arg12[%swap3A_304, %swap3A_305], %swap3A_308 {strides = array<i32>} : memref<128x300xf32, #tpu.memory_space<vmem>>, vector<1x16xf32>,
      %get3A_309 = arith.index_cast %add3A_256 : i32 to index
      %get3A_310 = arith.constant 96 : index
      %get3A_311 = tpu.vector_load %arg11[%get3A_309, %get3A_310] {strides = array<i32>} : memref<128x304xf32, #tpu.memory_space<vmem>>, vector<1x16xf32>,
      %get3A_312 = vector.shape_cast %get3A_311 : vector<1x16xf32> to vector<16xf32>
      %swap3A_313 = arith.index_cast %add3A_256 : i32 to index
      %swap3A_314 = arith.constant 96 : index
      %swap3A_315 = tpu.vector_load %arg12[%swap3A_313, %swap3A_314] {strides = array<i32>} : memref<128x300xf32, #tpu.memory_space<vmem>>, vector<1x16xf32>,
      %swap3A_316 = vector.shape_cast %swap3A_315 : vector<1x16xf32> to vector<16xf32>
      %swap3A_317 = vector.shape_cast %get3A_312 : vector<16xf32> to vector<1x16xf32>
      tpu.vector_store %arg12[%swap3A_313, %swap3A_314], %swap3A_317 {strides = array<i32>} : memref<128x300xf32, #tpu.memory_space<vmem>>, vector<1x16xf32>,
      %get3A_318 = arith.index_cast %add3A_256 : i32 to index
      %get3A_319 = arith.constant 112 : index
      %get3A_320 = tpu.vector_load %arg11[%get3A_318, %get3A_319] {strides = array<i32>} : memref<128x304xf32, #tpu.memory_space<vmem>>, vector<1x16xf32>,
      %get3A_321 = vector.shape_cast %get3A_320 : vector<1x16xf32> to vector<16xf32>
      %swap3A_322 = arith.index_cast %add3A_256 : i32 to index
      %swap3A_323 = arith.constant 112 : index
      %swap3A_324 = tpu.vector_load %arg12[%swap3A_322, %swap3A_323] {strides = array<i32>} : memref<128x300xf32, #tpu.memory_space<vmem>>, vector<1x16xf32>,
      %swap3A_325 = vector.shape_cast %swap3A_324 : vector<1x16xf32> to vector<16xf32>
      %swap3A_326 = vector.shape_cast %get3A_321 : vector<16xf32> to vector<1x16xf32>
      tpu.vector_store %arg12[%swap3A_322, %swap3A_323], %swap3A_326 {strides = array<i32>} : memref<128x300xf32, #tpu.memory_space<vmem>>, vector<1x16xf32>,
      %get3A_327 = arith.index_cast %add3A_256 : i32 to index
      %get3A_328 = arith.constant 128 : index
      %get3A_329 = tpu.vector_load %arg11[%get3A_327, %get3A_328] {strides = array<i32>} : memref<128x304xf32, #tpu.memory_space<vmem>>, vector<1x16xf32>,
      %get3A_330 = vector.shape_cast %get3A_329 : vector<1x16xf32> to vector<16xf32>
      %swap3A_331 = arith.index_cast %add3A_256 : i32 to index
      %swap3A_332 = arith.constant 128 : index
      %swap3A_333 = tpu.vector_load %arg12[%swap3A_331, %swap3A_332] {strides = array<i32>} : memref<128x300xf32, #tpu.memory_space<vmem>>, vector<1x16xf32>,
      %swap3A_334 = vector.shape_cast %swap3A_333 : vector<1x16xf32> to vector<16xf32>
      %swap3A_335 = vector.shape_cast %get3A_330 : vector<16xf32> to vector<1x16xf32>
      tpu.vector_store %arg12[%swap3A_331, %swap3A_332], %swap3A_335 {strides = array<i32>} : memref<128x300xf32, #tpu.memory_space<vmem>>, vector<1x16xf32>,
      %get3A_336 = arith.index_cast %add3A_256 : i32 to index
      %get3A_337 = arith.constant 144 : index
      %get3A_338 = tpu.vector_load %arg11[%get3A_336, %get3A_337] {strides = array<i32>} : memref<128x304xf32, #tpu.memory_space<vmem>>, vector<1x16xf32>,
      %get3A_339 = vector.shape_cast %get3A_338 : vector<1x16xf32> to vector<16xf32>
      %swap3A_340 = arith.index_cast %add3A_256 : i32 to index
      %swap3A_341 = arith.constant 144 : index
      %swap3A_342 = tpu.vector_load %arg12[%swap3A_340, %swap3A_341] {strides = array<i32>} : memref<128x300xf32, #tpu.memory_space<vmem>>, vector<1x16xf32>,
      %swap3A_343 = vector.shape_cast %swap3A_342 : vector<1x16xf32> to vector<16xf32>
      %swap3A_344 = vector.shape_cast %get3A_339 : vector<16xf32> to vector<1x16xf32>
      tpu.vector_store %arg12[%swap3A_340, %swap3A_341], %swap3A_344 {strides = array<i32>} : memref<128x300xf32, #tpu.memory_space<vmem>>, vector<1x16xf32>,
      %get3A_345 = arith.index_cast %add3A_256 : i32 to index
      %get3A_346 = arith.constant 160 : index
      %get3A_347 = tpu.vector_load %arg11[%get3A_345, %get3A_346] {strides = array<i32>} : memref<128x304xf32, #tpu.memory_space<vmem>>, vector<1x16xf32>,
      %get3A_348 = vector.shape_cast %get3A_347 : vector<1x16xf32> to vector<16xf32>
      %swap3A_349 = arith.index_cast %add3A_256 : i32 to index
      %swap3A_350 = arith.constant 160 : index
      %swap3A_351 = tpu.vector_load %arg12[%swap3A_349, %swap3A_350] {strides = array<i32>} : memref<128x300xf32, #tpu.memory_space<vmem>>, vector<1x16xf32>,
      %swap3A_352 = vector.shape_cast %swap3A_351 : vector<1x16xf32> to vector<16xf32>
      %swap3A_353 = vector.shape_cast %get3A_348 : vector<16xf32> to vector<1x16xf32>
      tpu.vector_store %arg12[%swap3A_349, %swap3A_350], %swap3A_353 {strides = array<i32>} : memref<128x300xf32, #tpu.memory_space<vmem>>, vector<1x16xf32>,
      %get3A_354 = arith.index_cast %add3A_256 : i32 to index
      %get3A_355 = arith.constant 176 : index
      %get3A_356 = tpu.vector_load %arg11[%get3A_354, %get3A_355] {strides = array<i32>} : memref<128x304xf32, #tpu.memory_space<vmem>>, vector<1x16xf32>,
      %get3A_357 = vector.shape_cast %get3A_356 : vector<1x16xf32> to vector<16xf32>
      %swap3A_358 = arith.index_cast %add3A_256 : i32 to index
      %swap3A_359 = arith.constant 176 : index
      %swap3A_360 = tpu.vector_load %arg12[%swap3A_358, %swap3A_359] {strides = array<i32>} : memref<128x300xf32, #tpu.memory_space<vmem>>, vector<1x16xf32>,
      %swap3A_361 = vector.shape_cast %swap3A_360 : vector<1x16xf32> to vector<16xf32>
      %swap3A_362 = vector.shape_cast %get3A_357 : vector<16xf32> to vector<1x16xf32>
      tpu.vector_store %arg12[%swap3A_358, %swap3A_359], %swap3A_362 {strides = array<i32>} : memref<128x300xf32, #tpu.memory_space<vmem>>, vector<1x16xf32>,
      %get3A_363 = arith.index_cast %add3A_256 : i32 to index
      %get3A_364 = arith.constant 192 : index
      %get3A_365 = tpu.vector_load %arg11[%get3A_363, %get3A_364] {strides = array<i32>} : memref<128x304xf32, #tpu.memory_space<vmem>>, vector<1x16xf32>,
      %get3A_366 = vector.shape_cast %get3A_365 : vector<1x16xf32> to vector<16xf32>
      %swap3A_367 = arith.index_cast %add3A_256 : i32 to index
      %swap3A_368 = arith.constant 192 : index
      %swap3A_369 = tpu.vector_load %arg12[%swap3A_367, %swap3A_368] {strides = array<i32>} : memref<128x300xf32, #tpu.memory_space<vmem>>, vector<1x16xf32>,
      %swap3A_370 = vector.shape_cast %swap3A_369 : vector<1x16xf32> to vector<16xf32>
      %swap3A_371 = vector.shape_cast %get3A_366 : vector<16xf32> to vector<1x16xf32>
      tpu.vector_store %arg12[%swap3A_367, %swap3A_368], %swap3A_371 {strides = array<i32>} : memref<128x300xf32, #tpu.memory_space<vmem>>, vector<1x16xf32>,
      %get3A_372 = arith.index_cast %add3A_256 : i32 to index
      %get3A_373 = arith.constant 208 : index
      %get3A_374 = tpu.vector_load %arg11[%get3A_372, %get3A_373] {strides = array<i32>} : memref<128x304xf32, #tpu.memory_space<vmem>>, vector<1x16xf32>,
      %get3A_375 = vector.shape_cast %get3A_374 : vector<1x16xf32> to vector<16xf32>
      %swap3A_376 = arith.index_cast %add3A_256 : i32 to index
      %swap3A_377 = arith.constant 208 : index
      %swap3A_378 = tpu.vector_load %arg12[%swap3A_376, %swap3A_377] {strides = array<i32>} : memref<128x300xf32, #tpu.memory_space<vmem>>, vector<1x16xf32>,
      %swap3A_379 = vector.shape_cast %swap3A_378 : vector<1x16xf32> to vector<16xf32>
      %swap3A_380 = vector.shape_cast %get3A_375 : vector<16xf32> to vector<1x16xf32>
      tpu.vector_store %arg12[%swap3A_376, %swap3A_377], %swap3A_380 {strides = array<i32>} : memref<128x300xf32, #tpu.memory_space<vmem>>, vector<1x16xf32>,
      %get3A_381 = arith.index_cast %add3A_256 : i32 to index
      %get3A_382 = arith.constant 224 : index
      %get3A_383 = tpu.vector_load %arg11[%get3A_381, %get3A_382] {strides = array<i32>} : memref<128x304xf32, #tpu.memory_space<vmem>>, vector<1x16xf32>,
      %get3A_384 = vector.shape_cast %get3A_383 : vector<1x16xf32> to vector<16xf32>
      %swap3A_385 = arith.index_cast %add3A_256 : i32 to index
      %swap3A_386 = arith.constant 224 : index
      %swap3A_387 = tpu.vector_load %arg12[%swap3A_385, %swap3A_386] {strides = array<i32>} : memref<128x300xf32, #tpu.memory_space<vmem>>, vector<1x16xf32>,
      %swap3A_388 = vector.shape_cast %swap3A_387 : vector<1x16xf32> to vector<16xf32>
      %swap3A_389 = vector.shape_cast %get3A_384 : vector<16xf32> to vector<1x16xf32>
      tpu.vector_store %arg12[%swap3A_385, %swap3A_386], %swap3A_389 {strides = array<i32>} : memref<128x300xf32, #tpu.memory_space<vmem>>, vector<1x16xf32>,
      %get3A_390 = arith.index_cast %add3A_256 : i32 to index
      %get3A_391 = arith.constant 240 : index
      %get3A_392 = tpu.vector_load %arg11[%get3A_390, %get3A_391] {strides = array<i32>} : memref<128x304xf32, #tpu.memory_space<vmem>>, vector<1x16xf32>,
      %get3A_393 = vector.shape_cast %get3A_392 : vector<1x16xf32> to vector<16xf32>
      %swap3A_394 = arith.index_cast %add3A_256 : i32 to index
      %swap3A_395 = arith.constant 240 : index
      %swap3A_396 = tpu.vector_load %arg12[%swap3A_394, %swap3A_395] {strides = array<i32>} : memref<128x300xf32, #tpu.memory_space<vmem>>, vector<1x16xf32>,
      %swap3A_397 = vector.shape_cast %swap3A_396 : vector<1x16xf32> to vector<16xf32>
      %swap3A_398 = vector.shape_cast %get3A_393 : vector<16xf32> to vector<1x16xf32>
      tpu.vector_store %arg12[%swap3A_394, %swap3A_395], %swap3A_398 {strides = array<i32>} : memref<128x300xf32, #tpu.memory_space<vmem>>, vector<1x16xf32>,
      %get3A_399 = arith.index_cast %add3A_256 : i32 to index
      %get3A_400 = arith.constant 256 : index
      %get3A_401 = tpu.vector_load %arg11[%get3A_399, %get3A_400] {strides = array<i32>} : memref<128x304xf32, #tpu.memory_space<vmem>>, vector<1x16xf32>,
      %get3A_402 = vector.shape_cast %get3A_401 : vector<1x16xf32> to vector<16xf32>
      %swap3A_403 = arith.index_cast %add3A_256 : i32 to index
      %swap3A_404 = arith.constant 256 : index
      %swap3A_405 = tpu.vector_load %arg12[%swap3A_403, %swap3A_404] {strides = array<i32>} : memref<128x300xf32, #tpu.memory_space<vmem>>, vector<1x16xf32>,
      %swap3A_406 = vector.shape_cast %swap3A_405 : vector<1x16xf32> to vector<16xf32>
      %swap3A_407 = vector.shape_cast %get3A_402 : vector<16xf32> to vector<1x16xf32>
      tpu.vector_store %arg12[%swap3A_403, %swap3A_404], %swap3A_407 {strides = array<i32>} : memref<128x300xf32, #tpu.memory_space<vmem>>, vector<1x16xf32>,
      %get3A_408 = arith.index_cast %add3A_256 : i32 to index
      %get3A_409 = arith.constant 272 : index
      %get3A_410 = tpu.vector_load %arg11[%get3A_408, %get3A_409] {strides = array<i32>} : memref<128x304xf32, #tpu.memory_space<vmem>>, vector<1x16xf32>,
      %get3A_411 = vector.shape_cast %get3A_410 : vector<1x16xf32> to vector<16xf32>
      %swap3A_412 = arith.index_cast %add3A_256 : i32 to index
      %swap3A_413 = arith.constant 272 : index
      %swap3A_414 = tpu.vector_load %arg12[%swap3A_412, %swap3A_413] {strides = array<i32>} : memref<128x300xf32, #tpu.memory_space<vmem>>, vector<1x16xf32>,
      %swap3A_415 = vector.shape_cast %swap3A_414 : vector<1x16xf32> to vector<16xf32>
      %swap3A_416 = vector.shape_cast %get3A_411 : vector<16xf32> to vector<1x16xf32>
      tpu.vector_store %arg12[%swap3A_412, %swap3A_413], %swap3A_416 {strides = array<i32>} : memref<128x300xf32, #tpu.memory_space<vmem>>, vector<1x16xf32>,
      %get3A_417 = arith.index_cast %add3A_256 : i32 to index
      %get3A_418 = arith.constant 284 : index
      %get3A_419 = tpu.vector_load %arg11[%get3A_417, %get3A_418] {strides = array<i32>} : memref<128x304xf32, #tpu.memory_space<vmem>>, vector<1x16xf32>,
      %get3A_420 = vector.shape_cast %get3A_419 : vector<1x16xf32> to vector<16xf32>
      %swap3A_421 = arith.index_cast %add3A_256 : i32 to index
      %swap3A_422 = arith.constant 284 : index
      %swap3A_423 = tpu.vector_load %arg12[%swap3A_421, %swap3A_422] {strides = array<i32>} : memref<128x300xf32, #tpu.memory_space<vmem>>, vector<1x16xf32>,
      %swap3A_424 = vector.shape_cast %swap3A_423 : vector<1x16xf32> to vector<16xf32>
      %swap3A_425 = vector.shape_cast %get3A_420 : vector<16xf32> to vector<1x16xf32>
      tpu.vector_store %arg12[%swap3A_421, %swap3A_422], %swap3A_425 {strides = array<i32>} : memref<128x300xf32, #tpu.memory_space<vmem>>, vector<1x16xf32>,
    }
    %scan3A_90 = arith.constant 128 : i32
    "tpu.region"() ({
      %run_scoped3A = tpu.sem_alloc : memref<!tpu.dma_semaphore, #tpu.memory_space<semaphore_mem>>
      %dma_start3A_252 = arith.constant 0 : i32
      %dma_start3A_253 = tpu.memref_slice %arg6[%add3A_85, %dma_start3A_252] : memref<16384x300xf32, #tpu.memory_space<hbm>> -> memref<128x300xf32, #tpu.memory_space<hbm>>
      %dma_start3A_254 = arith.constant 0 : i32
      %dma_start3A_255 = tpu.memref_slice %arg6[%add3A_85, %dma_start3A_254] : memref<16384x300xf32, #tpu.memory_space<hbm>> -> memref<128x300xf32, #tpu.memory_space<hbm>>
      tpu.enqueue_dma source(%arg12 : memref<128x300xf32, #tpu.memory_space<vmem>>) target(%dma_start3A_255 : memref<128x300xf32, #tpu.memory_space<hbm>>) target_semaphore(%run_scoped3A : memref<!tpu.dma_semaphore, #tpu.memory_space<semaphore_mem>>)
      %dma_wait3A_256 = arith.constant 0 : i32
      %dma_wait3A_257 = tpu.memref_slice %arg6[%add3A_85, %dma_wait3A_256] : memref<16384x300xf32, #tpu.memory_space<hbm>> -> memref<128x300xf32, #tpu.memory_space<hbm>>
      %dma_wait3A_258 = arith.constant 0 : i32
      %dma_wait3A_259 = tpu.memref_slice %arg6[%add3A_85, %dma_wait3A_258] : memref<16384x300xf32, #tpu.memory_space<hbm>> -> memref<128x300xf32, #tpu.memory_space<hbm>>
      tpu.wait_dma2 semaphore(%run_scoped3A : memref<!tpu.dma_semaphore, #tpu.memory_space<semaphore_mem>>) src(%arg12 : memref<128x300xf32, #tpu.memory_space<vmem>>) dst(%dma_wait3A_259 : memref<128x300xf32, #tpu.memory_space<hbm>>)
      tpu.yield
    }) : () -> ()
    %dma_wait3A_91 = arith.constant 4 : i32
    %dma_wait3A_92 = arith.constant 0 : i32
    %dma_wait3A_93 = tpu.memref_slice %arg9[%dma_wait3A_91, %dma_wait3A_92] : memref<12x128xi32, #tpu.memory_space<vmem>> -> memref<1x128xi32, #tpu.memory_space<vmem>>
    %dma_wait3A_94 = tpu.memref_squeeze %dma_wait3A_93 : memref<1x128xi32, #tpu.memory_space<vmem>> -> memref<128xi32, #tpu.memory_space<vmem>>
    %dma_wait3A_95 = arith.constant 0 : i32
    %dma_wait3A_96 = arith.constant 0 : i32
    %dma_wait3A_97 = tpu.memref_slice %arg5[%dma_wait3A_95, %dma_wait3A_96] : memref<100000x304xf32, #tpu.memory_space<hbm>> -> memref<100000x304xf32, #tpu.memory_space<hbm>>
    tpu.wait_indirect_dma semaphore(%arg13 : memref<!tpu.dma_semaphore, #tpu.memory_space<semaphore_mem>>) src(%dma_wait3A_97 : memref<100000x304xf32, #tpu.memory_space<hbm>>) dst(%arg10 : memref<128x304xf32, #tpu.memory_space<vmem>>)
    %dma_start3A_98 = arith.constant 5 : i32
    %dma_start3A_99 = arith.constant 0 : i32
    %dma_start3A_100 = tpu.memref_slice %arg9[%dma_start3A_98, %dma_start3A_99] : memref<12x128xi32, #tpu.memory_space<vmem>> -> memref<1x128xi32, #tpu.memory_space<vmem>>
    %dma_start3A_101 = tpu.memref_squeeze %dma_start3A_100 : memref<1x128xi32, #tpu.memory_space<vmem>> -> memref<128xi32, #tpu.memory_space<vmem>>
    %dma_start3A_102 = arith.constant 0 : i32
    %dma_start3A_103 = arith.constant 0 : i32
    %dma_start3A_104 = tpu.memref_slice %arg5[%dma_start3A_102, %dma_start3A_103] : memref<100000x304xf32, #tpu.memory_space<hbm>> -> memref<100000x304xf32, #tpu.memory_space<hbm>>
    tpu.enqueue_indirect_dma source(%dma_start3A_104 : memref<100000x304xf32, #tpu.memory_space<hbm>>) target(%arg11 : memref<128x304xf32, #tpu.memory_space<vmem>>) offsets(%dma_start3A_101 : memref<128xi32, #tpu.memory_space<vmem>>) semaphore(%arg14 : memref<!tpu.dma_semaphore, #tpu.memory_space<semaphore_mem>>)
    %add3A_105 = arith.constant 0 : i32
    %add3A_106 = arith.addi %mul3A_2, %add3A_105 : i32
    %scan3A_107 = arith.constant 0 : i32
    %scan3A_108 = arith.constant 128 : i32
    %scan3A_109 = arith.addi %scan3A_107, %scan3A_108 : i32
    %scan3A_110 = arith.constant 1 : i32
    scf.for %scan3A_252 = %scan3A_107 to %scan3A_109 step %scan3A_110  : i32 {
      %mul3A_253 = arith.constant 1 : i32
      %mul3A_254 = arith.muli %scan3A_252, %mul3A_253 : i32
      %add3A_255 = arith.constant 0 : i32
      %add3A_256 = arith.addi %add3A_255, %mul3A_254 : i32
      %get3A = arith.index_cast %add3A_256 : i32 to index
      %get3A_257 = arith.constant 0 : index
      %get3A_258 = tpu.vector_load %arg10[%get3A, %get3A_257] {strides = array<i32>} : memref<128x304xf32, #tpu.memory_space<vmem>>, vector<1x16xf32>,
      %get3A_259 = vector.shape_cast %get3A_258 : vector<1x16xf32> to vector<16xf32>
      %swap3A = arith.index_cast %add3A_256 : i32 to index
      %swap3A_260 = arith.constant 0 : index
      %swap3A_261 = tpu.vector_load %arg12[%swap3A, %swap3A_260] {strides = array<i32>} : memref<128x300xf32, #tpu.memory_space<vmem>>, vector<1x16xf32>,
      %swap3A_262 = vector.shape_cast %swap3A_261 : vector<1x16xf32> to vector<16xf32>
      %swap3A_263 = vector.shape_cast %get3A_259 : vector<16xf32> to vector<1x16xf32>
      tpu.vector_store %arg12[%swap3A, %swap3A_260], %swap3A_263 {strides = array<i32>} : memref<128x300xf32, #tpu.memory_space<vmem>>, vector<1x16xf32>,
      %get3A_264 = arith.index_cast %add3A_256 : i32 to index
      %get3A_265 = arith.constant 16 : index
      %get3A_266 = tpu.vector_load %arg10[%get3A_264, %get3A_265] {strides = array<i32>} : memref<128x304xf32, #tpu.memory_space<vmem>>, vector<1x16xf32>,
      %get3A_267 = vector.shape_cast %get3A_266 : vector<1x16xf32> to vector<16xf32>
      %swap3A_268 = arith.index_cast %add3A_256 : i32 to index
      %swap3A_269 = arith.constant 16 : index
      %swap3A_270 = tpu.vector_load %arg12[%swap3A_268, %swap3A_269] {strides = array<i32>} : memref<128x300xf32, #tpu.memory_space<vmem>>, vector<1x16xf32>,
      %swap3A_271 = vector.shape_cast %swap3A_270 : vector<1x16xf32> to vector<16xf32>
      %swap3A_272 = vector.shape_cast %get3A_267 : vector<16xf32> to vector<1x16xf32>
      tpu.vector_store %arg12[%swap3A_268, %swap3A_269], %swap3A_272 {strides = array<i32>} : memref<128x300xf32, #tpu.memory_space<vmem>>, vector<1x16xf32>,
      %get3A_273 = arith.index_cast %add3A_256 : i32 to index
      %get3A_274 = arith.constant 32 : index
      %get3A_275 = tpu.vector_load %arg10[%get3A_273, %get3A_274] {strides = array<i32>} : memref<128x304xf32, #tpu.memory_space<vmem>>, vector<1x16xf32>,
      %get3A_276 = vector.shape_cast %get3A_275 : vector<1x16xf32> to vector<16xf32>
      %swap3A_277 = arith.index_cast %add3A_256 : i32 to index
      %swap3A_278 = arith.constant 32 : index
      %swap3A_279 = tpu.vector_load %arg12[%swap3A_277, %swap3A_278] {strides = array<i32>} : memref<128x300xf32, #tpu.memory_space<vmem>>, vector<1x16xf32>,
      %swap3A_280 = vector.shape_cast %swap3A_279 : vector<1x16xf32> to vector<16xf32>
      %swap3A_281 = vector.shape_cast %get3A_276 : vector<16xf32> to vector<1x16xf32>
      tpu.vector_store %arg12[%swap3A_277, %swap3A_278], %swap3A_281 {strides = array<i32>} : memref<128x300xf32, #tpu.memory_space<vmem>>, vector<1x16xf32>,
      %get3A_282 = arith.index_cast %add3A_256 : i32 to index
      %get3A_283 = arith.constant 48 : index
      %get3A_284 = tpu.vector_load %arg10[%get3A_282, %get3A_283] {strides = array<i32>} : memref<128x304xf32, #tpu.memory_space<vmem>>, vector<1x16xf32>,
      %get3A_285 = vector.shape_cast %get3A_284 : vector<1x16xf32> to vector<16xf32>
      %swap3A_286 = arith.index_cast %add3A_256 : i32 to index
      %swap3A_287 = arith.constant 48 : index
      %swap3A_288 = tpu.vector_load %arg12[%swap3A_286, %swap3A_287] {strides = array<i32>} : memref<128x300xf32, #tpu.memory_space<vmem>>, vector<1x16xf32>,
      %swap3A_289 = vector.shape_cast %swap3A_288 : vector<1x16xf32> to vector<16xf32>
      %swap3A_290 = vector.shape_cast %get3A_285 : vector<16xf32> to vector<1x16xf32>
      tpu.vector_store %arg12[%swap3A_286, %swap3A_287], %swap3A_290 {strides = array<i32>} : memref<128x300xf32, #tpu.memory_space<vmem>>, vector<1x16xf32>,
      %get3A_291 = arith.index_cast %add3A_256 : i32 to index
      %get3A_292 = arith.constant 64 : index
      %get3A_293 = tpu.vector_load %arg10[%get3A_291, %get3A_292] {strides = array<i32>} : memref<128x304xf32, #tpu.memory_space<vmem>>, vector<1x16xf32>,
      %get3A_294 = vector.shape_cast %get3A_293 : vector<1x16xf32> to vector<16xf32>
      %swap3A_295 = arith.index_cast %add3A_256 : i32 to index
      %swap3A_296 = arith.constant 64 : index
      %swap3A_297 = tpu.vector_load %arg12[%swap3A_295, %swap3A_296] {strides = array<i32>} : memref<128x300xf32, #tpu.memory_space<vmem>>, vector<1x16xf32>,
      %swap3A_298 = vector.shape_cast %swap3A_297 : vector<1x16xf32> to vector<16xf32>
      %swap3A_299 = vector.shape_cast %get3A_294 : vector<16xf32> to vector<1x16xf32>
      tpu.vector_store %arg12[%swap3A_295, %swap3A_296], %swap3A_299 {strides = array<i32>} : memref<128x300xf32, #tpu.memory_space<vmem>>, vector<1x16xf32>,
      %get3A_300 = arith.index_cast %add3A_256 : i32 to index
      %get3A_301 = arith.constant 80 : index
      %get3A_302 = tpu.vector_load %arg10[%get3A_300, %get3A_301] {strides = array<i32>} : memref<128x304xf32, #tpu.memory_space<vmem>>, vector<1x16xf32>,
      %get3A_303 = vector.shape_cast %get3A_302 : vector<1x16xf32> to vector<16xf32>
      %swap3A_304 = arith.index_cast %add3A_256 : i32 to index
      %swap3A_305 = arith.constant 80 : index
      %swap3A_306 = tpu.vector_load %arg12[%swap3A_304, %swap3A_305] {strides = array<i32>} : memref<128x300xf32, #tpu.memory_space<vmem>>, vector<1x16xf32>,
      %swap3A_307 = vector.shape_cast %swap3A_306 : vector<1x16xf32> to vector<16xf32>
      %swap3A_308 = vector.shape_cast %get3A_303 : vector<16xf32> to vector<1x16xf32>
      tpu.vector_store %arg12[%swap3A_304, %swap3A_305], %swap3A_308 {strides = array<i32>} : memref<128x300xf32, #tpu.memory_space<vmem>>, vector<1x16xf32>,
      %get3A_309 = arith.index_cast %add3A_256 : i32 to index
      %get3A_310 = arith.constant 96 : index
      %get3A_311 = tpu.vector_load %arg10[%get3A_309, %get3A_310] {strides = array<i32>} : memref<128x304xf32, #tpu.memory_space<vmem>>, vector<1x16xf32>,
      %get3A_312 = vector.shape_cast %get3A_311 : vector<1x16xf32> to vector<16xf32>
      %swap3A_313 = arith.index_cast %add3A_256 : i32 to index
      %swap3A_314 = arith.constant 96 : index
      %swap3A_315 = tpu.vector_load %arg12[%swap3A_313, %swap3A_314] {strides = array<i32>} : memref<128x300xf32, #tpu.memory_space<vmem>>, vector<1x16xf32>,
      %swap3A_316 = vector.shape_cast %swap3A_315 : vector<1x16xf32> to vector<16xf32>
      %swap3A_317 = vector.shape_cast %get3A_312 : vector<16xf32> to vector<1x16xf32>
      tpu.vector_store %arg12[%swap3A_313, %swap3A_314], %swap3A_317 {strides = array<i32>} : memref<128x300xf32, #tpu.memory_space<vmem>>, vector<1x16xf32>,
      %get3A_318 = arith.index_cast %add3A_256 : i32 to index
      %get3A_319 = arith.constant 112 : index
      %get3A_320 = tpu.vector_load %arg10[%get3A_318, %get3A_319] {strides = array<i32>} : memref<128x304xf32, #tpu.memory_space<vmem>>, vector<1x16xf32>,
      %get3A_321 = vector.shape_cast %get3A_320 : vector<1x16xf32> to vector<16xf32>
      %swap3A_322 = arith.index_cast %add3A_256 : i32 to index
      %swap3A_323 = arith.constant 112 : index
      %swap3A_324 = tpu.vector_load %arg12[%swap3A_322, %swap3A_323] {strides = array<i32>} : memref<128x300xf32, #tpu.memory_space<vmem>>, vector<1x16xf32>,
      %swap3A_325 = vector.shape_cast %swap3A_324 : vector<1x16xf32> to vector<16xf32>
      %swap3A_326 = vector.shape_cast %get3A_321 : vector<16xf32> to vector<1x16xf32>
      tpu.vector_store %arg12[%swap3A_322, %swap3A_323], %swap3A_326 {strides = array<i32>} : memref<128x300xf32, #tpu.memory_space<vmem>>, vector<1x16xf32>,
      %get3A_327 = arith.index_cast %add3A_256 : i32 to index
      %get3A_328 = arith.constant 128 : index
      %get3A_329 = tpu.vector_load %arg10[%get3A_327, %get3A_328] {strides = array<i32>} : memref<128x304xf32, #tpu.memory_space<vmem>>, vector<1x16xf32>,
      %get3A_330 = vector.shape_cast %get3A_329 : vector<1x16xf32> to vector<16xf32>
      %swap3A_331 = arith.index_cast %add3A_256 : i32 to index
      %swap3A_332 = arith.constant 128 : index
      %swap3A_333 = tpu.vector_load %arg12[%swap3A_331, %swap3A_332] {strides = array<i32>} : memref<128x300xf32, #tpu.memory_space<vmem>>, vector<1x16xf32>,
      %swap3A_334 = vector.shape_cast %swap3A_333 : vector<1x16xf32> to vector<16xf32>
      %swap3A_335 = vector.shape_cast %get3A_330 : vector<16xf32> to vector<1x16xf32>
      tpu.vector_store %arg12[%swap3A_331, %swap3A_332], %swap3A_335 {strides = array<i32>} : memref<128x300xf32, #tpu.memory_space<vmem>>, vector<1x16xf32>,
      %get3A_336 = arith.index_cast %add3A_256 : i32 to index
      %get3A_337 = arith.constant 144 : index
      %get3A_338 = tpu.vector_load %arg10[%get3A_336, %get3A_337] {strides = array<i32>} : memref<128x304xf32, #tpu.memory_space<vmem>>, vector<1x16xf32>,
      %get3A_339 = vector.shape_cast %get3A_338 : vector<1x16xf32> to vector<16xf32>
      %swap3A_340 = arith.index_cast %add3A_256 : i32 to index
      %swap3A_341 = arith.constant 144 : index
      %swap3A_342 = tpu.vector_load %arg12[%swap3A_340, %swap3A_341] {strides = array<i32>} : memref<128x300xf32, #tpu.memory_space<vmem>>, vector<1x16xf32>,
      %swap3A_343 = vector.shape_cast %swap3A_342 : vector<1x16xf32> to vector<16xf32>
      %swap3A_344 = vector.shape_cast %get3A_339 : vector<16xf32> to vector<1x16xf32>
      tpu.vector_store %arg12[%swap3A_340, %swap3A_341], %swap3A_344 {strides = array<i32>} : memref<128x300xf32, #tpu.memory_space<vmem>>, vector<1x16xf32>,
      %get3A_345 = arith.index_cast %add3A_256 : i32 to index
      %get3A_346 = arith.constant 160 : index
      %get3A_347 = tpu.vector_load %arg10[%get3A_345, %get3A_346] {strides = array<i32>} : memref<128x304xf32, #tpu.memory_space<vmem>>, vector<1x16xf32>,
      %get3A_348 = vector.shape_cast %get3A_347 : vector<1x16xf32> to vector<16xf32>
      %swap3A_349 = arith.index_cast %add3A_256 : i32 to index
      %swap3A_350 = arith.constant 160 : index
      %swap3A_351 = tpu.vector_load %arg12[%swap3A_349, %swap3A_350] {strides = array<i32>} : memref<128x300xf32, #tpu.memory_space<vmem>>, vector<1x16xf32>,
      %swap3A_352 = vector.shape_cast %swap3A_351 : vector<1x16xf32> to vector<16xf32>
      %swap3A_353 = vector.shape_cast %get3A_348 : vector<16xf32> to vector<1x16xf32>
      tpu.vector_store %arg12[%swap3A_349, %swap3A_350], %swap3A_353 {strides = array<i32>} : memref<128x300xf32, #tpu.memory_space<vmem>>, vector<1x16xf32>,
      %get3A_354 = arith.index_cast %add3A_256 : i32 to index
      %get3A_355 = arith.constant 176 : index
      %get3A_356 = tpu.vector_load %arg10[%get3A_354, %get3A_355] {strides = array<i32>} : memref<128x304xf32, #tpu.memory_space<vmem>>, vector<1x16xf32>,
      %get3A_357 = vector.shape_cast %get3A_356 : vector<1x16xf32> to vector<16xf32>
      %swap3A_358 = arith.index_cast %add3A_256 : i32 to index
      %swap3A_359 = arith.constant 176 : index
      %swap3A_360 = tpu.vector_load %arg12[%swap3A_358, %swap3A_359] {strides = array<i32>} : memref<128x300xf32, #tpu.memory_space<vmem>>, vector<1x16xf32>,
      %swap3A_361 = vector.shape_cast %swap3A_360 : vector<1x16xf32> to vector<16xf32>
      %swap3A_362 = vector.shape_cast %get3A_357 : vector<16xf32> to vector<1x16xf32>
      tpu.vector_store %arg12[%swap3A_358, %swap3A_359], %swap3A_362 {strides = array<i32>} : memref<128x300xf32, #tpu.memory_space<vmem>>, vector<1x16xf32>,
      %get3A_363 = arith.index_cast %add3A_256 : i32 to index
      %get3A_364 = arith.constant 192 : index
      %get3A_365 = tpu.vector_load %arg10[%get3A_363, %get3A_364] {strides = array<i32>} : memref<128x304xf32, #tpu.memory_space<vmem>>, vector<1x16xf32>,
      %get3A_366 = vector.shape_cast %get3A_365 : vector<1x16xf32> to vector<16xf32>
      %swap3A_367 = arith.index_cast %add3A_256 : i32 to index
      %swap3A_368 = arith.constant 192 : index
      %swap3A_369 = tpu.vector_load %arg12[%swap3A_367, %swap3A_368] {strides = array<i32>} : memref<128x300xf32, #tpu.memory_space<vmem>>, vector<1x16xf32>,
      %swap3A_370 = vector.shape_cast %swap3A_369 : vector<1x16xf32> to vector<16xf32>
      %swap3A_371 = vector.shape_cast %get3A_366 : vector<16xf32> to vector<1x16xf32>
      tpu.vector_store %arg12[%swap3A_367, %swap3A_368], %swap3A_371 {strides = array<i32>} : memref<128x300xf32, #tpu.memory_space<vmem>>, vector<1x16xf32>,
      %get3A_372 = arith.index_cast %add3A_256 : i32 to index
      %get3A_373 = arith.constant 208 : index
      %get3A_374 = tpu.vector_load %arg10[%get3A_372, %get3A_373] {strides = array<i32>} : memref<128x304xf32, #tpu.memory_space<vmem>>, vector<1x16xf32>,
      %get3A_375 = vector.shape_cast %get3A_374 : vector<1x16xf32> to vector<16xf32>
      %swap3A_376 = arith.index_cast %add3A_256 : i32 to index
      %swap3A_377 = arith.constant 208 : index
      %swap3A_378 = tpu.vector_load %arg12[%swap3A_376, %swap3A_377] {strides = array<i32>} : memref<128x300xf32, #tpu.memory_space<vmem>>, vector<1x16xf32>,
      %swap3A_379 = vector.shape_cast %swap3A_378 : vector<1x16xf32> to vector<16xf32>
      %swap3A_380 = vector.shape_cast %get3A_375 : vector<16xf32> to vector<1x16xf32>
      tpu.vector_store %arg12[%swap3A_376, %swap3A_377], %swap3A_380 {strides = array<i32>} : memref<128x300xf32, #tpu.memory_space<vmem>>, vector<1x16xf32>,
      %get3A_381 = arith.index_cast %add3A_256 : i32 to index
      %get3A_382 = arith.constant 224 : index
      %get3A_383 = tpu.vector_load %arg10[%get3A_381, %get3A_382] {strides = array<i32>} : memref<128x304xf32, #tpu.memory_space<vmem>>, vector<1x16xf32>,
      %get3A_384 = vector.shape_cast %get3A_383 : vector<1x16xf32> to vector<16xf32>
      %swap3A_385 = arith.index_cast %add3A_256 : i32 to index
      %swap3A_386 = arith.constant 224 : index
      %swap3A_387 = tpu.vector_load %arg12[%swap3A_385, %swap3A_386] {strides = array<i32>} : memref<128x300xf32, #tpu.memory_space<vmem>>, vector<1x16xf32>,
      %swap3A_388 = vector.shape_cast %swap3A_387 : vector<1x16xf32> to vector<16xf32>
      %swap3A_389 = vector.shape_cast %get3A_384 : vector<16xf32> to vector<1x16xf32>
      tpu.vector_store %arg12[%swap3A_385, %swap3A_386], %swap3A_389 {strides = array<i32>} : memref<128x300xf32, #tpu.memory_space<vmem>>, vector<1x16xf32>,
      %get3A_390 = arith.index_cast %add3A_256 : i32 to index
      %get3A_391 = arith.constant 240 : index
      %get3A_392 = tpu.vector_load %arg10[%get3A_390, %get3A_391] {strides = array<i32>} : memref<128x304xf32, #tpu.memory_space<vmem>>, vector<1x16xf32>,
      %get3A_393 = vector.shape_cast %get3A_392 : vector<1x16xf32> to vector<16xf32>
      %swap3A_394 = arith.index_cast %add3A_256 : i32 to index
      %swap3A_395 = arith.constant 240 : index
      %swap3A_396 = tpu.vector_load %arg12[%swap3A_394, %swap3A_395] {strides = array<i32>} : memref<128x300xf32, #tpu.memory_space<vmem>>, vector<1x16xf32>,
      %swap3A_397 = vector.shape_cast %swap3A_396 : vector<1x16xf32> to vector<16xf32>
      %swap3A_398 = vector.shape_cast %get3A_393 : vector<16xf32> to vector<1x16xf32>
      tpu.vector_store %arg12[%swap3A_394, %swap3A_395], %swap3A_398 {strides = array<i32>} : memref<128x300xf32, #tpu.memory_space<vmem>>, vector<1x16xf32>,
      %get3A_399 = arith.index_cast %add3A_256 : i32 to index
      %get3A_400 = arith.constant 256 : index
      %get3A_401 = tpu.vector_load %arg10[%get3A_399, %get3A_400] {strides = array<i32>} : memref<128x304xf32, #tpu.memory_space<vmem>>, vector<1x16xf32>,
      %get3A_402 = vector.shape_cast %get3A_401 : vector<1x16xf32> to vector<16xf32>
      %swap3A_403 = arith.index_cast %add3A_256 : i32 to index
      %swap3A_404 = arith.constant 256 : index
      %swap3A_405 = tpu.vector_load %arg12[%swap3A_403, %swap3A_404] {strides = array<i32>} : memref<128x300xf32, #tpu.memory_space<vmem>>, vector<1x16xf32>,
      %swap3A_406 = vector.shape_cast %swap3A_405 : vector<1x16xf32> to vector<16xf32>
      %swap3A_407 = vector.shape_cast %get3A_402 : vector<16xf32> to vector<1x16xf32>
      tpu.vector_store %arg12[%swap3A_403, %swap3A_404], %swap3A_407 {strides = array<i32>} : memref<128x300xf32, #tpu.memory_space<vmem>>, vector<1x16xf32>,
      %get3A_408 = arith.index_cast %add3A_256 : i32 to index
      %get3A_409 = arith.constant 272 : index
      %get3A_410 = tpu.vector_load %arg10[%get3A_408, %get3A_409] {strides = array<i32>} : memref<128x304xf32, #tpu.memory_space<vmem>>, vector<1x16xf32>,
      %get3A_411 = vector.shape_cast %get3A_410 : vector<1x16xf32> to vector<16xf32>
      %swap3A_412 = arith.index_cast %add3A_256 : i32 to index
      %swap3A_413 = arith.constant 272 : index
      %swap3A_414 = tpu.vector_load %arg12[%swap3A_412, %swap3A_413] {strides = array<i32>} : memref<128x300xf32, #tpu.memory_space<vmem>>, vector<1x16xf32>,
      %swap3A_415 = vector.shape_cast %swap3A_414 : vector<1x16xf32> to vector<16xf32>
      %swap3A_416 = vector.shape_cast %get3A_411 : vector<16xf32> to vector<1x16xf32>
      tpu.vector_store %arg12[%swap3A_412, %swap3A_413], %swap3A_416 {strides = array<i32>} : memref<128x300xf32, #tpu.memory_space<vmem>>, vector<1x16xf32>,
      %get3A_417 = arith.index_cast %add3A_256 : i32 to index
      %get3A_418 = arith.constant 284 : index
      %get3A_419 = tpu.vector_load %arg10[%get3A_417, %get3A_418] {strides = array<i32>} : memref<128x304xf32, #tpu.memory_space<vmem>>, vector<1x16xf32>,
      %get3A_420 = vector.shape_cast %get3A_419 : vector<1x16xf32> to vector<16xf32>
      %swap3A_421 = arith.index_cast %add3A_256 : i32 to index
      %swap3A_422 = arith.constant 284 : index
      %swap3A_423 = tpu.vector_load %arg12[%swap3A_421, %swap3A_422] {strides = array<i32>} : memref<128x300xf32, #tpu.memory_space<vmem>>, vector<1x16xf32>,
      %swap3A_424 = vector.shape_cast %swap3A_423 : vector<1x16xf32> to vector<16xf32>
      %swap3A_425 = vector.shape_cast %get3A_420 : vector<16xf32> to vector<1x16xf32>
      tpu.vector_store %arg12[%swap3A_421, %swap3A_422], %swap3A_425 {strides = array<i32>} : memref<128x300xf32, #tpu.memory_space<vmem>>, vector<1x16xf32>,
    }
    %scan3A_111 = arith.constant 128 : i32
    "tpu.region"() ({
      %run_scoped3A = tpu.sem_alloc : memref<!tpu.dma_semaphore, #tpu.memory_space<semaphore_mem>>
      %dma_start3A_252 = arith.constant 0 : i32
      %dma_start3A_253 = tpu.memref_slice %arg7[%add3A_106, %dma_start3A_252] : memref<16384x300xf32, #tpu.memory_space<hbm>> -> memref<128x300xf32, #tpu.memory_space<hbm>>
      %dma_start3A_254 = arith.constant 0 : i32
      %dma_start3A_255 = tpu.memref_slice %arg7[%add3A_106, %dma_start3A_254] : memref<16384x300xf32, #tpu.memory_space<hbm>> -> memref<128x300xf32, #tpu.memory_space<hbm>>
      tpu.enqueue_dma source(%arg12 : memref<128x300xf32, #tpu.memory_space<vmem>>) target(%dma_start3A_255 : memref<128x300xf32, #tpu.memory_space<hbm>>) target_semaphore(%run_scoped3A : memref<!tpu.dma_semaphore, #tpu.memory_space<semaphore_mem>>)
      %dma_wait3A_256 = arith.constant 0 : i32
      %dma_wait3A_257 = tpu.memref_slice %arg7[%add3A_106, %dma_wait3A_256] : memref<16384x300xf32, #tpu.memory_space<hbm>> -> memref<128x300xf32, #tpu.memory_space<hbm>>
      %dma_wait3A_258 = arith.constant 0 : i32
      %dma_wait3A_259 = tpu.memref_slice %arg7[%add3A_106, %dma_wait3A_258] : memref<16384x300xf32, #tpu.memory_space<hbm>> -> memref<128x300xf32, #tpu.memory_space<hbm>>
      tpu.wait_dma2 semaphore(%run_scoped3A : memref<!tpu.dma_semaphore, #tpu.memory_space<semaphore_mem>>) src(%arg12 : memref<128x300xf32, #tpu.memory_space<vmem>>) dst(%dma_wait3A_259 : memref<128x300xf32, #tpu.memory_space<hbm>>)
      tpu.yield
    }) : () -> ()
    %dma_wait3A_112 = arith.constant 5 : i32
    %dma_wait3A_113 = arith.constant 0 : i32
    %dma_wait3A_114 = tpu.memref_slice %arg9[%dma_wait3A_112, %dma_wait3A_113] : memref<12x128xi32, #tpu.memory_space<vmem>> -> memref<1x128xi32, #tpu.memory_space<vmem>>
    %dma_wait3A_115 = tpu.memref_squeeze %dma_wait3A_114 : memref<1x128xi32, #tpu.memory_space<vmem>> -> memref<128xi32, #tpu.memory_space<vmem>>
    %dma_wait3A_116 = arith.constant 0 : i32
    %dma_wait3A_117 = arith.constant 0 : i32
    %dma_wait3A_118 = tpu.memref_slice %arg5[%dma_wait3A_116, %dma_wait3A_117] : memref<100000x304xf32, #tpu.memory_space<hbm>> -> memref<100000x304xf32, #tpu.memory_space<hbm>>
    tpu.wait_indirect_dma semaphore(%arg14 : memref<!tpu.dma_semaphore, #tpu.memory_space<semaphore_mem>>) src(%dma_wait3A_118 : memref<100000x304xf32, #tpu.memory_space<hbm>>) dst(%arg11 : memref<128x304xf32, #tpu.memory_space<vmem>>)
    %dma_start3A_119 = arith.constant 6 : i32
    %dma_start3A_120 = arith.constant 0 : i32
    %dma_start3A_121 = tpu.memref_slice %arg9[%dma_start3A_119, %dma_start3A_120] : memref<12x128xi32, #tpu.memory_space<vmem>> -> memref<1x128xi32, #tpu.memory_space<vmem>>
    %dma_start3A_122 = tpu.memref_squeeze %dma_start3A_121 : memref<1x128xi32, #tpu.memory_space<vmem>> -> memref<128xi32, #tpu.memory_space<vmem>>
    %dma_start3A_123 = arith.constant 0 : i32
    %dma_start3A_124 = arith.constant 0 : i32
    %dma_start3A_125 = tpu.memref_slice %arg5[%dma_start3A_123, %dma_start3A_124] : memref<100000x304xf32, #tpu.memory_space<hbm>> -> memref<100000x304xf32, #tpu.memory_space<hbm>>
    tpu.enqueue_indirect_dma source(%dma_start3A_125 : memref<100000x304xf32, #tpu.memory_space<hbm>>) target(%arg10 : memref<128x304xf32, #tpu.memory_space<vmem>>) offsets(%dma_start3A_122 : memref<128xi32, #tpu.memory_space<vmem>>) semaphore(%arg13 : memref<!tpu.dma_semaphore, #tpu.memory_space<semaphore_mem>>)
    %add3A_126 = arith.constant 128 : i32
    %add3A_127 = arith.addi %mul3A_2, %add3A_126 : i32
    %scan3A_128 = arith.constant 0 : i32
    %scan3A_129 = arith.constant 128 : i32
    %scan3A_130 = arith.addi %scan3A_128, %scan3A_129 : i32
    %scan3A_131 = arith.constant 1 : i32
    scf.for %scan3A_252 = %scan3A_128 to %scan3A_130 step %scan3A_131  : i32 {
      %mul3A_253 = arith.constant 1 : i32
      %mul3A_254 = arith.muli %scan3A_252, %mul3A_253 : i32
      %add3A_255 = arith.constant 0 : i32
      %add3A_256 = arith.addi %add3A_255, %mul3A_254 : i32
      %get3A = arith.index_cast %add3A_256 : i32 to index
      %get3A_257 = arith.constant 0 : index
      %get3A_258 = tpu.vector_load %arg11[%get3A, %get3A_257] {strides = array<i32>} : memref<128x304xf32, #tpu.memory_space<vmem>>, vector<1x16xf32>,
      %get3A_259 = vector.shape_cast %get3A_258 : vector<1x16xf32> to vector<16xf32>
      %swap3A = arith.index_cast %add3A_256 : i32 to index
      %swap3A_260 = arith.constant 0 : index
      %swap3A_261 = tpu.vector_load %arg12[%swap3A, %swap3A_260] {strides = array<i32>} : memref<128x300xf32, #tpu.memory_space<vmem>>, vector<1x16xf32>,
      %swap3A_262 = vector.shape_cast %swap3A_261 : vector<1x16xf32> to vector<16xf32>
      %swap3A_263 = vector.shape_cast %get3A_259 : vector<16xf32> to vector<1x16xf32>
      tpu.vector_store %arg12[%swap3A, %swap3A_260], %swap3A_263 {strides = array<i32>} : memref<128x300xf32, #tpu.memory_space<vmem>>, vector<1x16xf32>,
      %get3A_264 = arith.index_cast %add3A_256 : i32 to index
      %get3A_265 = arith.constant 16 : index
      %get3A_266 = tpu.vector_load %arg11[%get3A_264, %get3A_265] {strides = array<i32>} : memref<128x304xf32, #tpu.memory_space<vmem>>, vector<1x16xf32>,
      %get3A_267 = vector.shape_cast %get3A_266 : vector<1x16xf32> to vector<16xf32>
      %swap3A_268 = arith.index_cast %add3A_256 : i32 to index
      %swap3A_269 = arith.constant 16 : index
      %swap3A_270 = tpu.vector_load %arg12[%swap3A_268, %swap3A_269] {strides = array<i32>} : memref<128x300xf32, #tpu.memory_space<vmem>>, vector<1x16xf32>,
      %swap3A_271 = vector.shape_cast %swap3A_270 : vector<1x16xf32> to vector<16xf32>
      %swap3A_272 = vector.shape_cast %get3A_267 : vector<16xf32> to vector<1x16xf32>
      tpu.vector_store %arg12[%swap3A_268, %swap3A_269], %swap3A_272 {strides = array<i32>} : memref<128x300xf32, #tpu.memory_space<vmem>>, vector<1x16xf32>,
      %get3A_273 = arith.index_cast %add3A_256 : i32 to index
      %get3A_274 = arith.constant 32 : index
      %get3A_275 = tpu.vector_load %arg11[%get3A_273, %get3A_274] {strides = array<i32>} : memref<128x304xf32, #tpu.memory_space<vmem>>, vector<1x16xf32>,
      %get3A_276 = vector.shape_cast %get3A_275 : vector<1x16xf32> to vector<16xf32>
      %swap3A_277 = arith.index_cast %add3A_256 : i32 to index
      %swap3A_278 = arith.constant 32 : index
      %swap3A_279 = tpu.vector_load %arg12[%swap3A_277, %swap3A_278] {strides = array<i32>} : memref<128x300xf32, #tpu.memory_space<vmem>>, vector<1x16xf32>,
      %swap3A_280 = vector.shape_cast %swap3A_279 : vector<1x16xf32> to vector<16xf32>
      %swap3A_281 = vector.shape_cast %get3A_276 : vector<16xf32> to vector<1x16xf32>
      tpu.vector_store %arg12[%swap3A_277, %swap3A_278], %swap3A_281 {strides = array<i32>} : memref<128x300xf32, #tpu.memory_space<vmem>>, vector<1x16xf32>,
      %get3A_282 = arith.index_cast %add3A_256 : i32 to index
      %get3A_283 = arith.constant 48 : index
      %get3A_284 = tpu.vector_load %arg11[%get3A_282, %get3A_283] {strides = array<i32>} : memref<128x304xf32, #tpu.memory_space<vmem>>, vector<1x16xf32>,
      %get3A_285 = vector.shape_cast %get3A_284 : vector<1x16xf32> to vector<16xf32>
      %swap3A_286 = arith.index_cast %add3A_256 : i32 to index
      %swap3A_287 = arith.constant 48 : index
      %swap3A_288 = tpu.vector_load %arg12[%swap3A_286, %swap3A_287] {strides = array<i32>} : memref<128x300xf32, #tpu.memory_space<vmem>>, vector<1x16xf32>,
      %swap3A_289 = vector.shape_cast %swap3A_288 : vector<1x16xf32> to vector<16xf32>
      %swap3A_290 = vector.shape_cast %get3A_285 : vector<16xf32> to vector<1x16xf32>
      tpu.vector_store %arg12[%swap3A_286, %swap3A_287], %swap3A_290 {strides = array<i32>} : memref<128x300xf32, #tpu.memory_space<vmem>>, vector<1x16xf32>,
      %get3A_291 = arith.index_cast %add3A_256 : i32 to index
      %get3A_292 = arith.constant 64 : index
      %get3A_293 = tpu.vector_load %arg11[%get3A_291, %get3A_292] {strides = array<i32>} : memref<128x304xf32, #tpu.memory_space<vmem>>, vector<1x16xf32>,
      %get3A_294 = vector.shape_cast %get3A_293 : vector<1x16xf32> to vector<16xf32>
      %swap3A_295 = arith.index_cast %add3A_256 : i32 to index
      %swap3A_296 = arith.constant 64 : index
      %swap3A_297 = tpu.vector_load %arg12[%swap3A_295, %swap3A_296] {strides = array<i32>} : memref<128x300xf32, #tpu.memory_space<vmem>>, vector<1x16xf32>,
      %swap3A_298 = vector.shape_cast %swap3A_297 : vector<1x16xf32> to vector<16xf32>
      %swap3A_299 = vector.shape_cast %get3A_294 : vector<16xf32> to vector<1x16xf32>
      tpu.vector_store %arg12[%swap3A_295, %swap3A_296], %swap3A_299 {strides = array<i32>} : memref<128x300xf32, #tpu.memory_space<vmem>>, vector<1x16xf32>,
      %get3A_300 = arith.index_cast %add3A_256 : i32 to index
      %get3A_301 = arith.constant 80 : index
      %get3A_302 = tpu.vector_load %arg11[%get3A_300, %get3A_301] {strides = array<i32>} : memref<128x304xf32, #tpu.memory_space<vmem>>, vector<1x16xf32>,
      %get3A_303 = vector.shape_cast %get3A_302 : vector<1x16xf32> to vector<16xf32>
      %swap3A_304 = arith.index_cast %add3A_256 : i32 to index
      %swap3A_305 = arith.constant 80 : index
      %swap3A_306 = tpu.vector_load %arg12[%swap3A_304, %swap3A_305] {strides = array<i32>} : memref<128x300xf32, #tpu.memory_space<vmem>>, vector<1x16xf32>,
      %swap3A_307 = vector.shape_cast %swap3A_306 : vector<1x16xf32> to vector<16xf32>
      %swap3A_308 = vector.shape_cast %get3A_303 : vector<16xf32> to vector<1x16xf32>
      tpu.vector_store %arg12[%swap3A_304, %swap3A_305], %swap3A_308 {strides = array<i32>} : memref<128x300xf32, #tpu.memory_space<vmem>>, vector<1x16xf32>,
      %get3A_309 = arith.index_cast %add3A_256 : i32 to index
      %get3A_310 = arith.constant 96 : index
      %get3A_311 = tpu.vector_load %arg11[%get3A_309, %get3A_310] {strides = array<i32>} : memref<128x304xf32, #tpu.memory_space<vmem>>, vector<1x16xf32>,
      %get3A_312 = vector.shape_cast %get3A_311 : vector<1x16xf32> to vector<16xf32>
      %swap3A_313 = arith.index_cast %add3A_256 : i32 to index
      %swap3A_314 = arith.constant 96 : index
      %swap3A_315 = tpu.vector_load %arg12[%swap3A_313, %swap3A_314] {strides = array<i32>} : memref<128x300xf32, #tpu.memory_space<vmem>>, vector<1x16xf32>,
      %swap3A_316 = vector.shape_cast %swap3A_315 : vector<1x16xf32> to vector<16xf32>
      %swap3A_317 = vector.shape_cast %get3A_312 : vector<16xf32> to vector<1x16xf32>
      tpu.vector_store %arg12[%swap3A_313, %swap3A_314], %swap3A_317 {strides = array<i32>} : memref<128x300xf32, #tpu.memory_space<vmem>>, vector<1x16xf32>,
      %get3A_318 = arith.index_cast %add3A_256 : i32 to index
      %get3A_319 = arith.constant 112 : index
      %get3A_320 = tpu.vector_load %arg11[%get3A_318, %get3A_319] {strides = array<i32>} : memref<128x304xf32, #tpu.memory_space<vmem>>, vector<1x16xf32>,
      %get3A_321 = vector.shape_cast %get3A_320 : vector<1x16xf32> to vector<16xf32>
      %swap3A_322 = arith.index_cast %add3A_256 : i32 to index
      %swap3A_323 = arith.constant 112 : index
      %swap3A_324 = tpu.vector_load %arg12[%swap3A_322, %swap3A_323] {strides = array<i32>} : memref<128x300xf32, #tpu.memory_space<vmem>>, vector<1x16xf32>,
      %swap3A_325 = vector.shape_cast %swap3A_324 : vector<1x16xf32> to vector<16xf32>
      %swap3A_326 = vector.shape_cast %get3A_321 : vector<16xf32> to vector<1x16xf32>
      tpu.vector_store %arg12[%swap3A_322, %swap3A_323], %swap3A_326 {strides = array<i32>} : memref<128x300xf32, #tpu.memory_space<vmem>>, vector<1x16xf32>,
      %get3A_327 = arith.index_cast %add3A_256 : i32 to index
      %get3A_328 = arith.constant 128 : index
      %get3A_329 = tpu.vector_load %arg11[%get3A_327, %get3A_328] {strides = array<i32>} : memref<128x304xf32, #tpu.memory_space<vmem>>, vector<1x16xf32>,
      %get3A_330 = vector.shape_cast %get3A_329 : vector<1x16xf32> to vector<16xf32>
      %swap3A_331 = arith.index_cast %add3A_256 : i32 to index
      %swap3A_332 = arith.constant 128 : index
      %swap3A_333 = tpu.vector_load %arg12[%swap3A_331, %swap3A_332] {strides = array<i32>} : memref<128x300xf32, #tpu.memory_space<vmem>>, vector<1x16xf32>,
      %swap3A_334 = vector.shape_cast %swap3A_333 : vector<1x16xf32> to vector<16xf32>
      %swap3A_335 = vector.shape_cast %get3A_330 : vector<16xf32> to vector<1x16xf32>
      tpu.vector_store %arg12[%swap3A_331, %swap3A_332], %swap3A_335 {strides = array<i32>} : memref<128x300xf32, #tpu.memory_space<vmem>>, vector<1x16xf32>,
      %get3A_336 = arith.index_cast %add3A_256 : i32 to index
      %get3A_337 = arith.constant 144 : index
      %get3A_338 = tpu.vector_load %arg11[%get3A_336, %get3A_337] {strides = array<i32>} : memref<128x304xf32, #tpu.memory_space<vmem>>, vector<1x16xf32>,
      %get3A_339 = vector.shape_cast %get3A_338 : vector<1x16xf32> to vector<16xf32>
      %swap3A_340 = arith.index_cast %add3A_256 : i32 to index
      %swap3A_341 = arith.constant 144 : index
      %swap3A_342 = tpu.vector_load %arg12[%swap3A_340, %swap3A_341] {strides = array<i32>} : memref<128x300xf32, #tpu.memory_space<vmem>>, vector<1x16xf32>,
      %swap3A_343 = vector.shape_cast %swap3A_342 : vector<1x16xf32> to vector<16xf32>
      %swap3A_344 = vector.shape_cast %get3A_339 : vector<16xf32> to vector<1x16xf32>
      tpu.vector_store %arg12[%swap3A_340, %swap3A_341], %swap3A_344 {strides = array<i32>} : memref<128x300xf32, #tpu.memory_space<vmem>>, vector<1x16xf32>,
      %get3A_345 = arith.index_cast %add3A_256 : i32 to index
      %get3A_346 = arith.constant 160 : index
      %get3A_347 = tpu.vector_load %arg11[%get3A_345, %get3A_346] {strides = array<i32>} : memref<128x304xf32, #tpu.memory_space<vmem>>, vector<1x16xf32>,
      %get3A_348 = vector.shape_cast %get3A_347 : vector<1x16xf32> to vector<16xf32>
      %swap3A_349 = arith.index_cast %add3A_256 : i32 to index
      %swap3A_350 = arith.constant 160 : index
      %swap3A_351 = tpu.vector_load %arg12[%swap3A_349, %swap3A_350] {strides = array<i32>} : memref<128x300xf32, #tpu.memory_space<vmem>>, vector<1x16xf32>,
      %swap3A_352 = vector.shape_cast %swap3A_351 : vector<1x16xf32> to vector<16xf32>
      %swap3A_353 = vector.shape_cast %get3A_348 : vector<16xf32> to vector<1x16xf32>
      tpu.vector_store %arg12[%swap3A_349, %swap3A_350], %swap3A_353 {strides = array<i32>} : memref<128x300xf32, #tpu.memory_space<vmem>>, vector<1x16xf32>,
      %get3A_354 = arith.index_cast %add3A_256 : i32 to index
      %get3A_355 = arith.constant 176 : index
      %get3A_356 = tpu.vector_load %arg11[%get3A_354, %get3A_355] {strides = array<i32>} : memref<128x304xf32, #tpu.memory_space<vmem>>, vector<1x16xf32>,
      %get3A_357 = vector.shape_cast %get3A_356 : vector<1x16xf32> to vector<16xf32>
      %swap3A_358 = arith.index_cast %add3A_256 : i32 to index
      %swap3A_359 = arith.constant 176 : index
      %swap3A_360 = tpu.vector_load %arg12[%swap3A_358, %swap3A_359] {strides = array<i32>} : memref<128x300xf32, #tpu.memory_space<vmem>>, vector<1x16xf32>,
      %swap3A_361 = vector.shape_cast %swap3A_360 : vector<1x16xf32> to vector<16xf32>
      %swap3A_362 = vector.shape_cast %get3A_357 : vector<16xf32> to vector<1x16xf32>
      tpu.vector_store %arg12[%swap3A_358, %swap3A_359], %swap3A_362 {strides = array<i32>} : memref<128x300xf32, #tpu.memory_space<vmem>>, vector<1x16xf32>,
      %get3A_363 = arith.index_cast %add3A_256 : i32 to index
      %get3A_364 = arith.constant 192 : index
      %get3A_365 = tpu.vector_load %arg11[%get3A_363, %get3A_364] {strides = array<i32>} : memref<128x304xf32, #tpu.memory_space<vmem>>, vector<1x16xf32>,
      %get3A_366 = vector.shape_cast %get3A_365 : vector<1x16xf32> to vector<16xf32>
      %swap3A_367 = arith.index_cast %add3A_256 : i32 to index
      %swap3A_368 = arith.constant 192 : index
      %swap3A_369 = tpu.vector_load %arg12[%swap3A_367, %swap3A_368] {strides = array<i32>} : memref<128x300xf32, #tpu.memory_space<vmem>>, vector<1x16xf32>,
      %swap3A_370 = vector.shape_cast %swap3A_369 : vector<1x16xf32> to vector<16xf32>
      %swap3A_371 = vector.shape_cast %get3A_366 : vector<16xf32> to vector<1x16xf32>
      tpu.vector_store %arg12[%swap3A_367, %swap3A_368], %swap3A_371 {strides = array<i32>} : memref<128x300xf32, #tpu.memory_space<vmem>>, vector<1x16xf32>,
      %get3A_372 = arith.index_cast %add3A_256 : i32 to index
      %get3A_373 = arith.constant 208 : index
      %get3A_374 = tpu.vector_load %arg11[%get3A_372, %get3A_373] {strides = array<i32>} : memref<128x304xf32, #tpu.memory_space<vmem>>, vector<1x16xf32>,
      %get3A_375 = vector.shape_cast %get3A_374 : vector<1x16xf32> to vector<16xf32>
      %swap3A_376 = arith.index_cast %add3A_256 : i32 to index
      %swap3A_377 = arith.constant 208 : index
      %swap3A_378 = tpu.vector_load %arg12[%swap3A_376, %swap3A_377] {strides = array<i32>} : memref<128x300xf32, #tpu.memory_space<vmem>>, vector<1x16xf32>,
      %swap3A_379 = vector.shape_cast %swap3A_378 : vector<1x16xf32> to vector<16xf32>
      %swap3A_380 = vector.shape_cast %get3A_375 : vector<16xf32> to vector<1x16xf32>
      tpu.vector_store %arg12[%swap3A_376, %swap3A_377], %swap3A_380 {strides = array<i32>} : memref<128x300xf32, #tpu.memory_space<vmem>>, vector<1x16xf32>,
      %get3A_381 = arith.index_cast %add3A_256 : i32 to index
      %get3A_382 = arith.constant 224 : index
      %get3A_383 = tpu.vector_load %arg11[%get3A_381, %get3A_382] {strides = array<i32>} : memref<128x304xf32, #tpu.memory_space<vmem>>, vector<1x16xf32>,
      %get3A_384 = vector.shape_cast %get3A_383 : vector<1x16xf32> to vector<16xf32>
      %swap3A_385 = arith.index_cast %add3A_256 : i32 to index
      %swap3A_386 = arith.constant 224 : index
      %swap3A_387 = tpu.vector_load %arg12[%swap3A_385, %swap3A_386] {strides = array<i32>} : memref<128x300xf32, #tpu.memory_space<vmem>>, vector<1x16xf32>,
      %swap3A_388 = vector.shape_cast %swap3A_387 : vector<1x16xf32> to vector<16xf32>
      %swap3A_389 = vector.shape_cast %get3A_384 : vector<16xf32> to vector<1x16xf32>
      tpu.vector_store %arg12[%swap3A_385, %swap3A_386], %swap3A_389 {strides = array<i32>} : memref<128x300xf32, #tpu.memory_space<vmem>>, vector<1x16xf32>,
      %get3A_390 = arith.index_cast %add3A_256 : i32 to index
      %get3A_391 = arith.constant 240 : index
      %get3A_392 = tpu.vector_load %arg11[%get3A_390, %get3A_391] {strides = array<i32>} : memref<128x304xf32, #tpu.memory_space<vmem>>, vector<1x16xf32>,
      %get3A_393 = vector.shape_cast %get3A_392 : vector<1x16xf32> to vector<16xf32>
      %swap3A_394 = arith.index_cast %add3A_256 : i32 to index
      %swap3A_395 = arith.constant 240 : index
      %swap3A_396 = tpu.vector_load %arg12[%swap3A_394, %swap3A_395] {strides = array<i32>} : memref<128x300xf32, #tpu.memory_space<vmem>>, vector<1x16xf32>,
      %swap3A_397 = vector.shape_cast %swap3A_396 : vector<1x16xf32> to vector<16xf32>
      %swap3A_398 = vector.shape_cast %get3A_393 : vector<16xf32> to vector<1x16xf32>
      tpu.vector_store %arg12[%swap3A_394, %swap3A_395], %swap3A_398 {strides = array<i32>} : memref<128x300xf32, #tpu.memory_space<vmem>>, vector<1x16xf32>,
      %get3A_399 = arith.index_cast %add3A_256 : i32 to index
      %get3A_400 = arith.constant 256 : index
      %get3A_401 = tpu.vector_load %arg11[%get3A_399, %get3A_400] {strides = array<i32>} : memref<128x304xf32, #tpu.memory_space<vmem>>, vector<1x16xf32>,
      %get3A_402 = vector.shape_cast %get3A_401 : vector<1x16xf32> to vector<16xf32>
      %swap3A_403 = arith.index_cast %add3A_256 : i32 to index
      %swap3A_404 = arith.constant 256 : index
      %swap3A_405 = tpu.vector_load %arg12[%swap3A_403, %swap3A_404] {strides = array<i32>} : memref<128x300xf32, #tpu.memory_space<vmem>>, vector<1x16xf32>,
      %swap3A_406 = vector.shape_cast %swap3A_405 : vector<1x16xf32> to vector<16xf32>
      %swap3A_407 = vector.shape_cast %get3A_402 : vector<16xf32> to vector<1x16xf32>
      tpu.vector_store %arg12[%swap3A_403, %swap3A_404], %swap3A_407 {strides = array<i32>} : memref<128x300xf32, #tpu.memory_space<vmem>>, vector<1x16xf32>,
      %get3A_408 = arith.index_cast %add3A_256 : i32 to index
      %get3A_409 = arith.constant 272 : index
      %get3A_410 = tpu.vector_load %arg11[%get3A_408, %get3A_409] {strides = array<i32>} : memref<128x304xf32, #tpu.memory_space<vmem>>, vector<1x16xf32>,
      %get3A_411 = vector.shape_cast %get3A_410 : vector<1x16xf32> to vector<16xf32>
      %swap3A_412 = arith.index_cast %add3A_256 : i32 to index
      %swap3A_413 = arith.constant 272 : index
      %swap3A_414 = tpu.vector_load %arg12[%swap3A_412, %swap3A_413] {strides = array<i32>} : memref<128x300xf32, #tpu.memory_space<vmem>>, vector<1x16xf32>,
      %swap3A_415 = vector.shape_cast %swap3A_414 : vector<1x16xf32> to vector<16xf32>
      %swap3A_416 = vector.shape_cast %get3A_411 : vector<16xf32> to vector<1x16xf32>
      tpu.vector_store %arg12[%swap3A_412, %swap3A_413], %swap3A_416 {strides = array<i32>} : memref<128x300xf32, #tpu.memory_space<vmem>>, vector<1x16xf32>,
      %get3A_417 = arith.index_cast %add3A_256 : i32 to index
      %get3A_418 = arith.constant 284 : index
      %get3A_419 = tpu.vector_load %arg11[%get3A_417, %get3A_418] {strides = array<i32>} : memref<128x304xf32, #tpu.memory_space<vmem>>, vector<1x16xf32>,
      %get3A_420 = vector.shape_cast %get3A_419 : vector<1x16xf32> to vector<16xf32>
      %swap3A_421 = arith.index_cast %add3A_256 : i32 to index
      %swap3A_422 = arith.constant 284 : index
      %swap3A_423 = tpu.vector_load %arg12[%swap3A_421, %swap3A_422] {strides = array<i32>} : memref<128x300xf32, #tpu.memory_space<vmem>>, vector<1x16xf32>,
      %swap3A_424 = vector.shape_cast %swap3A_423 : vector<1x16xf32> to vector<16xf32>
      %swap3A_425 = vector.shape_cast %get3A_420 : vector<16xf32> to vector<1x16xf32>
      tpu.vector_store %arg12[%swap3A_421, %swap3A_422], %swap3A_425 {strides = array<i32>} : memref<128x300xf32, #tpu.memory_space<vmem>>, vector<1x16xf32>,
    }
    %scan3A_132 = arith.constant 128 : i32
    "tpu.region"() ({
      %run_scoped3A = tpu.sem_alloc : memref<!tpu.dma_semaphore, #tpu.memory_space<semaphore_mem>>
      %dma_start3A_252 = arith.constant 0 : i32
      %dma_start3A_253 = tpu.memref_slice %arg7[%add3A_127, %dma_start3A_252] : memref<16384x300xf32, #tpu.memory_space<hbm>> -> memref<128x300xf32, #tpu.memory_space<hbm>>
      %dma_start3A_254 = arith.constant 0 : i32
      %dma_start3A_255 = tpu.memref_slice %arg7[%add3A_127, %dma_start3A_254] : memref<16384x300xf32, #tpu.memory_space<hbm>> -> memref<128x300xf32, #tpu.memory_space<hbm>>
      tpu.enqueue_dma source(%arg12 : memref<128x300xf32, #tpu.memory_space<vmem>>) target(%dma_start3A_255 : memref<128x300xf32, #tpu.memory_space<hbm>>) target_semaphore(%run_scoped3A : memref<!tpu.dma_semaphore, #tpu.memory_space<semaphore_mem>>)
      %dma_wait3A_256 = arith.constant 0 : i32
      %dma_wait3A_257 = tpu.memref_slice %arg7[%add3A_127, %dma_wait3A_256] : memref<16384x300xf32, #tpu.memory_space<hbm>> -> memref<128x300xf32, #tpu.memory_space<hbm>>
      %dma_wait3A_258 = arith.constant 0 : i32
      %dma_wait3A_259 = tpu.memref_slice %arg7[%add3A_127, %dma_wait3A_258] : memref<16384x300xf32, #tpu.memory_space<hbm>> -> memref<128x300xf32, #tpu.memory_space<hbm>>
      tpu.wait_dma2 semaphore(%run_scoped3A : memref<!tpu.dma_semaphore, #tpu.memory_space<semaphore_mem>>) src(%arg12 : memref<128x300xf32, #tpu.memory_space<vmem>>) dst(%dma_wait3A_259 : memref<128x300xf32, #tpu.memory_space<hbm>>)
      tpu.yield
    }) : () -> ()
    %dma_wait3A_133 = arith.constant 6 : i32
    %dma_wait3A_134 = arith.constant 0 : i32
    %dma_wait3A_135 = tpu.memref_slice %arg9[%dma_wait3A_133, %dma_wait3A_134] : memref<12x128xi32, #tpu.memory_space<vmem>> -> memref<1x128xi32, #tpu.memory_space<vmem>>
    %dma_wait3A_136 = tpu.memref_squeeze %dma_wait3A_135 : memref<1x128xi32, #tpu.memory_space<vmem>> -> memref<128xi32, #tpu.memory_space<vmem>>
    %dma_wait3A_137 = arith.constant 0 : i32
    %dma_wait3A_138 = arith.constant 0 : i32
    %dma_wait3A_139 = tpu.memref_slice %arg5[%dma_wait3A_137, %dma_wait3A_138] : memref<100000x304xf32, #tpu.memory_space<hbm>> -> memref<100000x304xf32, #tpu.memory_space<hbm>>
    tpu.wait_indirect_dma semaphore(%arg13 : memref<!tpu.dma_semaphore, #tpu.memory_space<semaphore_mem>>) src(%dma_wait3A_139 : memref<100000x304xf32, #tpu.memory_space<hbm>>) dst(%arg10 : memref<128x304xf32, #tpu.memory_space<vmem>>)
    %dma_start3A_140 = arith.constant 7 : i32
    %dma_start3A_141 = arith.constant 0 : i32
    %dma_start3A_142 = tpu.memref_slice %arg9[%dma_start3A_140, %dma_start3A_141] : memref<12x128xi32, #tpu.memory_space<vmem>> -> memref<1x128xi32, #tpu.memory_space<vmem>>
    %dma_start3A_143 = tpu.memref_squeeze %dma_start3A_142 : memref<1x128xi32, #tpu.memory_space<vmem>> -> memref<128xi32, #tpu.memory_space<vmem>>
    %dma_start3A_144 = arith.constant 0 : i32
    %dma_start3A_145 = arith.constant 0 : i32
    %dma_start3A_146 = tpu.memref_slice %arg5[%dma_start3A_144, %dma_start3A_145] : memref<100000x304xf32, #tpu.memory_space<hbm>> -> memref<100000x304xf32, #tpu.memory_space<hbm>>
    tpu.enqueue_indirect_dma source(%dma_start3A_146 : memref<100000x304xf32, #tpu.memory_space<hbm>>) target(%arg11 : memref<128x304xf32, #tpu.memory_space<vmem>>) offsets(%dma_start3A_143 : memref<128xi32, #tpu.memory_space<vmem>>) semaphore(%arg14 : memref<!tpu.dma_semaphore, #tpu.memory_space<semaphore_mem>>)
    %add3A_147 = arith.constant 256 : i32
    %add3A_148 = arith.addi %mul3A_2, %add3A_147 : i32
    %scan3A_149 = arith.constant 0 : i32
    %scan3A_150 = arith.constant 128 : i32
    %scan3A_151 = arith.addi %scan3A_149, %scan3A_150 : i32
    %scan3A_152 = arith.constant 1 : i32
    scf.for %scan3A_252 = %scan3A_149 to %scan3A_151 step %scan3A_152  : i32 {
      %mul3A_253 = arith.constant 1 : i32
      %mul3A_254 = arith.muli %scan3A_252, %mul3A_253 : i32
      %add3A_255 = arith.constant 0 : i32
      %add3A_256 = arith.addi %add3A_255, %mul3A_254 : i32
      %get3A = arith.index_cast %add3A_256 : i32 to index
      %get3A_257 = arith.constant 0 : index
      %get3A_258 = tpu.vector_load %arg10[%get3A, %get3A_257] {strides = array<i32>} : memref<128x304xf32, #tpu.memory_space<vmem>>, vector<1x16xf32>,
      %get3A_259 = vector.shape_cast %get3A_258 : vector<1x16xf32> to vector<16xf32>
      %swap3A = arith.index_cast %add3A_256 : i32 to index
      %swap3A_260 = arith.constant 0 : index
      %swap3A_261 = tpu.vector_load %arg12[%swap3A, %swap3A_260] {strides = array<i32>} : memref<128x300xf32, #tpu.memory_space<vmem>>, vector<1x16xf32>,
      %swap3A_262 = vector.shape_cast %swap3A_261 : vector<1x16xf32> to vector<16xf32>
      %swap3A_263 = vector.shape_cast %get3A_259 : vector<16xf32> to vector<1x16xf32>
      tpu.vector_store %arg12[%swap3A, %swap3A_260], %swap3A_263 {strides = array<i32>} : memref<128x300xf32, #tpu.memory_space<vmem>>, vector<1x16xf32>,
      %get3A_264 = arith.index_cast %add3A_256 : i32 to index
      %get3A_265 = arith.constant 16 : index
      %get3A_266 = tpu.vector_load %arg10[%get3A_264, %get3A_265] {strides = array<i32>} : memref<128x304xf32, #tpu.memory_space<vmem>>, vector<1x16xf32>,
      %get3A_267 = vector.shape_cast %get3A_266 : vector<1x16xf32> to vector<16xf32>
      %swap3A_268 = arith.index_cast %add3A_256 : i32 to index
      %swap3A_269 = arith.constant 16 : index
      %swap3A_270 = tpu.vector_load %arg12[%swap3A_268, %swap3A_269] {strides = array<i32>} : memref<128x300xf32, #tpu.memory_space<vmem>>, vector<1x16xf32>,
      %swap3A_271 = vector.shape_cast %swap3A_270 : vector<1x16xf32> to vector<16xf32>
      %swap3A_272 = vector.shape_cast %get3A_267 : vector<16xf32> to vector<1x16xf32>
      tpu.vector_store %arg12[%swap3A_268, %swap3A_269], %swap3A_272 {strides = array<i32>} : memref<128x300xf32, #tpu.memory_space<vmem>>, vector<1x16xf32>,
      %get3A_273 = arith.index_cast %add3A_256 : i32 to index
      %get3A_274 = arith.constant 32 : index
      %get3A_275 = tpu.vector_load %arg10[%get3A_273, %get3A_274] {strides = array<i32>} : memref<128x304xf32, #tpu.memory_space<vmem>>, vector<1x16xf32>,
      %get3A_276 = vector.shape_cast %get3A_275 : vector<1x16xf32> to vector<16xf32>
      %swap3A_277 = arith.index_cast %add3A_256 : i32 to index
      %swap3A_278 = arith.constant 32 : index
      %swap3A_279 = tpu.vector_load %arg12[%swap3A_277, %swap3A_278] {strides = array<i32>} : memref<128x300xf32, #tpu.memory_space<vmem>>, vector<1x16xf32>,
      %swap3A_280 = vector.shape_cast %swap3A_279 : vector<1x16xf32> to vector<16xf32>
      %swap3A_281 = vector.shape_cast %get3A_276 : vector<16xf32> to vector<1x16xf32>
      tpu.vector_store %arg12[%swap3A_277, %swap3A_278], %swap3A_281 {strides = array<i32>} : memref<128x300xf32, #tpu.memory_space<vmem>>, vector<1x16xf32>,
      %get3A_282 = arith.index_cast %add3A_256 : i32 to index
      %get3A_283 = arith.constant 48 : index
      %get3A_284 = tpu.vector_load %arg10[%get3A_282, %get3A_283] {strides = array<i32>} : memref<128x304xf32, #tpu.memory_space<vmem>>, vector<1x16xf32>,
      %get3A_285 = vector.shape_cast %get3A_284 : vector<1x16xf32> to vector<16xf32>
      %swap3A_286 = arith.index_cast %add3A_256 : i32 to index
      %swap3A_287 = arith.constant 48 : index
      %swap3A_288 = tpu.vector_load %arg12[%swap3A_286, %swap3A_287] {strides = array<i32>} : memref<128x300xf32, #tpu.memory_space<vmem>>, vector<1x16xf32>,
      %swap3A_289 = vector.shape_cast %swap3A_288 : vector<1x16xf32> to vector<16xf32>
      %swap3A_290 = vector.shape_cast %get3A_285 : vector<16xf32> to vector<1x16xf32>
      tpu.vector_store %arg12[%swap3A_286, %swap3A_287], %swap3A_290 {strides = array<i32>} : memref<128x300xf32, #tpu.memory_space<vmem>>, vector<1x16xf32>,
      %get3A_291 = arith.index_cast %add3A_256 : i32 to index
      %get3A_292 = arith.constant 64 : index
      %get3A_293 = tpu.vector_load %arg10[%get3A_291, %get3A_292] {strides = array<i32>} : memref<128x304xf32, #tpu.memory_space<vmem>>, vector<1x16xf32>,
      %get3A_294 = vector.shape_cast %get3A_293 : vector<1x16xf32> to vector<16xf32>
      %swap3A_295 = arith.index_cast %add3A_256 : i32 to index
      %swap3A_296 = arith.constant 64 : index
      %swap3A_297 = tpu.vector_load %arg12[%swap3A_295, %swap3A_296] {strides = array<i32>} : memref<128x300xf32, #tpu.memory_space<vmem>>, vector<1x16xf32>,
      %swap3A_298 = vector.shape_cast %swap3A_297 : vector<1x16xf32> to vector<16xf32>
      %swap3A_299 = vector.shape_cast %get3A_294 : vector<16xf32> to vector<1x16xf32>
      tpu.vector_store %arg12[%swap3A_295, %swap3A_296], %swap3A_299 {strides = array<i32>} : memref<128x300xf32, #tpu.memory_space<vmem>>, vector<1x16xf32>,
      %get3A_300 = arith.index_cast %add3A_256 : i32 to index
      %get3A_301 = arith.constant 80 : index
      %get3A_302 = tpu.vector_load %arg10[%get3A_300, %get3A_301] {strides = array<i32>} : memref<128x304xf32, #tpu.memory_space<vmem>>, vector<1x16xf32>,
      %get3A_303 = vector.shape_cast %get3A_302 : vector<1x16xf32> to vector<16xf32>
      %swap3A_304 = arith.index_cast %add3A_256 : i32 to index
      %swap3A_305 = arith.constant 80 : index
      %swap3A_306 = tpu.vector_load %arg12[%swap3A_304, %swap3A_305] {strides = array<i32>} : memref<128x300xf32, #tpu.memory_space<vmem>>, vector<1x16xf32>,
      %swap3A_307 = vector.shape_cast %swap3A_306 : vector<1x16xf32> to vector<16xf32>
      %swap3A_308 = vector.shape_cast %get3A_303 : vector<16xf32> to vector<1x16xf32>
      tpu.vector_store %arg12[%swap3A_304, %swap3A_305], %swap3A_308 {strides = array<i32>} : memref<128x300xf32, #tpu.memory_space<vmem>>, vector<1x16xf32>,
      %get3A_309 = arith.index_cast %add3A_256 : i32 to index
      %get3A_310 = arith.constant 96 : index
      %get3A_311 = tpu.vector_load %arg10[%get3A_309, %get3A_310] {strides = array<i32>} : memref<128x304xf32, #tpu.memory_space<vmem>>, vector<1x16xf32>,
      %get3A_312 = vector.shape_cast %get3A_311 : vector<1x16xf32> to vector<16xf32>
      %swap3A_313 = arith.index_cast %add3A_256 : i32 to index
      %swap3A_314 = arith.constant 96 : index
      %swap3A_315 = tpu.vector_load %arg12[%swap3A_313, %swap3A_314] {strides = array<i32>} : memref<128x300xf32, #tpu.memory_space<vmem>>, vector<1x16xf32>,
      %swap3A_316 = vector.shape_cast %swap3A_315 : vector<1x16xf32> to vector<16xf32>
      %swap3A_317 = vector.shape_cast %get3A_312 : vector<16xf32> to vector<1x16xf32>
      tpu.vector_store %arg12[%swap3A_313, %swap3A_314], %swap3A_317 {strides = array<i32>} : memref<128x300xf32, #tpu.memory_space<vmem>>, vector<1x16xf32>,
      %get3A_318 = arith.index_cast %add3A_256 : i32 to index
      %get3A_319 = arith.constant 112 : index
      %get3A_320 = tpu.vector_load %arg10[%get3A_318, %get3A_319] {strides = array<i32>} : memref<128x304xf32, #tpu.memory_space<vmem>>, vector<1x16xf32>,
      %get3A_321 = vector.shape_cast %get3A_320 : vector<1x16xf32> to vector<16xf32>
      %swap3A_322 = arith.index_cast %add3A_256 : i32 to index
      %swap3A_323 = arith.constant 112 : index
      %swap3A_324 = tpu.vector_load %arg12[%swap3A_322, %swap3A_323] {strides = array<i32>} : memref<128x300xf32, #tpu.memory_space<vmem>>, vector<1x16xf32>,
      %swap3A_325 = vector.shape_cast %swap3A_324 : vector<1x16xf32> to vector<16xf32>
      %swap3A_326 = vector.shape_cast %get3A_321 : vector<16xf32> to vector<1x16xf32>
      tpu.vector_store %arg12[%swap3A_322, %swap3A_323], %swap3A_326 {strides = array<i32>} : memref<128x300xf32, #tpu.memory_space<vmem>>, vector<1x16xf32>,
      %get3A_327 = arith.index_cast %add3A_256 : i32 to index
      %get3A_328 = arith.constant 128 : index
      %get3A_329 = tpu.vector_load %arg10[%get3A_327, %get3A_328] {strides = array<i32>} : memref<128x304xf32, #tpu.memory_space<vmem>>, vector<1x16xf32>,
      %get3A_330 = vector.shape_cast %get3A_329 : vector<1x16xf32> to vector<16xf32>
      %swap3A_331 = arith.index_cast %add3A_256 : i32 to index
      %swap3A_332 = arith.constant 128 : index
      %swap3A_333 = tpu.vector_load %arg12[%swap3A_331, %swap3A_332] {strides = array<i32>} : memref<128x300xf32, #tpu.memory_space<vmem>>, vector<1x16xf32>,
      %swap3A_334 = vector.shape_cast %swap3A_333 : vector<1x16xf32> to vector<16xf32>
      %swap3A_335 = vector.shape_cast %get3A_330 : vector<16xf32> to vector<1x16xf32>
      tpu.vector_store %arg12[%swap3A_331, %swap3A_332], %swap3A_335 {strides = array<i32>} : memref<128x300xf32, #tpu.memory_space<vmem>>, vector<1x16xf32>,
      %get3A_336 = arith.index_cast %add3A_256 : i32 to index
      %get3A_337 = arith.constant 144 : index
      %get3A_338 = tpu.vector_load %arg10[%get3A_336, %get3A_337] {strides = array<i32>} : memref<128x304xf32, #tpu.memory_space<vmem>>, vector<1x16xf32>,
      %get3A_339 = vector.shape_cast %get3A_338 : vector<1x16xf32> to vector<16xf32>
      %swap3A_340 = arith.index_cast %add3A_256 : i32 to index
      %swap3A_341 = arith.constant 144 : index
      %swap3A_342 = tpu.vector_load %arg12[%swap3A_340, %swap3A_341] {strides = array<i32>} : memref<128x300xf32, #tpu.memory_space<vmem>>, vector<1x16xf32>,
      %swap3A_343 = vector.shape_cast %swap3A_342 : vector<1x16xf32> to vector<16xf32>
      %swap3A_344 = vector.shape_cast %get3A_339 : vector<16xf32> to vector<1x16xf32>
      tpu.vector_store %arg12[%swap3A_340, %swap3A_341], %swap3A_344 {strides = array<i32>} : memref<128x300xf32, #tpu.memory_space<vmem>>, vector<1x16xf32>,
      %get3A_345 = arith.index_cast %add3A_256 : i32 to index
      %get3A_346 = arith.constant 160 : index
      %get3A_347 = tpu.vector_load %arg10[%get3A_345, %get3A_346] {strides = array<i32>} : memref<128x304xf32, #tpu.memory_space<vmem>>, vector<1x16xf32>,
      %get3A_348 = vector.shape_cast %get3A_347 : vector<1x16xf32> to vector<16xf32>
      %swap3A_349 = arith.index_cast %add3A_256 : i32 to index
      %swap3A_350 = arith.constant 160 : index
      %swap3A_351 = tpu.vector_load %arg12[%swap3A_349, %swap3A_350] {strides = array<i32>} : memref<128x300xf32, #tpu.memory_space<vmem>>, vector<1x16xf32>,
      %swap3A_352 = vector.shape_cast %swap3A_351 : vector<1x16xf32> to vector<16xf32>
      %swap3A_353 = vector.shape_cast %get3A_348 : vector<16xf32> to vector<1x16xf32>
      tpu.vector_store %arg12[%swap3A_349, %swap3A_350], %swap3A_353 {strides = array<i32>} : memref<128x300xf32, #tpu.memory_space<vmem>>, vector<1x16xf32>,
      %get3A_354 = arith.index_cast %add3A_256 : i32 to index
      %get3A_355 = arith.constant 176 : index
      %get3A_356 = tpu.vector_load %arg10[%get3A_354, %get3A_355] {strides = array<i32>} : memref<128x304xf32, #tpu.memory_space<vmem>>, vector<1x16xf32>,
      %get3A_357 = vector.shape_cast %get3A_356 : vector<1x16xf32> to vector<16xf32>
      %swap3A_358 = arith.index_cast %add3A_256 : i32 to index
      %swap3A_359 = arith.constant 176 : index
      %swap3A_360 = tpu.vector_load %arg12[%swap3A_358, %swap3A_359] {strides = array<i32>} : memref<128x300xf32, #tpu.memory_space<vmem>>, vector<1x16xf32>,
      %swap3A_361 = vector.shape_cast %swap3A_360 : vector<1x16xf32> to vector<16xf32>
      %swap3A_362 = vector.shape_cast %get3A_357 : vector<16xf32> to vector<1x16xf32>
      tpu.vector_store %arg12[%swap3A_358, %swap3A_359], %swap3A_362 {strides = array<i32>} : memref<128x300xf32, #tpu.memory_space<vmem>>, vector<1x16xf32>,
      %get3A_363 = arith.index_cast %add3A_256 : i32 to index
      %get3A_364 = arith.constant 192 : index
      %get3A_365 = tpu.vector_load %arg10[%get3A_363, %get3A_364] {strides = array<i32>} : memref<128x304xf32, #tpu.memory_space<vmem>>, vector<1x16xf32>,
      %get3A_366 = vector.shape_cast %get3A_365 : vector<1x16xf32> to vector<16xf32>
      %swap3A_367 = arith.index_cast %add3A_256 : i32 to index
      %swap3A_368 = arith.constant 192 : index
      %swap3A_369 = tpu.vector_load %arg12[%swap3A_367, %swap3A_368] {strides = array<i32>} : memref<128x300xf32, #tpu.memory_space<vmem>>, vector<1x16xf32>,
      %swap3A_370 = vector.shape_cast %swap3A_369 : vector<1x16xf32> to vector<16xf32>
      %swap3A_371 = vector.shape_cast %get3A_366 : vector<16xf32> to vector<1x16xf32>
      tpu.vector_store %arg12[%swap3A_367, %swap3A_368], %swap3A_371 {strides = array<i32>} : memref<128x300xf32, #tpu.memory_space<vmem>>, vector<1x16xf32>,
      %get3A_372 = arith.index_cast %add3A_256 : i32 to index
      %get3A_373 = arith.constant 208 : index
      %get3A_374 = tpu.vector_load %arg10[%get3A_372, %get3A_373] {strides = array<i32>} : memref<128x304xf32, #tpu.memory_space<vmem>>, vector<1x16xf32>,
      %get3A_375 = vector.shape_cast %get3A_374 : vector<1x16xf32> to vector<16xf32>
      %swap3A_376 = arith.index_cast %add3A_256 : i32 to index
      %swap3A_377 = arith.constant 208 : index
      %swap3A_378 = tpu.vector_load %arg12[%swap3A_376, %swap3A_377] {strides = array<i32>} : memref<128x300xf32, #tpu.memory_space<vmem>>, vector<1x16xf32>,
      %swap3A_379 = vector.shape_cast %swap3A_378 : vector<1x16xf32> to vector<16xf32>
      %swap3A_380 = vector.shape_cast %get3A_375 : vector<16xf32> to vector<1x16xf32>
      tpu.vector_store %arg12[%swap3A_376, %swap3A_377], %swap3A_380 {strides = array<i32>} : memref<128x300xf32, #tpu.memory_space<vmem>>, vector<1x16xf32>,
      %get3A_381 = arith.index_cast %add3A_256 : i32 to index
      %get3A_382 = arith.constant 224 : index
      %get3A_383 = tpu.vector_load %arg10[%get3A_381, %get3A_382] {strides = array<i32>} : memref<128x304xf32, #tpu.memory_space<vmem>>, vector<1x16xf32>,
      %get3A_384 = vector.shape_cast %get3A_383 : vector<1x16xf32> to vector<16xf32>
      %swap3A_385 = arith.index_cast %add3A_256 : i32 to index
      %swap3A_386 = arith.constant 224 : index
      %swap3A_387 = tpu.vector_load %arg12[%swap3A_385, %swap3A_386] {strides = array<i32>} : memref<128x300xf32, #tpu.memory_space<vmem>>, vector<1x16xf32>,
      %swap3A_388 = vector.shape_cast %swap3A_387 : vector<1x16xf32> to vector<16xf32>
      %swap3A_389 = vector.shape_cast %get3A_384 : vector<16xf32> to vector<1x16xf32>
      tpu.vector_store %arg12[%swap3A_385, %swap3A_386], %swap3A_389 {strides = array<i32>} : memref<128x300xf32, #tpu.memory_space<vmem>>, vector<1x16xf32>,
      %get3A_390 = arith.index_cast %add3A_256 : i32 to index
      %get3A_391 = arith.constant 240 : index
      %get3A_392 = tpu.vector_load %arg10[%get3A_390, %get3A_391] {strides = array<i32>} : memref<128x304xf32, #tpu.memory_space<vmem>>, vector<1x16xf32>,
      %get3A_393 = vector.shape_cast %get3A_392 : vector<1x16xf32> to vector<16xf32>
      %swap3A_394 = arith.index_cast %add3A_256 : i32 to index
      %swap3A_395 = arith.constant 240 : index
      %swap3A_396 = tpu.vector_load %arg12[%swap3A_394, %swap3A_395] {strides = array<i32>} : memref<128x300xf32, #tpu.memory_space<vmem>>, vector<1x16xf32>,
      %swap3A_397 = vector.shape_cast %swap3A_396 : vector<1x16xf32> to vector<16xf32>
      %swap3A_398 = vector.shape_cast %get3A_393 : vector<16xf32> to vector<1x16xf32>
      tpu.vector_store %arg12[%swap3A_394, %swap3A_395], %swap3A_398 {strides = array<i32>} : memref<128x300xf32, #tpu.memory_space<vmem>>, vector<1x16xf32>,
      %get3A_399 = arith.index_cast %add3A_256 : i32 to index
      %get3A_400 = arith.constant 256 : index
      %get3A_401 = tpu.vector_load %arg10[%get3A_399, %get3A_400] {strides = array<i32>} : memref<128x304xf32, #tpu.memory_space<vmem>>, vector<1x16xf32>,
      %get3A_402 = vector.shape_cast %get3A_401 : vector<1x16xf32> to vector<16xf32>
      %swap3A_403 = arith.index_cast %add3A_256 : i32 to index
      %swap3A_404 = arith.constant 256 : index
      %swap3A_405 = tpu.vector_load %arg12[%swap3A_403, %swap3A_404] {strides = array<i32>} : memref<128x300xf32, #tpu.memory_space<vmem>>, vector<1x16xf32>,
      %swap3A_406 = vector.shape_cast %swap3A_405 : vector<1x16xf32> to vector<16xf32>
      %swap3A_407 = vector.shape_cast %get3A_402 : vector<16xf32> to vector<1x16xf32>
      tpu.vector_store %arg12[%swap3A_403, %swap3A_404], %swap3A_407 {strides = array<i32>} : memref<128x300xf32, #tpu.memory_space<vmem>>, vector<1x16xf32>,
      %get3A_408 = arith.index_cast %add3A_256 : i32 to index
      %get3A_409 = arith.constant 272 : index
      %get3A_410 = tpu.vector_load %arg10[%get3A_408, %get3A_409] {strides = array<i32>} : memref<128x304xf32, #tpu.memory_space<vmem>>, vector<1x16xf32>,
      %get3A_411 = vector.shape_cast %get3A_410 : vector<1x16xf32> to vector<16xf32>
      %swap3A_412 = arith.index_cast %add3A_256 : i32 to index
      %swap3A_413 = arith.constant 272 : index
      %swap3A_414 = tpu.vector_load %arg12[%swap3A_412, %swap3A_413] {strides = array<i32>} : memref<128x300xf32, #tpu.memory_space<vmem>>, vector<1x16xf32>,
      %swap3A_415 = vector.shape_cast %swap3A_414 : vector<1x16xf32> to vector<16xf32>
      %swap3A_416 = vector.shape_cast %get3A_411 : vector<16xf32> to vector<1x16xf32>
      tpu.vector_store %arg12[%swap3A_412, %swap3A_413], %swap3A_416 {strides = array<i32>} : memref<128x300xf32, #tpu.memory_space<vmem>>, vector<1x16xf32>,
      %get3A_417 = arith.index_cast %add3A_256 : i32 to index
      %get3A_418 = arith.constant 284 : index
      %get3A_419 = tpu.vector_load %arg10[%get3A_417, %get3A_418] {strides = array<i32>} : memref<128x304xf32, #tpu.memory_space<vmem>>, vector<1x16xf32>,
      %get3A_420 = vector.shape_cast %get3A_419 : vector<1x16xf32> to vector<16xf32>
      %swap3A_421 = arith.index_cast %add3A_256 : i32 to index
      %swap3A_422 = arith.constant 284 : index
      %swap3A_423 = tpu.vector_load %arg12[%swap3A_421, %swap3A_422] {strides = array<i32>} : memref<128x300xf32, #tpu.memory_space<vmem>>, vector<1x16xf32>,
      %swap3A_424 = vector.shape_cast %swap3A_423 : vector<1x16xf32> to vector<16xf32>
      %swap3A_425 = vector.shape_cast %get3A_420 : vector<16xf32> to vector<1x16xf32>
      tpu.vector_store %arg12[%swap3A_421, %swap3A_422], %swap3A_425 {strides = array<i32>} : memref<128x300xf32, #tpu.memory_space<vmem>>, vector<1x16xf32>,
    }
    %scan3A_153 = arith.constant 128 : i32
    "tpu.region"() ({
      %run_scoped3A = tpu.sem_alloc : memref<!tpu.dma_semaphore, #tpu.memory_space<semaphore_mem>>
      %dma_start3A_252 = arith.constant 0 : i32
      %dma_start3A_253 = tpu.memref_slice %arg7[%add3A_148, %dma_start3A_252] : memref<16384x300xf32, #tpu.memory_space<hbm>> -> memref<128x300xf32, #tpu.memory_space<hbm>>
      %dma_start3A_254 = arith.constant 0 : i32
      %dma_start3A_255 = tpu.memref_slice %arg7[%add3A_148, %dma_start3A_254] : memref<16384x300xf32, #tpu.memory_space<hbm>> -> memref<128x300xf32, #tpu.memory_space<hbm>>
      tpu.enqueue_dma source(%arg12 : memref<128x300xf32, #tpu.memory_space<vmem>>) target(%dma_start3A_255 : memref<128x300xf32, #tpu.memory_space<hbm>>) target_semaphore(%run_scoped3A : memref<!tpu.dma_semaphore, #tpu.memory_space<semaphore_mem>>)
      %dma_wait3A_256 = arith.constant 0 : i32
      %dma_wait3A_257 = tpu.memref_slice %arg7[%add3A_148, %dma_wait3A_256] : memref<16384x300xf32, #tpu.memory_space<hbm>> -> memref<128x300xf32, #tpu.memory_space<hbm>>
      %dma_wait3A_258 = arith.constant 0 : i32
      %dma_wait3A_259 = tpu.memref_slice %arg7[%add3A_148, %dma_wait3A_258] : memref<16384x300xf32, #tpu.memory_space<hbm>> -> memref<128x300xf32, #tpu.memory_space<hbm>>
      tpu.wait_dma2 semaphore(%run_scoped3A : memref<!tpu.dma_semaphore, #tpu.memory_space<semaphore_mem>>) src(%arg12 : memref<128x300xf32, #tpu.memory_space<vmem>>) dst(%dma_wait3A_259 : memref<128x300xf32, #tpu.memory_space<hbm>>)
      tpu.yield
    }) : () -> ()
    %dma_wait3A_154 = arith.constant 7 : i32
    %dma_wait3A_155 = arith.constant 0 : i32
    %dma_wait3A_156 = tpu.memref_slice %arg9[%dma_wait3A_154, %dma_wait3A_155] : memref<12x128xi32, #tpu.memory_space<vmem>> -> memref<1x128xi32, #tpu.memory_space<vmem>>
    %dma_wait3A_157 = tpu.memref_squeeze %dma_wait3A_156 : memref<1x128xi32, #tpu.memory_space<vmem>> -> memref<128xi32, #tpu.memory_space<vmem>>
    %dma_wait3A_158 = arith.constant 0 : i32
    %dma_wait3A_159 = arith.constant 0 : i32
    %dma_wait3A_160 = tpu.memref_slice %arg5[%dma_wait3A_158, %dma_wait3A_159] : memref<100000x304xf32, #tpu.memory_space<hbm>> -> memref<100000x304xf32, #tpu.memory_space<hbm>>
    tpu.wait_indirect_dma semaphore(%arg14 : memref<!tpu.dma_semaphore, #tpu.memory_space<semaphore_mem>>) src(%dma_wait3A_160 : memref<100000x304xf32, #tpu.memory_space<hbm>>) dst(%arg11 : memref<128x304xf32, #tpu.memory_space<vmem>>)
    %dma_start3A_161 = arith.constant 8 : i32
    %dma_start3A_162 = arith.constant 0 : i32
    %dma_start3A_163 = tpu.memref_slice %arg9[%dma_start3A_161, %dma_start3A_162] : memref<12x128xi32, #tpu.memory_space<vmem>> -> memref<1x128xi32, #tpu.memory_space<vmem>>
    %dma_start3A_164 = tpu.memref_squeeze %dma_start3A_163 : memref<1x128xi32, #tpu.memory_space<vmem>> -> memref<128xi32, #tpu.memory_space<vmem>>
    %dma_start3A_165 = arith.constant 0 : i32
    %dma_start3A_166 = arith.constant 0 : i32
    %dma_start3A_167 = tpu.memref_slice %arg5[%dma_start3A_165, %dma_start3A_166] : memref<100000x304xf32, #tpu.memory_space<hbm>> -> memref<100000x304xf32, #tpu.memory_space<hbm>>
    tpu.enqueue_indirect_dma source(%dma_start3A_167 : memref<100000x304xf32, #tpu.memory_space<hbm>>) target(%arg10 : memref<128x304xf32, #tpu.memory_space<vmem>>) offsets(%dma_start3A_164 : memref<128xi32, #tpu.memory_space<vmem>>) semaphore(%arg13 : memref<!tpu.dma_semaphore, #tpu.memory_space<semaphore_mem>>)
    %add3A_168 = arith.constant 384 : i32
    %add3A_169 = arith.addi %mul3A_2, %add3A_168 : i32
    %scan3A_170 = arith.constant 0 : i32
    %scan3A_171 = arith.constant 128 : i32
    %scan3A_172 = arith.addi %scan3A_170, %scan3A_171 : i32
    %scan3A_173 = arith.constant 1 : i32
    scf.for %scan3A_252 = %scan3A_170 to %scan3A_172 step %scan3A_173  : i32 {
      %mul3A_253 = arith.constant 1 : i32
      %mul3A_254 = arith.muli %scan3A_252, %mul3A_253 : i32
      %add3A_255 = arith.constant 0 : i32
      %add3A_256 = arith.addi %add3A_255, %mul3A_254 : i32
      %get3A = arith.index_cast %add3A_256 : i32 to index
      %get3A_257 = arith.constant 0 : index
      %get3A_258 = tpu.vector_load %arg11[%get3A, %get3A_257] {strides = array<i32>} : memref<128x304xf32, #tpu.memory_space<vmem>>, vector<1x16xf32>,
      %get3A_259 = vector.shape_cast %get3A_258 : vector<1x16xf32> to vector<16xf32>
      %swap3A = arith.index_cast %add3A_256 : i32 to index
      %swap3A_260 = arith.constant 0 : index
      %swap3A_261 = tpu.vector_load %arg12[%swap3A, %swap3A_260] {strides = array<i32>} : memref<128x300xf32, #tpu.memory_space<vmem>>, vector<1x16xf32>,
      %swap3A_262 = vector.shape_cast %swap3A_261 : vector<1x16xf32> to vector<16xf32>
      %swap3A_263 = vector.shape_cast %get3A_259 : vector<16xf32> to vector<1x16xf32>
      tpu.vector_store %arg12[%swap3A, %swap3A_260], %swap3A_263 {strides = array<i32>} : memref<128x300xf32, #tpu.memory_space<vmem>>, vector<1x16xf32>,
      %get3A_264 = arith.index_cast %add3A_256 : i32 to index
      %get3A_265 = arith.constant 16 : index
      %get3A_266 = tpu.vector_load %arg11[%get3A_264, %get3A_265] {strides = array<i32>} : memref<128x304xf32, #tpu.memory_space<vmem>>, vector<1x16xf32>,
      %get3A_267 = vector.shape_cast %get3A_266 : vector<1x16xf32> to vector<16xf32>
      %swap3A_268 = arith.index_cast %add3A_256 : i32 to index
      %swap3A_269 = arith.constant 16 : index
      %swap3A_270 = tpu.vector_load %arg12[%swap3A_268, %swap3A_269] {strides = array<i32>} : memref<128x300xf32, #tpu.memory_space<vmem>>, vector<1x16xf32>,
      %swap3A_271 = vector.shape_cast %swap3A_270 : vector<1x16xf32> to vector<16xf32>
      %swap3A_272 = vector.shape_cast %get3A_267 : vector<16xf32> to vector<1x16xf32>
      tpu.vector_store %arg12[%swap3A_268, %swap3A_269], %swap3A_272 {strides = array<i32>} : memref<128x300xf32, #tpu.memory_space<vmem>>, vector<1x16xf32>,
      %get3A_273 = arith.index_cast %add3A_256 : i32 to index
      %get3A_274 = arith.constant 32 : index
      %get3A_275 = tpu.vector_load %arg11[%get3A_273, %get3A_274] {strides = array<i32>} : memref<128x304xf32, #tpu.memory_space<vmem>>, vector<1x16xf32>,
      %get3A_276 = vector.shape_cast %get3A_275 : vector<1x16xf32> to vector<16xf32>
      %swap3A_277 = arith.index_cast %add3A_256 : i32 to index
      %swap3A_278 = arith.constant 32 : index
      %swap3A_279 = tpu.vector_load %arg12[%swap3A_277, %swap3A_278] {strides = array<i32>} : memref<128x300xf32, #tpu.memory_space<vmem>>, vector<1x16xf32>,
      %swap3A_280 = vector.shape_cast %swap3A_279 : vector<1x16xf32> to vector<16xf32>
      %swap3A_281 = vector.shape_cast %get3A_276 : vector<16xf32> to vector<1x16xf32>
      tpu.vector_store %arg12[%swap3A_277, %swap3A_278], %swap3A_281 {strides = array<i32>} : memref<128x300xf32, #tpu.memory_space<vmem>>, vector<1x16xf32>,
      %get3A_282 = arith.index_cast %add3A_256 : i32 to index
      %get3A_283 = arith.constant 48 : index
      %get3A_284 = tpu.vector_load %arg11[%get3A_282, %get3A_283] {strides = array<i32>} : memref<128x304xf32, #tpu.memory_space<vmem>>, vector<1x16xf32>,
      %get3A_285 = vector.shape_cast %get3A_284 : vector<1x16xf32> to vector<16xf32>
      %swap3A_286 = arith.index_cast %add3A_256 : i32 to index
      %swap3A_287 = arith.constant 48 : index
      %swap3A_288 = tpu.vector_load %arg12[%swap3A_286, %swap3A_287] {strides = array<i32>} : memref<128x300xf32, #tpu.memory_space<vmem>>, vector<1x16xf32>,
      %swap3A_289 = vector.shape_cast %swap3A_288 : vector<1x16xf32> to vector<16xf32>
      %swap3A_290 = vector.shape_cast %get3A_285 : vector<16xf32> to vector<1x16xf32>
      tpu.vector_store %arg12[%swap3A_286, %swap3A_287], %swap3A_290 {strides = array<i32>} : memref<128x300xf32, #tpu.memory_space<vmem>>, vector<1x16xf32>,
      %get3A_291 = arith.index_cast %add3A_256 : i32 to index
      %get3A_292 = arith.constant 64 : index
      %get3A_293 = tpu.vector_load %arg11[%get3A_291, %get3A_292] {strides = array<i32>} : memref<128x304xf32, #tpu.memory_space<vmem>>, vector<1x16xf32>,
      %get3A_294 = vector.shape_cast %get3A_293 : vector<1x16xf32> to vector<16xf32>
      %swap3A_295 = arith.index_cast %add3A_256 : i32 to index
      %swap3A_296 = arith.constant 64 : index
      %swap3A_297 = tpu.vector_load %arg12[%swap3A_295, %swap3A_296] {strides = array<i32>} : memref<128x300xf32, #tpu.memory_space<vmem>>, vector<1x16xf32>,
      %swap3A_298 = vector.shape_cast %swap3A_297 : vector<1x16xf32> to vector<16xf32>
      %swap3A_299 = vector.shape_cast %get3A_294 : vector<16xf32> to vector<1x16xf32>
      tpu.vector_store %arg12[%swap3A_295, %swap3A_296], %swap3A_299 {strides = array<i32>} : memref<128x300xf32, #tpu.memory_space<vmem>>, vector<1x16xf32>,
      %get3A_300 = arith.index_cast %add3A_256 : i32 to index
      %get3A_301 = arith.constant 80 : index
      %get3A_302 = tpu.vector_load %arg11[%get3A_300, %get3A_301] {strides = array<i32>} : memref<128x304xf32, #tpu.memory_space<vmem>>, vector<1x16xf32>,
      %get3A_303 = vector.shape_cast %get3A_302 : vector<1x16xf32> to vector<16xf32>
      %swap3A_304 = arith.index_cast %add3A_256 : i32 to index
      %swap3A_305 = arith.constant 80 : index
      %swap3A_306 = tpu.vector_load %arg12[%swap3A_304, %swap3A_305] {strides = array<i32>} : memref<128x300xf32, #tpu.memory_space<vmem>>, vector<1x16xf32>,
      %swap3A_307 = vector.shape_cast %swap3A_306 : vector<1x16xf32> to vector<16xf32>
      %swap3A_308 = vector.shape_cast %get3A_303 : vector<16xf32> to vector<1x16xf32>
      tpu.vector_store %arg12[%swap3A_304, %swap3A_305], %swap3A_308 {strides = array<i32>} : memref<128x300xf32, #tpu.memory_space<vmem>>, vector<1x16xf32>,
      %get3A_309 = arith.index_cast %add3A_256 : i32 to index
      %get3A_310 = arith.constant 96 : index
      %get3A_311 = tpu.vector_load %arg11[%get3A_309, %get3A_310] {strides = array<i32>} : memref<128x304xf32, #tpu.memory_space<vmem>>, vector<1x16xf32>,
      %get3A_312 = vector.shape_cast %get3A_311 : vector<1x16xf32> to vector<16xf32>
      %swap3A_313 = arith.index_cast %add3A_256 : i32 to index
      %swap3A_314 = arith.constant 96 : index
      %swap3A_315 = tpu.vector_load %arg12[%swap3A_313, %swap3A_314] {strides = array<i32>} : memref<128x300xf32, #tpu.memory_space<vmem>>, vector<1x16xf32>,
      %swap3A_316 = vector.shape_cast %swap3A_315 : vector<1x16xf32> to vector<16xf32>
      %swap3A_317 = vector.shape_cast %get3A_312 : vector<16xf32> to vector<1x16xf32>
      tpu.vector_store %arg12[%swap3A_313, %swap3A_314], %swap3A_317 {strides = array<i32>} : memref<128x300xf32, #tpu.memory_space<vmem>>, vector<1x16xf32>,
      %get3A_318 = arith.index_cast %add3A_256 : i32 to index
      %get3A_319 = arith.constant 112 : index
      %get3A_320 = tpu.vector_load %arg11[%get3A_318, %get3A_319] {strides = array<i32>} : memref<128x304xf32, #tpu.memory_space<vmem>>, vector<1x16xf32>,
      %get3A_321 = vector.shape_cast %get3A_320 : vector<1x16xf32> to vector<16xf32>
      %swap3A_322 = arith.index_cast %add3A_256 : i32 to index
      %swap3A_323 = arith.constant 112 : index
      %swap3A_324 = tpu.vector_load %arg12[%swap3A_322, %swap3A_323] {strides = array<i32>} : memref<128x300xf32, #tpu.memory_space<vmem>>, vector<1x16xf32>,
      %swap3A_325 = vector.shape_cast %swap3A_324 : vector<1x16xf32> to vector<16xf32>
      %swap3A_326 = vector.shape_cast %get3A_321 : vector<16xf32> to vector<1x16xf32>
      tpu.vector_store %arg12[%swap3A_322, %swap3A_323], %swap3A_326 {strides = array<i32>} : memref<128x300xf32, #tpu.memory_space<vmem>>, vector<1x16xf32>,
      %get3A_327 = arith.index_cast %add3A_256 : i32 to index
      %get3A_328 = arith.constant 128 : index
      %get3A_329 = tpu.vector_load %arg11[%get3A_327, %get3A_328] {strides = array<i32>} : memref<128x304xf32, #tpu.memory_space<vmem>>, vector<1x16xf32>,
      %get3A_330 = vector.shape_cast %get3A_329 : vector<1x16xf32> to vector<16xf32>
      %swap3A_331 = arith.index_cast %add3A_256 : i32 to index
      %swap3A_332 = arith.constant 128 : index
      %swap3A_333 = tpu.vector_load %arg12[%swap3A_331, %swap3A_332] {strides = array<i32>} : memref<128x300xf32, #tpu.memory_space<vmem>>, vector<1x16xf32>,
      %swap3A_334 = vector.shape_cast %swap3A_333 : vector<1x16xf32> to vector<16xf32>
      %swap3A_335 = vector.shape_cast %get3A_330 : vector<16xf32> to vector<1x16xf32>
      tpu.vector_store %arg12[%swap3A_331, %swap3A_332], %swap3A_335 {strides = array<i32>} : memref<128x300xf32, #tpu.memory_space<vmem>>, vector<1x16xf32>,
      %get3A_336 = arith.index_cast %add3A_256 : i32 to index
      %get3A_337 = arith.constant 144 : index
      %get3A_338 = tpu.vector_load %arg11[%get3A_336, %get3A_337] {strides = array<i32>} : memref<128x304xf32, #tpu.memory_space<vmem>>, vector<1x16xf32>,
      %get3A_339 = vector.shape_cast %get3A_338 : vector<1x16xf32> to vector<16xf32>
      %swap3A_340 = arith.index_cast %add3A_256 : i32 to index
      %swap3A_341 = arith.constant 144 : index
      %swap3A_342 = tpu.vector_load %arg12[%swap3A_340, %swap3A_341] {strides = array<i32>} : memref<128x300xf32, #tpu.memory_space<vmem>>, vector<1x16xf32>,
      %swap3A_343 = vector.shape_cast %swap3A_342 : vector<1x16xf32> to vector<16xf32>
      %swap3A_344 = vector.shape_cast %get3A_339 : vector<16xf32> to vector<1x16xf32>
      tpu.vector_store %arg12[%swap3A_340, %swap3A_341], %swap3A_344 {strides = array<i32>} : memref<128x300xf32, #tpu.memory_space<vmem>>, vector<1x16xf32>,
      %get3A_345 = arith.index_cast %add3A_256 : i32 to index
      %get3A_346 = arith.constant 160 : index
      %get3A_347 = tpu.vector_load %arg11[%get3A_345, %get3A_346] {strides = array<i32>} : memref<128x304xf32, #tpu.memory_space<vmem>>, vector<1x16xf32>,
      %get3A_348 = vector.shape_cast %get3A_347 : vector<1x16xf32> to vector<16xf32>
      %swap3A_349 = arith.index_cast %add3A_256 : i32 to index
      %swap3A_350 = arith.constant 160 : index
      %swap3A_351 = tpu.vector_load %arg12[%swap3A_349, %swap3A_350] {strides = array<i32>} : memref<128x300xf32, #tpu.memory_space<vmem>>, vector<1x16xf32>,
      %swap3A_352 = vector.shape_cast %swap3A_351 : vector<1x16xf32> to vector<16xf32>
      %swap3A_353 = vector.shape_cast %get3A_348 : vector<16xf32> to vector<1x16xf32>
      tpu.vector_store %arg12[%swap3A_349, %swap3A_350], %swap3A_353 {strides = array<i32>} : memref<128x300xf32, #tpu.memory_space<vmem>>, vector<1x16xf32>,
      %get3A_354 = arith.index_cast %add3A_256 : i32 to index
      %get3A_355 = arith.constant 176 : index
      %get3A_356 = tpu.vector_load %arg11[%get3A_354, %get3A_355] {strides = array<i32>} : memref<128x304xf32, #tpu.memory_space<vmem>>, vector<1x16xf32>,
      %get3A_357 = vector.shape_cast %get3A_356 : vector<1x16xf32> to vector<16xf32>
      %swap3A_358 = arith.index_cast %add3A_256 : i32 to index
      %swap3A_359 = arith.constant 176 : index
      %swap3A_360 = tpu.vector_load %arg12[%swap3A_358, %swap3A_359] {strides = array<i32>} : memref<128x300xf32, #tpu.memory_space<vmem>>, vector<1x16xf32>,
      %swap3A_361 = vector.shape_cast %swap3A_360 : vector<1x16xf32> to vector<16xf32>
      %swap3A_362 = vector.shape_cast %get3A_357 : vector<16xf32> to vector<1x16xf32>
      tpu.vector_store %arg12[%swap3A_358, %swap3A_359], %swap3A_362 {strides = array<i32>} : memref<128x300xf32, #tpu.memory_space<vmem>>, vector<1x16xf32>,
      %get3A_363 = arith.index_cast %add3A_256 : i32 to index
      %get3A_364 = arith.constant 192 : index
      %get3A_365 = tpu.vector_load %arg11[%get3A_363, %get3A_364] {strides = array<i32>} : memref<128x304xf32, #tpu.memory_space<vmem>>, vector<1x16xf32>,
      %get3A_366 = vector.shape_cast %get3A_365 : vector<1x16xf32> to vector<16xf32>
      %swap3A_367 = arith.index_cast %add3A_256 : i32 to index
      %swap3A_368 = arith.constant 192 : index
      %swap3A_369 = tpu.vector_load %arg12[%swap3A_367, %swap3A_368] {strides = array<i32>} : memref<128x300xf32, #tpu.memory_space<vmem>>, vector<1x16xf32>,
      %swap3A_370 = vector.shape_cast %swap3A_369 : vector<1x16xf32> to vector<16xf32>
      %swap3A_371 = vector.shape_cast %get3A_366 : vector<16xf32> to vector<1x16xf32>
      tpu.vector_store %arg12[%swap3A_367, %swap3A_368], %swap3A_371 {strides = array<i32>} : memref<128x300xf32, #tpu.memory_space<vmem>>, vector<1x16xf32>,
      %get3A_372 = arith.index_cast %add3A_256 : i32 to index
      %get3A_373 = arith.constant 208 : index
      %get3A_374 = tpu.vector_load %arg11[%get3A_372, %get3A_373] {strides = array<i32>} : memref<128x304xf32, #tpu.memory_space<vmem>>, vector<1x16xf32>,
      %get3A_375 = vector.shape_cast %get3A_374 : vector<1x16xf32> to vector<16xf32>
      %swap3A_376 = arith.index_cast %add3A_256 : i32 to index
      %swap3A_377 = arith.constant 208 : index
      %swap3A_378 = tpu.vector_load %arg12[%swap3A_376, %swap3A_377] {strides = array<i32>} : memref<128x300xf32, #tpu.memory_space<vmem>>, vector<1x16xf32>,
      %swap3A_379 = vector.shape_cast %swap3A_378 : vector<1x16xf32> to vector<16xf32>
      %swap3A_380 = vector.shape_cast %get3A_375 : vector<16xf32> to vector<1x16xf32>
      tpu.vector_store %arg12[%swap3A_376, %swap3A_377], %swap3A_380 {strides = array<i32>} : memref<128x300xf32, #tpu.memory_space<vmem>>, vector<1x16xf32>,
      %get3A_381 = arith.index_cast %add3A_256 : i32 to index
      %get3A_382 = arith.constant 224 : index
      %get3A_383 = tpu.vector_load %arg11[%get3A_381, %get3A_382] {strides = array<i32>} : memref<128x304xf32, #tpu.memory_space<vmem>>, vector<1x16xf32>,
      %get3A_384 = vector.shape_cast %get3A_383 : vector<1x16xf32> to vector<16xf32>
      %swap3A_385 = arith.index_cast %add3A_256 : i32 to index
      %swap3A_386 = arith.constant 224 : index
      %swap3A_387 = tpu.vector_load %arg12[%swap3A_385, %swap3A_386] {strides = array<i32>} : memref<128x300xf32, #tpu.memory_space<vmem>>, vector<1x16xf32>,
      %swap3A_388 = vector.shape_cast %swap3A_387 : vector<1x16xf32> to vector<16xf32>
      %swap3A_389 = vector.shape_cast %get3A_384 : vector<16xf32> to vector<1x16xf32>
      tpu.vector_store %arg12[%swap3A_385, %swap3A_386], %swap3A_389 {strides = array<i32>} : memref<128x300xf32, #tpu.memory_space<vmem>>, vector<1x16xf32>,
      %get3A_390 = arith.index_cast %add3A_256 : i32 to index
      %get3A_391 = arith.constant 240 : index
      %get3A_392 = tpu.vector_load %arg11[%get3A_390, %get3A_391] {strides = array<i32>} : memref<128x304xf32, #tpu.memory_space<vmem>>, vector<1x16xf32>,
      %get3A_393 = vector.shape_cast %get3A_392 : vector<1x16xf32> to vector<16xf32>
      %swap3A_394 = arith.index_cast %add3A_256 : i32 to index
      %swap3A_395 = arith.constant 240 : index
      %swap3A_396 = tpu.vector_load %arg12[%swap3A_394, %swap3A_395] {strides = array<i32>} : memref<128x300xf32, #tpu.memory_space<vmem>>, vector<1x16xf32>,
      %swap3A_397 = vector.shape_cast %swap3A_396 : vector<1x16xf32> to vector<16xf32>
      %swap3A_398 = vector.shape_cast %get3A_393 : vector<16xf32> to vector<1x16xf32>
      tpu.vector_store %arg12[%swap3A_394, %swap3A_395], %swap3A_398 {strides = array<i32>} : memref<128x300xf32, #tpu.memory_space<vmem>>, vector<1x16xf32>,
      %get3A_399 = arith.index_cast %add3A_256 : i32 to index
      %get3A_400 = arith.constant 256 : index
      %get3A_401 = tpu.vector_load %arg11[%get3A_399, %get3A_400] {strides = array<i32>} : memref<128x304xf32, #tpu.memory_space<vmem>>, vector<1x16xf32>,
      %get3A_402 = vector.shape_cast %get3A_401 : vector<1x16xf32> to vector<16xf32>
      %swap3A_403 = arith.index_cast %add3A_256 : i32 to index
      %swap3A_404 = arith.constant 256 : index
      %swap3A_405 = tpu.vector_load %arg12[%swap3A_403, %swap3A_404] {strides = array<i32>} : memref<128x300xf32, #tpu.memory_space<vmem>>, vector<1x16xf32>,
      %swap3A_406 = vector.shape_cast %swap3A_405 : vector<1x16xf32> to vector<16xf32>
      %swap3A_407 = vector.shape_cast %get3A_402 : vector<16xf32> to vector<1x16xf32>
      tpu.vector_store %arg12[%swap3A_403, %swap3A_404], %swap3A_407 {strides = array<i32>} : memref<128x300xf32, #tpu.memory_space<vmem>>, vector<1x16xf32>,
      %get3A_408 = arith.index_cast %add3A_256 : i32 to index
      %get3A_409 = arith.constant 272 : index
      %get3A_410 = tpu.vector_load %arg11[%get3A_408, %get3A_409] {strides = array<i32>} : memref<128x304xf32, #tpu.memory_space<vmem>>, vector<1x16xf32>,
      %get3A_411 = vector.shape_cast %get3A_410 : vector<1x16xf32> to vector<16xf32>
      %swap3A_412 = arith.index_cast %add3A_256 : i32 to index
      %swap3A_413 = arith.constant 272 : index
      %swap3A_414 = tpu.vector_load %arg12[%swap3A_412, %swap3A_413] {strides = array<i32>} : memref<128x300xf32, #tpu.memory_space<vmem>>, vector<1x16xf32>,
      %swap3A_415 = vector.shape_cast %swap3A_414 : vector<1x16xf32> to vector<16xf32>
      %swap3A_416 = vector.shape_cast %get3A_411 : vector<16xf32> to vector<1x16xf32>
      tpu.vector_store %arg12[%swap3A_412, %swap3A_413], %swap3A_416 {strides = array<i32>} : memref<128x300xf32, #tpu.memory_space<vmem>>, vector<1x16xf32>,
      %get3A_417 = arith.index_cast %add3A_256 : i32 to index
      %get3A_418 = arith.constant 284 : index
      %get3A_419 = tpu.vector_load %arg11[%get3A_417, %get3A_418] {strides = array<i32>} : memref<128x304xf32, #tpu.memory_space<vmem>>, vector<1x16xf32>,
      %get3A_420 = vector.shape_cast %get3A_419 : vector<1x16xf32> to vector<16xf32>
      %swap3A_421 = arith.index_cast %add3A_256 : i32 to index
      %swap3A_422 = arith.constant 284 : index
      %swap3A_423 = tpu.vector_load %arg12[%swap3A_421, %swap3A_422] {strides = array<i32>} : memref<128x300xf32, #tpu.memory_space<vmem>>, vector<1x16xf32>,
      %swap3A_424 = vector.shape_cast %swap3A_423 : vector<1x16xf32> to vector<16xf32>
      %swap3A_425 = vector.shape_cast %get3A_420 : vector<16xf32> to vector<1x16xf32>
      tpu.vector_store %arg12[%swap3A_421, %swap3A_422], %swap3A_425 {strides = array<i32>} : memref<128x300xf32, #tpu.memory_space<vmem>>, vector<1x16xf32>,
    }
    %scan3A_174 = arith.constant 128 : i32
    "tpu.region"() ({
      %run_scoped3A = tpu.sem_alloc : memref<!tpu.dma_semaphore, #tpu.memory_space<semaphore_mem>>
      %dma_start3A_252 = arith.constant 0 : i32
      %dma_start3A_253 = tpu.memref_slice %arg7[%add3A_169, %dma_start3A_252] : memref<16384x300xf32, #tpu.memory_space<hbm>> -> memref<128x300xf32, #tpu.memory_space<hbm>>
      %dma_start3A_254 = arith.constant 0 : i32
      %dma_start3A_255 = tpu.memref_slice %arg7[%add3A_169, %dma_start3A_254] : memref<16384x300xf32, #tpu.memory_space<hbm>> -> memref<128x300xf32, #tpu.memory_space<hbm>>
      tpu.enqueue_dma source(%arg12 : memref<128x300xf32, #tpu.memory_space<vmem>>) target(%dma_start3A_255 : memref<128x300xf32, #tpu.memory_space<hbm>>) target_semaphore(%run_scoped3A : memref<!tpu.dma_semaphore, #tpu.memory_space<semaphore_mem>>)
      %dma_wait3A_256 = arith.constant 0 : i32
      %dma_wait3A_257 = tpu.memref_slice %arg7[%add3A_169, %dma_wait3A_256] : memref<16384x300xf32, #tpu.memory_space<hbm>> -> memref<128x300xf32, #tpu.memory_space<hbm>>
      %dma_wait3A_258 = arith.constant 0 : i32
      %dma_wait3A_259 = tpu.memref_slice %arg7[%add3A_169, %dma_wait3A_258] : memref<16384x300xf32, #tpu.memory_space<hbm>> -> memref<128x300xf32, #tpu.memory_space<hbm>>
      tpu.wait_dma2 semaphore(%run_scoped3A : memref<!tpu.dma_semaphore, #tpu.memory_space<semaphore_mem>>) src(%arg12 : memref<128x300xf32, #tpu.memory_space<vmem>>) dst(%dma_wait3A_259 : memref<128x300xf32, #tpu.memory_space<hbm>>)
      tpu.yield
    }) : () -> ()
    %dma_wait3A_175 = arith.constant 8 : i32
    %dma_wait3A_176 = arith.constant 0 : i32
    %dma_wait3A_177 = tpu.memref_slice %arg9[%dma_wait3A_175, %dma_wait3A_176] : memref<12x128xi32, #tpu.memory_space<vmem>> -> memref<1x128xi32, #tpu.memory_space<vmem>>
    %dma_wait3A_178 = tpu.memref_squeeze %dma_wait3A_177 : memref<1x128xi32, #tpu.memory_space<vmem>> -> memref<128xi32, #tpu.memory_space<vmem>>
    %dma_wait3A_179 = arith.constant 0 : i32
    %dma_wait3A_180 = arith.constant 0 : i32
    %dma_wait3A_181 = tpu.memref_slice %arg5[%dma_wait3A_179, %dma_wait3A_180] : memref<100000x304xf32, #tpu.memory_space<hbm>> -> memref<100000x304xf32, #tpu.memory_space<hbm>>
    tpu.wait_indirect_dma semaphore(%arg13 : memref<!tpu.dma_semaphore, #tpu.memory_space<semaphore_mem>>) src(%dma_wait3A_181 : memref<100000x304xf32, #tpu.memory_space<hbm>>) dst(%arg10 : memref<128x304xf32, #tpu.memory_space<vmem>>)
    %dma_start3A_182 = arith.constant 9 : i32
    %dma_start3A_183 = arith.constant 0 : i32
    %dma_start3A_184 = tpu.memref_slice %arg9[%dma_start3A_182, %dma_start3A_183] : memref<12x128xi32, #tpu.memory_space<vmem>> -> memref<1x128xi32, #tpu.memory_space<vmem>>
    %dma_start3A_185 = tpu.memref_squeeze %dma_start3A_184 : memref<1x128xi32, #tpu.memory_space<vmem>> -> memref<128xi32, #tpu.memory_space<vmem>>
    %dma_start3A_186 = arith.constant 0 : i32
    %dma_start3A_187 = arith.constant 0 : i32
    %dma_start3A_188 = tpu.memref_slice %arg5[%dma_start3A_186, %dma_start3A_187] : memref<100000x304xf32, #tpu.memory_space<hbm>> -> memref<100000x304xf32, #tpu.memory_space<hbm>>
    tpu.enqueue_indirect_dma source(%dma_start3A_188 : memref<100000x304xf32, #tpu.memory_space<hbm>>) target(%arg11 : memref<128x304xf32, #tpu.memory_space<vmem>>) offsets(%dma_start3A_185 : memref<128xi32, #tpu.memory_space<vmem>>) semaphore(%arg14 : memref<!tpu.dma_semaphore, #tpu.memory_space<semaphore_mem>>)
    %add3A_189 = arith.constant 0 : i32
    %add3A_190 = arith.addi %mul3A_2, %add3A_189 : i32
    %scan3A_191 = arith.constant 0 : i32
    %scan3A_192 = arith.constant 128 : i32
    %scan3A_193 = arith.addi %scan3A_191, %scan3A_192 : i32
    %scan3A_194 = arith.constant 1 : i32
    scf.for %scan3A_252 = %scan3A_191 to %scan3A_193 step %scan3A_194  : i32 {
      %mul3A_253 = arith.constant 1 : i32
      %mul3A_254 = arith.muli %scan3A_252, %mul3A_253 : i32
      %add3A_255 = arith.constant 0 : i32
      %add3A_256 = arith.addi %add3A_255, %mul3A_254 : i32
      %get3A = arith.index_cast %add3A_256 : i32 to index
      %get3A_257 = arith.constant 0 : index
      %get3A_258 = tpu.vector_load %arg10[%get3A, %get3A_257] {strides = array<i32>} : memref<128x304xf32, #tpu.memory_space<vmem>>, vector<1x16xf32>,
      %get3A_259 = vector.shape_cast %get3A_258 : vector<1x16xf32> to vector<16xf32>
      %swap3A = arith.index_cast %add3A_256 : i32 to index
      %swap3A_260 = arith.constant 0 : index
      %swap3A_261 = tpu.vector_load %arg12[%swap3A, %swap3A_260] {strides = array<i32>} : memref<128x300xf32, #tpu.memory_space<vmem>>, vector<1x16xf32>,
      %swap3A_262 = vector.shape_cast %swap3A_261 : vector<1x16xf32> to vector<16xf32>
      %swap3A_263 = vector.shape_cast %get3A_259 : vector<16xf32> to vector<1x16xf32>
      tpu.vector_store %arg12[%swap3A, %swap3A_260], %swap3A_263 {strides = array<i32>} : memref<128x300xf32, #tpu.memory_space<vmem>>, vector<1x16xf32>,
      %get3A_264 = arith.index_cast %add3A_256 : i32 to index
      %get3A_265 = arith.constant 16 : index
      %get3A_266 = tpu.vector_load %arg10[%get3A_264, %get3A_265] {strides = array<i32>} : memref<128x304xf32, #tpu.memory_space<vmem>>, vector<1x16xf32>,
      %get3A_267 = vector.shape_cast %get3A_266 : vector<1x16xf32> to vector<16xf32>
      %swap3A_268 = arith.index_cast %add3A_256 : i32 to index
      %swap3A_269 = arith.constant 16 : index
      %swap3A_270 = tpu.vector_load %arg12[%swap3A_268, %swap3A_269] {strides = array<i32>} : memref<128x300xf32, #tpu.memory_space<vmem>>, vector<1x16xf32>,
      %swap3A_271 = vector.shape_cast %swap3A_270 : vector<1x16xf32> to vector<16xf32>
      %swap3A_272 = vector.shape_cast %get3A_267 : vector<16xf32> to vector<1x16xf32>
      tpu.vector_store %arg12[%swap3A_268, %swap3A_269], %swap3A_272 {strides = array<i32>} : memref<128x300xf32, #tpu.memory_space<vmem>>, vector<1x16xf32>,
      %get3A_273 = arith.index_cast %add3A_256 : i32 to index
      %get3A_274 = arith.constant 32 : index
      %get3A_275 = tpu.vector_load %arg10[%get3A_273, %get3A_274] {strides = array<i32>} : memref<128x304xf32, #tpu.memory_space<vmem>>, vector<1x16xf32>,
      %get3A_276 = vector.shape_cast %get3A_275 : vector<1x16xf32> to vector<16xf32>
      %swap3A_277 = arith.index_cast %add3A_256 : i32 to index
      %swap3A_278 = arith.constant 32 : index
      %swap3A_279 = tpu.vector_load %arg12[%swap3A_277, %swap3A_278] {strides = array<i32>} : memref<128x300xf32, #tpu.memory_space<vmem>>, vector<1x16xf32>,
      %swap3A_280 = vector.shape_cast %swap3A_279 : vector<1x16xf32> to vector<16xf32>
      %swap3A_281 = vector.shape_cast %get3A_276 : vector<16xf32> to vector<1x16xf32>
      tpu.vector_store %arg12[%swap3A_277, %swap3A_278], %swap3A_281 {strides = array<i32>} : memref<128x300xf32, #tpu.memory_space<vmem>>, vector<1x16xf32>,
      %get3A_282 = arith.index_cast %add3A_256 : i32 to index
      %get3A_283 = arith.constant 48 : index
      %get3A_284 = tpu.vector_load %arg10[%get3A_282, %get3A_283] {strides = array<i32>} : memref<128x304xf32, #tpu.memory_space<vmem>>, vector<1x16xf32>,
      %get3A_285 = vector.shape_cast %get3A_284 : vector<1x16xf32> to vector<16xf32>
      %swap3A_286 = arith.index_cast %add3A_256 : i32 to index
      %swap3A_287 = arith.constant 48 : index
      %swap3A_288 = tpu.vector_load %arg12[%swap3A_286, %swap3A_287] {strides = array<i32>} : memref<128x300xf32, #tpu.memory_space<vmem>>, vector<1x16xf32>,
      %swap3A_289 = vector.shape_cast %swap3A_288 : vector<1x16xf32> to vector<16xf32>
      %swap3A_290 = vector.shape_cast %get3A_285 : vector<16xf32> to vector<1x16xf32>
      tpu.vector_store %arg12[%swap3A_286, %swap3A_287], %swap3A_290 {strides = array<i32>} : memref<128x300xf32, #tpu.memory_space<vmem>>, vector<1x16xf32>,
      %get3A_291 = arith.index_cast %add3A_256 : i32 to index
      %get3A_292 = arith.constant 64 : index
      %get3A_293 = tpu.vector_load %arg10[%get3A_291, %get3A_292] {strides = array<i32>} : memref<128x304xf32, #tpu.memory_space<vmem>>, vector<1x16xf32>,
      %get3A_294 = vector.shape_cast %get3A_293 : vector<1x16xf32> to vector<16xf32>
      %swap3A_295 = arith.index_cast %add3A_256 : i32 to index
      %swap3A_296 = arith.constant 64 : index
      %swap3A_297 = tpu.vector_load %arg12[%swap3A_295, %swap3A_296] {strides = array<i32>} : memref<128x300xf32, #tpu.memory_space<vmem>>, vector<1x16xf32>,
      %swap3A_298 = vector.shape_cast %swap3A_297 : vector<1x16xf32> to vector<16xf32>
      %swap3A_299 = vector.shape_cast %get3A_294 : vector<16xf32> to vector<1x16xf32>
      tpu.vector_store %arg12[%swap3A_295, %swap3A_296], %swap3A_299 {strides = array<i32>} : memref<128x300xf32, #tpu.memory_space<vmem>>, vector<1x16xf32>,
      %get3A_300 = arith.index_cast %add3A_256 : i32 to index
      %get3A_301 = arith.constant 80 : index
      %get3A_302 = tpu.vector_load %arg10[%get3A_300, %get3A_301] {strides = array<i32>} : memref<128x304xf32, #tpu.memory_space<vmem>>, vector<1x16xf32>,
      %get3A_303 = vector.shape_cast %get3A_302 : vector<1x16xf32> to vector<16xf32>
      %swap3A_304 = arith.index_cast %add3A_256 : i32 to index
      %swap3A_305 = arith.constant 80 : index
      %swap3A_306 = tpu.vector_load %arg12[%swap3A_304, %swap3A_305] {strides = array<i32>} : memref<128x300xf32, #tpu.memory_space<vmem>>, vector<1x16xf32>,
      %swap3A_307 = vector.shape_cast %swap3A_306 : vector<1x16xf32> to vector<16xf32>
      %swap3A_308 = vector.shape_cast %get3A_303 : vector<16xf32> to vector<1x16xf32>
      tpu.vector_store %arg12[%swap3A_304, %swap3A_305], %swap3A_308 {strides = array<i32>} : memref<128x300xf32, #tpu.memory_space<vmem>>, vector<1x16xf32>,
      %get3A_309 = arith.index_cast %add3A_256 : i32 to index
      %get3A_310 = arith.constant 96 : index
      %get3A_311 = tpu.vector_load %arg10[%get3A_309, %get3A_310] {strides = array<i32>} : memref<128x304xf32, #tpu.memory_space<vmem>>, vector<1x16xf32>,
      %get3A_312 = vector.shape_cast %get3A_311 : vector<1x16xf32> to vector<16xf32>
      %swap3A_313 = arith.index_cast %add3A_256 : i32 to index
      %swap3A_314 = arith.constant 96 : index
      %swap3A_315 = tpu.vector_load %arg12[%swap3A_313, %swap3A_314] {strides = array<i32>} : memref<128x300xf32, #tpu.memory_space<vmem>>, vector<1x16xf32>,
      %swap3A_316 = vector.shape_cast %swap3A_315 : vector<1x16xf32> to vector<16xf32>
      %swap3A_317 = vector.shape_cast %get3A_312 : vector<16xf32> to vector<1x16xf32>
      tpu.vector_store %arg12[%swap3A_313, %swap3A_314], %swap3A_317 {strides = array<i32>} : memref<128x300xf32, #tpu.memory_space<vmem>>, vector<1x16xf32>,
      %get3A_318 = arith.index_cast %add3A_256 : i32 to index
      %get3A_319 = arith.constant 112 : index
      %get3A_320 = tpu.vector_load %arg10[%get3A_318, %get3A_319] {strides = array<i32>} : memref<128x304xf32, #tpu.memory_space<vmem>>, vector<1x16xf32>,
      %get3A_321 = vector.shape_cast %get3A_320 : vector<1x16xf32> to vector<16xf32>
      %swap3A_322 = arith.index_cast %add3A_256 : i32 to index
      %swap3A_323 = arith.constant 112 : index
      %swap3A_324 = tpu.vector_load %arg12[%swap3A_322, %swap3A_323] {strides = array<i32>} : memref<128x300xf32, #tpu.memory_space<vmem>>, vector<1x16xf32>,
      %swap3A_325 = vector.shape_cast %swap3A_324 : vector<1x16xf32> to vector<16xf32>
      %swap3A_326 = vector.shape_cast %get3A_321 : vector<16xf32> to vector<1x16xf32>
      tpu.vector_store %arg12[%swap3A_322, %swap3A_323], %swap3A_326 {strides = array<i32>} : memref<128x300xf32, #tpu.memory_space<vmem>>, vector<1x16xf32>,
      %get3A_327 = arith.index_cast %add3A_256 : i32 to index
      %get3A_328 = arith.constant 128 : index
      %get3A_329 = tpu.vector_load %arg10[%get3A_327, %get3A_328] {strides = array<i32>} : memref<128x304xf32, #tpu.memory_space<vmem>>, vector<1x16xf32>,
      %get3A_330 = vector.shape_cast %get3A_329 : vector<1x16xf32> to vector<16xf32>
      %swap3A_331 = arith.index_cast %add3A_256 : i32 to index
      %swap3A_332 = arith.constant 128 : index
      %swap3A_333 = tpu.vector_load %arg12[%swap3A_331, %swap3A_332] {strides = array<i32>} : memref<128x300xf32, #tpu.memory_space<vmem>>, vector<1x16xf32>,
      %swap3A_334 = vector.shape_cast %swap3A_333 : vector<1x16xf32> to vector<16xf32>
      %swap3A_335 = vector.shape_cast %get3A_330 : vector<16xf32> to vector<1x16xf32>
      tpu.vector_store %arg12[%swap3A_331, %swap3A_332], %swap3A_335 {strides = array<i32>} : memref<128x300xf32, #tpu.memory_space<vmem>>, vector<1x16xf32>,
      %get3A_336 = arith.index_cast %add3A_256 : i32 to index
      %get3A_337 = arith.constant 144 : index
      %get3A_338 = tpu.vector_load %arg10[%get3A_336, %get3A_337] {strides = array<i32>} : memref<128x304xf32, #tpu.memory_space<vmem>>, vector<1x16xf32>,
      %get3A_339 = vector.shape_cast %get3A_338 : vector<1x16xf32> to vector<16xf32>
      %swap3A_340 = arith.index_cast %add3A_256 : i32 to index
      %swap3A_341 = arith.constant 144 : index
      %swap3A_342 = tpu.vector_load %arg12[%swap3A_340, %swap3A_341] {strides = array<i32>} : memref<128x300xf32, #tpu.memory_space<vmem>>, vector<1x16xf32>,
      %swap3A_343 = vector.shape_cast %swap3A_342 : vector<1x16xf32> to vector<16xf32>
      %swap3A_344 = vector.shape_cast %get3A_339 : vector<16xf32> to vector<1x16xf32>
      tpu.vector_store %arg12[%swap3A_340, %swap3A_341], %swap3A_344 {strides = array<i32>} : memref<128x300xf32, #tpu.memory_space<vmem>>, vector<1x16xf32>,
      %get3A_345 = arith.index_cast %add3A_256 : i32 to index
      %get3A_346 = arith.constant 160 : index
      %get3A_347 = tpu.vector_load %arg10[%get3A_345, %get3A_346] {strides = array<i32>} : memref<128x304xf32, #tpu.memory_space<vmem>>, vector<1x16xf32>,
      %get3A_348 = vector.shape_cast %get3A_347 : vector<1x16xf32> to vector<16xf32>
      %swap3A_349 = arith.index_cast %add3A_256 : i32 to index
      %swap3A_350 = arith.constant 160 : index
      %swap3A_351 = tpu.vector_load %arg12[%swap3A_349, %swap3A_350] {strides = array<i32>} : memref<128x300xf32, #tpu.memory_space<vmem>>, vector<1x16xf32>,
      %swap3A_352 = vector.shape_cast %swap3A_351 : vector<1x16xf32> to vector<16xf32>
      %swap3A_353 = vector.shape_cast %get3A_348 : vector<16xf32> to vector<1x16xf32>
      tpu.vector_store %arg12[%swap3A_349, %swap3A_350], %swap3A_353 {strides = array<i32>} : memref<128x300xf32, #tpu.memory_space<vmem>>, vector<1x16xf32>,
      %get3A_354 = arith.index_cast %add3A_256 : i32 to index
      %get3A_355 = arith.constant 176 : index
      %get3A_356 = tpu.vector_load %arg10[%get3A_354, %get3A_355] {strides = array<i32>} : memref<128x304xf32, #tpu.memory_space<vmem>>, vector<1x16xf32>,
      %get3A_357 = vector.shape_cast %get3A_356 : vector<1x16xf32> to vector<16xf32>
      %swap3A_358 = arith.index_cast %add3A_256 : i32 to index
      %swap3A_359 = arith.constant 176 : index
      %swap3A_360 = tpu.vector_load %arg12[%swap3A_358, %swap3A_359] {strides = array<i32>} : memref<128x300xf32, #tpu.memory_space<vmem>>, vector<1x16xf32>,
      %swap3A_361 = vector.shape_cast %swap3A_360 : vector<1x16xf32> to vector<16xf32>
      %swap3A_362 = vector.shape_cast %get3A_357 : vector<16xf32> to vector<1x16xf32>
      tpu.vector_store %arg12[%swap3A_358, %swap3A_359], %swap3A_362 {strides = array<i32>} : memref<128x300xf32, #tpu.memory_space<vmem>>, vector<1x16xf32>,
      %get3A_363 = arith.index_cast %add3A_256 : i32 to index
      %get3A_364 = arith.constant 192 : index
      %get3A_365 = tpu.vector_load %arg10[%get3A_363, %get3A_364] {strides = array<i32>} : memref<128x304xf32, #tpu.memory_space<vmem>>, vector<1x16xf32>,
      %get3A_366 = vector.shape_cast %get3A_365 : vector<1x16xf32> to vector<16xf32>
      %swap3A_367 = arith.index_cast %add3A_256 : i32 to index
      %swap3A_368 = arith.constant 192 : index
      %swap3A_369 = tpu.vector_load %arg12[%swap3A_367, %swap3A_368] {strides = array<i32>} : memref<128x300xf32, #tpu.memory_space<vmem>>, vector<1x16xf32>,
      %swap3A_370 = vector.shape_cast %swap3A_369 : vector<1x16xf32> to vector<16xf32>
      %swap3A_371 = vector.shape_cast %get3A_366 : vector<16xf32> to vector<1x16xf32>
      tpu.vector_store %arg12[%swap3A_367, %swap3A_368], %swap3A_371 {strides = array<i32>} : memref<128x300xf32, #tpu.memory_space<vmem>>, vector<1x16xf32>,
      %get3A_372 = arith.index_cast %add3A_256 : i32 to index
      %get3A_373 = arith.constant 208 : index
      %get3A_374 = tpu.vector_load %arg10[%get3A_372, %get3A_373] {strides = array<i32>} : memref<128x304xf32, #tpu.memory_space<vmem>>, vector<1x16xf32>,
      %get3A_375 = vector.shape_cast %get3A_374 : vector<1x16xf32> to vector<16xf32>
      %swap3A_376 = arith.index_cast %add3A_256 : i32 to index
      %swap3A_377 = arith.constant 208 : index
      %swap3A_378 = tpu.vector_load %arg12[%swap3A_376, %swap3A_377] {strides = array<i32>} : memref<128x300xf32, #tpu.memory_space<vmem>>, vector<1x16xf32>,
      %swap3A_379 = vector.shape_cast %swap3A_378 : vector<1x16xf32> to vector<16xf32>
      %swap3A_380 = vector.shape_cast %get3A_375 : vector<16xf32> to vector<1x16xf32>
      tpu.vector_store %arg12[%swap3A_376, %swap3A_377], %swap3A_380 {strides = array<i32>} : memref<128x300xf32, #tpu.memory_space<vmem>>, vector<1x16xf32>,
      %get3A_381 = arith.index_cast %add3A_256 : i32 to index
      %get3A_382 = arith.constant 224 : index
      %get3A_383 = tpu.vector_load %arg10[%get3A_381, %get3A_382] {strides = array<i32>} : memref<128x304xf32, #tpu.memory_space<vmem>>, vector<1x16xf32>,
      %get3A_384 = vector.shape_cast %get3A_383 : vector<1x16xf32> to vector<16xf32>
      %swap3A_385 = arith.index_cast %add3A_256 : i32 to index
      %swap3A_386 = arith.constant 224 : index
      %swap3A_387 = tpu.vector_load %arg12[%swap3A_385, %swap3A_386] {strides = array<i32>} : memref<128x300xf32, #tpu.memory_space<vmem>>, vector<1x16xf32>,
      %swap3A_388 = vector.shape_cast %swap3A_387 : vector<1x16xf32> to vector<16xf32>
      %swap3A_389 = vector.shape_cast %get3A_384 : vector<16xf32> to vector<1x16xf32>
      tpu.vector_store %arg12[%swap3A_385, %swap3A_386], %swap3A_389 {strides = array<i32>} : memref<128x300xf32, #tpu.memory_space<vmem>>, vector<1x16xf32>,
      %get3A_390 = arith.index_cast %add3A_256 : i32 to index
      %get3A_391 = arith.constant 240 : index
      %get3A_392 = tpu.vector_load %arg10[%get3A_390, %get3A_391] {strides = array<i32>} : memref<128x304xf32, #tpu.memory_space<vmem>>, vector<1x16xf32>,
      %get3A_393 = vector.shape_cast %get3A_392 : vector<1x16xf32> to vector<16xf32>
      %swap3A_394 = arith.index_cast %add3A_256 : i32 to index
      %swap3A_395 = arith.constant 240 : index
      %swap3A_396 = tpu.vector_load %arg12[%swap3A_394, %swap3A_395] {strides = array<i32>} : memref<128x300xf32, #tpu.memory_space<vmem>>, vector<1x16xf32>,
      %swap3A_397 = vector.shape_cast %swap3A_396 : vector<1x16xf32> to vector<16xf32>
      %swap3A_398 = vector.shape_cast %get3A_393 : vector<16xf32> to vector<1x16xf32>
      tpu.vector_store %arg12[%swap3A_394, %swap3A_395], %swap3A_398 {strides = array<i32>} : memref<128x300xf32, #tpu.memory_space<vmem>>, vector<1x16xf32>,
      %get3A_399 = arith.index_cast %add3A_256 : i32 to index
      %get3A_400 = arith.constant 256 : index
      %get3A_401 = tpu.vector_load %arg10[%get3A_399, %get3A_400] {strides = array<i32>} : memref<128x304xf32, #tpu.memory_space<vmem>>, vector<1x16xf32>,
      %get3A_402 = vector.shape_cast %get3A_401 : vector<1x16xf32> to vector<16xf32>
      %swap3A_403 = arith.index_cast %add3A_256 : i32 to index
      %swap3A_404 = arith.constant 256 : index
      %swap3A_405 = tpu.vector_load %arg12[%swap3A_403, %swap3A_404] {strides = array<i32>} : memref<128x300xf32, #tpu.memory_space<vmem>>, vector<1x16xf32>,
      %swap3A_406 = vector.shape_cast %swap3A_405 : vector<1x16xf32> to vector<16xf32>
      %swap3A_407 = vector.shape_cast %get3A_402 : vector<16xf32> to vector<1x16xf32>
      tpu.vector_store %arg12[%swap3A_403, %swap3A_404], %swap3A_407 {strides = array<i32>} : memref<128x300xf32, #tpu.memory_space<vmem>>, vector<1x16xf32>,
      %get3A_408 = arith.index_cast %add3A_256 : i32 to index
      %get3A_409 = arith.constant 272 : index
      %get3A_410 = tpu.vector_load %arg10[%get3A_408, %get3A_409] {strides = array<i32>} : memref<128x304xf32, #tpu.memory_space<vmem>>, vector<1x16xf32>,
      %get3A_411 = vector.shape_cast %get3A_410 : vector<1x16xf32> to vector<16xf32>
      %swap3A_412 = arith.index_cast %add3A_256 : i32 to index
      %swap3A_413 = arith.constant 272 : index
      %swap3A_414 = tpu.vector_load %arg12[%swap3A_412, %swap3A_413] {strides = array<i32>} : memref<128x300xf32, #tpu.memory_space<vmem>>, vector<1x16xf32>,
      %swap3A_415 = vector.shape_cast %swap3A_414 : vector<1x16xf32> to vector<16xf32>
      %swap3A_416 = vector.shape_cast %get3A_411 : vector<16xf32> to vector<1x16xf32>
      tpu.vector_store %arg12[%swap3A_412, %swap3A_413], %swap3A_416 {strides = array<i32>} : memref<128x300xf32, #tpu.memory_space<vmem>>, vector<1x16xf32>,
      %get3A_417 = arith.index_cast %add3A_256 : i32 to index
      %get3A_418 = arith.constant 284 : index
      %get3A_419 = tpu.vector_load %arg10[%get3A_417, %get3A_418] {strides = array<i32>} : memref<128x304xf32, #tpu.memory_space<vmem>>, vector<1x16xf32>,
      %get3A_420 = vector.shape_cast %get3A_419 : vector<1x16xf32> to vector<16xf32>
      %swap3A_421 = arith.index_cast %add3A_256 : i32 to index
      %swap3A_422 = arith.constant 284 : index
      %swap3A_423 = tpu.vector_load %arg12[%swap3A_421, %swap3A_422] {strides = array<i32>} : memref<128x300xf32, #tpu.memory_space<vmem>>, vector<1x16xf32>,
      %swap3A_424 = vector.shape_cast %swap3A_423 : vector<1x16xf32> to vector<16xf32>
      %swap3A_425 = vector.shape_cast %get3A_420 : vector<16xf32> to vector<1x16xf32>
      tpu.vector_store %arg12[%swap3A_421, %swap3A_422], %swap3A_425 {strides = array<i32>} : memref<128x300xf32, #tpu.memory_space<vmem>>, vector<1x16xf32>,
    }
    %scan3A_195 = arith.constant 128 : i32
    "tpu.region"() ({
      %run_scoped3A = tpu.sem_alloc : memref<!tpu.dma_semaphore, #tpu.memory_space<semaphore_mem>>
      %dma_start3A_252 = arith.constant 0 : i32
      %dma_start3A_253 = tpu.memref_slice %arg8[%add3A_190, %dma_start3A_252] : memref<16384x300xf32, #tpu.memory_space<hbm>> -> memref<128x300xf32, #tpu.memory_space<hbm>>
      %dma_start3A_254 = arith.constant 0 : i32
      %dma_start3A_255 = tpu.memref_slice %arg8[%add3A_190, %dma_start3A_254] : memref<16384x300xf32, #tpu.memory_space<hbm>> -> memref<128x300xf32, #tpu.memory_space<hbm>>
      tpu.enqueue_dma source(%arg12 : memref<128x300xf32, #tpu.memory_space<vmem>>) target(%dma_start3A_255 : memref<128x300xf32, #tpu.memory_space<hbm>>) target_semaphore(%run_scoped3A : memref<!tpu.dma_semaphore, #tpu.memory_space<semaphore_mem>>)
      %dma_wait3A_256 = arith.constant 0 : i32
      %dma_wait3A_257 = tpu.memref_slice %arg8[%add3A_190, %dma_wait3A_256] : memref<16384x300xf32, #tpu.memory_space<hbm>> -> memref<128x300xf32, #tpu.memory_space<hbm>>
      %dma_wait3A_258 = arith.constant 0 : i32
      %dma_wait3A_259 = tpu.memref_slice %arg8[%add3A_190, %dma_wait3A_258] : memref<16384x300xf32, #tpu.memory_space<hbm>> -> memref<128x300xf32, #tpu.memory_space<hbm>>
      tpu.wait_dma2 semaphore(%run_scoped3A : memref<!tpu.dma_semaphore, #tpu.memory_space<semaphore_mem>>) src(%arg12 : memref<128x300xf32, #tpu.memory_space<vmem>>) dst(%dma_wait3A_259 : memref<128x300xf32, #tpu.memory_space<hbm>>)
      tpu.yield
    }) : () -> ()
    %dma_wait3A_196 = arith.constant 9 : i32
    %dma_wait3A_197 = arith.constant 0 : i32
    %dma_wait3A_198 = tpu.memref_slice %arg9[%dma_wait3A_196, %dma_wait3A_197] : memref<12x128xi32, #tpu.memory_space<vmem>> -> memref<1x128xi32, #tpu.memory_space<vmem>>
    %dma_wait3A_199 = tpu.memref_squeeze %dma_wait3A_198 : memref<1x128xi32, #tpu.memory_space<vmem>> -> memref<128xi32, #tpu.memory_space<vmem>>
    %dma_wait3A_200 = arith.constant 0 : i32
    %dma_wait3A_201 = arith.constant 0 : i32
    %dma_wait3A_202 = tpu.memref_slice %arg5[%dma_wait3A_200, %dma_wait3A_201] : memref<100000x304xf32, #tpu.memory_space<hbm>> -> memref<100000x304xf32, #tpu.memory_space<hbm>>
    tpu.wait_indirect_dma semaphore(%arg14 : memref<!tpu.dma_semaphore, #tpu.memory_space<semaphore_mem>>) src(%dma_wait3A_202 : memref<100000x304xf32, #tpu.memory_space<hbm>>) dst(%arg11 : memref<128x304xf32, #tpu.memory_space<vmem>>)
    %dma_start3A_203 = arith.constant 10 : i32
    %dma_start3A_204 = arith.constant 0 : i32
    %dma_start3A_205 = tpu.memref_slice %arg9[%dma_start3A_203, %dma_start3A_204] : memref<12x128xi32, #tpu.memory_space<vmem>> -> memref<1x128xi32, #tpu.memory_space<vmem>>
    %dma_start3A_206 = tpu.memref_squeeze %dma_start3A_205 : memref<1x128xi32, #tpu.memory_space<vmem>> -> memref<128xi32, #tpu.memory_space<vmem>>
    %dma_start3A_207 = arith.constant 0 : i32
    %dma_start3A_208 = arith.constant 0 : i32
    %dma_start3A_209 = tpu.memref_slice %arg5[%dma_start3A_207, %dma_start3A_208] : memref<100000x304xf32, #tpu.memory_space<hbm>> -> memref<100000x304xf32, #tpu.memory_space<hbm>>
    tpu.enqueue_indirect_dma source(%dma_start3A_209 : memref<100000x304xf32, #tpu.memory_space<hbm>>) target(%arg10 : memref<128x304xf32, #tpu.memory_space<vmem>>) offsets(%dma_start3A_206 : memref<128xi32, #tpu.memory_space<vmem>>) semaphore(%arg13 : memref<!tpu.dma_semaphore, #tpu.memory_space<semaphore_mem>>)
    %add3A_210 = arith.constant 128 : i32
    %add3A_211 = arith.addi %mul3A_2, %add3A_210 : i32
    %scan3A_212 = arith.constant 0 : i32
    %scan3A_213 = arith.constant 128 : i32
    %scan3A_214 = arith.addi %scan3A_212, %scan3A_213 : i32
    %scan3A_215 = arith.constant 1 : i32
    scf.for %scan3A_252 = %scan3A_212 to %scan3A_214 step %scan3A_215  : i32 {
      %mul3A_253 = arith.constant 1 : i32
      %mul3A_254 = arith.muli %scan3A_252, %mul3A_253 : i32
      %add3A_255 = arith.constant 0 : i32
      %add3A_256 = arith.addi %add3A_255, %mul3A_254 : i32
      %get3A = arith.index_cast %add3A_256 : i32 to index
      %get3A_257 = arith.constant 0 : index
      %get3A_258 = tpu.vector_load %arg11[%get3A, %get3A_257] {strides = array<i32>} : memref<128x304xf32, #tpu.memory_space<vmem>>, vector<1x16xf32>,
      %get3A_259 = vector.shape_cast %get3A_258 : vector<1x16xf32> to vector<16xf32>
      %swap3A = arith.index_cast %add3A_256 : i32 to index
      %swap3A_260 = arith.constant 0 : index
      %swap3A_261 = tpu.vector_load %arg12[%swap3A, %swap3A_260] {strides = array<i32>} : memref<128x300xf32, #tpu.memory_space<vmem>>, vector<1x16xf32>,
      %swap3A_262 = vector.shape_cast %swap3A_261 : vector<1x16xf32> to vector<16xf32>
      %swap3A_263 = vector.shape_cast %get3A_259 : vector<16xf32> to vector<1x16xf32>
      tpu.vector_store %arg12[%swap3A, %swap3A_260], %swap3A_263 {strides = array<i32>} : memref<128x300xf32, #tpu.memory_space<vmem>>, vector<1x16xf32>,
      %get3A_264 = arith.index_cast %add3A_256 : i32 to index
      %get3A_265 = arith.constant 16 : index
      %get3A_266 = tpu.vector_load %arg11[%get3A_264, %get3A_265] {strides = array<i32>} : memref<128x304xf32, #tpu.memory_space<vmem>>, vector<1x16xf32>,
      %get3A_267 = vector.shape_cast %get3A_266 : vector<1x16xf32> to vector<16xf32>
      %swap3A_268 = arith.index_cast %add3A_256 : i32 to index
      %swap3A_269 = arith.constant 16 : index
      %swap3A_270 = tpu.vector_load %arg12[%swap3A_268, %swap3A_269] {strides = array<i32>} : memref<128x300xf32, #tpu.memory_space<vmem>>, vector<1x16xf32>,
      %swap3A_271 = vector.shape_cast %swap3A_270 : vector<1x16xf32> to vector<16xf32>
      %swap3A_272 = vector.shape_cast %get3A_267 : vector<16xf32> to vector<1x16xf32>
      tpu.vector_store %arg12[%swap3A_268, %swap3A_269], %swap3A_272 {strides = array<i32>} : memref<128x300xf32, #tpu.memory_space<vmem>>, vector<1x16xf32>,
      %get3A_273 = arith.index_cast %add3A_256 : i32 to index
      %get3A_274 = arith.constant 32 : index
      %get3A_275 = tpu.vector_load %arg11[%get3A_273, %get3A_274] {strides = array<i32>} : memref<128x304xf32, #tpu.memory_space<vmem>>, vector<1x16xf32>,
      %get3A_276 = vector.shape_cast %get3A_275 : vector<1x16xf32> to vector<16xf32>
      %swap3A_277 = arith.index_cast %add3A_256 : i32 to index
      %swap3A_278 = arith.constant 32 : index
      %swap3A_279 = tpu.vector_load %arg12[%swap3A_277, %swap3A_278] {strides = array<i32>} : memref<128x300xf32, #tpu.memory_space<vmem>>, vector<1x16xf32>,
      %swap3A_280 = vector.shape_cast %swap3A_279 : vector<1x16xf32> to vector<16xf32>
      %swap3A_281 = vector.shape_cast %get3A_276 : vector<16xf32> to vector<1x16xf32>
      tpu.vector_store %arg12[%swap3A_277, %swap3A_278], %swap3A_281 {strides = array<i32>} : memref<128x300xf32, #tpu.memory_space<vmem>>, vector<1x16xf32>,
      %get3A_282 = arith.index_cast %add3A_256 : i32 to index
      %get3A_283 = arith.constant 48 : index
      %get3A_284 = tpu.vector_load %arg11[%get3A_282, %get3A_283] {strides = array<i32>} : memref<128x304xf32, #tpu.memory_space<vmem>>, vector<1x16xf32>,
      %get3A_285 = vector.shape_cast %get3A_284 : vector<1x16xf32> to vector<16xf32>
      %swap3A_286 = arith.index_cast %add3A_256 : i32 to index
      %swap3A_287 = arith.constant 48 : index
      %swap3A_288 = tpu.vector_load %arg12[%swap3A_286, %swap3A_287] {strides = array<i32>} : memref<128x300xf32, #tpu.memory_space<vmem>>, vector<1x16xf32>,
      %swap3A_289 = vector.shape_cast %swap3A_288 : vector<1x16xf32> to vector<16xf32>
      %swap3A_290 = vector.shape_cast %get3A_285 : vector<16xf32> to vector<1x16xf32>
      tpu.vector_store %arg12[%swap3A_286, %swap3A_287], %swap3A_290 {strides = array<i32>} : memref<128x300xf32, #tpu.memory_space<vmem>>, vector<1x16xf32>,
      %get3A_291 = arith.index_cast %add3A_256 : i32 to index
      %get3A_292 = arith.constant 64 : index
      %get3A_293 = tpu.vector_load %arg11[%get3A_291, %get3A_292] {strides = array<i32>} : memref<128x304xf32, #tpu.memory_space<vmem>>, vector<1x16xf32>,
      %get3A_294 = vector.shape_cast %get3A_293 : vector<1x16xf32> to vector<16xf32>
      %swap3A_295 = arith.index_cast %add3A_256 : i32 to index
      %swap3A_296 = arith.constant 64 : index
      %swap3A_297 = tpu.vector_load %arg12[%swap3A_295, %swap3A_296] {strides = array<i32>} : memref<128x300xf32, #tpu.memory_space<vmem>>, vector<1x16xf32>,
      %swap3A_298 = vector.shape_cast %swap3A_297 : vector<1x16xf32> to vector<16xf32>
      %swap3A_299 = vector.shape_cast %get3A_294 : vector<16xf32> to vector<1x16xf32>
      tpu.vector_store %arg12[%swap3A_295, %swap3A_296], %swap3A_299 {strides = array<i32>} : memref<128x300xf32, #tpu.memory_space<vmem>>, vector<1x16xf32>,
      %get3A_300 = arith.index_cast %add3A_256 : i32 to index
      %get3A_301 = arith.constant 80 : index
      %get3A_302 = tpu.vector_load %arg11[%get3A_300, %get3A_301] {strides = array<i32>} : memref<128x304xf32, #tpu.memory_space<vmem>>, vector<1x16xf32>,
      %get3A_303 = vector.shape_cast %get3A_302 : vector<1x16xf32> to vector<16xf32>
      %swap3A_304 = arith.index_cast %add3A_256 : i32 to index
      %swap3A_305 = arith.constant 80 : index
      %swap3A_306 = tpu.vector_load %arg12[%swap3A_304, %swap3A_305] {strides = array<i32>} : memref<128x300xf32, #tpu.memory_space<vmem>>, vector<1x16xf32>,
      %swap3A_307 = vector.shape_cast %swap3A_306 : vector<1x16xf32> to vector<16xf32>
      %swap3A_308 = vector.shape_cast %get3A_303 : vector<16xf32> to vector<1x16xf32>
      tpu.vector_store %arg12[%swap3A_304, %swap3A_305], %swap3A_308 {strides = array<i32>} : memref<128x300xf32, #tpu.memory_space<vmem>>, vector<1x16xf32>,
      %get3A_309 = arith.index_cast %add3A_256 : i32 to index
      %get3A_310 = arith.constant 96 : index
      %get3A_311 = tpu.vector_load %arg11[%get3A_309, %get3A_310] {strides = array<i32>} : memref<128x304xf32, #tpu.memory_space<vmem>>, vector<1x16xf32>,
      %get3A_312 = vector.shape_cast %get3A_311 : vector<1x16xf32> to vector<16xf32>
      %swap3A_313 = arith.index_cast %add3A_256 : i32 to index
      %swap3A_314 = arith.constant 96 : index
      %swap3A_315 = tpu.vector_load %arg12[%swap3A_313, %swap3A_314] {strides = array<i32>} : memref<128x300xf32, #tpu.memory_space<vmem>>, vector<1x16xf32>,
      %swap3A_316 = vector.shape_cast %swap3A_315 : vector<1x16xf32> to vector<16xf32>
      %swap3A_317 = vector.shape_cast %get3A_312 : vector<16xf32> to vector<1x16xf32>
      tpu.vector_store %arg12[%swap3A_313, %swap3A_314], %swap3A_317 {strides = array<i32>} : memref<128x300xf32, #tpu.memory_space<vmem>>, vector<1x16xf32>,
      %get3A_318 = arith.index_cast %add3A_256 : i32 to index
      %get3A_319 = arith.constant 112 : index
      %get3A_320 = tpu.vector_load %arg11[%get3A_318, %get3A_319] {strides = array<i32>} : memref<128x304xf32, #tpu.memory_space<vmem>>, vector<1x16xf32>,
      %get3A_321 = vector.shape_cast %get3A_320 : vector<1x16xf32> to vector<16xf32>
      %swap3A_322 = arith.index_cast %add3A_256 : i32 to index
      %swap3A_323 = arith.constant 112 : index
      %swap3A_324 = tpu.vector_load %arg12[%swap3A_322, %swap3A_323] {strides = array<i32>} : memref<128x300xf32, #tpu.memory_space<vmem>>, vector<1x16xf32>,
      %swap3A_325 = vector.shape_cast %swap3A_324 : vector<1x16xf32> to vector<16xf32>
      %swap3A_326 = vector.shape_cast %get3A_321 : vector<16xf32> to vector<1x16xf32>
      tpu.vector_store %arg12[%swap3A_322, %swap3A_323], %swap3A_326 {strides = array<i32>} : memref<128x300xf32, #tpu.memory_space<vmem>>, vector<1x16xf32>,
      %get3A_327 = arith.index_cast %add3A_256 : i32 to index
      %get3A_328 = arith.constant 128 : index
      %get3A_329 = tpu.vector_load %arg11[%get3A_327, %get3A_328] {strides = array<i32>} : memref<128x304xf32, #tpu.memory_space<vmem>>, vector<1x16xf32>,
      %get3A_330 = vector.shape_cast %get3A_329 : vector<1x16xf32> to vector<16xf32>
      %swap3A_331 = arith.index_cast %add3A_256 : i32 to index
      %swap3A_332 = arith.constant 128 : index
      %swap3A_333 = tpu.vector_load %arg12[%swap3A_331, %swap3A_332] {strides = array<i32>} : memref<128x300xf32, #tpu.memory_space<vmem>>, vector<1x16xf32>,
      %swap3A_334 = vector.shape_cast %swap3A_333 : vector<1x16xf32> to vector<16xf32>
      %swap3A_335 = vector.shape_cast %get3A_330 : vector<16xf32> to vector<1x16xf32>
      tpu.vector_store %arg12[%swap3A_331, %swap3A_332], %swap3A_335 {strides = array<i32>} : memref<128x300xf32, #tpu.memory_space<vmem>>, vector<1x16xf32>,
      %get3A_336 = arith.index_cast %add3A_256 : i32 to index
      %get3A_337 = arith.constant 144 : index
      %get3A_338 = tpu.vector_load %arg11[%get3A_336, %get3A_337] {strides = array<i32>} : memref<128x304xf32, #tpu.memory_space<vmem>>, vector<1x16xf32>,
      %get3A_339 = vector.shape_cast %get3A_338 : vector<1x16xf32> to vector<16xf32>
      %swap3A_340 = arith.index_cast %add3A_256 : i32 to index
      %swap3A_341 = arith.constant 144 : index
      %swap3A_342 = tpu.vector_load %arg12[%swap3A_340, %swap3A_341] {strides = array<i32>} : memref<128x300xf32, #tpu.memory_space<vmem>>, vector<1x16xf32>,
      %swap3A_343 = vector.shape_cast %swap3A_342 : vector<1x16xf32> to vector<16xf32>
      %swap3A_344 = vector.shape_cast %get3A_339 : vector<16xf32> to vector<1x16xf32>
      tpu.vector_store %arg12[%swap3A_340, %swap3A_341], %swap3A_344 {strides = array<i32>} : memref<128x300xf32, #tpu.memory_space<vmem>>, vector<1x16xf32>,
      %get3A_345 = arith.index_cast %add3A_256 : i32 to index
      %get3A_346 = arith.constant 160 : index
      %get3A_347 = tpu.vector_load %arg11[%get3A_345, %get3A_346] {strides = array<i32>} : memref<128x304xf32, #tpu.memory_space<vmem>>, vector<1x16xf32>,
      %get3A_348 = vector.shape_cast %get3A_347 : vector<1x16xf32> to vector<16xf32>
      %swap3A_349 = arith.index_cast %add3A_256 : i32 to index
      %swap3A_350 = arith.constant 160 : index
      %swap3A_351 = tpu.vector_load %arg12[%swap3A_349, %swap3A_350] {strides = array<i32>} : memref<128x300xf32, #tpu.memory_space<vmem>>, vector<1x16xf32>,
      %swap3A_352 = vector.shape_cast %swap3A_351 : vector<1x16xf32> to vector<16xf32>
      %swap3A_353 = vector.shape_cast %get3A_348 : vector<16xf32> to vector<1x16xf32>
      tpu.vector_store %arg12[%swap3A_349, %swap3A_350], %swap3A_353 {strides = array<i32>} : memref<128x300xf32, #tpu.memory_space<vmem>>, vector<1x16xf32>,
      %get3A_354 = arith.index_cast %add3A_256 : i32 to index
      %get3A_355 = arith.constant 176 : index
      %get3A_356 = tpu.vector_load %arg11[%get3A_354, %get3A_355] {strides = array<i32>} : memref<128x304xf32, #tpu.memory_space<vmem>>, vector<1x16xf32>,
      %get3A_357 = vector.shape_cast %get3A_356 : vector<1x16xf32> to vector<16xf32>
      %swap3A_358 = arith.index_cast %add3A_256 : i32 to index
      %swap3A_359 = arith.constant 176 : index
      %swap3A_360 = tpu.vector_load %arg12[%swap3A_358, %swap3A_359] {strides = array<i32>} : memref<128x300xf32, #tpu.memory_space<vmem>>, vector<1x16xf32>,
      %swap3A_361 = vector.shape_cast %swap3A_360 : vector<1x16xf32> to vector<16xf32>
      %swap3A_362 = vector.shape_cast %get3A_357 : vector<16xf32> to vector<1x16xf32>
      tpu.vector_store %arg12[%swap3A_358, %swap3A_359], %swap3A_362 {strides = array<i32>} : memref<128x300xf32, #tpu.memory_space<vmem>>, vector<1x16xf32>,
      %get3A_363 = arith.index_cast %add3A_256 : i32 to index
      %get3A_364 = arith.constant 192 : index
      %get3A_365 = tpu.vector_load %arg11[%get3A_363, %get3A_364] {strides = array<i32>} : memref<128x304xf32, #tpu.memory_space<vmem>>, vector<1x16xf32>,
      %get3A_366 = vector.shape_cast %get3A_365 : vector<1x16xf32> to vector<16xf32>
      %swap3A_367 = arith.index_cast %add3A_256 : i32 to index
      %swap3A_368 = arith.constant 192 : index
      %swap3A_369 = tpu.vector_load %arg12[%swap3A_367, %swap3A_368] {strides = array<i32>} : memref<128x300xf32, #tpu.memory_space<vmem>>, vector<1x16xf32>,
      %swap3A_370 = vector.shape_cast %swap3A_369 : vector<1x16xf32> to vector<16xf32>
      %swap3A_371 = vector.shape_cast %get3A_366 : vector<16xf32> to vector<1x16xf32>
      tpu.vector_store %arg12[%swap3A_367, %swap3A_368], %swap3A_371 {strides = array<i32>} : memref<128x300xf32, #tpu.memory_space<vmem>>, vector<1x16xf32>,
      %get3A_372 = arith.index_cast %add3A_256 : i32 to index
      %get3A_373 = arith.constant 208 : index
      %get3A_374 = tpu.vector_load %arg11[%get3A_372, %get3A_373] {strides = array<i32>} : memref<128x304xf32, #tpu.memory_space<vmem>>, vector<1x16xf32>,
      %get3A_375 = vector.shape_cast %get3A_374 : vector<1x16xf32> to vector<16xf32>
      %swap3A_376 = arith.index_cast %add3A_256 : i32 to index
      %swap3A_377 = arith.constant 208 : index
      %swap3A_378 = tpu.vector_load %arg12[%swap3A_376, %swap3A_377] {strides = array<i32>} : memref<128x300xf32, #tpu.memory_space<vmem>>, vector<1x16xf32>,
      %swap3A_379 = vector.shape_cast %swap3A_378 : vector<1x16xf32> to vector<16xf32>
      %swap3A_380 = vector.shape_cast %get3A_375 : vector<16xf32> to vector<1x16xf32>
      tpu.vector_store %arg12[%swap3A_376, %swap3A_377], %swap3A_380 {strides = array<i32>} : memref<128x300xf32, #tpu.memory_space<vmem>>, vector<1x16xf32>,
      %get3A_381 = arith.index_cast %add3A_256 : i32 to index
      %get3A_382 = arith.constant 224 : index
      %get3A_383 = tpu.vector_load %arg11[%get3A_381, %get3A_382] {strides = array<i32>} : memref<128x304xf32, #tpu.memory_space<vmem>>, vector<1x16xf32>,
      %get3A_384 = vector.shape_cast %get3A_383 : vector<1x16xf32> to vector<16xf32>
      %swap3A_385 = arith.index_cast %add3A_256 : i32 to index
      %swap3A_386 = arith.constant 224 : index
      %swap3A_387 = tpu.vector_load %arg12[%swap3A_385, %swap3A_386] {strides = array<i32>} : memref<128x300xf32, #tpu.memory_space<vmem>>, vector<1x16xf32>,
      %swap3A_388 = vector.shape_cast %swap3A_387 : vector<1x16xf32> to vector<16xf32>
      %swap3A_389 = vector.shape_cast %get3A_384 : vector<16xf32> to vector<1x16xf32>
      tpu.vector_store %arg12[%swap3A_385, %swap3A_386], %swap3A_389 {strides = array<i32>} : memref<128x300xf32, #tpu.memory_space<vmem>>, vector<1x16xf32>,
      %get3A_390 = arith.index_cast %add3A_256 : i32 to index
      %get3A_391 = arith.constant 240 : index
      %get3A_392 = tpu.vector_load %arg11[%get3A_390, %get3A_391] {strides = array<i32>} : memref<128x304xf32, #tpu.memory_space<vmem>>, vector<1x16xf32>,
      %get3A_393 = vector.shape_cast %get3A_392 : vector<1x16xf32> to vector<16xf32>
      %swap3A_394 = arith.index_cast %add3A_256 : i32 to index
      %swap3A_395 = arith.constant 240 : index
      %swap3A_396 = tpu.vector_load %arg12[%swap3A_394, %swap3A_395] {strides = array<i32>} : memref<128x300xf32, #tpu.memory_space<vmem>>, vector<1x16xf32>,
      %swap3A_397 = vector.shape_cast %swap3A_396 : vector<1x16xf32> to vector<16xf32>
      %swap3A_398 = vector.shape_cast %get3A_393 : vector<16xf32> to vector<1x16xf32>
      tpu.vector_store %arg12[%swap3A_394, %swap3A_395], %swap3A_398 {strides = array<i32>} : memref<128x300xf32, #tpu.memory_space<vmem>>, vector<1x16xf32>,
      %get3A_399 = arith.index_cast %add3A_256 : i32 to index
      %get3A_400 = arith.constant 256 : index
      %get3A_401 = tpu.vector_load %arg11[%get3A_399, %get3A_400] {strides = array<i32>} : memref<128x304xf32, #tpu.memory_space<vmem>>, vector<1x16xf32>,
      %get3A_402 = vector.shape_cast %get3A_401 : vector<1x16xf32> to vector<16xf32>
      %swap3A_403 = arith.index_cast %add3A_256 : i32 to index
      %swap3A_404 = arith.constant 256 : index
      %swap3A_405 = tpu.vector_load %arg12[%swap3A_403, %swap3A_404] {strides = array<i32>} : memref<128x300xf32, #tpu.memory_space<vmem>>, vector<1x16xf32>,
      %swap3A_406 = vector.shape_cast %swap3A_405 : vector<1x16xf32> to vector<16xf32>
      %swap3A_407 = vector.shape_cast %get3A_402 : vector<16xf32> to vector<1x16xf32>
      tpu.vector_store %arg12[%swap3A_403, %swap3A_404], %swap3A_407 {strides = array<i32>} : memref<128x300xf32, #tpu.memory_space<vmem>>, vector<1x16xf32>,
      %get3A_408 = arith.index_cast %add3A_256 : i32 to index
      %get3A_409 = arith.constant 272 : index
      %get3A_410 = tpu.vector_load %arg11[%get3A_408, %get3A_409] {strides = array<i32>} : memref<128x304xf32, #tpu.memory_space<vmem>>, vector<1x16xf32>,
      %get3A_411 = vector.shape_cast %get3A_410 : vector<1x16xf32> to vector<16xf32>
      %swap3A_412 = arith.index_cast %add3A_256 : i32 to index
      %swap3A_413 = arith.constant 272 : index
      %swap3A_414 = tpu.vector_load %arg12[%swap3A_412, %swap3A_413] {strides = array<i32>} : memref<128x300xf32, #tpu.memory_space<vmem>>, vector<1x16xf32>,
      %swap3A_415 = vector.shape_cast %swap3A_414 : vector<1x16xf32> to vector<16xf32>
      %swap3A_416 = vector.shape_cast %get3A_411 : vector<16xf32> to vector<1x16xf32>
      tpu.vector_store %arg12[%swap3A_412, %swap3A_413], %swap3A_416 {strides = array<i32>} : memref<128x300xf32, #tpu.memory_space<vmem>>, vector<1x16xf32>,
      %get3A_417 = arith.index_cast %add3A_256 : i32 to index
      %get3A_418 = arith.constant 284 : index
      %get3A_419 = tpu.vector_load %arg11[%get3A_417, %get3A_418] {strides = array<i32>} : memref<128x304xf32, #tpu.memory_space<vmem>>, vector<1x16xf32>,
      %get3A_420 = vector.shape_cast %get3A_419 : vector<1x16xf32> to vector<16xf32>
      %swap3A_421 = arith.index_cast %add3A_256 : i32 to index
      %swap3A_422 = arith.constant 284 : index
      %swap3A_423 = tpu.vector_load %arg12[%swap3A_421, %swap3A_422] {strides = array<i32>} : memref<128x300xf32, #tpu.memory_space<vmem>>, vector<1x16xf32>,
      %swap3A_424 = vector.shape_cast %swap3A_423 : vector<1x16xf32> to vector<16xf32>
      %swap3A_425 = vector.shape_cast %get3A_420 : vector<16xf32> to vector<1x16xf32>
      tpu.vector_store %arg12[%swap3A_421, %swap3A_422], %swap3A_425 {strides = array<i32>} : memref<128x300xf32, #tpu.memory_space<vmem>>, vector<1x16xf32>,
    }
    %scan3A_216 = arith.constant 128 : i32
    "tpu.region"() ({
      %run_scoped3A = tpu.sem_alloc : memref<!tpu.dma_semaphore, #tpu.memory_space<semaphore_mem>>
      %dma_start3A_252 = arith.constant 0 : i32
      %dma_start3A_253 = tpu.memref_slice %arg8[%add3A_211, %dma_start3A_252] : memref<16384x300xf32, #tpu.memory_space<hbm>> -> memref<128x300xf32, #tpu.memory_space<hbm>>
      %dma_start3A_254 = arith.constant 0 : i32
      %dma_start3A_255 = tpu.memref_slice %arg8[%add3A_211, %dma_start3A_254] : memref<16384x300xf32, #tpu.memory_space<hbm>> -> memref<128x300xf32, #tpu.memory_space<hbm>>
      tpu.enqueue_dma source(%arg12 : memref<128x300xf32, #tpu.memory_space<vmem>>) target(%dma_start3A_255 : memref<128x300xf32, #tpu.memory_space<hbm>>) target_semaphore(%run_scoped3A : memref<!tpu.dma_semaphore, #tpu.memory_space<semaphore_mem>>)
      %dma_wait3A_256 = arith.constant 0 : i32
      %dma_wait3A_257 = tpu.memref_slice %arg8[%add3A_211, %dma_wait3A_256] : memref<16384x300xf32, #tpu.memory_space<hbm>> -> memref<128x300xf32, #tpu.memory_space<hbm>>
      %dma_wait3A_258 = arith.constant 0 : i32
      %dma_wait3A_259 = tpu.memref_slice %arg8[%add3A_211, %dma_wait3A_258] : memref<16384x300xf32, #tpu.memory_space<hbm>> -> memref<128x300xf32, #tpu.memory_space<hbm>>
      tpu.wait_dma2 semaphore(%run_scoped3A : memref<!tpu.dma_semaphore, #tpu.memory_space<semaphore_mem>>) src(%arg12 : memref<128x300xf32, #tpu.memory_space<vmem>>) dst(%dma_wait3A_259 : memref<128x300xf32, #tpu.memory_space<hbm>>)
      tpu.yield
    }) : () -> ()
    %dma_wait3A_217 = arith.constant 10 : i32
    %dma_wait3A_218 = arith.constant 0 : i32
    %dma_wait3A_219 = tpu.memref_slice %arg9[%dma_wait3A_217, %dma_wait3A_218] : memref<12x128xi32, #tpu.memory_space<vmem>> -> memref<1x128xi32, #tpu.memory_space<vmem>>
    %dma_wait3A_220 = tpu.memref_squeeze %dma_wait3A_219 : memref<1x128xi32, #tpu.memory_space<vmem>> -> memref<128xi32, #tpu.memory_space<vmem>>
    %dma_wait3A_221 = arith.constant 0 : i32
    %dma_wait3A_222 = arith.constant 0 : i32
    %dma_wait3A_223 = tpu.memref_slice %arg5[%dma_wait3A_221, %dma_wait3A_222] : memref<100000x304xf32, #tpu.memory_space<hbm>> -> memref<100000x304xf32, #tpu.memory_space<hbm>>
    tpu.wait_indirect_dma semaphore(%arg13 : memref<!tpu.dma_semaphore, #tpu.memory_space<semaphore_mem>>) src(%dma_wait3A_223 : memref<100000x304xf32, #tpu.memory_space<hbm>>) dst(%arg10 : memref<128x304xf32, #tpu.memory_space<vmem>>)
    %dma_start3A_224 = arith.constant 11 : i32
    %dma_start3A_225 = arith.constant 0 : i32
    %dma_start3A_226 = tpu.memref_slice %arg9[%dma_start3A_224, %dma_start3A_225] : memref<12x128xi32, #tpu.memory_space<vmem>> -> memref<1x128xi32, #tpu.memory_space<vmem>>
    %dma_start3A_227 = tpu.memref_squeeze %dma_start3A_226 : memref<1x128xi32, #tpu.memory_space<vmem>> -> memref<128xi32, #tpu.memory_space<vmem>>
    %dma_start3A_228 = arith.constant 0 : i32
    %dma_start3A_229 = arith.constant 0 : i32
    %dma_start3A_230 = tpu.memref_slice %arg5[%dma_start3A_228, %dma_start3A_229] : memref<100000x304xf32, #tpu.memory_space<hbm>> -> memref<100000x304xf32, #tpu.memory_space<hbm>>
    tpu.enqueue_indirect_dma source(%dma_start3A_230 : memref<100000x304xf32, #tpu.memory_space<hbm>>) target(%arg11 : memref<128x304xf32, #tpu.memory_space<vmem>>) offsets(%dma_start3A_227 : memref<128xi32, #tpu.memory_space<vmem>>) semaphore(%arg14 : memref<!tpu.dma_semaphore, #tpu.memory_space<semaphore_mem>>)
    %add3A_231 = arith.constant 256 : i32
    %add3A_232 = arith.addi %mul3A_2, %add3A_231 : i32
    %scan3A_233 = arith.constant 0 : i32
    %scan3A_234 = arith.constant 128 : i32
    %scan3A_235 = arith.addi %scan3A_233, %scan3A_234 : i32
    %scan3A_236 = arith.constant 1 : i32
    scf.for %scan3A_252 = %scan3A_233 to %scan3A_235 step %scan3A_236  : i32 {
      %mul3A_253 = arith.constant 1 : i32
      %mul3A_254 = arith.muli %scan3A_252, %mul3A_253 : i32
      %add3A_255 = arith.constant 0 : i32
      %add3A_256 = arith.addi %add3A_255, %mul3A_254 : i32
      %get3A = arith.index_cast %add3A_256 : i32 to index
      %get3A_257 = arith.constant 0 : index
      %get3A_258 = tpu.vector_load %arg10[%get3A, %get3A_257] {strides = array<i32>} : memref<128x304xf32, #tpu.memory_space<vmem>>, vector<1x16xf32>,
      %get3A_259 = vector.shape_cast %get3A_258 : vector<1x16xf32> to vector<16xf32>
      %swap3A = arith.index_cast %add3A_256 : i32 to index
      %swap3A_260 = arith.constant 0 : index
      %swap3A_261 = tpu.vector_load %arg12[%swap3A, %swap3A_260] {strides = array<i32>} : memref<128x300xf32, #tpu.memory_space<vmem>>, vector<1x16xf32>,
      %swap3A_262 = vector.shape_cast %swap3A_261 : vector<1x16xf32> to vector<16xf32>
      %swap3A_263 = vector.shape_cast %get3A_259 : vector<16xf32> to vector<1x16xf32>
      tpu.vector_store %arg12[%swap3A, %swap3A_260], %swap3A_263 {strides = array<i32>} : memref<128x300xf32, #tpu.memory_space<vmem>>, vector<1x16xf32>,
      %get3A_264 = arith.index_cast %add3A_256 : i32 to index
      %get3A_265 = arith.constant 16 : index
      %get3A_266 = tpu.vector_load %arg10[%get3A_264, %get3A_265] {strides = array<i32>} : memref<128x304xf32, #tpu.memory_space<vmem>>, vector<1x16xf32>,
      %get3A_267 = vector.shape_cast %get3A_266 : vector<1x16xf32> to vector<16xf32>
      %swap3A_268 = arith.index_cast %add3A_256 : i32 to index
      %swap3A_269 = arith.constant 16 : index
      %swap3A_270 = tpu.vector_load %arg12[%swap3A_268, %swap3A_269] {strides = array<i32>} : memref<128x300xf32, #tpu.memory_space<vmem>>, vector<1x16xf32>,
      %swap3A_271 = vector.shape_cast %swap3A_270 : vector<1x16xf32> to vector<16xf32>
      %swap3A_272 = vector.shape_cast %get3A_267 : vector<16xf32> to vector<1x16xf32>
      tpu.vector_store %arg12[%swap3A_268, %swap3A_269], %swap3A_272 {strides = array<i32>} : memref<128x300xf32, #tpu.memory_space<vmem>>, vector<1x16xf32>,
      %get3A_273 = arith.index_cast %add3A_256 : i32 to index
      %get3A_274 = arith.constant 32 : index
      %get3A_275 = tpu.vector_load %arg10[%get3A_273, %get3A_274] {strides = array<i32>} : memref<128x304xf32, #tpu.memory_space<vmem>>, vector<1x16xf32>,
      %get3A_276 = vector.shape_cast %get3A_275 : vector<1x16xf32> to vector<16xf32>
      %swap3A_277 = arith.index_cast %add3A_256 : i32 to index
      %swap3A_278 = arith.constant 32 : index
      %swap3A_279 = tpu.vector_load %arg12[%swap3A_277, %swap3A_278] {strides = array<i32>} : memref<128x300xf32, #tpu.memory_space<vmem>>, vector<1x16xf32>,
      %swap3A_280 = vector.shape_cast %swap3A_279 : vector<1x16xf32> to vector<16xf32>
      %swap3A_281 = vector.shape_cast %get3A_276 : vector<16xf32> to vector<1x16xf32>
      tpu.vector_store %arg12[%swap3A_277, %swap3A_278], %swap3A_281 {strides = array<i32>} : memref<128x300xf32, #tpu.memory_space<vmem>>, vector<1x16xf32>,
      %get3A_282 = arith.index_cast %add3A_256 : i32 to index
      %get3A_283 = arith.constant 48 : index
      %get3A_284 = tpu.vector_load %arg10[%get3A_282, %get3A_283] {strides = array<i32>} : memref<128x304xf32, #tpu.memory_space<vmem>>, vector<1x16xf32>,
      %get3A_285 = vector.shape_cast %get3A_284 : vector<1x16xf32> to vector<16xf32>
      %swap3A_286 = arith.index_cast %add3A_256 : i32 to index
      %swap3A_287 = arith.constant 48 : index
      %swap3A_288 = tpu.vector_load %arg12[%swap3A_286, %swap3A_287] {strides = array<i32>} : memref<128x300xf32, #tpu.memory_space<vmem>>, vector<1x16xf32>,
      %swap3A_289 = vector.shape_cast %swap3A_288 : vector<1x16xf32> to vector<16xf32>
      %swap3A_290 = vector.shape_cast %get3A_285 : vector<16xf32> to vector<1x16xf32>
      tpu.vector_store %arg12[%swap3A_286, %swap3A_287], %swap3A_290 {strides = array<i32>} : memref<128x300xf32, #tpu.memory_space<vmem>>, vector<1x16xf32>,
      %get3A_291 = arith.index_cast %add3A_256 : i32 to index
      %get3A_292 = arith.constant 64 : index
      %get3A_293 = tpu.vector_load %arg10[%get3A_291, %get3A_292] {strides = array<i32>} : memref<128x304xf32, #tpu.memory_space<vmem>>, vector<1x16xf32>,
      %get3A_294 = vector.shape_cast %get3A_293 : vector<1x16xf32> to vector<16xf32>
      %swap3A_295 = arith.index_cast %add3A_256 : i32 to index
      %swap3A_296 = arith.constant 64 : index
      %swap3A_297 = tpu.vector_load %arg12[%swap3A_295, %swap3A_296] {strides = array<i32>} : memref<128x300xf32, #tpu.memory_space<vmem>>, vector<1x16xf32>,
      %swap3A_298 = vector.shape_cast %swap3A_297 : vector<1x16xf32> to vector<16xf32>
      %swap3A_299 = vector.shape_cast %get3A_294 : vector<16xf32> to vector<1x16xf32>
      tpu.vector_store %arg12[%swap3A_295, %swap3A_296], %swap3A_299 {strides = array<i32>} : memref<128x300xf32, #tpu.memory_space<vmem>>, vector<1x16xf32>,
      %get3A_300 = arith.index_cast %add3A_256 : i32 to index
      %get3A_301 = arith.constant 80 : index
      %get3A_302 = tpu.vector_load %arg10[%get3A_300, %get3A_301] {strides = array<i32>} : memref<128x304xf32, #tpu.memory_space<vmem>>, vector<1x16xf32>,
      %get3A_303 = vector.shape_cast %get3A_302 : vector<1x16xf32> to vector<16xf32>
      %swap3A_304 = arith.index_cast %add3A_256 : i32 to index
      %swap3A_305 = arith.constant 80 : index
      %swap3A_306 = tpu.vector_load %arg12[%swap3A_304, %swap3A_305] {strides = array<i32>} : memref<128x300xf32, #tpu.memory_space<vmem>>, vector<1x16xf32>,
      %swap3A_307 = vector.shape_cast %swap3A_306 : vector<1x16xf32> to vector<16xf32>
      %swap3A_308 = vector.shape_cast %get3A_303 : vector<16xf32> to vector<1x16xf32>
      tpu.vector_store %arg12[%swap3A_304, %swap3A_305], %swap3A_308 {strides = array<i32>} : memref<128x300xf32, #tpu.memory_space<vmem>>, vector<1x16xf32>,
      %get3A_309 = arith.index_cast %add3A_256 : i32 to index
      %get3A_310 = arith.constant 96 : index
      %get3A_311 = tpu.vector_load %arg10[%get3A_309, %get3A_310] {strides = array<i32>} : memref<128x304xf32, #tpu.memory_space<vmem>>, vector<1x16xf32>,
      %get3A_312 = vector.shape_cast %get3A_311 : vector<1x16xf32> to vector<16xf32>
      %swap3A_313 = arith.index_cast %add3A_256 : i32 to index
      %swap3A_314 = arith.constant 96 : index
      %swap3A_315 = tpu.vector_load %arg12[%swap3A_313, %swap3A_314] {strides = array<i32>} : memref<128x300xf32, #tpu.memory_space<vmem>>, vector<1x16xf32>,
      %swap3A_316 = vector.shape_cast %swap3A_315 : vector<1x16xf32> to vector<16xf32>
      %swap3A_317 = vector.shape_cast %get3A_312 : vector<16xf32> to vector<1x16xf32>
      tpu.vector_store %arg12[%swap3A_313, %swap3A_314], %swap3A_317 {strides = array<i32>} : memref<128x300xf32, #tpu.memory_space<vmem>>, vector<1x16xf32>,
      %get3A_318 = arith.index_cast %add3A_256 : i32 to index
      %get3A_319 = arith.constant 112 : index
      %get3A_320 = tpu.vector_load %arg10[%get3A_318, %get3A_319] {strides = array<i32>} : memref<128x304xf32, #tpu.memory_space<vmem>>, vector<1x16xf32>,
      %get3A_321 = vector.shape_cast %get3A_320 : vector<1x16xf32> to vector<16xf32>
      %swap3A_322 = arith.index_cast %add3A_256 : i32 to index
      %swap3A_323 = arith.constant 112 : index
      %swap3A_324 = tpu.vector_load %arg12[%swap3A_322, %swap3A_323] {strides = array<i32>} : memref<128x300xf32, #tpu.memory_space<vmem>>, vector<1x16xf32>,
      %swap3A_325 = vector.shape_cast %swap3A_324 : vector<1x16xf32> to vector<16xf32>
      %swap3A_326 = vector.shape_cast %get3A_321 : vector<16xf32> to vector<1x16xf32>
      tpu.vector_store %arg12[%swap3A_322, %swap3A_323], %swap3A_326 {strides = array<i32>} : memref<128x300xf32, #tpu.memory_space<vmem>>, vector<1x16xf32>,
      %get3A_327 = arith.index_cast %add3A_256 : i32 to index
      %get3A_328 = arith.constant 128 : index
      %get3A_329 = tpu.vector_load %arg10[%get3A_327, %get3A_328] {strides = array<i32>} : memref<128x304xf32, #tpu.memory_space<vmem>>, vector<1x16xf32>,
      %get3A_330 = vector.shape_cast %get3A_329 : vector<1x16xf32> to vector<16xf32>
      %swap3A_331 = arith.index_cast %add3A_256 : i32 to index
      %swap3A_332 = arith.constant 128 : index
      %swap3A_333 = tpu.vector_load %arg12[%swap3A_331, %swap3A_332] {strides = array<i32>} : memref<128x300xf32, #tpu.memory_space<vmem>>, vector<1x16xf32>,
      %swap3A_334 = vector.shape_cast %swap3A_333 : vector<1x16xf32> to vector<16xf32>
      %swap3A_335 = vector.shape_cast %get3A_330 : vector<16xf32> to vector<1x16xf32>
      tpu.vector_store %arg12[%swap3A_331, %swap3A_332], %swap3A_335 {strides = array<i32>} : memref<128x300xf32, #tpu.memory_space<vmem>>, vector<1x16xf32>,
      %get3A_336 = arith.index_cast %add3A_256 : i32 to index
      %get3A_337 = arith.constant 144 : index
      %get3A_338 = tpu.vector_load %arg10[%get3A_336, %get3A_337] {strides = array<i32>} : memref<128x304xf32, #tpu.memory_space<vmem>>, vector<1x16xf32>,
      %get3A_339 = vector.shape_cast %get3A_338 : vector<1x16xf32> to vector<16xf32>
      %swap3A_340 = arith.index_cast %add3A_256 : i32 to index
      %swap3A_341 = arith.constant 144 : index
      %swap3A_342 = tpu.vector_load %arg12[%swap3A_340, %swap3A_341] {strides = array<i32>} : memref<128x300xf32, #tpu.memory_space<vmem>>, vector<1x16xf32>,
      %swap3A_343 = vector.shape_cast %swap3A_342 : vector<1x16xf32> to vector<16xf32>
      %swap3A_344 = vector.shape_cast %get3A_339 : vector<16xf32> to vector<1x16xf32>
      tpu.vector_store %arg12[%swap3A_340, %swap3A_341], %swap3A_344 {strides = array<i32>} : memref<128x300xf32, #tpu.memory_space<vmem>>, vector<1x16xf32>,
      %get3A_345 = arith.index_cast %add3A_256 : i32 to index
      %get3A_346 = arith.constant 160 : index
      %get3A_347 = tpu.vector_load %arg10[%get3A_345, %get3A_346] {strides = array<i32>} : memref<128x304xf32, #tpu.memory_space<vmem>>, vector<1x16xf32>,
      %get3A_348 = vector.shape_cast %get3A_347 : vector<1x16xf32> to vector<16xf32>
      %swap3A_349 = arith.index_cast %add3A_256 : i32 to index
      %swap3A_350 = arith.constant 160 : index
      %swap3A_351 = tpu.vector_load %arg12[%swap3A_349, %swap3A_350] {strides = array<i32>} : memref<128x300xf32, #tpu.memory_space<vmem>>, vector<1x16xf32>,
      %swap3A_352 = vector.shape_cast %swap3A_351 : vector<1x16xf32> to vector<16xf32>
      %swap3A_353 = vector.shape_cast %get3A_348 : vector<16xf32> to vector<1x16xf32>
      tpu.vector_store %arg12[%swap3A_349, %swap3A_350], %swap3A_353 {strides = array<i32>} : memref<128x300xf32, #tpu.memory_space<vmem>>, vector<1x16xf32>,
      %get3A_354 = arith.index_cast %add3A_256 : i32 to index
      %get3A_355 = arith.constant 176 : index
      %get3A_356 = tpu.vector_load %arg10[%get3A_354, %get3A_355] {strides = array<i32>} : memref<128x304xf32, #tpu.memory_space<vmem>>, vector<1x16xf32>,
      %get3A_357 = vector.shape_cast %get3A_356 : vector<1x16xf32> to vector<16xf32>
      %swap3A_358 = arith.index_cast %add3A_256 : i32 to index
      %swap3A_359 = arith.constant 176 : index
      %swap3A_360 = tpu.vector_load %arg12[%swap3A_358, %swap3A_359] {strides = array<i32>} : memref<128x300xf32, #tpu.memory_space<vmem>>, vector<1x16xf32>,
      %swap3A_361 = vector.shape_cast %swap3A_360 : vector<1x16xf32> to vector<16xf32>
      %swap3A_362 = vector.shape_cast %get3A_357 : vector<16xf32> to vector<1x16xf32>
      tpu.vector_store %arg12[%swap3A_358, %swap3A_359], %swap3A_362 {strides = array<i32>} : memref<128x300xf32, #tpu.memory_space<vmem>>, vector<1x16xf32>,
      %get3A_363 = arith.index_cast %add3A_256 : i32 to index
      %get3A_364 = arith.constant 192 : index
      %get3A_365 = tpu.vector_load %arg10[%get3A_363, %get3A_364] {strides = array<i32>} : memref<128x304xf32, #tpu.memory_space<vmem>>, vector<1x16xf32>,
      %get3A_366 = vector.shape_cast %get3A_365 : vector<1x16xf32> to vector<16xf32>
      %swap3A_367 = arith.index_cast %add3A_256 : i32 to index
      %swap3A_368 = arith.constant 192 : index
      %swap3A_369 = tpu.vector_load %arg12[%swap3A_367, %swap3A_368] {strides = array<i32>} : memref<128x300xf32, #tpu.memory_space<vmem>>, vector<1x16xf32>,
      %swap3A_370 = vector.shape_cast %swap3A_369 : vector<1x16xf32> to vector<16xf32>
      %swap3A_371 = vector.shape_cast %get3A_366 : vector<16xf32> to vector<1x16xf32>
      tpu.vector_store %arg12[%swap3A_367, %swap3A_368], %swap3A_371 {strides = array<i32>} : memref<128x300xf32, #tpu.memory_space<vmem>>, vector<1x16xf32>,
      %get3A_372 = arith.index_cast %add3A_256 : i32 to index
      %get3A_373 = arith.constant 208 : index
      %get3A_374 = tpu.vector_load %arg10[%get3A_372, %get3A_373] {strides = array<i32>} : memref<128x304xf32, #tpu.memory_space<vmem>>, vector<1x16xf32>,
      %get3A_375 = vector.shape_cast %get3A_374 : vector<1x16xf32> to vector<16xf32>
      %swap3A_376 = arith.index_cast %add3A_256 : i32 to index
      %swap3A_377 = arith.constant 208 : index
      %swap3A_378 = tpu.vector_load %arg12[%swap3A_376, %swap3A_377] {strides = array<i32>} : memref<128x300xf32, #tpu.memory_space<vmem>>, vector<1x16xf32>,
      %swap3A_379 = vector.shape_cast %swap3A_378 : vector<1x16xf32> to vector<16xf32>
      %swap3A_380 = vector.shape_cast %get3A_375 : vector<16xf32> to vector<1x16xf32>
      tpu.vector_store %arg12[%swap3A_376, %swap3A_377], %swap3A_380 {strides = array<i32>} : memref<128x300xf32, #tpu.memory_space<vmem>>, vector<1x16xf32>,
      %get3A_381 = arith.index_cast %add3A_256 : i32 to index
      %get3A_382 = arith.constant 224 : index
      %get3A_383 = tpu.vector_load %arg10[%get3A_381, %get3A_382] {strides = array<i32>} : memref<128x304xf32, #tpu.memory_space<vmem>>, vector<1x16xf32>,
      %get3A_384 = vector.shape_cast %get3A_383 : vector<1x16xf32> to vector<16xf32>
      %swap3A_385 = arith.index_cast %add3A_256 : i32 to index
      %swap3A_386 = arith.constant 224 : index
      %swap3A_387 = tpu.vector_load %arg12[%swap3A_385, %swap3A_386] {strides = array<i32>} : memref<128x300xf32, #tpu.memory_space<vmem>>, vector<1x16xf32>,
      %swap3A_388 = vector.shape_cast %swap3A_387 : vector<1x16xf32> to vector<16xf32>
      %swap3A_389 = vector.shape_cast %get3A_384 : vector<16xf32> to vector<1x16xf32>
      tpu.vector_store %arg12[%swap3A_385, %swap3A_386], %swap3A_389 {strides = array<i32>} : memref<128x300xf32, #tpu.memory_space<vmem>>, vector<1x16xf32>,
      %get3A_390 = arith.index_cast %add3A_256 : i32 to index
      %get3A_391 = arith.constant 240 : index
      %get3A_392 = tpu.vector_load %arg10[%get3A_390, %get3A_391] {strides = array<i32>} : memref<128x304xf32, #tpu.memory_space<vmem>>, vector<1x16xf32>,
      %get3A_393 = vector.shape_cast %get3A_392 : vector<1x16xf32> to vector<16xf32>
      %swap3A_394 = arith.index_cast %add3A_256 : i32 to index
      %swap3A_395 = arith.constant 240 : index
      %swap3A_396 = tpu.vector_load %arg12[%swap3A_394, %swap3A_395] {strides = array<i32>} : memref<128x300xf32, #tpu.memory_space<vmem>>, vector<1x16xf32>,
      %swap3A_397 = vector.shape_cast %swap3A_396 : vector<1x16xf32> to vector<16xf32>
      %swap3A_398 = vector.shape_cast %get3A_393 : vector<16xf32> to vector<1x16xf32>
      tpu.vector_store %arg12[%swap3A_394, %swap3A_395], %swap3A_398 {strides = array<i32>} : memref<128x300xf32, #tpu.memory_space<vmem>>, vector<1x16xf32>,
      %get3A_399 = arith.index_cast %add3A_256 : i32 to index
      %get3A_400 = arith.constant 256 : index
      %get3A_401 = tpu.vector_load %arg10[%get3A_399, %get3A_400] {strides = array<i32>} : memref<128x304xf32, #tpu.memory_space<vmem>>, vector<1x16xf32>,
      %get3A_402 = vector.shape_cast %get3A_401 : vector<1x16xf32> to vector<16xf32>
      %swap3A_403 = arith.index_cast %add3A_256 : i32 to index
      %swap3A_404 = arith.constant 256 : index
      %swap3A_405 = tpu.vector_load %arg12[%swap3A_403, %swap3A_404] {strides = array<i32>} : memref<128x300xf32, #tpu.memory_space<vmem>>, vector<1x16xf32>,
      %swap3A_406 = vector.shape_cast %swap3A_405 : vector<1x16xf32> to vector<16xf32>
      %swap3A_407 = vector.shape_cast %get3A_402 : vector<16xf32> to vector<1x16xf32>
      tpu.vector_store %arg12[%swap3A_403, %swap3A_404], %swap3A_407 {strides = array<i32>} : memref<128x300xf32, #tpu.memory_space<vmem>>, vector<1x16xf32>,
      %get3A_408 = arith.index_cast %add3A_256 : i32 to index
      %get3A_409 = arith.constant 272 : index
      %get3A_410 = tpu.vector_load %arg10[%get3A_408, %get3A_409] {strides = array<i32>} : memref<128x304xf32, #tpu.memory_space<vmem>>, vector<1x16xf32>,
      %get3A_411 = vector.shape_cast %get3A_410 : vector<1x16xf32> to vector<16xf32>
      %swap3A_412 = arith.index_cast %add3A_256 : i32 to index
      %swap3A_413 = arith.constant 272 : index
      %swap3A_414 = tpu.vector_load %arg12[%swap3A_412, %swap3A_413] {strides = array<i32>} : memref<128x300xf32, #tpu.memory_space<vmem>>, vector<1x16xf32>,
      %swap3A_415 = vector.shape_cast %swap3A_414 : vector<1x16xf32> to vector<16xf32>
      %swap3A_416 = vector.shape_cast %get3A_411 : vector<16xf32> to vector<1x16xf32>
      tpu.vector_store %arg12[%swap3A_412, %swap3A_413], %swap3A_416 {strides = array<i32>} : memref<128x300xf32, #tpu.memory_space<vmem>>, vector<1x16xf32>,
      %get3A_417 = arith.index_cast %add3A_256 : i32 to index
      %get3A_418 = arith.constant 284 : index
      %get3A_419 = tpu.vector_load %arg10[%get3A_417, %get3A_418] {strides = array<i32>} : memref<128x304xf32, #tpu.memory_space<vmem>>, vector<1x16xf32>,
      %get3A_420 = vector.shape_cast %get3A_419 : vector<1x16xf32> to vector<16xf32>
      %swap3A_421 = arith.index_cast %add3A_256 : i32 to index
      %swap3A_422 = arith.constant 284 : index
      %swap3A_423 = tpu.vector_load %arg12[%swap3A_421, %swap3A_422] {strides = array<i32>} : memref<128x300xf32, #tpu.memory_space<vmem>>, vector<1x16xf32>,
      %swap3A_424 = vector.shape_cast %swap3A_423 : vector<1x16xf32> to vector<16xf32>
      %swap3A_425 = vector.shape_cast %get3A_420 : vector<16xf32> to vector<1x16xf32>
      tpu.vector_store %arg12[%swap3A_421, %swap3A_422], %swap3A_425 {strides = array<i32>} : memref<128x300xf32, #tpu.memory_space<vmem>>, vector<1x16xf32>,
    }
    %scan3A_237 = arith.constant 128 : i32
    "tpu.region"() ({
      %run_scoped3A = tpu.sem_alloc : memref<!tpu.dma_semaphore, #tpu.memory_space<semaphore_mem>>
      %dma_start3A_252 = arith.constant 0 : i32
      %dma_start3A_253 = tpu.memref_slice %arg8[%add3A_232, %dma_start3A_252] : memref<16384x300xf32, #tpu.memory_space<hbm>> -> memref<128x300xf32, #tpu.memory_space<hbm>>
      %dma_start3A_254 = arith.constant 0 : i32
      %dma_start3A_255 = tpu.memref_slice %arg8[%add3A_232, %dma_start3A_254] : memref<16384x300xf32, #tpu.memory_space<hbm>> -> memref<128x300xf32, #tpu.memory_space<hbm>>
      tpu.enqueue_dma source(%arg12 : memref<128x300xf32, #tpu.memory_space<vmem>>) target(%dma_start3A_255 : memref<128x300xf32, #tpu.memory_space<hbm>>) target_semaphore(%run_scoped3A : memref<!tpu.dma_semaphore, #tpu.memory_space<semaphore_mem>>)
      %dma_wait3A_256 = arith.constant 0 : i32
      %dma_wait3A_257 = tpu.memref_slice %arg8[%add3A_232, %dma_wait3A_256] : memref<16384x300xf32, #tpu.memory_space<hbm>> -> memref<128x300xf32, #tpu.memory_space<hbm>>
      %dma_wait3A_258 = arith.constant 0 : i32
      %dma_wait3A_259 = tpu.memref_slice %arg8[%add3A_232, %dma_wait3A_258] : memref<16384x300xf32, #tpu.memory_space<hbm>> -> memref<128x300xf32, #tpu.memory_space<hbm>>
      tpu.wait_dma2 semaphore(%run_scoped3A : memref<!tpu.dma_semaphore, #tpu.memory_space<semaphore_mem>>) src(%arg12 : memref<128x300xf32, #tpu.memory_space<vmem>>) dst(%dma_wait3A_259 : memref<128x300xf32, #tpu.memory_space<hbm>>)
      tpu.yield
    }) : () -> ()
    %dma_wait3A_238 = arith.constant 11 : i32
    %dma_wait3A_239 = arith.constant 0 : i32
    %dma_wait3A_240 = tpu.memref_slice %arg9[%dma_wait3A_238, %dma_wait3A_239] : memref<12x128xi32, #tpu.memory_space<vmem>> -> memref<1x128xi32, #tpu.memory_space<vmem>>
    %dma_wait3A_241 = tpu.memref_squeeze %dma_wait3A_240 : memref<1x128xi32, #tpu.memory_space<vmem>> -> memref<128xi32, #tpu.memory_space<vmem>>
    %dma_wait3A_242 = arith.constant 0 : i32
    %dma_wait3A_243 = arith.constant 0 : i32
    %dma_wait3A_244 = tpu.memref_slice %arg5[%dma_wait3A_242, %dma_wait3A_243] : memref<100000x304xf32, #tpu.memory_space<hbm>> -> memref<100000x304xf32, #tpu.memory_space<hbm>>
    tpu.wait_indirect_dma semaphore(%arg14 : memref<!tpu.dma_semaphore, #tpu.memory_space<semaphore_mem>>) src(%dma_wait3A_244 : memref<100000x304xf32, #tpu.memory_space<hbm>>) dst(%arg11 : memref<128x304xf32, #tpu.memory_space<vmem>>)
    %add3A_245 = arith.constant 384 : i32
    %add3A_246 = arith.addi %mul3A_2, %add3A_245 : i32
    %scan3A_247 = arith.constant 0 : i32
    %scan3A_248 = arith.constant 128 : i32
    %scan3A_249 = arith.addi %scan3A_247, %scan3A_248 : i32
    %scan3A_250 = arith.constant 1 : i32
    scf.for %scan3A_252 = %scan3A_247 to %scan3A_249 step %scan3A_250  : i32 {
      %mul3A_253 = arith.constant 1 : i32
      %mul3A_254 = arith.muli %scan3A_252, %mul3A_253 : i32
      %add3A_255 = arith.constant 0 : i32
      %add3A_256 = arith.addi %add3A_255, %mul3A_254 : i32
      %get3A = arith.index_cast %add3A_256 : i32 to index
      %get3A_257 = arith.constant 0 : index
      %get3A_258 = tpu.vector_load %arg11[%get3A, %get3A_257] {strides = array<i32>} : memref<128x304xf32, #tpu.memory_space<vmem>>, vector<1x16xf32>,
      %get3A_259 = vector.shape_cast %get3A_258 : vector<1x16xf32> to vector<16xf32>
      %swap3A = arith.index_cast %add3A_256 : i32 to index
      %swap3A_260 = arith.constant 0 : index
      %swap3A_261 = tpu.vector_load %arg12[%swap3A, %swap3A_260] {strides = array<i32>} : memref<128x300xf32, #tpu.memory_space<vmem>>, vector<1x16xf32>,
      %swap3A_262 = vector.shape_cast %swap3A_261 : vector<1x16xf32> to vector<16xf32>
      %swap3A_263 = vector.shape_cast %get3A_259 : vector<16xf32> to vector<1x16xf32>
      tpu.vector_store %arg12[%swap3A, %swap3A_260], %swap3A_263 {strides = array<i32>} : memref<128x300xf32, #tpu.memory_space<vmem>>, vector<1x16xf32>,
      %get3A_264 = arith.index_cast %add3A_256 : i32 to index
      %get3A_265 = arith.constant 16 : index
      %get3A_266 = tpu.vector_load %arg11[%get3A_264, %get3A_265] {strides = array<i32>} : memref<128x304xf32, #tpu.memory_space<vmem>>, vector<1x16xf32>,
      %get3A_267 = vector.shape_cast %get3A_266 : vector<1x16xf32> to vector<16xf32>
      %swap3A_268 = arith.index_cast %add3A_256 : i32 to index
      %swap3A_269 = arith.constant 16 : index
      %swap3A_270 = tpu.vector_load %arg12[%swap3A_268, %swap3A_269] {strides = array<i32>} : memref<128x300xf32, #tpu.memory_space<vmem>>, vector<1x16xf32>,
      %swap3A_271 = vector.shape_cast %swap3A_270 : vector<1x16xf32> to vector<16xf32>
      %swap3A_272 = vector.shape_cast %get3A_267 : vector<16xf32> to vector<1x16xf32>
      tpu.vector_store %arg12[%swap3A_268, %swap3A_269], %swap3A_272 {strides = array<i32>} : memref<128x300xf32, #tpu.memory_space<vmem>>, vector<1x16xf32>,
      %get3A_273 = arith.index_cast %add3A_256 : i32 to index
      %get3A_274 = arith.constant 32 : index
      %get3A_275 = tpu.vector_load %arg11[%get3A_273, %get3A_274] {strides = array<i32>} : memref<128x304xf32, #tpu.memory_space<vmem>>, vector<1x16xf32>,
      %get3A_276 = vector.shape_cast %get3A_275 : vector<1x16xf32> to vector<16xf32>
      %swap3A_277 = arith.index_cast %add3A_256 : i32 to index
      %swap3A_278 = arith.constant 32 : index
      %swap3A_279 = tpu.vector_load %arg12[%swap3A_277, %swap3A_278] {strides = array<i32>} : memref<128x300xf32, #tpu.memory_space<vmem>>, vector<1x16xf32>,
      %swap3A_280 = vector.shape_cast %swap3A_279 : vector<1x16xf32> to vector<16xf32>
      %swap3A_281 = vector.shape_cast %get3A_276 : vector<16xf32> to vector<1x16xf32>
      tpu.vector_store %arg12[%swap3A_277, %swap3A_278], %swap3A_281 {strides = array<i32>} : memref<128x300xf32, #tpu.memory_space<vmem>>, vector<1x16xf32>,
      %get3A_282 = arith.index_cast %add3A_256 : i32 to index
      %get3A_283 = arith.constant 48 : index
      %get3A_284 = tpu.vector_load %arg11[%get3A_282, %get3A_283] {strides = array<i32>} : memref<128x304xf32, #tpu.memory_space<vmem>>, vector<1x16xf32>,
      %get3A_285 = vector.shape_cast %get3A_284 : vector<1x16xf32> to vector<16xf32>
      %swap3A_286 = arith.index_cast %add3A_256 : i32 to index
      %swap3A_287 = arith.constant 48 : index
      %swap3A_288 = tpu.vector_load %arg12[%swap3A_286, %swap3A_287] {strides = array<i32>} : memref<128x300xf32, #tpu.memory_space<vmem>>, vector<1x16xf32>,
      %swap3A_289 = vector.shape_cast %swap3A_288 : vector<1x16xf32> to vector<16xf32>
      %swap3A_290 = vector.shape_cast %get3A_285 : vector<16xf32> to vector<1x16xf32>
      tpu.vector_store %arg12[%swap3A_286, %swap3A_287], %swap3A_290 {strides = array<i32>} : memref<128x300xf32, #tpu.memory_space<vmem>>, vector<1x16xf32>,
      %get3A_291 = arith.index_cast %add3A_256 : i32 to index
      %get3A_292 = arith.constant 64 : index
      %get3A_293 = tpu.vector_load %arg11[%get3A_291, %get3A_292] {strides = array<i32>} : memref<128x304xf32, #tpu.memory_space<vmem>>, vector<1x16xf32>,
      %get3A_294 = vector.shape_cast %get3A_293 : vector<1x16xf32> to vector<16xf32>
      %swap3A_295 = arith.index_cast %add3A_256 : i32 to index
      %swap3A_296 = arith.constant 64 : index
      %swap3A_297 = tpu.vector_load %arg12[%swap3A_295, %swap3A_296] {strides = array<i32>} : memref<128x300xf32, #tpu.memory_space<vmem>>, vector<1x16xf32>,
      %swap3A_298 = vector.shape_cast %swap3A_297 : vector<1x16xf32> to vector<16xf32>
      %swap3A_299 = vector.shape_cast %get3A_294 : vector<16xf32> to vector<1x16xf32>
      tpu.vector_store %arg12[%swap3A_295, %swap3A_296], %swap3A_299 {strides = array<i32>} : memref<128x300xf32, #tpu.memory_space<vmem>>, vector<1x16xf32>,
      %get3A_300 = arith.index_cast %add3A_256 : i32 to index
      %get3A_301 = arith.constant 80 : index
      %get3A_302 = tpu.vector_load %arg11[%get3A_300, %get3A_301] {strides = array<i32>} : memref<128x304xf32, #tpu.memory_space<vmem>>, vector<1x16xf32>,
      %get3A_303 = vector.shape_cast %get3A_302 : vector<1x16xf32> to vector<16xf32>
      %swap3A_304 = arith.index_cast %add3A_256 : i32 to index
      %swap3A_305 = arith.constant 80 : index
      %swap3A_306 = tpu.vector_load %arg12[%swap3A_304, %swap3A_305] {strides = array<i32>} : memref<128x300xf32, #tpu.memory_space<vmem>>, vector<1x16xf32>,
      %swap3A_307 = vector.shape_cast %swap3A_306 : vector<1x16xf32> to vector<16xf32>
      %swap3A_308 = vector.shape_cast %get3A_303 : vector<16xf32> to vector<1x16xf32>
      tpu.vector_store %arg12[%swap3A_304, %swap3A_305], %swap3A_308 {strides = array<i32>} : memref<128x300xf32, #tpu.memory_space<vmem>>, vector<1x16xf32>,
      %get3A_309 = arith.index_cast %add3A_256 : i32 to index
      %get3A_310 = arith.constant 96 : index
      %get3A_311 = tpu.vector_load %arg11[%get3A_309, %get3A_310] {strides = array<i32>} : memref<128x304xf32, #tpu.memory_space<vmem>>, vector<1x16xf32>,
      %get3A_312 = vector.shape_cast %get3A_311 : vector<1x16xf32> to vector<16xf32>
      %swap3A_313 = arith.index_cast %add3A_256 : i32 to index
      %swap3A_314 = arith.constant 96 : index
      %swap3A_315 = tpu.vector_load %arg12[%swap3A_313, %swap3A_314] {strides = array<i32>} : memref<128x300xf32, #tpu.memory_space<vmem>>, vector<1x16xf32>,
      %swap3A_316 = vector.shape_cast %swap3A_315 : vector<1x16xf32> to vector<16xf32>
      %swap3A_317 = vector.shape_cast %get3A_312 : vector<16xf32> to vector<1x16xf32>
      tpu.vector_store %arg12[%swap3A_313, %swap3A_314], %swap3A_317 {strides = array<i32>} : memref<128x300xf32, #tpu.memory_space<vmem>>, vector<1x16xf32>,
      %get3A_318 = arith.index_cast %add3A_256 : i32 to index
      %get3A_319 = arith.constant 112 : index
      %get3A_320 = tpu.vector_load %arg11[%get3A_318, %get3A_319] {strides = array<i32>} : memref<128x304xf32, #tpu.memory_space<vmem>>, vector<1x16xf32>,
      %get3A_321 = vector.shape_cast %get3A_320 : vector<1x16xf32> to vector<16xf32>
      %swap3A_322 = arith.index_cast %add3A_256 : i32 to index
      %swap3A_323 = arith.constant 112 : index
      %swap3A_324 = tpu.vector_load %arg12[%swap3A_322, %swap3A_323] {strides = array<i32>} : memref<128x300xf32, #tpu.memory_space<vmem>>, vector<1x16xf32>,
      %swap3A_325 = vector.shape_cast %swap3A_324 : vector<1x16xf32> to vector<16xf32>
      %swap3A_326 = vector.shape_cast %get3A_321 : vector<16xf32> to vector<1x16xf32>
      tpu.vector_store %arg12[%swap3A_322, %swap3A_323], %swap3A_326 {strides = array<i32>} : memref<128x300xf32, #tpu.memory_space<vmem>>, vector<1x16xf32>,
      %get3A_327 = arith.index_cast %add3A_256 : i32 to index
      %get3A_328 = arith.constant 128 : index
      %get3A_329 = tpu.vector_load %arg11[%get3A_327, %get3A_328] {strides = array<i32>} : memref<128x304xf32, #tpu.memory_space<vmem>>, vector<1x16xf32>,
      %get3A_330 = vector.shape_cast %get3A_329 : vector<1x16xf32> to vector<16xf32>
      %swap3A_331 = arith.index_cast %add3A_256 : i32 to index
      %swap3A_332 = arith.constant 128 : index
      %swap3A_333 = tpu.vector_load %arg12[%swap3A_331, %swap3A_332] {strides = array<i32>} : memref<128x300xf32, #tpu.memory_space<vmem>>, vector<1x16xf32>,
      %swap3A_334 = vector.shape_cast %swap3A_333 : vector<1x16xf32> to vector<16xf32>
      %swap3A_335 = vector.shape_cast %get3A_330 : vector<16xf32> to vector<1x16xf32>
      tpu.vector_store %arg12[%swap3A_331, %swap3A_332], %swap3A_335 {strides = array<i32>} : memref<128x300xf32, #tpu.memory_space<vmem>>, vector<1x16xf32>,
      %get3A_336 = arith.index_cast %add3A_256 : i32 to index
      %get3A_337 = arith.constant 144 : index
      %get3A_338 = tpu.vector_load %arg11[%get3A_336, %get3A_337] {strides = array<i32>} : memref<128x304xf32, #tpu.memory_space<vmem>>, vector<1x16xf32>,
      %get3A_339 = vector.shape_cast %get3A_338 : vector<1x16xf32> to vector<16xf32>
      %swap3A_340 = arith.index_cast %add3A_256 : i32 to index
      %swap3A_341 = arith.constant 144 : index
      %swap3A_342 = tpu.vector_load %arg12[%swap3A_340, %swap3A_341] {strides = array<i32>} : memref<128x300xf32, #tpu.memory_space<vmem>>, vector<1x16xf32>,
      %swap3A_343 = vector.shape_cast %swap3A_342 : vector<1x16xf32> to vector<16xf32>
      %swap3A_344 = vector.shape_cast %get3A_339 : vector<16xf32> to vector<1x16xf32>
      tpu.vector_store %arg12[%swap3A_340, %swap3A_341], %swap3A_344 {strides = array<i32>} : memref<128x300xf32, #tpu.memory_space<vmem>>, vector<1x16xf32>,
      %get3A_345 = arith.index_cast %add3A_256 : i32 to index
      %get3A_346 = arith.constant 160 : index
      %get3A_347 = tpu.vector_load %arg11[%get3A_345, %get3A_346] {strides = array<i32>} : memref<128x304xf32, #tpu.memory_space<vmem>>, vector<1x16xf32>,
      %get3A_348 = vector.shape_cast %get3A_347 : vector<1x16xf32> to vector<16xf32>
      %swap3A_349 = arith.index_cast %add3A_256 : i32 to index
      %swap3A_350 = arith.constant 160 : index
      %swap3A_351 = tpu.vector_load %arg12[%swap3A_349, %swap3A_350] {strides = array<i32>} : memref<128x300xf32, #tpu.memory_space<vmem>>, vector<1x16xf32>,
      %swap3A_352 = vector.shape_cast %swap3A_351 : vector<1x16xf32> to vector<16xf32>
      %swap3A_353 = vector.shape_cast %get3A_348 : vector<16xf32> to vector<1x16xf32>
      tpu.vector_store %arg12[%swap3A_349, %swap3A_350], %swap3A_353 {strides = array<i32>} : memref<128x300xf32, #tpu.memory_space<vmem>>, vector<1x16xf32>,
      %get3A_354 = arith.index_cast %add3A_256 : i32 to index
      %get3A_355 = arith.constant 176 : index
      %get3A_356 = tpu.vector_load %arg11[%get3A_354, %get3A_355] {strides = array<i32>} : memref<128x304xf32, #tpu.memory_space<vmem>>, vector<1x16xf32>,
      %get3A_357 = vector.shape_cast %get3A_356 : vector<1x16xf32> to vector<16xf32>
      %swap3A_358 = arith.index_cast %add3A_256 : i32 to index
      %swap3A_359 = arith.constant 176 : index
      %swap3A_360 = tpu.vector_load %arg12[%swap3A_358, %swap3A_359] {strides = array<i32>} : memref<128x300xf32, #tpu.memory_space<vmem>>, vector<1x16xf32>,
      %swap3A_361 = vector.shape_cast %swap3A_360 : vector<1x16xf32> to vector<16xf32>
      %swap3A_362 = vector.shape_cast %get3A_357 : vector<16xf32> to vector<1x16xf32>
      tpu.vector_store %arg12[%swap3A_358, %swap3A_359], %swap3A_362 {strides = array<i32>} : memref<128x300xf32, #tpu.memory_space<vmem>>, vector<1x16xf32>,
      %get3A_363 = arith.index_cast %add3A_256 : i32 to index
      %get3A_364 = arith.constant 192 : index
      %get3A_365 = tpu.vector_load %arg11[%get3A_363, %get3A_364] {strides = array<i32>} : memref<128x304xf32, #tpu.memory_space<vmem>>, vector<1x16xf32>,
      %get3A_366 = vector.shape_cast %get3A_365 : vector<1x16xf32> to vector<16xf32>
      %swap3A_367 = arith.index_cast %add3A_256 : i32 to index
      %swap3A_368 = arith.constant 192 : index
      %swap3A_369 = tpu.vector_load %arg12[%swap3A_367, %swap3A_368] {strides = array<i32>} : memref<128x300xf32, #tpu.memory_space<vmem>>, vector<1x16xf32>,
      %swap3A_370 = vector.shape_cast %swap3A_369 : vector<1x16xf32> to vector<16xf32>
      %swap3A_371 = vector.shape_cast %get3A_366 : vector<16xf32> to vector<1x16xf32>
      tpu.vector_store %arg12[%swap3A_367, %swap3A_368], %swap3A_371 {strides = array<i32>} : memref<128x300xf32, #tpu.memory_space<vmem>>, vector<1x16xf32>,
      %get3A_372 = arith.index_cast %add3A_256 : i32 to index
      %get3A_373 = arith.constant 208 : index
      %get3A_374 = tpu.vector_load %arg11[%get3A_372, %get3A_373] {strides = array<i32>} : memref<128x304xf32, #tpu.memory_space<vmem>>, vector<1x16xf32>,
      %get3A_375 = vector.shape_cast %get3A_374 : vector<1x16xf32> to vector<16xf32>
      %swap3A_376 = arith.index_cast %add3A_256 : i32 to index
      %swap3A_377 = arith.constant 208 : index
      %swap3A_378 = tpu.vector_load %arg12[%swap3A_376, %swap3A_377] {strides = array<i32>} : memref<128x300xf32, #tpu.memory_space<vmem>>, vector<1x16xf32>,
      %swap3A_379 = vector.shape_cast %swap3A_378 : vector<1x16xf32> to vector<16xf32>
      %swap3A_380 = vector.shape_cast %get3A_375 : vector<16xf32> to vector<1x16xf32>
      tpu.vector_store %arg12[%swap3A_376, %swap3A_377], %swap3A_380 {strides = array<i32>} : memref<128x300xf32, #tpu.memory_space<vmem>>, vector<1x16xf32>,
      %get3A_381 = arith.index_cast %add3A_256 : i32 to index
      %get3A_382 = arith.constant 224 : index
      %get3A_383 = tpu.vector_load %arg11[%get3A_381, %get3A_382] {strides = array<i32>} : memref<128x304xf32, #tpu.memory_space<vmem>>, vector<1x16xf32>,
      %get3A_384 = vector.shape_cast %get3A_383 : vector<1x16xf32> to vector<16xf32>
      %swap3A_385 = arith.index_cast %add3A_256 : i32 to index
      %swap3A_386 = arith.constant 224 : index
      %swap3A_387 = tpu.vector_load %arg12[%swap3A_385, %swap3A_386] {strides = array<i32>} : memref<128x300xf32, #tpu.memory_space<vmem>>, vector<1x16xf32>,
      %swap3A_388 = vector.shape_cast %swap3A_387 : vector<1x16xf32> to vector<16xf32>
      %swap3A_389 = vector.shape_cast %get3A_384 : vector<16xf32> to vector<1x16xf32>
      tpu.vector_store %arg12[%swap3A_385, %swap3A_386], %swap3A_389 {strides = array<i32>} : memref<128x300xf32, #tpu.memory_space<vmem>>, vector<1x16xf32>,
      %get3A_390 = arith.index_cast %add3A_256 : i32 to index
      %get3A_391 = arith.constant 240 : index
      %get3A_392 = tpu.vector_load %arg11[%get3A_390, %get3A_391] {strides = array<i32>} : memref<128x304xf32, #tpu.memory_space<vmem>>, vector<1x16xf32>,
      %get3A_393 = vector.shape_cast %get3A_392 : vector<1x16xf32> to vector<16xf32>
      %swap3A_394 = arith.index_cast %add3A_256 : i32 to index
      %swap3A_395 = arith.constant 240 : index
      %swap3A_396 = tpu.vector_load %arg12[%swap3A_394, %swap3A_395] {strides = array<i32>} : memref<128x300xf32, #tpu.memory_space<vmem>>, vector<1x16xf32>,
      %swap3A_397 = vector.shape_cast %swap3A_396 : vector<1x16xf32> to vector<16xf32>
      %swap3A_398 = vector.shape_cast %get3A_393 : vector<16xf32> to vector<1x16xf32>
      tpu.vector_store %arg12[%swap3A_394, %swap3A_395], %swap3A_398 {strides = array<i32>} : memref<128x300xf32, #tpu.memory_space<vmem>>, vector<1x16xf32>,
      %get3A_399 = arith.index_cast %add3A_256 : i32 to index
      %get3A_400 = arith.constant 256 : index
      %get3A_401 = tpu.vector_load %arg11[%get3A_399, %get3A_400] {strides = array<i32>} : memref<128x304xf32, #tpu.memory_space<vmem>>, vector<1x16xf32>,
      %get3A_402 = vector.shape_cast %get3A_401 : vector<1x16xf32> to vector<16xf32>
      %swap3A_403 = arith.index_cast %add3A_256 : i32 to index
      %swap3A_404 = arith.constant 256 : index
      %swap3A_405 = tpu.vector_load %arg12[%swap3A_403, %swap3A_404] {strides = array<i32>} : memref<128x300xf32, #tpu.memory_space<vmem>>, vector<1x16xf32>,
      %swap3A_406 = vector.shape_cast %swap3A_405 : vector<1x16xf32> to vector<16xf32>
      %swap3A_407 = vector.shape_cast %get3A_402 : vector<16xf32> to vector<1x16xf32>
      tpu.vector_store %arg12[%swap3A_403, %swap3A_404], %swap3A_407 {strides = array<i32>} : memref<128x300xf32, #tpu.memory_space<vmem>>, vector<1x16xf32>,
      %get3A_408 = arith.index_cast %add3A_256 : i32 to index
      %get3A_409 = arith.constant 272 : index
      %get3A_410 = tpu.vector_load %arg11[%get3A_408, %get3A_409] {strides = array<i32>} : memref<128x304xf32, #tpu.memory_space<vmem>>, vector<1x16xf32>,
      %get3A_411 = vector.shape_cast %get3A_410 : vector<1x16xf32> to vector<16xf32>
      %swap3A_412 = arith.index_cast %add3A_256 : i32 to index
      %swap3A_413 = arith.constant 272 : index
      %swap3A_414 = tpu.vector_load %arg12[%swap3A_412, %swap3A_413] {strides = array<i32>} : memref<128x300xf32, #tpu.memory_space<vmem>>, vector<1x16xf32>,
      %swap3A_415 = vector.shape_cast %swap3A_414 : vector<1x16xf32> to vector<16xf32>
      %swap3A_416 = vector.shape_cast %get3A_411 : vector<16xf32> to vector<1x16xf32>
      tpu.vector_store %arg12[%swap3A_412, %swap3A_413], %swap3A_416 {strides = array<i32>} : memref<128x300xf32, #tpu.memory_space<vmem>>, vector<1x16xf32>,
      %get3A_417 = arith.index_cast %add3A_256 : i32 to index
      %get3A_418 = arith.constant 284 : index
      %get3A_419 = tpu.vector_load %arg11[%get3A_417, %get3A_418] {strides = array<i32>} : memref<128x304xf32, #tpu.memory_space<vmem>>, vector<1x16xf32>,
      %get3A_420 = vector.shape_cast %get3A_419 : vector<1x16xf32> to vector<16xf32>
      %swap3A_421 = arith.index_cast %add3A_256 : i32 to index
      %swap3A_422 = arith.constant 284 : index
      %swap3A_423 = tpu.vector_load %arg12[%swap3A_421, %swap3A_422] {strides = array<i32>} : memref<128x300xf32, #tpu.memory_space<vmem>>, vector<1x16xf32>,
      %swap3A_424 = vector.shape_cast %swap3A_423 : vector<1x16xf32> to vector<16xf32>
      %swap3A_425 = vector.shape_cast %get3A_420 : vector<16xf32> to vector<1x16xf32>
      tpu.vector_store %arg12[%swap3A_421, %swap3A_422], %swap3A_425 {strides = array<i32>} : memref<128x300xf32, #tpu.memory_space<vmem>>, vector<1x16xf32>,
    }
    %scan3A_251 = arith.constant 128 : i32
    "tpu.region"() ({
      %run_scoped3A = tpu.sem_alloc : memref<!tpu.dma_semaphore, #tpu.memory_space<semaphore_mem>>
      %dma_start3A_252 = arith.constant 0 : i32
      %dma_start3A_253 = tpu.memref_slice %arg8[%add3A_246, %dma_start3A_252] : memref<16384x300xf32, #tpu.memory_space<hbm>> -> memref<128x300xf32, #tpu.memory_space<hbm>>
      %dma_start3A_254 = arith.constant 0 : i32
      %dma_start3A_255 = tpu.memref_slice %arg8[%add3A_246, %dma_start3A_254] : memref<16384x300xf32, #tpu.memory_space<hbm>> -> memref<128x300xf32, #tpu.memory_space<hbm>>
      tpu.enqueue_dma source(%arg12 : memref<128x300xf32, #tpu.memory_space<vmem>>) target(%dma_start3A_255 : memref<128x300xf32, #tpu.memory_space<hbm>>) target_semaphore(%run_scoped3A : memref<!tpu.dma_semaphore, #tpu.memory_space<semaphore_mem>>)
      %dma_wait3A_256 = arith.constant 0 : i32
      %dma_wait3A_257 = tpu.memref_slice %arg8[%add3A_246, %dma_wait3A_256] : memref<16384x300xf32, #tpu.memory_space<hbm>> -> memref<128x300xf32, #tpu.memory_space<hbm>>
      %dma_wait3A_258 = arith.constant 0 : i32
      %dma_wait3A_259 = tpu.memref_slice %arg8[%add3A_246, %dma_wait3A_258] : memref<16384x300xf32, #tpu.memory_space<hbm>> -> memref<128x300xf32, #tpu.memory_space<hbm>>
      tpu.wait_dma2 semaphore(%run_scoped3A : memref<!tpu.dma_semaphore, #tpu.memory_space<semaphore_mem>>) src(%arg12 : memref<128x300xf32, #tpu.memory_space<vmem>>) dst(%dma_wait3A_259 : memref<128x300xf32, #tpu.memory_space<hbm>>)
      tpu.yield
    }) : () -> ()
    return
  }
}

module attributes {stable_mosaic.version = 14 : i64} {
  func.func @_pad_body(%arg0: i32, %arg1: memref<2000x300xf32, #tpu.memory_space<vmem>>, %arg2: memref<2000x304xf32, #tpu.memory_space<vmem>>) attributes {dimension_semantics = [#tpu.dimension_semantics<arbitrary>], iteration_bounds = array<i64: 50>, scalar_prefetch = 0 : i64, scratch_operands = 0 : i64, tpu.core_type = #tpu.core_type<tc>, window_params = [{transform_indices = @transform_0, window_bounds = array<i64: 2000, 300>}, {transform_indices = @transform_1, window_bounds = array<i64: 2000, 304>}]} {
    %get3A = arith.constant 0 : index
    %get3A_0 = arith.constant 0 : index
    %get3A_1 = vector.load %arg1[%get3A, %get3A_0] : memref<2000x300xf32, #tpu.memory_space<vmem>>, vector<2000x256xf32>
    %swap3A = arith.constant 0 : index
    %swap3A_2 = arith.constant 0 : index
    %swap3A_3 = vector.load %arg2[%swap3A, %swap3A_2] : memref<2000x304xf32, #tpu.memory_space<vmem>>, vector<2000x256xf32>
    tpu.vector_store %arg2[%swap3A, %swap3A_2], %get3A_1 {strides = array<i32>} : memref<2000x304xf32, #tpu.memory_space<vmem>>, vector<2000x256xf32>,
    %get3A_4 = arith.constant 0 : index
    %get3A_5 = arith.constant 256 : index
    %get3A_6 = vector.load %arg1[%get3A_4, %get3A_5] : memref<2000x300xf32, #tpu.memory_space<vmem>>, vector<2000x44xf32>
    %broadcast_in_dim3A = arith.constant 0.000000e+00 : f32
    %broadcast_in_dim3A_7 = vector.broadcast %broadcast_in_dim3A : f32 to vector<2000x4xf32>
    %concatenate3A = tpu.concatenate %get3A_6, %broadcast_in_dim3A_7 in 1 : vector<2000x44xf32>, vector<2000x4xf32> -> vector<2000x48xf32>
    %swap3A_8 = arith.constant 0 : index
    %swap3A_9 = arith.constant 256 : index
    %swap3A_10 = vector.load %arg2[%swap3A_8, %swap3A_9] : memref<2000x304xf32, #tpu.memory_space<vmem>>, vector<2000x48xf32>
    tpu.vector_store %arg2[%swap3A_8, %swap3A_9], %concatenate3A {strides = array<i32>} : memref<2000x304xf32, #tpu.memory_space<vmem>>, vector<2000x48xf32>,
    return
  }
  func.func @transform_0(%arg0: i32) -> (i32, i32) {
    %c0_i32 = arith.constant 0 : i32
    %c0_i32_0 = arith.constant 0 : i32
    return %arg0, %c0_i32 : i32, i32
  }
  func.func @transform_1(%arg0: i32) -> (i32, i32) {
    %c0_i32 = arith.constant 0 : i32
    %c0_i32_0 = arith.constant 0 : i32
    return %arg0, %c0_i32 : i32, i32
  }
}

</mosaic_0001>

<sc_bundles>
// kernel: kernel.4.cloned.1.call-start
scs
__scs_entry_jumppad:
0x0: {  	(pc) =	sbr.rel $0x88, $3  }
0x1: {  	(tag) =	ssettag $0x0;
	lr =	simm.s32 $0x1  }
0x2: {  	[smem:$0x3F9D] =	sst lr;
	_ =	strace $0xD0000000  }
0x3: {  	_ = 	snop  }
0x4: {  	_ = 	snop  }
0x5: {  	_ = 	snop  }
0x6: {  	_ = 	snop  }
0x7: {  	_ = 	snop  }
__scs_overlays_trampoline_lowered:
0x8: {  	[smem:$0x3FAC] =	sst s0  }
0x9: {  	[smem:$0x3FAD] =	sst s1  }
0xa: {  	[smem:$0x3FAE] =	sst s2  }
0xb: {  	[smem:$0x3FAF] =	sst s3  }
0xc: {  	[smem:$0x3FB0] =	sst s4  }
0xd: {  	[smem:$0x3FB1] =	sst s5  }
0xe: {  	[smem:$0x3FB2] =	sst s6  }
0xf: {  	[smem:$0x3FB3] =	sst s7  }
0x10: {  	[smem:$0x3FB4] =	sst s8  }
0x11: {  	[smem:$0x3FB5] =	sst s9;
	s0 =	simm.s32 @!p0 $0x0  }
0x12: {  	s1 =	sld [smem:$0x3F9B];
	s0 =	simm.s32 @p0 $0x1  }
0x13: {  	[smem:$0x3FB6] =	sst s0;
	s0 =	simm.s32 @!p1 $0x0  }
0x14: {  	s2 =	sld [smem:$0x3F9A];
	s0 =	simm.s32 @p1 $0x1  }
0x15: {  	[smem:$0x3FB7] =	sst s0;
	s0 =	simm.s32 @!p2 $0x0  }
0x16: {  	s3 =	sld [smem:$0x3FDB];
	s0 =	simm.s32 @p2 $0x1  }
0x17: {  	s4 =	simm.s32 $0x1BF5;
	[smem:$0x3FB9] =	sst s0  }
0x18: {  	s0 =	sld [smem:$0x3F9C];
	_ =	swait.ge [sflag:s4], $0x0  }
0x19: {  	s7 =	sld [smem:$0x3F9D]  }
0x1a: {  	s8 =	sadd.s32 $0xFFFFE003, lr  }
0x1b: {  	s9 =	sadd.s32 $0xFFFFFEF7, lr;
	s5 =	simm.s32 $0xFFFFFFFF;
	p2 =	slt.u32 s8, $0xFFFFF086  }
0x1c: {  	p1 =	slt.u32 s9, $0xF7A;
	s5 =	simm.s32 @!p2 $0x0  }
0x1d: {  	s5 =	simm.s32 @p1 $0x1;
	p0 =	seq.s32 s7, s2  }
0x1e: {  	s7 =	smul.u32 @!p0 $0xF7A, s2;
	p2 =	seq.s32 @!p0 s5, $0x0  }
0x1f: {  	s9 =	smul.u32 $0xF7A, s1;
	s8 =	simm.s32 @!p0 $0x1BF5;
	p2 =	por !p2, p0  }
0x20: {  	[sflag:s8] =	ssyncset.s32 @!p0 $0xFFFFF086;
	s6 =	sadd.s32 @!p0 s3, s7;
	s7 =	simm.s32 @!p0 $0x108  }
0x21: {  	s3 =	sadd.s32 s3, s9;
	s6 =	sadd.s32 @!p0 $0x88, s6;
	s7 =	simm.s32 @p2 $0x1082  }
0x22: {  	[simem:s7], [sflag:s8] =	dma.local @!p0 [hbm:s6], $0xF7A  }
0x23: {  	s9 =	sor.u32 $0xD0000000, s2;
	s6 =	simm.s32 $0x108;
	_ =	swait.ge @!p0 [sflag:s8], $0x0  }
0x24: {  	s3 =	sadd.s32 $0x88, s3;
	s6 =	simm.s32 @!p1 $0x1082;
	[sflag:s4] =	ssyncset.s32 $0xFFFFF086  }
0x25: {  	[simem:s6], [sflag:s4] =	dma.local [hbm:s3], $0xF7A  }
0x26: {  	[smem:$0x3F9D] =	sst s1;
	(tag) =	ssettag s2;
	_ =	strace s9  }
0x27: {  	s1 =	sld [smem:$0x3FAD]  }
0x28: {  	s2 =	sld [smem:$0x3FAE]  }
0x29: {  	s4 =	sld [smem:$0x3FB0]  }
0x2a: {  	p0 =	seq.s32 s5, $0x0;
	s5 =	sld [smem:$0x3FB1]  }
0x2b: {  	s6 =	sld [smem:$0x3FB2]  }
0x2c: {  	s7 =	sld [smem:$0x3FB3]  }
0x2d: {  	s3 =	simm.s32 $0x108;
	s8 =	sld [smem:$0x3FB4]  }
0x2e: {  	s3 =	simm.s32 @!p0 $0x1082;
	s9 =	sld [smem:$0x3FB5]  }
0x2f: {  	lr =	sadd.s32 s0, s3;
	s0 =	sld [smem:$0x3FAC]  }
0x30: {  	s3 =	sld [smem:$0x3FAF]  }
0x31: {  	[smem:$0x3FB8] =	sst s10  }
0x32: {  	s10 =	sld [smem:$0x3FB6];
	_ =	sdelay $0x3  }
0x33: {  	p0 =	seq.s32 s10, $0x1;
	s10 =	sld [smem:$0x3FB8];
	_ =	sdelay $0x3  }
0x34: {  	[smem:$0x3FB8] =	sst s10  }
0x35: {  	s10 =	sld [smem:$0x3FB7];
	_ =	sdelay $0x3  }
0x36: {  	p1 =	seq.s32 s10, $0x1;
	s10 =	sld [smem:$0x3FB8];
	_ =	sdelay $0x3  }
0x37: {  	[smem:$0x3FB8] =	sst s10  }
0x38: {  	s10 =	sld [smem:$0x3FB9]  }
0x39: {  	_ = 	snop;
	(pc) =	sbr.ind lr, $3  }
0x3a: {  	_ = 	snop  }
0x3b: {  	_ = 	snop  }
0x3c: {  	p2 =	seq.s32 s10, $0x1;
	s10 =	sld [smem:$0x3FB8]  }
0x3d: {  	_ =	shalt  }
0x3e: {  	_ =	shalt  }
0x3f: {  	_ =	shalt  }
0x40: {  	_ =	shalt  }
0x41: {  	_ =	shalt  }
0x42: {  	_ =	shalt  }
0x43: {  	_ =	shalt  }
0x44: {  	_ =	shalt  }
0x45: {  	_ =	shalt  }
0x46: {  	_ =	shalt  }
0x47: {  	_ =	shalt  }
0x48: {  	_ =	shalt  }
0x49: {  	_ =	shalt  }
0x4a: {  	_ =	shalt  }
0x4b: {  	_ =	shalt  }
0x4c: {  	_ =	shalt  }
0x4d: {  	_ =	shalt  }
0x4e: {  	_ =	shalt  }
0x4f: {  	_ =	shalt  }
0x50: {  	_ =	shalt  }
0x51: {  	_ =	shalt  }
0x52: {  	_ =	shalt  }
0x53: {  	_ =	shalt  }
0x54: {  	_ =	shalt  }
0x55: {  	_ =	shalt  }
0x56: {  	_ =	shalt  }
0x57: {  	_ =	shalt  }
0x58: {  	_ =	shalt  }
0x59: {  	_ =	shalt  }
0x5a: {  	_ =	shalt  }
0x5b: {  	_ =	shalt  }
0x5c: {  	_ =	shalt  }
0x5d: {  	_ =	shalt  }
0x5e: {  	_ =	shalt  }
0x5f: {  	_ =	shalt  }
0x60: {  	_ =	shalt  }
0x61: {  	_ =	shalt  }
0x62: {  	_ =	shalt  }
0x63: {  	_ =	shalt  }
0x64: {  	_ =	shalt  }
0x65: {  	_ =	shalt  }
0x66: {  	_ =	shalt  }
0x67: {  	_ =	shalt  }
0x68: {  	_ =	shalt  }
0x69: {  	_ =	shalt  }
0x6a: {  	_ =	shalt  }
0x6b: {  	_ =	shalt  }
0x6c: {  	_ =	shalt  }
0x6d: {  	_ =	shalt  }
0x6e: {  	_ =	shalt  }
0x6f: {  	_ =	shalt  }
0x70: {  	_ =	shalt  }
0x71: {  	_ =	shalt  }
0x72: {  	_ =	shalt  }
0x73: {  	_ =	shalt  }
0x74: {  	_ =	shalt  }
0x75: {  	_ =	shalt  }
0x76: {  	_ =	shalt  }
0x77: {  	_ =	shalt  }
0x78: {  	_ =	shalt  }
0x79: {  	_ =	shalt  }
0x7a: {  	_ =	shalt  }
0x7b: {  	_ =	shalt  }
0x7c: {  	_ =	shalt  }
0x7d: {  	_ =	shalt  }
0x7e: {  	_ =	shalt  }
0x7f: {  	_ =	shalt  }
0x80: {  	_ =	shalt  }
0x81: {  	_ =	shalt  }
0x82: {  	_ =	shalt  }
0x83: {  	_ =	shalt  }
0x84: {  	_ =	shalt  }
0x85: {  	_ =	shalt  }
0x86: {  	_ =	shalt  }
0x87: {  	_ =	shalt  }
.Lfunc_end0:
.L_simem_size_0:
called_computation_lowered:
.L_overlay_start_0:
0x88: {  	s2 =	sld [smem:$0x3FD9]  }
0x89: {  	s3 =	sld [smem:$0x3FFE];
	_ =	sdelay $0x1  }
0x8a: {  	s1 =	srdreg.scid  }
0x8b: {  	s0 =	sand.u32 $0x1, s1  }
0x8c: {  	s14 =	sshll.u32 s0, $0xA;
	s2 =	sadd.s32 s3, s2  }
0x8d: {  	s2 =	sadd.s32 s2, s14  }
0x8e: {  	[smem:$0x3FC4] =	sst s2  }
0x8f: {  	_ = 	snop  }
0x90: {  	s2 =	sld [smem:$0x3FD0]  }
0x91: {  	s15 =	sld [smem:$0x3FC9]  }
0x92: {  	s4 =	sld [smem:$0x3FC8]  }
0x93: {  	s6 =	simm.s32 $0xA;
	s7 =	simm.s32 $0x10;
	s5 =	sld [smem:$0x3FC7]  }
0x94: {  	[smem:s7], [sflag:s6] =	dma.local [hbm:s2], $0x1  }
0x95: {  	_ =	swait.eq [sflag:s6], $0x1  }
0x96: {  	[sflag:s6] =	ssyncset.done $0x0  }
0x97: {  	s16 =	sld [smem:$0x11];
	[sflag:s6] =	ssyncadd.s32 $0xFFFFFFFF  }
0x98: {  	s17 =	sld [smem:$0x12];
	(tm) =	ssettm $0x1  }
0x99: {  	s18 =	sld [smem:$0x3FFB];
	_ =	sdelay $0x3  }
0x9a: {  	_ =	strace s18  }
0x9b: {  	s7 =	sld [smem:$0x3FFC];
	_ =	sdelay $0x3  }
0x9c: {  	_ =	strace s7  }
0x9d: {  	s7 =	sld [smem:$0x3FFD];
	_ =	sdelay $0x3  }
0x9e: {  	_ =	strace s7  }
0x9f: {  	_ =	strace $0x8FFFFFFF  }
0xa0: {  	s19 =	sld [smem:$0x3FDB];
	_ =	sdelay $0x1  }
0xa1: {  	s8 =	simm.s32 $_scs_section_size  }
0xa2: {  	s9 =	simm.s32 $_size__tile_overlayer_lowered;
	s10 =	simm.s32 $_tile_overlayer_lowered  }
0xa3: {  	s22 =	simm.s32 $0x1BFF;
	s21 =	sshll.u32 s10, $0x1;
	s7 =	sadd.s32 s8, s19  }
0xa4: {  	s11 =	simm.s32 $0x0;
	s20 =	sshll.u32 s9, $0x1;
	s9 =	sadd.s32 s21, s7  }
0xa5: {  	[timem:s11], [sflag:s22] =	dma.local [hbm:s9], s20  }
0xa6: {  	_ =	swait.ge [sflag:s22], s20  }
0xa7: {  	s8 =	ssub.s32 $0x0, s20;
	[sflag:s22] =	ssyncset.done $0x0  }
0xa8: {  	[sflag:s22] =	ssyncadd.s32 s8;
	_ =	sdelay $0x1  }
0xa9: {  	s23 =	simm.s32 $0x1B8B  }
0xaa: {  	_ =	swait.ge [sflag:s23], $0x1  }
0xab: {  	[sflag:s23] =	ssyncset.done $0x0  }
0xac: {  	s25 =	simm.s32 $0x1B8E;
	s24 =	sld [smem:$0x3FFE];
	[sflag:s23] =	ssyncadd.s32 $0xFFFFFFFF  }
0xad: {  	s26 =	simm.s32 $execute0_lowered;
	[smem:$0x3FD2] =	sst s25  }
0xae: {  	s9 =	sshll.u32 s26, $0x1;
	_ =	strace $0x80000046;
	[dreg:$0x1] =	wrdreg $0xFFFFFFFF  }
0xaf: {  	s28 =	simm.s32 $_size_execute0_lowered;
	s7 =	sadd.s32 s7, s9;
	[dreg:$0x0] =	wrdreg $0x0  }
0xb0: {  	s9 =	sshll.u32 s28, $0x1;
	[dreg:$0x2] =	wrdreg s7  }
0xb1: {  	[dreg:$0x3] =	wrdreg s9  }
0xb2: {  	[dreg:$0x4] =	wrdreg $0xC0  }
0xb3: {  	_ =	task [dreg:s11], $0x5FFFF  }
0xb4: {  	[dreg:$0x1] =	wrdreg $0xFFFFFFFF  }
0xb5: {  	[dreg:$0x0] =	wrdreg $0x60  }
0xb6: {  	[dreg:$0x2] =	wrdreg s15  }
0xb7: {  	[dreg:$0x3] =	wrdreg s4  }
0xb8: {  	[dreg:$0x4] =	wrdreg s5  }
0xb9: {  	[dreg:$0x5] =	wrdreg s24  }
0xba: {  	[dreg:$0x6] =	wrdreg s17  }
0xbb: {  	[dreg:$0x7] =	wrdreg s16  }
0xbc: {  	[dreg:$0x8] =	wrdreg $0x9  }
0xbd: {  	_ =	task.clear_ibuf [dreg:s11], $0x9FFFF;
	_ =	strace $0x90000046  }
0xbe: {  	s29 =	simm.s32 $0x9;
	_ =	strace $0x80000048  }
0xbf: {  	_ =	swait.ge [sflag:s29], $0x1  }
0xc0: {  	[sflag:s29] =	ssyncadd.s32 $0xFFFFFFFF  }
0xc1: {  	_ =	strace $0x90000048  }
0xc2: {  	_ =	sfence  }
0xc3: {  	s30 =	sld [smem:$0x0];
	_ =	sdelay $0x2  }
0xc4: {  	s31 =	sshll.u32 s1, $0xD;
	s1 =	sshrl.u32 s1, $0x2  }
0xc5: {  	s3 =	sand.u32 $0x4000, s31;
	s1 =	sadd.s32 s1, s30  }
0xc6: {  	s0 =	sor.u32 s3, s0;
	s1 =	sshll.u32 s1, $0x11  }
0xc7: {  	s0 =	sor.u32 s1, s0  }
0xc8: {  	s0 =	sadd.s32 $0x8F2B, s0  }
0xc9: {  	[sflag:s0] =	ssyncadd.remote.s32 $0x1  }
0xca: {  	_ =	sfence.sel $0xFFFF  }
0xcb: {  	[dreg:$0x0] =	wrdreg $0xFFFFFFFF;
	(pc) =	sbr.abs _section_cstart, $3  }
0xcc: {  	[dreg:$0x1] =	wrdreg $0xFFFFFFFF  }
0xcd: {  	_ =	task.clear_ibuf [dreg:s11], $0x2FFFF;
	_ =	strace $0x9FFFFFFF  }
0xce: {  	(tm) =	ssettm $0x7FFFFFFF  }
0xcf: {  	_ =	shalt  }
tec
execute0_lowered:
.L_overlay_start_1:
0x0: {  	(tag) =	ssettag $0x1  }
0x1: {  	s0 =	rddreg [dreg:$0x0]  }
0x2: {  	s1 =	rddreg [dreg:$0x1]  }
0x3: {  	s6 =	rddreg [dreg:$0x2]  }
0x4: {  	s4 =	rddreg [dreg:$0x3]  }
0x5: {  	s10 =	rddreg [dreg:$0x4]  }
0x6: {  	s14 =	rddreg [dreg:$0x5];
	s3 =	srdreg.scid;
	s2 =	simm.s32 $0x0  }
0x7: {  	s7 =	stileid.u32;
	s20 =	simm.s32 $0x3;
	s21 =	simm.s32 $0x200  }
0x8: {  	s22 =	simm.s32 $0x400;
	s23 =	simm.s32 $0x80;
	s24 =	simm.s32 $0x600  }
0x9: {  	s28 =	simm.s32 $0x13600;
	s29 =	simm.s32 $0x2;
	s30 =	simm.s32 $0x0  }
0xa: {  	s5 =	sand.u32 $0x1, s3;
	[smem:$0x7FF] =	sst s2;
	s7 =	sshll.u32 s7, $0xA  }
0xb: {  	s3 =	sadd.s32 $0x800, s4;
	s18 =	sadd.s32 $0x3A0400, s4;
	s8 =	sshll.u32 s5, $0x9  }
0xc: {  	_ =	strace $0x80000047;
	s25 =	ssub.s32 $0x2, s5;
	s7 =	sor.u32 s8, s7  }
0xd: {  	s5 =	sshrl.u32 s25, $0x1;
	s15 =	smul.u32 $0x26, s7;
	s8 =	sshrl.u32 s7, $0x3  }
0xe: {  	s9 =	smul.u32 $0x130, s7;
	s19 =	ssub.s32 s25, s5;
	s25 =	simm.s32 $0x1  }
0xf: {  	s4 =	sadd.s32 s0, s8;
	s5 =	sadd.s32 s1, s8;
	s6 =	sadd.s32 s6, s8  }
0x10: {  	s19 =	smax.u32 s19, $0x1;
	s7 =	sadd.s32 s10, s15;
	s26 =	sshrl.u32 s9, $0x3  }
0x11: {  	s11 =	sadd.s32 s14, s15;
	s15 =	sadd.s32 s18, s15;
	s31 =	sadd.s32 $0x1300, s26  }
0x12: {  	s17 =	sadd.s32 $0x2600, s26;
	s0 =	sadd.s32 $0x3900, s26;
	s26 =	simm.s32 $0x9E00  }
0x13: {  	s8 =	sadd.s32 s10, s31;
	s9 =	sadd.s32 s10, s17;
	s10 =	sadd.s32 s10, s0  }
0x14: {  	s12 =	sadd.s32 s14, s31;
	s13 =	sadd.s32 s14, s17;
	s14 =	sadd.s32 s14, s0  }
0x15: {  	s16 =	sadd.s32 s18, s31;
	s17 =	sadd.s32 s18, s17;
	s18 =	sadd.s32 s18, s0  }
.LBB2_1:
0x16: {  	[tilespmem:s2], [sflag:$0x3] =	stream.linear.gather [hbm4b:s4+s2], $0x200, $0x38;
	[tilespmem:$0x1CE00] =	vst v63  }
0x17: {  	_ =	swait.ge [sflag:s20], $0x200  }
0x18: {  	[sflag:s20] =	ssyncset.done $0x0  }
0x19: {  	[sflag:s20] =	ssyncadd.s32 $0xFFFFFE00  }
0x1a: {  	[tilespmem:s21], [sflag:$0x3] =	stream.linear.gather [hbm4b:s5+s2], $0x200, $0x38;
	[tilespmem:$0x1CE00] =	vst v63  }
0x1b: {  	_ =	swait.ge [sflag:s20], $0x200  }
0x1c: {  	[sflag:s20] =	ssyncset.done $0x0  }
0x1d: {  	[sflag:s20] =	ssyncadd.s32 $0xFFFFFE00  }
0x1e: {  	[tilespmem:s22], [sflag:$0x3] =	stream.linear.gather [hbm4b:s6+s2], $0x200, $0x38;
	[tilespmem:$0x1CE00] =	vst v63  }
0x1f: {  	_ =	swait.ge [sflag:s20], $0x200  }
0x20: {  	[sflag:s20] =	ssyncset.done $0x0  }
0x21: {  	[sflag:s20] =	ssyncadd.s32 $0xFFFFFE00  }
0x22: {  	[tilespmem:s24], [sflag:$0x1] =	stream.indirect.gather [hbm4b:s3+s23], $0x130, s2, s23, $0xb8;
	[tilespmem:$0x1CE00] =	vst v63  }
0x23: {  	_ =	swait.ge [sflag:s25], $0x9800  }
0x24: {  	[sflag:s25] =	ssyncset.done $0x0  }
0x25: {  	s31 =	simm.s32 $0x0;
	[sflag:s25] =	ssyncadd.s32 $0xFFFF6800  }
0x26: {  	[tilespmem:s26], [sflag:$0x2] =	stream.indirect.gather [hbm4b:s3+s23], $0x130, s23, s23, $0xb8;
	[tilespmem:$0x1CE00] =	vst v63  }
0x27: {  	v0 =	vld [tilespmem:s31+$0x710]  }
0x28: {  	v2 =	vld [tilespmem:s31+$0x600]  }
0x29: {  	v3 =	vld [tilespmem:s31+$0x610]  }
0x2a: {  	v4 =	vld [tilespmem:s31+$0x620]  }
0x2b: {  	v5 =	vld [tilespmem:s31+$0x630]  }
0x2c: {  	v1 =	vld [tilespmem:s31+$0x71C];
	[tilespmem:s31+$0x13710] =	vst v0  }
0x2d: {  	v6 =	vld [tilespmem:s31+$0x6B0];
	[tilespmem:s31+$0x13600] =	vst v2  }
0x2e: {  	v0 =	vld [tilespmem:s31+$0x640];
	[tilespmem:s31+$0x13610] =	vst v3  }
0x2f: {  	v2 =	vld [tilespmem:s31+$0x660];
	[tilespmem:s31+$0x13620] =	vst v4  }
0x30: {  	v3 =	vld [tilespmem:s31+$0x670];
	[tilespmem:s31+$0x13630] =	vst v5  }
0x31: {  	[tilespmem:s31+$0x1371C] =	vst v1;
	v1 =	vld [tilespmem:s31+$0x650]  }
0x32: {  	v4 =	vld [tilespmem:s31+$0x680];
	[tilespmem:s31+$0x136B0] =	vst v6  }
0x33: {  	v5 =	vld [tilespmem:s31+$0x6A0];
	[tilespmem:s31+$0x13640] =	vst v0  }
0x34: {  	v0 =	vld [tilespmem:s31+$0x690];
	[tilespmem:s31+$0x13660] =	vst v2  }
0x35: {  	v7 =	vld [tilespmem:s31+$0x6C0];
	[tilespmem:s31+$0x13670] =	vst v3  }
0x36: {  	[tilespmem:s31+$0x13650] =	vst v1;
	v1 =	vld [tilespmem:s31+$0x6D0]  }
0x37: {  	[tilespmem:s31+$0x13680] =	vst v4;
	v2 =	vld [tilespmem:s31+$0x6E0]  }
0x38: {  	[tilespmem:s31+$0x136A0] =	vst v5;
	v3 =	vld [tilespmem:s31+$0x6F0]  }
0x39: {  	s0 =	simm.s32 $0x130;
	v4 =	vld [tilespmem:s31+$0x700];
	[tilespmem:s31+$0x13690] =	vst v0  }
0x3a: {  	s1 =	simm.s32 $0x980;
	v0 =	vld [tilespmem:s0+$0x710];
	[tilespmem:s31+$0x136C0] =	vst v7  }
.LBB2_2:
0x3b: {  	p0 =	sne.s32 s1, $0x25B40;
	v5 =	vld [tilespmem:s0+$0x71C];
	[tilespmem:s31+$0x136D0] =	vst v1  }
0x3c: {  	v1 =	vld [tilespmem:s0+$0x600];
	[tilespmem:s31+$0x136E0] =	vst v2  }
0x3d: {  	v2 =	vld [tilespmem:s0+$0x610];
	[tilespmem:s31+$0x136F0] =	vst v3  }
0x3e: {  	v3 =	vld [tilespmem:s0+$0x620];
	[tilespmem:s31+$0x13700] =	vst v4;
	s31 =	smov.u32 s0  }
0x3f: {  	v4 =	vld [tilespmem:s31+$0x630];
	[tilespmem:s31+$0x13710] =	vst v0  }
0x40: {  	v0 =	vld [tilespmem:s31+$0x640];
	[tilespmem:s31+$0x1371C] =	vst v5  }
0x41: {  	[tilespmem:s31+$0x13600] =	vst v1;
	v1 =	vld [tilespmem:s31+$0x650]  }
0x42: {  	[tilespmem:s31+$0x13610] =	vst v2;
	v2 =	vld [tilespmem:s31+$0x660]  }
0x43: {  	[tilespmem:s31+$0x13620] =	vst v3;
	v3 =	vld [tilespmem:s31+$0x670]  }
0x44: {  	[tilespmem:s31+$0x13630] =	vst v4;
	v4 =	vld [tilespmem:s31+$0x680]  }
0x45: {  	[tilespmem:s31+$0x13640] =	vst v0;
	v0 =	vld [tilespmem:s31+$0x690]  }
0x46: {  	[tilespmem:s31+$0x13650] =	vst v1;
	v5 =	vld [tilespmem:s31+$0x6A0]  }
0x47: {  	[tilespmem:s31+$0x13660] =	vst v2;
	v6 =	vld [tilespmem:s31+$0x6B0]  }
0x48: {  	[tilespmem:s31+$0x13670] =	vst v3;
	v7 =	vld [tilespmem:s31+$0x6C0]  }
.Ltmp0:
0x49: {  	[tilespmem:s31+$0x13680] =	vst v4;
	v1 =	vld [tilespmem:s31+$0x6D0];
	(pc) =	sbr.rel @p0 .LBB2_2-.Ltmp0, $4  }
0x4a: {  	[tilespmem:s31+$0x13690] =	vst v0;
	v2 =	vld [tilespmem:s31+$0x6E0]  }
0x4b: {  	[tilespmem:s31+$0x136A0] =	vst v5;
	v3 =	vld [tilespmem:s31+$0x6F0]  }
0x4c: {  	s0 =	sshra.s32 s1, $0x2;
	[tilespmem:s31+$0x136B0] =	vst v6;
	v4 =	vld [tilespmem:s31+$0x700]  }
0x4d: {  	s1 =	sadd.s32 $0x4C0, s1;
	v0 =	vld [tilespmem:s0+$0x710];
	[tilespmem:s31+$0x136C0] =	vst v7  }
0x4e: {  	v5 =	vld [tilespmem:s0+$0x71C];
	[tilespmem:s31+$0x136D0] =	vst v1  }
0x4f: {  	v1 =	vld [tilespmem:s0+$0x600];
	[tilespmem:s31+$0x136E0] =	vst v2  }
0x50: {  	v2 =	vld [tilespmem:s0+$0x610];
	[tilespmem:s31+$0x136F0] =	vst v3  }
0x51: {  	v3 =	vld [tilespmem:s0+$0x620];
	[tilespmem:s31+$0x13700] =	vst v4  }
0x52: {  	v4 =	vld [tilespmem:s0+$0x630];
	[tilespmem:s0+$0x13710] =	vst v0  }
0x53: {  	v0 =	vld [tilespmem:s0+$0x640];
	[tilespmem:s0+$0x1371C] =	vst v5  }
0x54: {  	[tilespmem:s0+$0x13600] =	vst v1;
	v1 =	vld [tilespmem:s0+$0x650]  }
0x55: {  	[tilespmem:s0+$0x13610] =	vst v2;
	v2 =	vld [tilespmem:s0+$0x660]  }
0x56: {  	[tilespmem:s0+$0x13620] =	vst v3;
	v3 =	vld [tilespmem:s0+$0x670]  }
0x57: {  	[tilespmem:s0+$0x13630] =	vst v4;
	v4 =	vld [tilespmem:s0+$0x680]  }
0x58: {  	[tilespmem:s0+$0x13640] =	vst v0;
	v0 =	vld [tilespmem:s0+$0x690]  }
0x59: {  	[tilespmem:s0+$0x13650] =	vst v1;
	v1 =	vld [tilespmem:s0+$0x6A0]  }
0x5a: {  	[tilespmem:s0+$0x13660] =	vst v2;
	v2 =	vld [tilespmem:s0+$0x6B0]  }
0x5b: {  	[tilespmem:s0+$0x13670] =	vst v3;
	v3 =	vld [tilespmem:s0+$0x6C0]  }
0x5c: {  	[tilespmem:s0+$0x13680] =	vst v4;
	v4 =	vld [tilespmem:s0+$0x6D0]  }
0x5d: {  	[tilespmem:s0+$0x13690] =	vst v0;
	v0 =	vld [tilespmem:s0+$0x6E0]  }
0x5e: {  	[tilespmem:s0+$0x136A0] =	vst v1;
	v1 =	vld [tilespmem:s0+$0x6F0]  }
0x5f: {  	[tilespmem:s0+$0x136B0] =	vst v2;
	v2 =	vld [tilespmem:s0+$0x700]  }
0x60: {  	[tilespmem:s0+$0x136C0] =	vst v3  }
0x61: {  	[tilespmem:s0+$0x136D0] =	vst v4  }
0x62: {  	[tilespmem:s0+$0x136E0] =	vst v0  }
0x63: {  	[tilespmem:s0+$0x136F0] =	vst v1  }
0x64: {  	s1 =	simm.s32 $0x0;
	[tilespmem:s0+$0x13700] =	vst v2  }
0x65: {  	[hbm4b:s7+s1] =	stream.linear.scatter [tilespmem:s28], [sflag:$0x3], $0x9800, $0x38;
	[tilespmem:$0x1CE00] =	vst v63  }
0x66: {  	_ =	swait.ge [sflag:s20], $0x9800  }
0x67: {  	[sflag:s20] =	ssyncset.done $0x0  }
0x68: {  	[sflag:s20] =	ssyncadd.s32 $0xFFFF6800  }
0x69: {  	_ =	swait.ge [sflag:s29], $0x9800  }
0x6a: {  	[sflag:s29] =	ssyncset.done $0x0  }
0x6b: {  	s31 =	simm.s32 $0x0;
	s1 =	simm.s32 $0x100;
	[sflag:s29] =	ssyncadd.s32 $0xFFFF6800  }
0x6c: {  	[tilespmem:s24], [sflag:$0x1] =	stream.indirect.gather [hbm4b:s3+s23], $0x130, s1, s23, $0xb8;
	[tilespmem:$0x1CE00] =	vst v63  }
0x6d: {  	v0 =	vld [tilespmem:s31+$0x9F10]  }
0x6e: {  	v2 =	vld [tilespmem:s31+$0x9E00]  }
0x6f: {  	v3 =	vld [tilespmem:s31+$0x9E10]  }
0x70: {  	v4 =	vld [tilespmem:s31+$0x9E20]  }
0x71: {  	v5 =	vld [tilespmem:s31+$0x9E30]  }
0x72: {  	v1 =	vld [tilespmem:s31+$0x9F1C];
	[tilespmem:s31+$0x13710] =	vst v0  }
0x73: {  	v6 =	vld [tilespmem:s31+$0x9EB0];
	[tilespmem:s31+$0x13600] =	vst v2  }
0x74: {  	v0 =	vld [tilespmem:s31+$0x9E40];
	[tilespmem:s31+$0x13610] =	vst v3  }
0x75: {  	v2 =	vld [tilespmem:s31+$0x9E60];
	[tilespmem:s31+$0x13620] =	vst v4  }
0x76: {  	v3 =	vld [tilespmem:s31+$0x9E70];
	[tilespmem:s31+$0x13630] =	vst v5  }
0x77: {  	[tilespmem:s31+$0x1371C] =	vst v1;
	v1 =	vld [tilespmem:s31+$0x9E50]  }
0x78: {  	v4 =	vld [tilespmem:s31+$0x9E80];
	[tilespmem:s31+$0x136B0] =	vst v6  }
0x79: {  	v5 =	vld [tilespmem:s31+$0x9EA0];
	[tilespmem:s31+$0x13640] =	vst v0  }
0x7a: {  	v0 =	vld [tilespmem:s31+$0x9E90];
	[tilespmem:s31+$0x13660] =	vst v2  }
0x7b: {  	v7 =	vld [tilespmem:s31+$0x9EC0];
	[tilespmem:s31+$0x13670] =	vst v3  }
0x7c: {  	[tilespmem:s31+$0x13650] =	vst v1;
	v1 =	vld [tilespmem:s31+$0x9ED0]  }
0x7d: {  	[tilespmem:s31+$0x13680] =	vst v4;
	v2 =	vld [tilespmem:s31+$0x9EE0]  }
0x7e: {  	[tilespmem:s31+$0x136A0] =	vst v5;
	v3 =	vld [tilespmem:s31+$0x9EF0]  }
0x7f: {  	s0 =	simm.s32 $0x130;
	v4 =	vld [tilespmem:s31+$0x9F00];
	[tilespmem:s31+$0x13690] =	vst v0  }
0x80: {  	s1 =	simm.s32 $0x980;
	v0 =	vld [tilespmem:s0+$0x9F10];
	[tilespmem:s31+$0x136C0] =	vst v7  }
.LBB2_4:
0x81: {  	p0 =	sne.s32 s1, $0x25B40;
	v5 =	vld [tilespmem:s0+$0x9F1C];
	[tilespmem:s31+$0x136D0] =	vst v1  }
0x82: {  	v1 =	vld [tilespmem:s0+$0x9E00];
	[tilespmem:s31+$0x136E0] =	vst v2  }
0x83: {  	v2 =	vld [tilespmem:s0+$0x9E10];
	[tilespmem:s31+$0x136F0] =	vst v3  }
0x84: {  	v3 =	vld [tilespmem:s0+$0x9E20];
	[tilespmem:s31+$0x13700] =	vst v4;
	s31 =	smov.u32 s0  }
0x85: {  	v4 =	vld [tilespmem:s31+$0x9E30];
	[tilespmem:s31+$0x13710] =	vst v0  }
0x86: {  	v0 =	vld [tilespmem:s31+$0x9E40];
	[tilespmem:s31+$0x1371C] =	vst v5  }
0x87: {  	[tilespmem:s31+$0x13600] =	vst v1;
	v1 =	vld [tilespmem:s31+$0x9E50]  }
0x88: {  	[tilespmem:s31+$0x13610] =	vst v2;
	v2 =	vld [tilespmem:s31+$0x9E60]  }
0x89: {  	[tilespmem:s31+$0x13620] =	vst v3;
	v3 =	vld [tilespmem:s31+$0x9E70]  }
0x8a: {  	[tilespmem:s31+$0x13630] =	vst v4;
	v4 =	vld [tilespmem:s31+$0x9E80]  }
0x8b: {  	[tilespmem:s31+$0x13640] =	vst v0;
	v0 =	vld [tilespmem:s31+$0x9E90]  }
0x8c: {  	[tilespmem:s31+$0x13650] =	vst v1;
	v5 =	vld [tilespmem:s31+$0x9EA0]  }
0x8d: {  	[tilespmem:s31+$0x13660] =	vst v2;
	v6 =	vld [tilespmem:s31+$0x9EB0]  }
0x8e: {  	[tilespmem:s31+$0x13670] =	vst v3;
	v7 =	vld [tilespmem:s31+$0x9EC0]  }
.Ltmp1:
0x8f: {  	[tilespmem:s31+$0x13680] =	vst v4;
	v1 =	vld [tilespmem:s31+$0x9ED0];
	(pc) =	sbr.rel @p0 .LBB2_4-.Ltmp1, $4  }
0x90: {  	[tilespmem:s31+$0x13690] =	vst v0;
	v2 =	vld [tilespmem:s31+$0x9EE0]  }
0x91: {  	[tilespmem:s31+$0x136A0] =	vst v5;
	v3 =	vld [tilespmem:s31+$0x9EF0]  }
0x92: {  	s0 =	sshra.s32 s1, $0x2;
	[tilespmem:s31+$0x136B0] =	vst v6;
	v4 =	vld [tilespmem:s31+$0x9F00]  }
0x93: {  	s1 =	sadd.s32 $0x4C0, s1;
	v0 =	vld [tilespmem:s0+$0x9F10];
	[tilespmem:s31+$0x136C0] =	vst v7  }
0x94: {  	v5 =	vld [tilespmem:s0+$0x9F1C];
	[tilespmem:s31+$0x136D0] =	vst v1  }
0x95: {  	v1 =	vld [tilespmem:s0+$0x9E00];
	[tilespmem:s31+$0x136E0] =	vst v2  }
0x96: {  	v2 =	vld [tilespmem:s0+$0x9E10];
	[tilespmem:s31+$0x136F0] =	vst v3  }
0x97: {  	v3 =	vld [tilespmem:s0+$0x9E20];
	[tilespmem:s31+$0x13700] =	vst v4  }
0x98: {  	v4 =	vld [tilespmem:s0+$0x9E30];
	[tilespmem:s0+$0x13710] =	vst v0  }
0x99: {  	v0 =	vld [tilespmem:s0+$0x9E40];
	[tilespmem:s0+$0x1371C] =	vst v5  }
0x9a: {  	[tilespmem:s0+$0x13600] =	vst v1;
	v1 =	vld [tilespmem:s0+$0x9E50]  }
0x9b: {  	[tilespmem:s0+$0x13610] =	vst v2;
	v2 =	vld [tilespmem:s0+$0x9E60]  }
0x9c: {  	[tilespmem:s0+$0x13620] =	vst v3;
	v3 =	vld [tilespmem:s0+$0x9E70]  }
0x9d: {  	[tilespmem:s0+$0x13630] =	vst v4;
	v4 =	vld [tilespmem:s0+$0x9E80]  }
0x9e: {  	[tilespmem:s0+$0x13640] =	vst v0;
	v0 =	vld [tilespmem:s0+$0x9E90]  }
0x9f: {  	[tilespmem:s0+$0x13650] =	vst v1;
	v1 =	vld [tilespmem:s0+$0x9EA0]  }
0xa0: {  	[tilespmem:s0+$0x13660] =	vst v2;
	v2 =	vld [tilespmem:s0+$0x9EB0]  }
0xa1: {  	[tilespmem:s0+$0x13670] =	vst v3;
	v3 =	vld [tilespmem:s0+$0x9EC0]  }
0xa2: {  	[tilespmem:s0+$0x13680] =	vst v4;
	v4 =	vld [tilespmem:s0+$0x9ED0]  }
0xa3: {  	[tilespmem:s0+$0x13690] =	vst v0;
	v0 =	vld [tilespmem:s0+$0x9EE0]  }
0xa4: {  	[tilespmem:s0+$0x136A0] =	vst v1;
	v1 =	vld [tilespmem:s0+$0x9EF0]  }
0xa5: {  	[tilespmem:s0+$0x136B0] =	vst v2;
	v2 =	vld [tilespmem:s0+$0x9F00]  }
0xa6: {  	[tilespmem:s0+$0x136C0] =	vst v3  }
0xa7: {  	[tilespmem:s0+$0x136D0] =	vst v4  }
0xa8: {  	[tilespmem:s0+$0x136E0] =	vst v0  }
0xa9: {  	[tilespmem:s0+$0x136F0] =	vst v1  }
0xaa: {  	s1 =	simm.s32 $0x0;
	[tilespmem:s0+$0x13700] =	vst v2  }
0xab: {  	[hbm4b:s8+s1] =	stream.linear.scatter [tilespmem:s28], [sflag:$0x3], $0x9800, $0x38;
	[tilespmem:$0x1CE00] =	vst v63  }
0xac: {  	_ =	swait.ge [sflag:s20], $0x9800  }
0xad: {  	[sflag:s20] =	ssyncset.done $0x0  }
0xae: {  	[sflag:s20] =	ssyncadd.s32 $0xFFFF6800  }
0xaf: {  	_ =	swait.ge [sflag:s25], $0x9800  }
0xb0: {  	[sflag:s25] =	ssyncset.done $0x0  }
0xb1: {  	s31 =	simm.s32 $0x0;
	s1 =	simm.s32 $0x180;
	[sflag:s25] =	ssyncadd.s32 $0xFFFF6800  }
0xb2: {  	[tilespmem:s26], [sflag:$0x2] =	stream.indirect.gather [hbm4b:s3+s23], $0x130, s1, s23, $0xb8;
	[tilespmem:$0x1CE00] =	vst v63  }
0xb3: {  	v0 =	vld [tilespmem:s31+$0x710]  }
0xb4: {  	v2 =	vld [tilespmem:s31+$0x600]  }
0xb5: {  	v3 =	vld [tilespmem:s31+$0x610]  }
0xb6: {  	v4 =	vld [tilespmem:s31+$0x620]  }
0xb7: {  	v5 =	vld [tilespmem:s31+$0x630]  }
0xb8: {  	v1 =	vld [tilespmem:s31+$0x71C];
	[tilespmem:s31+$0x13710] =	vst v0  }
0xb9: {  	v6 =	vld [tilespmem:s31+$0x6B0];
	[tilespmem:s31+$0x13600] =	vst v2  }
0xba: {  	v0 =	vld [tilespmem:s31+$0x640];
	[tilespmem:s31+$0x13610] =	vst v3  }
0xbb: {  	v2 =	vld [tilespmem:s31+$0x660];
	[tilespmem:s31+$0x13620] =	vst v4  }
0xbc: {  	v3 =	vld [tilespmem:s31+$0x670];
	[tilespmem:s31+$0x13630] =	vst v5  }
0xbd: {  	[tilespmem:s31+$0x1371C] =	vst v1;
	v1 =	vld [tilespmem:s31+$0x650]  }
0xbe: {  	v4 =	vld [tilespmem:s31+$0x680];
	[tilespmem:s31+$0x136B0] =	vst v6  }
0xbf: {  	v5 =	vld [tilespmem:s31+$0x6A0];
	[tilespmem:s31+$0x13640] =	vst v0  }
0xc0: {  	v0 =	vld [tilespmem:s31+$0x690];
	[tilespmem:s31+$0x13660] =	vst v2  }
0xc1: {  	v7 =	vld [tilespmem:s31+$0x6C0];
	[tilespmem:s31+$0x13670] =	vst v3  }
0xc2: {  	[tilespmem:s31+$0x13650] =	vst v1;
	v1 =	vld [tilespmem:s31+$0x6D0]  }
0xc3: {  	[tilespmem:s31+$0x13680] =	vst v4;
	v2 =	vld [tilespmem:s31+$0x6E0]  }
0xc4: {  	[tilespmem:s31+$0x136A0] =	vst v5;
	v3 =	vld [tilespmem:s31+$0x6F0]  }
0xc5: {  	s0 =	simm.s32 $0x130;
	v4 =	vld [tilespmem:s31+$0x700];
	[tilespmem:s31+$0x13690] =	vst v0  }
0xc6: {  	s1 =	simm.s32 $0x980;
	v0 =	vld [tilespmem:s0+$0x710];
	[tilespmem:s31+$0x136C0] =	vst v7  }
.LBB2_6:
0xc7: {  	p0 =	sne.s32 s1, $0x25B40;
	v5 =	vld [tilespmem:s0+$0x71C];
	[tilespmem:s31+$0x136D0] =	vst v1  }
0xc8: {  	v1 =	vld [tilespmem:s0+$0x600];
	[tilespmem:s31+$0x136E0] =	vst v2  }
0xc9: {  	v2 =	vld [tilespmem:s0+$0x610];
	[tilespmem:s31+$0x136F0] =	vst v3  }
0xca: {  	v3 =	vld [tilespmem:s0+$0x620];
	[tilespmem:s31+$0x13700] =	vst v4;
	s31 =	smov.u32 s0  }
0xcb: {  	v4 =	vld [tilespmem:s31+$0x630];
	[tilespmem:s31+$0x13710] =	vst v0  }
0xcc: {  	v0 =	vld [tilespmem:s31+$0x640];
	[tilespmem:s31+$0x1371C] =	vst v5  }
0xcd: {  	[tilespmem:s31+$0x13600] =	vst v1;
	v1 =	vld [tilespmem:s31+$0x650]  }
0xce: {  	[tilespmem:s31+$0x13610] =	vst v2;
	v2 =	vld [tilespmem:s31+$0x660]  }
0xcf: {  	[tilespmem:s31+$0x13620] =	vst v3;
	v3 =	vld [tilespmem:s31+$0x670]  }
0xd0: {  	[tilespmem:s31+$0x13630] =	vst v4;
	v4 =	vld [tilespmem:s31+$0x680]  }
0xd1: {  	[tilespmem:s31+$0x13640] =	vst v0;
	v0 =	vld [tilespmem:s31+$0x690]  }
0xd2: {  	[tilespmem:s31+$0x13650] =	vst v1;
	v5 =	vld [tilespmem:s31+$0x6A0]  }
0xd3: {  	[tilespmem:s31+$0x13660] =	vst v2;
	v6 =	vld [tilespmem:s31+$0x6B0]  }
0xd4: {  	[tilespmem:s31+$0x13670] =	vst v3;
	v7 =	vld [tilespmem:s31+$0x6C0]  }
.Ltmp2:
0xd5: {  	[tilespmem:s31+$0x13680] =	vst v4;
	v1 =	vld [tilespmem:s31+$0x6D0];
	(pc) =	sbr.rel @p0 .LBB2_6-.Ltmp2, $4  }
0xd6: {  	[tilespmem:s31+$0x13690] =	vst v0;
	v2 =	vld [tilespmem:s31+$0x6E0]  }
0xd7: {  	[tilespmem:s31+$0x136A0] =	vst v5;
	v3 =	vld [tilespmem:s31+$0x6F0]  }
0xd8: {  	s0 =	sshra.s32 s1, $0x2;
	[tilespmem:s31+$0x136B0] =	vst v6;
	v4 =	vld [tilespmem:s31+$0x700]  }
0xd9: {  	s1 =	sadd.s32 $0x4C0, s1;
	v0 =	vld [tilespmem:s0+$0x710];
	[tilespmem:s31+$0x136C0] =	vst v7  }
0xda: {  	v5 =	vld [tilespmem:s0+$0x71C];
	[tilespmem:s31+$0x136D0] =	vst v1  }
0xdb: {  	v1 =	vld [tilespmem:s0+$0x600];
	[tilespmem:s31+$0x136E0] =	vst v2  }
0xdc: {  	v2 =	vld [tilespmem:s0+$0x610];
	[tilespmem:s31+$0x136F0] =	vst v3  }
0xdd: {  	v3 =	vld [tilespmem:s0+$0x620];
	[tilespmem:s31+$0x13700] =	vst v4  }
0xde: {  	v4 =	vld [tilespmem:s0+$0x630];
	[tilespmem:s0+$0x13710] =	vst v0  }
0xdf: {  	v0 =	vld [tilespmem:s0+$0x640];
	[tilespmem:s0+$0x1371C] =	vst v5  }
0xe0: {  	[tilespmem:s0+$0x13600] =	vst v1;
	v1 =	vld [tilespmem:s0+$0x650]  }
0xe1: {  	[tilespmem:s0+$0x13610] =	vst v2;
	v2 =	vld [tilespmem:s0+$0x660]  }
0xe2: {  	[tilespmem:s0+$0x13620] =	vst v3;
	v3 =	vld [tilespmem:s0+$0x670]  }
0xe3: {  	[tilespmem:s0+$0x13630] =	vst v4;
	v4 =	vld [tilespmem:s0+$0x680]  }
0xe4: {  	[tilespmem:s0+$0x13640] =	vst v0;
	v0 =	vld [tilespmem:s0+$0x690]  }
0xe5: {  	[tilespmem:s0+$0x13650] =	vst v1;
	v1 =	vld [tilespmem:s0+$0x6A0]  }
0xe6: {  	[tilespmem:s0+$0x13660] =	vst v2;
	v2 =	vld [tilespmem:s0+$0x6B0]  }
0xe7: {  	[tilespmem:s0+$0x13670] =	vst v3;
	v3 =	vld [tilespmem:s0+$0x6C0]  }
0xe8: {  	[tilespmem:s0+$0x13680] =	vst v4;
	v4 =	vld [tilespmem:s0+$0x6D0]  }
0xe9: {  	[tilespmem:s0+$0x13690] =	vst v0;
	v0 =	vld [tilespmem:s0+$0x6E0]  }
0xea: {  	[tilespmem:s0+$0x136A0] =	vst v1;
	v1 =	vld [tilespmem:s0+$0x6F0]  }
0xeb: {  	[tilespmem:s0+$0x136B0] =	vst v2;
	v2 =	vld [tilespmem:s0+$0x700]  }
0xec: {  	[tilespmem:s0+$0x136C0] =	vst v3  }
0xed: {  	[tilespmem:s0+$0x136D0] =	vst v4  }
0xee: {  	[tilespmem:s0+$0x136E0] =	vst v0  }
0xef: {  	[tilespmem:s0+$0x136F0] =	vst v1  }
0xf0: {  	s1 =	simm.s32 $0x0;
	[tilespmem:s0+$0x13700] =	vst v2  }
0xf1: {  	[hbm4b:s9+s1] =	stream.linear.scatter [tilespmem:s28], [sflag:$0x3], $0x9800, $0x38;
	[tilespmem:$0x1CE00] =	vst v63  }
0xf2: {  	_ =	swait.ge [sflag:s20], $0x9800  }
0xf3: {  	[sflag:s20] =	ssyncset.done $0x0  }
0xf4: {  	[sflag:s20] =	ssyncadd.s32 $0xFFFF6800  }
0xf5: {  	_ =	swait.ge [sflag:s29], $0x9800  }
0xf6: {  	[sflag:s29] =	ssyncset.done $0x0  }
0xf7: {  	s31 =	simm.s32 $0x0;
	[sflag:s29] =	ssyncadd.s32 $0xFFFF6800  }
0xf8: {  	[tilespmem:s24], [sflag:$0x1] =	stream.indirect.gather [hbm4b:s3+s23], $0x130, s21, s23, $0xb8;
	[tilespmem:$0x1CE00] =	vst v63  }
0xf9: {  	v0 =	vld [tilespmem:s31+$0x9F10]  }
0xfa: {  	v2 =	vld [tilespmem:s31+$0x9E00]  }
0xfb: {  	v3 =	vld [tilespmem:s31+$0x9E10]  }
0xfc: {  	v4 =	vld [tilespmem:s31+$0x9E20]  }
0xfd: {  	v5 =	vld [tilespmem:s31+$0x9E30]  }
0xfe: {  	v1 =	vld [tilespmem:s31+$0x9F1C];
	[tilespmem:s31+$0x13710] =	vst v0  }
0xff: {  	v6 =	vld [tilespmem:s31+$0x9EB0];
	[tilespmem:s31+$0x13600] =	vst v2  }
0x100: {  	v0 =	vld [tilespmem:s31+$0x9E40];
	[tilespmem:s31+$0x13610] =	vst v3  }
0x101: {  	v2 =	vld [tilespmem:s31+$0x9E60];
	[tilespmem:s31+$0x13620] =	vst v4  }
0x102: {  	v3 =	vld [tilespmem:s31+$0x9E70];
	[tilespmem:s31+$0x13630] =	vst v5  }
0x103: {  	[tilespmem:s31+$0x1371C] =	vst v1;
	v1 =	vld [tilespmem:s31+$0x9E50]  }
0x104: {  	v4 =	vld [tilespmem:s31+$0x9E80];
	[tilespmem:s31+$0x136B0] =	vst v6  }
0x105: {  	v5 =	vld [tilespmem:s31+$0x9EA0];
	[tilespmem:s31+$0x13640] =	vst v0  }
0x106: {  	v0 =	vld [tilespmem:s31+$0x9E90];
	[tilespmem:s31+$0x13660] =	vst v2  }
0x107: {  	v7 =	vld [tilespmem:s31+$0x9EC0];
	[tilespmem:s31+$0x13670] =	vst v3  }
0x108: {  	[tilespmem:s31+$0x13650] =	vst v1;
	v1 =	vld [tilespmem:s31+$0x9ED0]  }
0x109: {  	[tilespmem:s31+$0x13680] =	vst v4;
	v2 =	vld [tilespmem:s31+$0x9EE0]  }
0x10a: {  	[tilespmem:s31+$0x136A0] =	vst v5;
	v3 =	vld [tilespmem:s31+$0x9EF0]  }
0x10b: {  	s0 =	simm.s32 $0x130;
	v4 =	vld [tilespmem:s31+$0x9F00];
	[tilespmem:s31+$0x13690] =	vst v0  }
0x10c: {  	s1 =	simm.s32 $0x980;
	v0 =	vld [tilespmem:s0+$0x9F10];
	[tilespmem:s31+$0x136C0] =	vst v7  }
.LBB2_8:
0x10d: {  	p0 =	sne.s32 s1, $0x25B40;
	v5 =	vld [tilespmem:s0+$0x9F1C];
	[tilespmem:s31+$0x136D0] =	vst v1  }
0x10e: {  	v1 =	vld [tilespmem:s0+$0x9E00];
	[tilespmem:s31+$0x136E0] =	vst v2  }
0x10f: {  	v2 =	vld [tilespmem:s0+$0x9E10];
	[tilespmem:s31+$0x136F0] =	vst v3  }
0x110: {  	v3 =	vld [tilespmem:s0+$0x9E20];
	[tilespmem:s31+$0x13700] =	vst v4;
	s31 =	smov.u32 s0  }
0x111: {  	v4 =	vld [tilespmem:s31+$0x9E30];
	[tilespmem:s31+$0x13710] =	vst v0  }
0x112: {  	v0 =	vld [tilespmem:s31+$0x9E40];
	[tilespmem:s31+$0x1371C] =	vst v5  }
0x113: {  	[tilespmem:s31+$0x13600] =	vst v1;
	v1 =	vld [tilespmem:s31+$0x9E50]  }
0x114: {  	[tilespmem:s31+$0x13610] =	vst v2;
	v2 =	vld [tilespmem:s31+$0x9E60]  }
0x115: {  	[tilespmem:s31+$0x13620] =	vst v3;
	v3 =	vld [tilespmem:s31+$0x9E70]  }
0x116: {  	[tilespmem:s31+$0x13630] =	vst v4;
	v4 =	vld [tilespmem:s31+$0x9E80]  }
0x117: {  	[tilespmem:s31+$0x13640] =	vst v0;
	v0 =	vld [tilespmem:s31+$0x9E90]  }
0x118: {  	[tilespmem:s31+$0x13650] =	vst v1;
	v5 =	vld [tilespmem:s31+$0x9EA0]  }
0x119: {  	[tilespmem:s31+$0x13660] =	vst v2;
	v6 =	vld [tilespmem:s31+$0x9EB0]  }
0x11a: {  	[tilespmem:s31+$0x13670] =	vst v3;
	v7 =	vld [tilespmem:s31+$0x9EC0]  }
.Ltmp3:
0x11b: {  	[tilespmem:s31+$0x13680] =	vst v4;
	v1 =	vld [tilespmem:s31+$0x9ED0];
	(pc) =	sbr.rel @p0 .LBB2_8-.Ltmp3, $4  }
0x11c: {  	[tilespmem:s31+$0x13690] =	vst v0;
	v2 =	vld [tilespmem:s31+$0x9EE0]  }
0x11d: {  	[tilespmem:s31+$0x136A0] =	vst v5;
	v3 =	vld [tilespmem:s31+$0x9EF0]  }
0x11e: {  	s0 =	sshra.s32 s1, $0x2;
	[tilespmem:s31+$0x136B0] =	vst v6;
	v4 =	vld [tilespmem:s31+$0x9F00]  }
0x11f: {  	s1 =	sadd.s32 $0x4C0, s1;
	v0 =	vld [tilespmem:s0+$0x9F10];
	[tilespmem:s31+$0x136C0] =	vst v7  }
0x120: {  	v5 =	vld [tilespmem:s0+$0x9F1C];
	[tilespmem:s31+$0x136D0] =	vst v1  }
0x121: {  	v1 =	vld [tilespmem:s0+$0x9E00];
	[tilespmem:s31+$0x136E0] =	vst v2  }
0x122: {  	v2 =	vld [tilespmem:s0+$0x9E10];
	[tilespmem:s31+$0x136F0] =	vst v3  }
0x123: {  	v3 =	vld [tilespmem:s0+$0x9E20];
	[tilespmem:s31+$0x13700] =	vst v4  }
0x124: {  	v4 =	vld [tilespmem:s0+$0x9E30];
	[tilespmem:s0+$0x13710] =	vst v0  }
0x125: {  	v0 =	vld [tilespmem:s0+$0x9E40];
	[tilespmem:s0+$0x1371C] =	vst v5  }
0x126: {  	[tilespmem:s0+$0x13600] =	vst v1;
	v1 =	vld [tilespmem:s0+$0x9E50]  }
0x127: {  	[tilespmem:s0+$0x13610] =	vst v2;
	v2 =	vld [tilespmem:s0+$0x9E60]  }
0x128: {  	[tilespmem:s0+$0x13620] =	vst v3;
	v3 =	vld [tilespmem:s0+$0x9E70]  }
0x129: {  	[tilespmem:s0+$0x13630] =	vst v4;
	v4 =	vld [tilespmem:s0+$0x9E80]  }
0x12a: {  	[tilespmem:s0+$0x13640] =	vst v0;
	v0 =	vld [tilespmem:s0+$0x9E90]  }
0x12b: {  	[tilespmem:s0+$0x13650] =	vst v1;
	v1 =	vld [tilespmem:s0+$0x9EA0]  }
0x12c: {  	[tilespmem:s0+$0x13660] =	vst v2;
	v2 =	vld [tilespmem:s0+$0x9EB0]  }
0x12d: {  	[tilespmem:s0+$0x13670] =	vst v3;
	v3 =	vld [tilespmem:s0+$0x9EC0]  }
0x12e: {  	[tilespmem:s0+$0x13680] =	vst v4;
	v4 =	vld [tilespmem:s0+$0x9ED0]  }
0x12f: {  	[tilespmem:s0+$0x13690] =	vst v0;
	v0 =	vld [tilespmem:s0+$0x9EE0]  }
0x130: {  	[tilespmem:s0+$0x136A0] =	vst v1;
	v1 =	vld [tilespmem:s0+$0x9EF0]  }
0x131: {  	[tilespmem:s0+$0x136B0] =	vst v2;
	v2 =	vld [tilespmem:s0+$0x9F00]  }
0x132: {  	[tilespmem:s0+$0x136C0] =	vst v3  }
0x133: {  	[tilespmem:s0+$0x136D0] =	vst v4  }
0x134: {  	[tilespmem:s0+$0x136E0] =	vst v0  }
0x135: {  	[tilespmem:s0+$0x136F0] =	vst v1  }
0x136: {  	s1 =	simm.s32 $0x0;
	[tilespmem:s0+$0x13700] =	vst v2  }
0x137: {  	[hbm4b:s10+s1] =	stream.linear.scatter [tilespmem:s28], [sflag:$0x3], $0x9800, $0x38;
	[tilespmem:$0x1CE00] =	vst v63  }
0x138: {  	_ =	swait.ge [sflag:s20], $0x9800  }
0x139: {  	[sflag:s20] =	ssyncset.done $0x0  }
0x13a: {  	[sflag:s20] =	ssyncadd.s32 $0xFFFF6800  }
0x13b: {  	_ =	swait.ge [sflag:s25], $0x9800  }
0x13c: {  	[sflag:s25] =	ssyncset.done $0x0  }
0x13d: {  	s31 =	simm.s32 $0x0;
	s1 =	simm.s32 $0x280;
	[sflag:s25] =	ssyncadd.s32 $0xFFFF6800  }
0x13e: {  	[tilespmem:s26], [sflag:$0x2] =	stream.indirect.gather [hbm4b:s3+s23], $0x130, s1, s23, $0xb8;
	[tilespmem:$0x1CE00] =	vst v63  }
0x13f: {  	v0 =	vld [tilespmem:s31+$0x710]  }
0x140: {  	v2 =	vld [tilespmem:s31+$0x600]  }
0x141: {  	v3 =	vld [tilespmem:s31+$0x610]  }
0x142: {  	v4 =	vld [tilespmem:s31+$0x620]  }
0x143: {  	v5 =	vld [tilespmem:s31+$0x630]  }
0x144: {  	v1 =	vld [tilespmem:s31+$0x71C];
	[tilespmem:s31+$0x13710] =	vst v0  }
0x145: {  	v6 =	vld [tilespmem:s31+$0x6B0];
	[tilespmem:s31+$0x13600] =	vst v2  }
0x146: {  	v0 =	vld [tilespmem:s31+$0x640];
	[tilespmem:s31+$0x13610] =	vst v3  }
0x147: {  	v2 =	vld [tilespmem:s31+$0x660];
	[tilespmem:s31+$0x13620] =	vst v4  }
0x148: {  	v3 =	vld [tilespmem:s31+$0x670];
	[tilespmem:s31+$0x13630] =	vst v5  }
0x149: {  	[tilespmem:s31+$0x1371C] =	vst v1;
	v1 =	vld [tilespmem:s31+$0x650]  }
0x14a: {  	v4 =	vld [tilespmem:s31+$0x680];
	[tilespmem:s31+$0x136B0] =	vst v6  }
0x14b: {  	v5 =	vld [tilespmem:s31+$0x6A0];
	[tilespmem:s31+$0x13640] =	vst v0  }
0x14c: {  	v0 =	vld [tilespmem:s31+$0x690];
	[tilespmem:s31+$0x13660] =	vst v2  }
0x14d: {  	v7 =	vld [tilespmem:s31+$0x6C0];
	[tilespmem:s31+$0x13670] =	vst v3  }
0x14e: {  	[tilespmem:s31+$0x13650] =	vst v1;
	v1 =	vld [tilespmem:s31+$0x6D0]  }
0x14f: {  	[tilespmem:s31+$0x13680] =	vst v4;
	v2 =	vld [tilespmem:s31+$0x6E0]  }
0x150: {  	[tilespmem:s31+$0x136A0] =	vst v5;
	v3 =	vld [tilespmem:s31+$0x6F0]  }
0x151: {  	s0 =	simm.s32 $0x130;
	v4 =	vld [tilespmem:s31+$0x700];
	[tilespmem:s31+$0x13690] =	vst v0  }
0x152: {  	s1 =	simm.s32 $0x980;
	v0 =	vld [tilespmem:s0+$0x710];
	[tilespmem:s31+$0x136C0] =	vst v7  }
.LBB2_10:
0x153: {  	p0 =	sne.s32 s1, $0x25B40;
	v5 =	vld [tilespmem:s0+$0x71C];
	[tilespmem:s31+$0x136D0] =	vst v1  }
0x154: {  	v1 =	vld [tilespmem:s0+$0x600];
	[tilespmem:s31+$0x136E0] =	vst v2  }
0x155: {  	v2 =	vld [tilespmem:s0+$0x610];
	[tilespmem:s31+$0x136F0] =	vst v3  }
0x156: {  	v3 =	vld [tilespmem:s0+$0x620];
	[tilespmem:s31+$0x13700] =	vst v4;
	s31 =	smov.u32 s0  }
0x157: {  	v4 =	vld [tilespmem:s31+$0x630];
	[tilespmem:s31+$0x13710] =	vst v0  }
0x158: {  	v0 =	vld [tilespmem:s31+$0x640];
	[tilespmem:s31+$0x1371C] =	vst v5  }
0x159: {  	[tilespmem:s31+$0x13600] =	vst v1;
	v1 =	vld [tilespmem:s31+$0x650]  }
0x15a: {  	[tilespmem:s31+$0x13610] =	vst v2;
	v2 =	vld [tilespmem:s31+$0x660]  }
0x15b: {  	[tilespmem:s31+$0x13620] =	vst v3;
	v3 =	vld [tilespmem:s31+$0x670]  }
0x15c: {  	[tilespmem:s31+$0x13630] =	vst v4;
	v4 =	vld [tilespmem:s31+$0x680]  }
0x15d: {  	[tilespmem:s31+$0x13640] =	vst v0;
	v0 =	vld [tilespmem:s31+$0x690]  }
0x15e: {  	[tilespmem:s31+$0x13650] =	vst v1;
	v5 =	vld [tilespmem:s31+$0x6A0]  }
0x15f: {  	[tilespmem:s31+$0x13660] =	vst v2;
	v6 =	vld [tilespmem:s31+$0x6B0]  }
0x160: {  	[tilespmem:s31+$0x13670] =	vst v3;
	v7 =	vld [tilespmem:s31+$0x6C0]  }
.Ltmp4:
0x161: {  	[tilespmem:s31+$0x13680] =	vst v4;
	v1 =	vld [tilespmem:s31+$0x6D0];
	(pc) =	sbr.rel @p0 .LBB2_10-.Ltmp4, $4  }
0x162: {  	[tilespmem:s31+$0x13690] =	vst v0;
	v2 =	vld [tilespmem:s31+$0x6E0]  }
0x163: {  	[tilespmem:s31+$0x136A0] =	vst v5;
	v3 =	vld [tilespmem:s31+$0x6F0]  }
0x164: {  	s0 =	sshra.s32 s1, $0x2;
	[tilespmem:s31+$0x136B0] =	vst v6;
	v4 =	vld [tilespmem:s31+$0x700]  }
0x165: {  	s1 =	sadd.s32 $0x4C0, s1;
	v0 =	vld [tilespmem:s0+$0x710];
	[tilespmem:s31+$0x136C0] =	vst v7  }
0x166: {  	v5 =	vld [tilespmem:s0+$0x71C];
	[tilespmem:s31+$0x136D0] =	vst v1  }
0x167: {  	v1 =	vld [tilespmem:s0+$0x600];
	[tilespmem:s31+$0x136E0] =	vst v2  }
0x168: {  	v2 =	vld [tilespmem:s0+$0x610];
	[tilespmem:s31+$0x136F0] =	vst v3  }
0x169: {  	v3 =	vld [tilespmem:s0+$0x620];
	[tilespmem:s31+$0x13700] =	vst v4  }
0x16a: {  	v4 =	vld [tilespmem:s0+$0x630];
	[tilespmem:s0+$0x13710] =	vst v0  }
0x16b: {  	v0 =	vld [tilespmem:s0+$0x640];
	[tilespmem:s0+$0x1371C] =	vst v5  }
0x16c: {  	[tilespmem:s0+$0x13600] =	vst v1;
	v1 =	vld [tilespmem:s0+$0x650]  }
0x16d: {  	[tilespmem:s0+$0x13610] =	vst v2;
	v2 =	vld [tilespmem:s0+$0x660]  }
0x16e: {  	[tilespmem:s0+$0x13620] =	vst v3;
	v3 =	vld [tilespmem:s0+$0x670]  }
0x16f: {  	[tilespmem:s0+$0x13630] =	vst v4;
	v4 =	vld [tilespmem:s0+$0x680]  }
0x170: {  	[tilespmem:s0+$0x13640] =	vst v0;
	v0 =	vld [tilespmem:s0+$0x690]  }
0x171: {  	[tilespmem:s0+$0x13650] =	vst v1;
	v1 =	vld [tilespmem:s0+$0x6A0]  }
0x172: {  	[tilespmem:s0+$0x13660] =	vst v2;
	v2 =	vld [tilespmem:s0+$0x6B0]  }
0x173: {  	[tilespmem:s0+$0x13670] =	vst v3;
	v3 =	vld [tilespmem:s0+$0x6C0]  }
0x174: {  	[tilespmem:s0+$0x13680] =	vst v4;
	v4 =	vld [tilespmem:s0+$0x6D0]  }
0x175: {  	[tilespmem:s0+$0x13690] =	vst v0;
	v0 =	vld [tilespmem:s0+$0x6E0]  }
0x176: {  	[tilespmem:s0+$0x136A0] =	vst v1;
	v1 =	vld [tilespmem:s0+$0x6F0]  }
0x177: {  	[tilespmem:s0+$0x136B0] =	vst v2;
	v2 =	vld [tilespmem:s0+$0x700]  }
0x178: {  	[tilespmem:s0+$0x136C0] =	vst v3  }
0x179: {  	[tilespmem:s0+$0x136D0] =	vst v4  }
0x17a: {  	[tilespmem:s0+$0x136E0] =	vst v0  }
0x17b: {  	[tilespmem:s0+$0x136F0] =	vst v1  }
0x17c: {  	s1 =	simm.s32 $0x0;
	[tilespmem:s0+$0x13700] =	vst v2  }
0x17d: {  	[hbm4b:s11+s1] =	stream.linear.scatter [tilespmem:s28], [sflag:$0x3], $0x9800, $0x38;
	[tilespmem:$0x1CE00] =	vst v63  }
0x17e: {  	_ =	swait.ge [sflag:s20], $0x9800  }
0x17f: {  	[sflag:s20] =	ssyncset.done $0x0  }
0x180: {  	[sflag:s20] =	ssyncadd.s32 $0xFFFF6800  }
0x181: {  	_ =	swait.ge [sflag:s29], $0x9800  }
0x182: {  	[sflag:s29] =	ssyncset.done $0x0  }
0x183: {  	s31 =	simm.s32 $0x0;
	s1 =	simm.s32 $0x300;
	[sflag:s29] =	ssyncadd.s32 $0xFFFF6800  }
0x184: {  	[tilespmem:s24], [sflag:$0x1] =	stream.indirect.gather [hbm4b:s3+s23], $0x130, s1, s23, $0xb8;
	[tilespmem:$0x1CE00] =	vst v63  }
0x185: {  	v0 =	vld [tilespmem:s31+$0x9F10]  }
0x186: {  	v2 =	vld [tilespmem:s31+$0x9E00]  }
0x187: {  	v3 =	vld [tilespmem:s31+$0x9E10]  }
0x188: {  	v4 =	vld [tilespmem:s31+$0x9E20]  }
0x189: {  	v5 =	vld [tilespmem:s31+$0x9E30]  }
0x18a: {  	v1 =	vld [tilespmem:s31+$0x9F1C];
	[tilespmem:s31+$0x13710] =	vst v0  }
0x18b: {  	v6 =	vld [tilespmem:s31+$0x9EB0];
	[tilespmem:s31+$0x13600] =	vst v2  }
0x18c: {  	v0 =	vld [tilespmem:s31+$0x9E40];
	[tilespmem:s31+$0x13610] =	vst v3  }
0x18d: {  	v2 =	vld [tilespmem:s31+$0x9E60];
	[tilespmem:s31+$0x13620] =	vst v4  }
0x18e: {  	v3 =	vld [tilespmem:s31+$0x9E70];
	[tilespmem:s31+$0x13630] =	vst v5  }
0x18f: {  	[tilespmem:s31+$0x1371C] =	vst v1;
	v1 =	vld [tilespmem:s31+$0x9E50]  }
0x190: {  	v4 =	vld [tilespmem:s31+$0x9E80];
	[tilespmem:s31+$0x136B0] =	vst v6  }
0x191: {  	v5 =	vld [tilespmem:s31+$0x9EA0];
	[tilespmem:s31+$0x13640] =	vst v0  }
0x192: {  	v0 =	vld [tilespmem:s31+$0x9E90];
	[tilespmem:s31+$0x13660] =	vst v2  }
0x193: {  	v7 =	vld [tilespmem:s31+$0x9EC0];
	[tilespmem:s31+$0x13670] =	vst v3  }
0x194: {  	[tilespmem:s31+$0x13650] =	vst v1;
	v1 =	vld [tilespmem:s31+$0x9ED0]  }
0x195: {  	[tilespmem:s31+$0x13680] =	vst v4;
	v2 =	vld [tilespmem:s31+$0x9EE0]  }
0x196: {  	[tilespmem:s31+$0x136A0] =	vst v5;
	v3 =	vld [tilespmem:s31+$0x9EF0]  }
0x197: {  	s0 =	simm.s32 $0x130;
	v4 =	vld [tilespmem:s31+$0x9F00];
	[tilespmem:s31+$0x13690] =	vst v0  }
0x198: {  	s1 =	simm.s32 $0x980;
	v0 =	vld [tilespmem:s0+$0x9F10];
	[tilespmem:s31+$0x136C0] =	vst v7  }
.LBB2_12:
0x199: {  	p0 =	sne.s32 s1, $0x25B40;
	v5 =	vld [tilespmem:s0+$0x9F1C];
	[tilespmem:s31+$0x136D0] =	vst v1  }
0x19a: {  	v1 =	vld [tilespmem:s0+$0x9E00];
	[tilespmem:s31+$0x136E0] =	vst v2  }
0x19b: {  	v2 =	vld [tilespmem:s0+$0x9E10];
	[tilespmem:s31+$0x136F0] =	vst v3  }
0x19c: {  	v3 =	vld [tilespmem:s0+$0x9E20];
	[tilespmem:s31+$0x13700] =	vst v4;
	s31 =	smov.u32 s0  }
0x19d: {  	v4 =	vld [tilespmem:s31+$0x9E30];
	[tilespmem:s31+$0x13710] =	vst v0  }
0x19e: {  	v0 =	vld [tilespmem:s31+$0x9E40];
	[tilespmem:s31+$0x1371C] =	vst v5  }
0x19f: {  	[tilespmem:s31+$0x13600] =	vst v1;
	v1 =	vld [tilespmem:s31+$0x9E50]  }
0x1a0: {  	[tilespmem:s31+$0x13610] =	vst v2;
	v2 =	vld [tilespmem:s31+$0x9E60]  }
0x1a1: {  	[tilespmem:s31+$0x13620] =	vst v3;
	v3 =	vld [tilespmem:s31+$0x9E70]  }
0x1a2: {  	[tilespmem:s31+$0x13630] =	vst v4;
	v4 =	vld [tilespmem:s31+$0x9E80]  }
0x1a3: {  	[tilespmem:s31+$0x13640] =	vst v0;
	v0 =	vld [tilespmem:s31+$0x9E90]  }
0x1a4: {  	[tilespmem:s31+$0x13650] =	vst v1;
	v5 =	vld [tilespmem:s31+$0x9EA0]  }
0x1a5: {  	[tilespmem:s31+$0x13660] =	vst v2;
	v6 =	vld [tilespmem:s31+$0x9EB0]  }
0x1a6: {  	[tilespmem:s31+$0x13670] =	vst v3;
	v7 =	vld [tilespmem:s31+$0x9EC0]  }
.Ltmp5:
0x1a7: {  	[tilespmem:s31+$0x13680] =	vst v4;
	v1 =	vld [tilespmem:s31+$0x9ED0];
	(pc) =	sbr.rel @p0 .LBB2_12-.Ltmp5, $4  }
0x1a8: {  	[tilespmem:s31+$0x13690] =	vst v0;
	v2 =	vld [tilespmem:s31+$0x9EE0]  }
0x1a9: {  	[tilespmem:s31+$0x136A0] =	vst v5;
	v3 =	vld [tilespmem:s31+$0x9EF0]  }
0x1aa: {  	s0 =	sshra.s32 s1, $0x2;
	[tilespmem:s31+$0x136B0] =	vst v6;
	v4 =	vld [tilespmem:s31+$0x9F00]  }
0x1ab: {  	s1 =	sadd.s32 $0x4C0, s1;
	v0 =	vld [tilespmem:s0+$0x9F10];
	[tilespmem:s31+$0x136C0] =	vst v7  }
0x1ac: {  	v5 =	vld [tilespmem:s0+$0x9F1C];
	[tilespmem:s31+$0x136D0] =	vst v1  }
0x1ad: {  	v1 =	vld [tilespmem:s0+$0x9E00];
	[tilespmem:s31+$0x136E0] =	vst v2  }
0x1ae: {  	v2 =	vld [tilespmem:s0+$0x9E10];
	[tilespmem:s31+$0x136F0] =	vst v3  }
0x1af: {  	v3 =	vld [tilespmem:s0+$0x9E20];
	[tilespmem:s31+$0x13700] =	vst v4  }
0x1b0: {  	v4 =	vld [tilespmem:s0+$0x9E30];
	[tilespmem:s0+$0x13710] =	vst v0  }
0x1b1: {  	v0 =	vld [tilespmem:s0+$0x9E40];
	[tilespmem:s0+$0x1371C] =	vst v5  }
0x1b2: {  	[tilespmem:s0+$0x13600] =	vst v1;
	v1 =	vld [tilespmem:s0+$0x9E50]  }
0x1b3: {  	[tilespmem:s0+$0x13610] =	vst v2;
	v2 =	vld [tilespmem:s0+$0x9E60]  }
0x1b4: {  	[tilespmem:s0+$0x13620] =	vst v3;
	v3 =	vld [tilespmem:s0+$0x9E70]  }
0x1b5: {  	[tilespmem:s0+$0x13630] =	vst v4;
	v4 =	vld [tilespmem:s0+$0x9E80]  }
0x1b6: {  	[tilespmem:s0+$0x13640] =	vst v0;
	v0 =	vld [tilespmem:s0+$0x9E90]  }
0x1b7: {  	[tilespmem:s0+$0x13650] =	vst v1;
	v1 =	vld [tilespmem:s0+$0x9EA0]  }
0x1b8: {  	[tilespmem:s0+$0x13660] =	vst v2;
	v2 =	vld [tilespmem:s0+$0x9EB0]  }
0x1b9: {  	[tilespmem:s0+$0x13670] =	vst v3;
	v3 =	vld [tilespmem:s0+$0x9EC0]  }
0x1ba: {  	[tilespmem:s0+$0x13680] =	vst v4;
	v4 =	vld [tilespmem:s0+$0x9ED0]  }
0x1bb: {  	[tilespmem:s0+$0x13690] =	vst v0;
	v0 =	vld [tilespmem:s0+$0x9EE0]  }
0x1bc: {  	[tilespmem:s0+$0x136A0] =	vst v1;
	v1 =	vld [tilespmem:s0+$0x9EF0]  }
0x1bd: {  	[tilespmem:s0+$0x136B0] =	vst v2;
	v2 =	vld [tilespmem:s0+$0x9F00]  }
0x1be: {  	[tilespmem:s0+$0x136C0] =	vst v3  }
0x1bf: {  	[tilespmem:s0+$0x136D0] =	vst v4  }
0x1c0: {  	[tilespmem:s0+$0x136E0] =	vst v0  }
0x1c1: {  	[tilespmem:s0+$0x136F0] =	vst v1  }
0x1c2: {  	s1 =	simm.s32 $0x0;
	[tilespmem:s0+$0x13700] =	vst v2  }
0x1c3: {  	[hbm4b:s12+s1] =	stream.linear.scatter [tilespmem:s28], [sflag:$0x3], $0x9800, $0x38;
	[tilespmem:$0x1CE00] =	vst v63  }
0x1c4: {  	_ =	swait.ge [sflag:s20], $0x9800  }
0x1c5: {  	[sflag:s20] =	ssyncset.done $0x0  }
0x1c6: {  	[sflag:s20] =	ssyncadd.s32 $0xFFFF6800  }
0x1c7: {  	_ =	swait.ge [sflag:s25], $0x9800  }
0x1c8: {  	[sflag:s25] =	ssyncset.done $0x0  }
0x1c9: {  	s31 =	simm.s32 $0x0;
	s1 =	simm.s32 $0x380;
	[sflag:s25] =	ssyncadd.s32 $0xFFFF6800  }
0x1ca: {  	[tilespmem:s26], [sflag:$0x2] =	stream.indirect.gather [hbm4b:s3+s23], $0x130, s1, s23, $0xb8;
	[tilespmem:$0x1CE00] =	vst v63  }
0x1cb: {  	v0 =	vld [tilespmem:s31+$0x710]  }
0x1cc: {  	v2 =	vld [tilespmem:s31+$0x600]  }
0x1cd: {  	v3 =	vld [tilespmem:s31+$0x610]  }
0x1ce: {  	v4 =	vld [tilespmem:s31+$0x620]  }
0x1cf: {  	v5 =	vld [tilespmem:s31+$0x630]  }
0x1d0: {  	v1 =	vld [tilespmem:s31+$0x71C];
	[tilespmem:s31+$0x13710] =	vst v0  }
0x1d1: {  	v6 =	vld [tilespmem:s31+$0x6B0];
	[tilespmem:s31+$0x13600] =	vst v2  }
0x1d2: {  	v0 =	vld [tilespmem:s31+$0x640];
	[tilespmem:s31+$0x13610] =	vst v3  }
0x1d3: {  	v2 =	vld [tilespmem:s31+$0x660];
	[tilespmem:s31+$0x13620] =	vst v4  }
0x1d4: {  	v3 =	vld [tilespmem:s31+$0x670];
	[tilespmem:s31+$0x13630] =	vst v5  }
0x1d5: {  	[tilespmem:s31+$0x1371C] =	vst v1;
	v1 =	vld [tilespmem:s31+$0x650]  }
0x1d6: {  	v4 =	vld [tilespmem:s31+$0x680];
	[tilespmem:s31+$0x136B0] =	vst v6  }
0x1d7: {  	v5 =	vld [tilespmem:s31+$0x6A0];
	[tilespmem:s31+$0x13640] =	vst v0  }
0x1d8: {  	v0 =	vld [tilespmem:s31+$0x690];
	[tilespmem:s31+$0x13660] =	vst v2  }
0x1d9: {  	v7 =	vld [tilespmem:s31+$0x6C0];
	[tilespmem:s31+$0x13670] =	vst v3  }
0x1da: {  	[tilespmem:s31+$0x13650] =	vst v1;
	v1 =	vld [tilespmem:s31+$0x6D0]  }
0x1db: {  	[tilespmem:s31+$0x13680] =	vst v4;
	v2 =	vld [tilespmem:s31+$0x6E0]  }
0x1dc: {  	[tilespmem:s31+$0x136A0] =	vst v5;
	v3 =	vld [tilespmem:s31+$0x6F0]  }
0x1dd: {  	s0 =	simm.s32 $0x130;
	v4 =	vld [tilespmem:s31+$0x700];
	[tilespmem:s31+$0x13690] =	vst v0  }
0x1de: {  	s1 =	simm.s32 $0x980;
	v0 =	vld [tilespmem:s0+$0x710];
	[tilespmem:s31+$0x136C0] =	vst v7  }
.LBB2_14:
0x1df: {  	p0 =	sne.s32 s1, $0x25B40;
	v5 =	vld [tilespmem:s0+$0x71C];
	[tilespmem:s31+$0x136D0] =	vst v1  }
0x1e0: {  	v1 =	vld [tilespmem:s0+$0x600];
	[tilespmem:s31+$0x136E0] =	vst v2  }
0x1e1: {  	v2 =	vld [tilespmem:s0+$0x610];
	[tilespmem:s31+$0x136F0] =	vst v3  }
0x1e2: {  	v3 =	vld [tilespmem:s0+$0x620];
	[tilespmem:s31+$0x13700] =	vst v4;
	s31 =	smov.u32 s0  }
0x1e3: {  	v4 =	vld [tilespmem:s31+$0x630];
	[tilespmem:s31+$0x13710] =	vst v0  }
0x1e4: {  	v0 =	vld [tilespmem:s31+$0x640];
	[tilespmem:s31+$0x1371C] =	vst v5  }
0x1e5: {  	[tilespmem:s31+$0x13600] =	vst v1;
	v1 =	vld [tilespmem:s31+$0x650]  }
0x1e6: {  	[tilespmem:s31+$0x13610] =	vst v2;
	v2 =	vld [tilespmem:s31+$0x660]  }
0x1e7: {  	[tilespmem:s31+$0x13620] =	vst v3;
	v3 =	vld [tilespmem:s31+$0x670]  }
0x1e8: {  	[tilespmem:s31+$0x13630] =	vst v4;
	v4 =	vld [tilespmem:s31+$0x680]  }
0x1e9: {  	[tilespmem:s31+$0x13640] =	vst v0;
	v0 =	vld [tilespmem:s31+$0x690]  }
0x1ea: {  	[tilespmem:s31+$0x13650] =	vst v1;
	v5 =	vld [tilespmem:s31+$0x6A0]  }
0x1eb: {  	[tilespmem:s31+$0x13660] =	vst v2;
	v6 =	vld [tilespmem:s31+$0x6B0]  }
0x1ec: {  	[tilespmem:s31+$0x13670] =	vst v3;
	v7 =	vld [tilespmem:s31+$0x6C0]  }
.Ltmp6:
0x1ed: {  	[tilespmem:s31+$0x13680] =	vst v4;
	v1 =	vld [tilespmem:s31+$0x6D0];
	(pc) =	sbr.rel @p0 .LBB2_14-.Ltmp6, $4  }
0x1ee: {  	[tilespmem:s31+$0x13690] =	vst v0;
	v2 =	vld [tilespmem:s31+$0x6E0]  }
0x1ef: {  	[tilespmem:s31+$0x136A0] =	vst v5;
	v3 =	vld [tilespmem:s31+$0x6F0]  }
0x1f0: {  	s0 =	sshra.s32 s1, $0x2;
	[tilespmem:s31+$0x136B0] =	vst v6;
	v4 =	vld [tilespmem:s31+$0x700]  }
0x1f1: {  	s1 =	sadd.s32 $0x4C0, s1;
	v0 =	vld [tilespmem:s0+$0x710];
	[tilespmem:s31+$0x136C0] =	vst v7  }
0x1f2: {  	v5 =	vld [tilespmem:s0+$0x71C];
	[tilespmem:s31+$0x136D0] =	vst v1  }
0x1f3: {  	v1 =	vld [tilespmem:s0+$0x600];
	[tilespmem:s31+$0x136E0] =	vst v2  }
0x1f4: {  	v2 =	vld [tilespmem:s0+$0x610];
	[tilespmem:s31+$0x136F0] =	vst v3  }
0x1f5: {  	v3 =	vld [tilespmem:s0+$0x620];
	[tilespmem:s31+$0x13700] =	vst v4  }
0x1f6: {  	v4 =	vld [tilespmem:s0+$0x630];
	[tilespmem:s0+$0x13710] =	vst v0  }
0x1f7: {  	v0 =	vld [tilespmem:s0+$0x640];
	[tilespmem:s0+$0x1371C] =	vst v5  }
0x1f8: {  	[tilespmem:s0+$0x13600] =	vst v1;
	v1 =	vld [tilespmem:s0+$0x650]  }
0x1f9: {  	[tilespmem:s0+$0x13610] =	vst v2;
	v2 =	vld [tilespmem:s0+$0x660]  }
0x1fa: {  	[tilespmem:s0+$0x13620] =	vst v3;
	v3 =	vld [tilespmem:s0+$0x670]  }
0x1fb: {  	[tilespmem:s0+$0x13630] =	vst v4;
	v4 =	vld [tilespmem:s0+$0x680]  }
0x1fc: {  	[tilespmem:s0+$0x13640] =	vst v0;
	v0 =	vld [tilespmem:s0+$0x690]  }
0x1fd: {  	[tilespmem:s0+$0x13650] =	vst v1;
	v1 =	vld [tilespmem:s0+$0x6A0]  }
0x1fe: {  	[tilespmem:s0+$0x13660] =	vst v2;
	v2 =	vld [tilespmem:s0+$0x6B0]  }
0x1ff: {  	[tilespmem:s0+$0x13670] =	vst v3;
	v3 =	vld [tilespmem:s0+$0x6C0]  }
0x200: {  	[tilespmem:s0+$0x13680] =	vst v4;
	v4 =	vld [tilespmem:s0+$0x6D0]  }
0x201: {  	[tilespmem:s0+$0x13690] =	vst v0;
	v0 =	vld [tilespmem:s0+$0x6E0]  }
0x202: {  	[tilespmem:s0+$0x136A0] =	vst v1;
	v1 =	vld [tilespmem:s0+$0x6F0]  }
0x203: {  	[tilespmem:s0+$0x136B0] =	vst v2;
	v2 =	vld [tilespmem:s0+$0x700]  }
0x204: {  	[tilespmem:s0+$0x136C0] =	vst v3  }
0x205: {  	[tilespmem:s0+$0x136D0] =	vst v4  }
0x206: {  	[tilespmem:s0+$0x136E0] =	vst v0  }
0x207: {  	[tilespmem:s0+$0x136F0] =	vst v1  }
0x208: {  	s1 =	simm.s32 $0x0;
	[tilespmem:s0+$0x13700] =	vst v2  }
0x209: {  	[hbm4b:s13+s1] =	stream.linear.scatter [tilespmem:s28], [sflag:$0x3], $0x9800, $0x38;
	[tilespmem:$0x1CE00] =	vst v63  }
0x20a: {  	_ =	swait.ge [sflag:s20], $0x9800  }
0x20b: {  	[sflag:s20] =	ssyncset.done $0x0  }
0x20c: {  	[sflag:s20] =	ssyncadd.s32 $0xFFFF6800  }
0x20d: {  	_ =	swait.ge [sflag:s29], $0x9800  }
0x20e: {  	[sflag:s29] =	ssyncset.done $0x0  }
0x20f: {  	s31 =	simm.s32 $0x0;
	[sflag:s29] =	ssyncadd.s32 $0xFFFF6800  }
0x210: {  	[tilespmem:s24], [sflag:$0x1] =	stream.indirect.gather [hbm4b:s3+s23], $0x130, s22, s23, $0xb8;
	[tilespmem:$0x1CE00] =	vst v63  }
0x211: {  	v0 =	vld [tilespmem:s31+$0x9F10]  }
0x212: {  	v2 =	vld [tilespmem:s31+$0x9E00]  }
0x213: {  	v3 =	vld [tilespmem:s31+$0x9E10]  }
0x214: {  	v4 =	vld [tilespmem:s31+$0x9E20]  }
0x215: {  	v5 =	vld [tilespmem:s31+$0x9E30]  }
0x216: {  	v1 =	vld [tilespmem:s31+$0x9F1C];
	[tilespmem:s31+$0x13710] =	vst v0  }
0x217: {  	v6 =	vld [tilespmem:s31+$0x9EB0];
	[tilespmem:s31+$0x13600] =	vst v2  }
0x218: {  	v0 =	vld [tilespmem:s31+$0x9E40];
	[tilespmem:s31+$0x13610] =	vst v3  }
0x219: {  	v2 =	vld [tilespmem:s31+$0x9E60];
	[tilespmem:s31+$0x13620] =	vst v4  }
0x21a: {  	v3 =	vld [tilespmem:s31+$0x9E70];
	[tilespmem:s31+$0x13630] =	vst v5  }
0x21b: {  	[tilespmem:s31+$0x1371C] =	vst v1;
	v1 =	vld [tilespmem:s31+$0x9E50]  }
0x21c: {  	v4 =	vld [tilespmem:s31+$0x9E80];
	[tilespmem:s31+$0x136B0] =	vst v6  }
0x21d: {  	v5 =	vld [tilespmem:s31+$0x9EA0];
	[tilespmem:s31+$0x13640] =	vst v0  }
0x21e: {  	v0 =	vld [tilespmem:s31+$0x9E90];
	[tilespmem:s31+$0x13660] =	vst v2  }
0x21f: {  	v7 =	vld [tilespmem:s31+$0x9EC0];
	[tilespmem:s31+$0x13670] =	vst v3  }
0x220: {  	[tilespmem:s31+$0x13650] =	vst v1;
	v1 =	vld [tilespmem:s31+$0x9ED0]  }
0x221: {  	[tilespmem:s31+$0x13680] =	vst v4;
	v2 =	vld [tilespmem:s31+$0x9EE0]  }
0x222: {  	[tilespmem:s31+$0x136A0] =	vst v5;
	v3 =	vld [tilespmem:s31+$0x9EF0]  }
0x223: {  	s0 =	simm.s32 $0x130;
	v4 =	vld [tilespmem:s31+$0x9F00];
	[tilespmem:s31+$0x13690] =	vst v0  }
0x224: {  	s1 =	simm.s32 $0x980;
	v0 =	vld [tilespmem:s0+$0x9F10];
	[tilespmem:s31+$0x136C0] =	vst v7  }
.LBB2_16:
0x225: {  	p0 =	sne.s32 s1, $0x25B40;
	v5 =	vld [tilespmem:s0+$0x9F1C];
	[tilespmem:s31+$0x136D0] =	vst v1  }
0x226: {  	v1 =	vld [tilespmem:s0+$0x9E00];
	[tilespmem:s31+$0x136E0] =	vst v2  }
0x227: {  	v2 =	vld [tilespmem:s0+$0x9E10];
	[tilespmem:s31+$0x136F0] =	vst v3  }
0x228: {  	v3 =	vld [tilespmem:s0+$0x9E20];
	[tilespmem:s31+$0x13700] =	vst v4;
	s31 =	smov.u32 s0  }
0x229: {  	v4 =	vld [tilespmem:s31+$0x9E30];
	[tilespmem:s31+$0x13710] =	vst v0  }
0x22a: {  	v0 =	vld [tilespmem:s31+$0x9E40];
	[tilespmem:s31+$0x1371C] =	vst v5  }
0x22b: {  	[tilespmem:s31+$0x13600] =	vst v1;
	v1 =	vld [tilespmem:s31+$0x9E50]  }
0x22c: {  	[tilespmem:s31+$0x13610] =	vst v2;
	v2 =	vld [tilespmem:s31+$0x9E60]  }
0x22d: {  	[tilespmem:s31+$0x13620] =	vst v3;
	v3 =	vld [tilespmem:s31+$0x9E70]  }
0x22e: {  	[tilespmem:s31+$0x13630] =	vst v4;
	v4 =	vld [tilespmem:s31+$0x9E80]  }
0x22f: {  	[tilespmem:s31+$0x13640] =	vst v0;
	v0 =	vld [tilespmem:s31+$0x9E90]  }
0x230: {  	[tilespmem:s31+$0x13650] =	vst v1;
	v5 =	vld [tilespmem:s31+$0x9EA0]  }
0x231: {  	[tilespmem:s31+$0x13660] =	vst v2;
	v6 =	vld [tilespmem:s31+$0x9EB0]  }
0x232: {  	[tilespmem:s31+$0x13670] =	vst v3;
	v7 =	vld [tilespmem:s31+$0x9EC0]  }
.Ltmp7:
0x233: {  	[tilespmem:s31+$0x13680] =	vst v4;
	v1 =	vld [tilespmem:s31+$0x9ED0];
	(pc) =	sbr.rel @p0 .LBB2_16-.Ltmp7, $4  }
0x234: {  	[tilespmem:s31+$0x13690] =	vst v0;
	v2 =	vld [tilespmem:s31+$0x9EE0]  }
0x235: {  	[tilespmem:s31+$0x136A0] =	vst v5;
	v3 =	vld [tilespmem:s31+$0x9EF0]  }
0x236: {  	s0 =	sshra.s32 s1, $0x2;
	[tilespmem:s31+$0x136B0] =	vst v6;
	v4 =	vld [tilespmem:s31+$0x9F00]  }
0x237: {  	s1 =	sadd.s32 $0x4C0, s1;
	v0 =	vld [tilespmem:s0+$0x9F10];
	[tilespmem:s31+$0x136C0] =	vst v7  }
0x238: {  	v5 =	vld [tilespmem:s0+$0x9F1C];
	[tilespmem:s31+$0x136D0] =	vst v1  }
0x239: {  	v1 =	vld [tilespmem:s0+$0x9E00];
	[tilespmem:s31+$0x136E0] =	vst v2  }
0x23a: {  	v2 =	vld [tilespmem:s0+$0x9E10];
	[tilespmem:s31+$0x136F0] =	vst v3  }
0x23b: {  	v3 =	vld [tilespmem:s0+$0x9E20];
	[tilespmem:s31+$0x13700] =	vst v4  }
0x23c: {  	v4 =	vld [tilespmem:s0+$0x9E30];
	[tilespmem:s0+$0x13710] =	vst v0  }
0x23d: {  	v0 =	vld [tilespmem:s0+$0x9E40];
	[tilespmem:s0+$0x1371C] =	vst v5  }
0x23e: {  	[tilespmem:s0+$0x13600] =	vst v1;
	v1 =	vld [tilespmem:s0+$0x9E50]  }
0x23f: {  	[tilespmem:s0+$0x13610] =	vst v2;
	v2 =	vld [tilespmem:s0+$0x9E60]  }
0x240: {  	[tilespmem:s0+$0x13620] =	vst v3;
	v3 =	vld [tilespmem:s0+$0x9E70]  }
0x241: {  	[tilespmem:s0+$0x13630] =	vst v4;
	v4 =	vld [tilespmem:s0+$0x9E80]  }
0x242: {  	[tilespmem:s0+$0x13640] =	vst v0;
	v0 =	vld [tilespmem:s0+$0x9E90]  }
0x243: {  	[tilespmem:s0+$0x13650] =	vst v1;
	v1 =	vld [tilespmem:s0+$0x9EA0]  }
0x244: {  	[tilespmem:s0+$0x13660] =	vst v2;
	v2 =	vld [tilespmem:s0+$0x9EB0]  }
0x245: {  	[tilespmem:s0+$0x13670] =	vst v3;
	v3 =	vld [tilespmem:s0+$0x9EC0]  }
0x246: {  	[tilespmem:s0+$0x13680] =	vst v4;
	v4 =	vld [tilespmem:s0+$0x9ED0]  }
0x247: {  	[tilespmem:s0+$0x13690] =	vst v0;
	v0 =	vld [tilespmem:s0+$0x9EE0]  }
0x248: {  	[tilespmem:s0+$0x136A0] =	vst v1;
	v1 =	vld [tilespmem:s0+$0x9EF0]  }
0x249: {  	[tilespmem:s0+$0x136B0] =	vst v2;
	v2 =	vld [tilespmem:s0+$0x9F00]  }
0x24a: {  	[tilespmem:s0+$0x136C0] =	vst v3  }
0x24b: {  	[tilespmem:s0+$0x136D0] =	vst v4  }
0x24c: {  	[tilespmem:s0+$0x136E0] =	vst v0  }
0x24d: {  	[tilespmem:s0+$0x136F0] =	vst v1  }
0x24e: {  	s1 =	simm.s32 $0x0;
	[tilespmem:s0+$0x13700] =	vst v2  }
0x24f: {  	[hbm4b:s14+s1] =	stream.linear.scatter [tilespmem:s28], [sflag:$0x3], $0x9800, $0x38;
	[tilespmem:$0x1CE00] =	vst v63  }
0x250: {  	_ =	swait.ge [sflag:s20], $0x9800  }
0x251: {  	[sflag:s20] =	ssyncset.done $0x0  }
0x252: {  	[sflag:s20] =	ssyncadd.s32 $0xFFFF6800  }
0x253: {  	_ =	swait.ge [sflag:s25], $0x9800  }
0x254: {  	[sflag:s25] =	ssyncset.done $0x0  }
0x255: {  	s31 =	simm.s32 $0x0;
	s1 =	simm.s32 $0x480;
	[sflag:s25] =	ssyncadd.s32 $0xFFFF6800  }
0x256: {  	[tilespmem:s26], [sflag:$0x2] =	stream.indirect.gather [hbm4b:s3+s23], $0x130, s1, s23, $0xb8;
	[tilespmem:$0x1CE00] =	vst v63  }
0x257: {  	v0 =	vld [tilespmem:s31+$0x710]  }
0x258: {  	v2 =	vld [tilespmem:s31+$0x600]  }
0x259: {  	v3 =	vld [tilespmem:s31+$0x610]  }
0x25a: {  	v4 =	vld [tilespmem:s31+$0x620]  }
0x25b: {  	v5 =	vld [tilespmem:s31+$0x630]  }
0x25c: {  	v1 =	vld [tilespmem:s31+$0x71C];
	[tilespmem:s31+$0x13710] =	vst v0  }
0x25d: {  	v6 =	vld [tilespmem:s31+$0x6B0];
	[tilespmem:s31+$0x13600] =	vst v2  }
0x25e: {  	v0 =	vld [tilespmem:s31+$0x640];
	[tilespmem:s31+$0x13610] =	vst v3  }
0x25f: {  	v2 =	vld [tilespmem:s31+$0x660];
	[tilespmem:s31+$0x13620] =	vst v4  }
0x260: {  	v3 =	vld [tilespmem:s31+$0x670];
	[tilespmem:s31+$0x13630] =	vst v5  }
0x261: {  	[tilespmem:s31+$0x1371C] =	vst v1;
	v1 =	vld [tilespmem:s31+$0x650]  }
0x262: {  	v4 =	vld [tilespmem:s31+$0x680];
	[tilespmem:s31+$0x136B0] =	vst v6  }
0x263: {  	v5 =	vld [tilespmem:s31+$0x6A0];
	[tilespmem:s31+$0x13640] =	vst v0  }
0x264: {  	v0 =	vld [tilespmem:s31+$0x690];
	[tilespmem:s31+$0x13660] =	vst v2  }
0x265: {  	v7 =	vld [tilespmem:s31+$0x6C0];
	[tilespmem:s31+$0x13670] =	vst v3  }
0x266: {  	[tilespmem:s31+$0x13650] =	vst v1;
	v1 =	vld [tilespmem:s31+$0x6D0]  }
0x267: {  	[tilespmem:s31+$0x13680] =	vst v4;
	v2 =	vld [tilespmem:s31+$0x6E0]  }
0x268: {  	[tilespmem:s31+$0x136A0] =	vst v5;
	v3 =	vld [tilespmem:s31+$0x6F0]  }
0x269: {  	s0 =	simm.s32 $0x130;
	v4 =	vld [tilespmem:s31+$0x700];
	[tilespmem:s31+$0x13690] =	vst v0  }
0x26a: {  	s1 =	simm.s32 $0x980;
	v0 =	vld [tilespmem:s0+$0x710];
	[tilespmem:s31+$0x136C0] =	vst v7  }
.LBB2_18:
0x26b: {  	p0 =	sne.s32 s1, $0x25B40;
	v5 =	vld [tilespmem:s0+$0x71C];
	[tilespmem:s31+$0x136D0] =	vst v1  }
0x26c: {  	v1 =	vld [tilespmem:s0+$0x600];
	[tilespmem:s31+$0x136E0] =	vst v2  }
0x26d: {  	v2 =	vld [tilespmem:s0+$0x610];
	[tilespmem:s31+$0x136F0] =	vst v3  }
0x26e: {  	v3 =	vld [tilespmem:s0+$0x620];
	[tilespmem:s31+$0x13700] =	vst v4;
	s31 =	smov.u32 s0  }
0x26f: {  	v4 =	vld [tilespmem:s31+$0x630];
	[tilespmem:s31+$0x13710] =	vst v0  }
0x270: {  	v0 =	vld [tilespmem:s31+$0x640];
	[tilespmem:s31+$0x1371C] =	vst v5  }
0x271: {  	[tilespmem:s31+$0x13600] =	vst v1;
	v1 =	vld [tilespmem:s31+$0x650]  }
0x272: {  	[tilespmem:s31+$0x13610] =	vst v2;
	v2 =	vld [tilespmem:s31+$0x660]  }
0x273: {  	[tilespmem:s31+$0x13620] =	vst v3;
	v3 =	vld [tilespmem:s31+$0x670]  }
0x274: {  	[tilespmem:s31+$0x13630] =	vst v4;
	v4 =	vld [tilespmem:s31+$0x680]  }
0x275: {  	[tilespmem:s31+$0x13640] =	vst v0;
	v0 =	vld [tilespmem:s31+$0x690]  }
0x276: {  	[tilespmem:s31+$0x13650] =	vst v1;
	v5 =	vld [tilespmem:s31+$0x6A0]  }
0x277: {  	[tilespmem:s31+$0x13660] =	vst v2;
	v6 =	vld [tilespmem:s31+$0x6B0]  }
0x278: {  	[tilespmem:s31+$0x13670] =	vst v3;
	v7 =	vld [tilespmem:s31+$0x6C0]  }
.Ltmp8:
0x279: {  	[tilespmem:s31+$0x13680] =	vst v4;
	v1 =	vld [tilespmem:s31+$0x6D0];
	(pc) =	sbr.rel @p0 .LBB2_18-.Ltmp8, $4  }
0x27a: {  	[tilespmem:s31+$0x13690] =	vst v0;
	v2 =	vld [tilespmem:s31+$0x6E0]  }
0x27b: {  	[tilespmem:s31+$0x136A0] =	vst v5;
	v3 =	vld [tilespmem:s31+$0x6F0]  }
0x27c: {  	s0 =	sshra.s32 s1, $0x2;
	[tilespmem:s31+$0x136B0] =	vst v6;
	v4 =	vld [tilespmem:s31+$0x700]  }
0x27d: {  	s1 =	sadd.s32 $0x4C0, s1;
	v0 =	vld [tilespmem:s0+$0x710];
	[tilespmem:s31+$0x136C0] =	vst v7  }
0x27e: {  	v5 =	vld [tilespmem:s0+$0x71C];
	[tilespmem:s31+$0x136D0] =	vst v1  }
0x27f: {  	v1 =	vld [tilespmem:s0+$0x600];
	[tilespmem:s31+$0x136E0] =	vst v2  }
0x280: {  	v2 =	vld [tilespmem:s0+$0x610];
	[tilespmem:s31+$0x136F0] =	vst v3  }
0x281: {  	v3 =	vld [tilespmem:s0+$0x620];
	[tilespmem:s31+$0x13700] =	vst v4  }
0x282: {  	v4 =	vld [tilespmem:s0+$0x630];
	[tilespmem:s0+$0x13710] =	vst v0  }
0x283: {  	v0 =	vld [tilespmem:s0+$0x640];
	[tilespmem:s0+$0x1371C] =	vst v5  }
0x284: {  	[tilespmem:s0+$0x13600] =	vst v1;
	v1 =	vld [tilespmem:s0+$0x650]  }
0x285: {  	[tilespmem:s0+$0x13610] =	vst v2;
	v2 =	vld [tilespmem:s0+$0x660]  }
0x286: {  	[tilespmem:s0+$0x13620] =	vst v3;
	v3 =	vld [tilespmem:s0+$0x670]  }
0x287: {  	[tilespmem:s0+$0x13630] =	vst v4;
	v4 =	vld [tilespmem:s0+$0x680]  }
0x288: {  	[tilespmem:s0+$0x13640] =	vst v0;
	v0 =	vld [tilespmem:s0+$0x690]  }
0x289: {  	[tilespmem:s0+$0x13650] =	vst v1;
	v1 =	vld [tilespmem:s0+$0x6A0]  }
0x28a: {  	[tilespmem:s0+$0x13660] =	vst v2;
	v2 =	vld [tilespmem:s0+$0x6B0]  }
0x28b: {  	[tilespmem:s0+$0x13670] =	vst v3;
	v3 =	vld [tilespmem:s0+$0x6C0]  }
0x28c: {  	[tilespmem:s0+$0x13680] =	vst v4;
	v4 =	vld [tilespmem:s0+$0x6D0]  }
0x28d: {  	[tilespmem:s0+$0x13690] =	vst v0;
	v0 =	vld [tilespmem:s0+$0x6E0]  }
0x28e: {  	[tilespmem:s0+$0x136A0] =	vst v1;
	v1 =	vld [tilespmem:s0+$0x6F0]  }
0x28f: {  	[tilespmem:s0+$0x136B0] =	vst v2;
	v2 =	vld [tilespmem:s0+$0x700]  }
0x290: {  	[tilespmem:s0+$0x136C0] =	vst v3  }
0x291: {  	[tilespmem:s0+$0x136D0] =	vst v4  }
0x292: {  	[tilespmem:s0+$0x136E0] =	vst v0  }
0x293: {  	[tilespmem:s0+$0x136F0] =	vst v1  }
0x294: {  	s1 =	simm.s32 $0x0;
	[tilespmem:s0+$0x13700] =	vst v2  }
0x295: {  	[hbm4b:s15+s1] =	stream.linear.scatter [tilespmem:s28], [sflag:$0x3], $0x9800, $0x38;
	[tilespmem:$0x1CE00] =	vst v63  }
0x296: {  	_ =	swait.ge [sflag:s20], $0x9800  }
0x297: {  	[sflag:s20] =	ssyncset.done $0x0  }
0x298: {  	[sflag:s20] =	ssyncadd.s32 $0xFFFF6800  }
0x299: {  	_ =	swait.ge [sflag:s29], $0x9800  }
0x29a: {  	[sflag:s29] =	ssyncset.done $0x0  }
0x29b: {  	s31 =	simm.s32 $0x0;
	s1 =	simm.s32 $0x500;
	[sflag:s29] =	ssyncadd.s32 $0xFFFF6800  }
0x29c: {  	[tilespmem:s24], [sflag:$0x1] =	stream.indirect.gather [hbm4b:s3+s23], $0x130, s1, s23, $0xb8;
	[tilespmem:$0x1CE00] =	vst v63  }
0x29d: {  	v0 =	vld [tilespmem:s31+$0x9F10]  }
0x29e: {  	v2 =	vld [tilespmem:s31+$0x9E00]  }
0x29f: {  	v3 =	vld [tilespmem:s31+$0x9E10]  }
0x2a0: {  	v4 =	vld [tilespmem:s31+$0x9E20]  }
0x2a1: {  	v5 =	vld [tilespmem:s31+$0x9E30]  }
0x2a2: {  	v1 =	vld [tilespmem:s31+$0x9F1C];
	[tilespmem:s31+$0x13710] =	vst v0  }
0x2a3: {  	v6 =	vld [tilespmem:s31+$0x9EB0];
	[tilespmem:s31+$0x13600] =	vst v2  }
0x2a4: {  	v0 =	vld [tilespmem:s31+$0x9E40];
	[tilespmem:s31+$0x13610] =	vst v3  }
0x2a5: {  	v2 =	vld [tilespmem:s31+$0x9E60];
	[tilespmem:s31+$0x13620] =	vst v4  }
0x2a6: {  	v3 =	vld [tilespmem:s31+$0x9E70];
	[tilespmem:s31+$0x13630] =	vst v5  }
0x2a7: {  	[tilespmem:s31+$0x1371C] =	vst v1;
	v1 =	vld [tilespmem:s31+$0x9E50]  }
0x2a8: {  	v4 =	vld [tilespmem:s31+$0x9E80];
	[tilespmem:s31+$0x136B0] =	vst v6  }
0x2a9: {  	v5 =	vld [tilespmem:s31+$0x9EA0];
	[tilespmem:s31+$0x13640] =	vst v0  }
0x2aa: {  	v0 =	vld [tilespmem:s31+$0x9E90];
	[tilespmem:s31+$0x13660] =	vst v2  }
0x2ab: {  	v7 =	vld [tilespmem:s31+$0x9EC0];
	[tilespmem:s31+$0x13670] =	vst v3  }
0x2ac: {  	[tilespmem:s31+$0x13650] =	vst v1;
	v1 =	vld [tilespmem:s31+$0x9ED0]  }
0x2ad: {  	[tilespmem:s31+$0x13680] =	vst v4;
	v2 =	vld [tilespmem:s31+$0x9EE0]  }
0x2ae: {  	[tilespmem:s31+$0x136A0] =	vst v5;
	v3 =	vld [tilespmem:s31+$0x9EF0]  }
0x2af: {  	s0 =	simm.s32 $0x130;
	v4 =	vld [tilespmem:s31+$0x9F00];
	[tilespmem:s31+$0x13690] =	vst v0  }
0x2b0: {  	s1 =	simm.s32 $0x980;
	v0 =	vld [tilespmem:s0+$0x9F10];
	[tilespmem:s31+$0x136C0] =	vst v7  }
.LBB2_20:
0x2b1: {  	p0 =	sne.s32 s1, $0x25B40;
	v5 =	vld [tilespmem:s0+$0x9F1C];
	[tilespmem:s31+$0x136D0] =	vst v1  }
0x2b2: {  	v1 =	vld [tilespmem:s0+$0x9E00];
	[tilespmem:s31+$0x136E0] =	vst v2  }
0x2b3: {  	v2 =	vld [tilespmem:s0+$0x9E10];
	[tilespmem:s31+$0x136F0] =	vst v3  }
0x2b4: {  	v3 =	vld [tilespmem:s0+$0x9E20];
	[tilespmem:s31+$0x13700] =	vst v4;
	s31 =	smov.u32 s0  }
0x2b5: {  	v4 =	vld [tilespmem:s31+$0x9E30];
	[tilespmem:s31+$0x13710] =	vst v0  }
0x2b6: {  	v0 =	vld [tilespmem:s31+$0x9E40];
	[tilespmem:s31+$0x1371C] =	vst v5  }
0x2b7: {  	[tilespmem:s31+$0x13600] =	vst v1;
	v1 =	vld [tilespmem:s31+$0x9E50]  }
0x2b8: {  	[tilespmem:s31+$0x13610] =	vst v2;
	v2 =	vld [tilespmem:s31+$0x9E60]  }
0x2b9: {  	[tilespmem:s31+$0x13620] =	vst v3;
	v3 =	vld [tilespmem:s31+$0x9E70]  }
0x2ba: {  	[tilespmem:s31+$0x13630] =	vst v4;
	v4 =	vld [tilespmem:s31+$0x9E80]  }
0x2bb: {  	[tilespmem:s31+$0x13640] =	vst v0;
	v0 =	vld [tilespmem:s31+$0x9E90]  }
0x2bc: {  	[tilespmem:s31+$0x13650] =	vst v1;
	v5 =	vld [tilespmem:s31+$0x9EA0]  }
0x2bd: {  	[tilespmem:s31+$0x13660] =	vst v2;
	v6 =	vld [tilespmem:s31+$0x9EB0]  }
0x2be: {  	[tilespmem:s31+$0x13670] =	vst v3;
	v7 =	vld [tilespmem:s31+$0x9EC0]  }
.Ltmp9:
0x2bf: {  	[tilespmem:s31+$0x13680] =	vst v4;
	v1 =	vld [tilespmem:s31+$0x9ED0];
	(pc) =	sbr.rel @p0 .LBB2_20-.Ltmp9, $4  }
0x2c0: {  	[tilespmem:s31+$0x13690] =	vst v0;
	v2 =	vld [tilespmem:s31+$0x9EE0]  }
0x2c1: {  	[tilespmem:s31+$0x136A0] =	vst v5;
	v3 =	vld [tilespmem:s31+$0x9EF0]  }
0x2c2: {  	s0 =	sshra.s32 s1, $0x2;
	[tilespmem:s31+$0x136B0] =	vst v6;
	v4 =	vld [tilespmem:s31+$0x9F00]  }
0x2c3: {  	s1 =	sadd.s32 $0x4C0, s1;
	v0 =	vld [tilespmem:s0+$0x9F10];
	[tilespmem:s31+$0x136C0] =	vst v7  }
0x2c4: {  	v5 =	vld [tilespmem:s0+$0x9F1C];
	[tilespmem:s31+$0x136D0] =	vst v1  }
0x2c5: {  	v1 =	vld [tilespmem:s0+$0x9E00];
	[tilespmem:s31+$0x136E0] =	vst v2  }
0x2c6: {  	v2 =	vld [tilespmem:s0+$0x9E10];
	[tilespmem:s31+$0x136F0] =	vst v3  }
0x2c7: {  	v3 =	vld [tilespmem:s0+$0x9E20];
	[tilespmem:s31+$0x13700] =	vst v4  }
0x2c8: {  	v4 =	vld [tilespmem:s0+$0x9E30];
	[tilespmem:s0+$0x13710] =	vst v0  }
0x2c9: {  	v0 =	vld [tilespmem:s0+$0x9E40];
	[tilespmem:s0+$0x1371C] =	vst v5  }
0x2ca: {  	[tilespmem:s0+$0x13600] =	vst v1;
	v1 =	vld [tilespmem:s0+$0x9E50]  }
0x2cb: {  	[tilespmem:s0+$0x13610] =	vst v2;
	v2 =	vld [tilespmem:s0+$0x9E60]  }
0x2cc: {  	[tilespmem:s0+$0x13620] =	vst v3;
	v3 =	vld [tilespmem:s0+$0x9E70]  }
0x2cd: {  	[tilespmem:s0+$0x13630] =	vst v4;
	v4 =	vld [tilespmem:s0+$0x9E80]  }
0x2ce: {  	[tilespmem:s0+$0x13640] =	vst v0;
	v0 =	vld [tilespmem:s0+$0x9E90]  }
0x2cf: {  	[tilespmem:s0+$0x13650] =	vst v1;
	v1 =	vld [tilespmem:s0+$0x9EA0]  }
0x2d0: {  	[tilespmem:s0+$0x13660] =	vst v2;
	v2 =	vld [tilespmem:s0+$0x9EB0]  }
0x2d1: {  	[tilespmem:s0+$0x13670] =	vst v3;
	v3 =	vld [tilespmem:s0+$0x9EC0]  }
0x2d2: {  	[tilespmem:s0+$0x13680] =	vst v4;
	v4 =	vld [tilespmem:s0+$0x9ED0]  }
0x2d3: {  	[tilespmem:s0+$0x13690] =	vst v0;
	v0 =	vld [tilespmem:s0+$0x9EE0]  }
0x2d4: {  	[tilespmem:s0+$0x136A0] =	vst v1;
	v1 =	vld [tilespmem:s0+$0x9EF0]  }
0x2d5: {  	[tilespmem:s0+$0x136B0] =	vst v2;
	v2 =	vld [tilespmem:s0+$0x9F00]  }
0x2d6: {  	[tilespmem:s0+$0x136C0] =	vst v3  }
0x2d7: {  	[tilespmem:s0+$0x136D0] =	vst v4  }
0x2d8: {  	[tilespmem:s0+$0x136E0] =	vst v0  }
0x2d9: {  	[tilespmem:s0+$0x136F0] =	vst v1  }
0x2da: {  	s1 =	simm.s32 $0x0;
	[tilespmem:s0+$0x13700] =	vst v2  }
0x2db: {  	[hbm4b:s16+s1] =	stream.linear.scatter [tilespmem:s28], [sflag:$0x3], $0x9800, $0x38;
	[tilespmem:$0x1CE00] =	vst v63  }
0x2dc: {  	_ =	swait.ge [sflag:s20], $0x9800  }
0x2dd: {  	[sflag:s20] =	ssyncset.done $0x0  }
0x2de: {  	[sflag:s20] =	ssyncadd.s32 $0xFFFF6800  }
0x2df: {  	_ =	swait.ge [sflag:s25], $0x9800  }
0x2e0: {  	[sflag:s25] =	ssyncset.done $0x0  }
0x2e1: {  	s31 =	simm.s32 $0x0;
	s1 =	simm.s32 $0x580;
	[sflag:s25] =	ssyncadd.s32 $0xFFFF6800  }
0x2e2: {  	[tilespmem:s26], [sflag:$0x2] =	stream.indirect.gather [hbm4b:s3+s23], $0x130, s1, s23, $0xb8;
	[tilespmem:$0x1CE00] =	vst v63  }
0x2e3: {  	v0 =	vld [tilespmem:s31+$0x710]  }
0x2e4: {  	v2 =	vld [tilespmem:s31+$0x600]  }
0x2e5: {  	v3 =	vld [tilespmem:s31+$0x610]  }
0x2e6: {  	v4 =	vld [tilespmem:s31+$0x620]  }
0x2e7: {  	v5 =	vld [tilespmem:s31+$0x630]  }
0x2e8: {  	v1 =	vld [tilespmem:s31+$0x71C];
	[tilespmem:s31+$0x13710] =	vst v0  }
0x2e9: {  	v6 =	vld [tilespmem:s31+$0x6B0];
	[tilespmem:s31+$0x13600] =	vst v2  }
0x2ea: {  	v0 =	vld [tilespmem:s31+$0x640];
	[tilespmem:s31+$0x13610] =	vst v3  }
0x2eb: {  	v2 =	vld [tilespmem:s31+$0x660];
	[tilespmem:s31+$0x13620] =	vst v4  }
0x2ec: {  	v3 =	vld [tilespmem:s31+$0x670];
	[tilespmem:s31+$0x13630] =	vst v5  }
0x2ed: {  	[tilespmem:s31+$0x1371C] =	vst v1;
	v1 =	vld [tilespmem:s31+$0x650]  }
0x2ee: {  	v4 =	vld [tilespmem:s31+$0x680];
	[tilespmem:s31+$0x136B0] =	vst v6  }
0x2ef: {  	v5 =	vld [tilespmem:s31+$0x6A0];
	[tilespmem:s31+$0x13640] =	vst v0  }
0x2f0: {  	v0 =	vld [tilespmem:s31+$0x690];
	[tilespmem:s31+$0x13660] =	vst v2  }
0x2f1: {  	v7 =	vld [tilespmem:s31+$0x6C0];
	[tilespmem:s31+$0x13670] =	vst v3  }
0x2f2: {  	[tilespmem:s31+$0x13650] =	vst v1;
	v1 =	vld [tilespmem:s31+$0x6D0]  }
0x2f3: {  	[tilespmem:s31+$0x13680] =	vst v4;
	v2 =	vld [tilespmem:s31+$0x6E0]  }
0x2f4: {  	[tilespmem:s31+$0x136A0] =	vst v5;
	v3 =	vld [tilespmem:s31+$0x6F0]  }
0x2f5: {  	s0 =	simm.s32 $0x130;
	v4 =	vld [tilespmem:s31+$0x700];
	[tilespmem:s31+$0x13690] =	vst v0  }
0x2f6: {  	s1 =	simm.s32 $0x980;
	v0 =	vld [tilespmem:s0+$0x710];
	[tilespmem:s31+$0x136C0] =	vst v7  }
.LBB2_22:
0x2f7: {  	p0 =	sne.s32 s1, $0x25B40;
	v5 =	vld [tilespmem:s0+$0x71C];
	[tilespmem:s31+$0x136D0] =	vst v1  }
0x2f8: {  	v1 =	vld [tilespmem:s0+$0x600];
	[tilespmem:s31+$0x136E0] =	vst v2  }
0x2f9: {  	v2 =	vld [tilespmem:s0+$0x610];
	[tilespmem:s31+$0x136F0] =	vst v3  }
0x2fa: {  	v3 =	vld [tilespmem:s0+$0x620];
	[tilespmem:s31+$0x13700] =	vst v4;
	s31 =	smov.u32 s0  }
0x2fb: {  	v4 =	vld [tilespmem:s31+$0x630];
	[tilespmem:s31+$0x13710] =	vst v0  }
0x2fc: {  	v0 =	vld [tilespmem:s31+$0x640];
	[tilespmem:s31+$0x1371C] =	vst v5  }
0x2fd: {  	[tilespmem:s31+$0x13600] =	vst v1;
	v1 =	vld [tilespmem:s31+$0x650]  }
0x2fe: {  	[tilespmem:s31+$0x13610] =	vst v2;
	v2 =	vld [tilespmem:s31+$0x660]  }
0x2ff: {  	[tilespmem:s31+$0x13620] =	vst v3;
	v3 =	vld [tilespmem:s31+$0x670]  }
0x300: {  	[tilespmem:s31+$0x13630] =	vst v4;
	v4 =	vld [tilespmem:s31+$0x680]  }
0x301: {  	[tilespmem:s31+$0x13640] =	vst v0;
	v0 =	vld [tilespmem:s31+$0x690]  }
0x302: {  	[tilespmem:s31+$0x13650] =	vst v1;
	v5 =	vld [tilespmem:s31+$0x6A0]  }
0x303: {  	[tilespmem:s31+$0x13660] =	vst v2;
	v6 =	vld [tilespmem:s31+$0x6B0]  }
0x304: {  	[tilespmem:s31+$0x13670] =	vst v3;
	v7 =	vld [tilespmem:s31+$0x6C0]  }
.Ltmp10:
0x305: {  	[tilespmem:s31+$0x13680] =	vst v4;
	v1 =	vld [tilespmem:s31+$0x6D0];
	(pc) =	sbr.rel @p0 .LBB2_22-.Ltmp10, $4  }
0x306: {  	[tilespmem:s31+$0x13690] =	vst v0;
	v2 =	vld [tilespmem:s31+$0x6E0]  }
0x307: {  	[tilespmem:s31+$0x136A0] =	vst v5;
	v3 =	vld [tilespmem:s31+$0x6F0]  }
0x308: {  	s0 =	sshra.s32 s1, $0x2;
	[tilespmem:s31+$0x136B0] =	vst v6;
	v4 =	vld [tilespmem:s31+$0x700]  }
0x309: {  	s1 =	sadd.s32 $0x4C0, s1;
	v0 =	vld [tilespmem:s0+$0x710];
	[tilespmem:s31+$0x136C0] =	vst v7  }
0x30a: {  	v5 =	vld [tilespmem:s0+$0x71C];
	[tilespmem:s31+$0x136D0] =	vst v1  }
0x30b: {  	v1 =	vld [tilespmem:s0+$0x600];
	[tilespmem:s31+$0x136E0] =	vst v2  }
0x30c: {  	v2 =	vld [tilespmem:s0+$0x610];
	[tilespmem:s31+$0x136F0] =	vst v3  }
0x30d: {  	v3 =	vld [tilespmem:s0+$0x620];
	[tilespmem:s31+$0x13700] =	vst v4  }
0x30e: {  	v4 =	vld [tilespmem:s0+$0x630];
	[tilespmem:s0+$0x13710] =	vst v0  }
0x30f: {  	v0 =	vld [tilespmem:s0+$0x640];
	[tilespmem:s0+$0x1371C] =	vst v5  }
0x310: {  	[tilespmem:s0+$0x13600] =	vst v1;
	v1 =	vld [tilespmem:s0+$0x650]  }
0x311: {  	[tilespmem:s0+$0x13610] =	vst v2;
	v2 =	vld [tilespmem:s0+$0x660]  }
0x312: {  	[tilespmem:s0+$0x13620] =	vst v3;
	v3 =	vld [tilespmem:s0+$0x670]  }
0x313: {  	[tilespmem:s0+$0x13630] =	vst v4;
	v4 =	vld [tilespmem:s0+$0x680]  }
0x314: {  	[tilespmem:s0+$0x13640] =	vst v0;
	v0 =	vld [tilespmem:s0+$0x690]  }
0x315: {  	[tilespmem:s0+$0x13650] =	vst v1;
	v1 =	vld [tilespmem:s0+$0x6A0]  }
0x316: {  	[tilespmem:s0+$0x13660] =	vst v2;
	v2 =	vld [tilespmem:s0+$0x6B0]  }
0x317: {  	[tilespmem:s0+$0x13670] =	vst v3;
	v3 =	vld [tilespmem:s0+$0x6C0]  }
0x318: {  	[tilespmem:s0+$0x13680] =	vst v4;
	v4 =	vld [tilespmem:s0+$0x6D0]  }
0x319: {  	[tilespmem:s0+$0x13690] =	vst v0;
	v0 =	vld [tilespmem:s0+$0x6E0]  }
0x31a: {  	[tilespmem:s0+$0x136A0] =	vst v1;
	v1 =	vld [tilespmem:s0+$0x6F0]  }
0x31b: {  	[tilespmem:s0+$0x136B0] =	vst v2;
	v2 =	vld [tilespmem:s0+$0x700]  }
0x31c: {  	[tilespmem:s0+$0x136C0] =	vst v3  }
0x31d: {  	[tilespmem:s0+$0x136D0] =	vst v4  }
0x31e: {  	[tilespmem:s0+$0x136E0] =	vst v0  }
0x31f: {  	[tilespmem:s0+$0x136F0] =	vst v1  }
0x320: {  	s1 =	simm.s32 $0x0;
	[tilespmem:s0+$0x13700] =	vst v2  }
0x321: {  	[hbm4b:s17+s1] =	stream.linear.scatter [tilespmem:s28], [sflag:$0x3], $0x9800, $0x38;
	[tilespmem:$0x1CE00] =	vst v63  }
0x322: {  	_ =	swait.ge [sflag:s20], $0x9800  }
0x323: {  	[sflag:s20] =	ssyncset.done $0x0  }
0x324: {  	[sflag:s20] =	ssyncadd.s32 $0xFFFF6800  }
0x325: {  	_ =	swait.ge [sflag:s29], $0x9800  }
0x326: {  	[sflag:s29] =	ssyncset.done $0x0  }
0x327: {  	s31 =	simm.s32 $0x0;
	[sflag:s29] =	ssyncadd.s32 $0xFFFF6800  }
0x328: {  	v0 =	vld [tilespmem:s31+$0x9F10]  }
0x329: {  	v2 =	vld [tilespmem:s31+$0x9E00]  }
0x32a: {  	v3 =	vld [tilespmem:s31+$0x9E10]  }
0x32b: {  	v4 =	vld [tilespmem:s31+$0x9E20]  }
0x32c: {  	v5 =	vld [tilespmem:s31+$0x9E30]  }
0x32d: {  	v1 =	vld [tilespmem:s31+$0x9F1C];
	[tilespmem:s31+$0x13710] =	vst v0  }
0x32e: {  	v6 =	vld [tilespmem:s31+$0x9EB0];
	[tilespmem:s31+$0x13600] =	vst v2  }
0x32f: {  	v0 =	vld [tilespmem:s31+$0x9E40];
	[tilespmem:s31+$0x13610] =	vst v3  }
0x330: {  	v2 =	vld [tilespmem:s31+$0x9E60];
	[tilespmem:s31+$0x13620] =	vst v4  }
0x331: {  	v3 =	vld [tilespmem:s31+$0x9E70];
	[tilespmem:s31+$0x13630] =	vst v5  }
0x332: {  	[tilespmem:s31+$0x1371C] =	vst v1;
	v1 =	vld [tilespmem:s31+$0x9E50]  }
0x333: {  	v4 =	vld [tilespmem:s31+$0x9E80];
	[tilespmem:s31+$0x136B0] =	vst v6  }
0x334: {  	v5 =	vld [tilespmem:s31+$0x9EA0];
	[tilespmem:s31+$0x13640] =	vst v0  }
0x335: {  	v0 =	vld [tilespmem:s31+$0x9E90];
	[tilespmem:s31+$0x13660] =	vst v2  }
0x336: {  	v7 =	vld [tilespmem:s31+$0x9EC0];
	[tilespmem:s31+$0x13670] =	vst v3  }
0x337: {  	[tilespmem:s31+$0x13650] =	vst v1;
	v1 =	vld [tilespmem:s31+$0x9ED0]  }
0x338: {  	[tilespmem:s31+$0x13680] =	vst v4;
	v2 =	vld [tilespmem:s31+$0x9EE0]  }
0x339: {  	[tilespmem:s31+$0x136A0] =	vst v5;
	v3 =	vld [tilespmem:s31+$0x9EF0]  }
0x33a: {  	s0 =	simm.s32 $0x130;
	v4 =	vld [tilespmem:s31+$0x9F00];
	[tilespmem:s31+$0x13690] =	vst v0  }
0x33b: {  	s1 =	simm.s32 $0x980;
	v0 =	vld [tilespmem:s0+$0x9F10];
	[tilespmem:s31+$0x136C0] =	vst v7  }
.LBB2_24:
0x33c: {  	p0 =	sne.s32 s1, $0x25B40;
	v5 =	vld [tilespmem:s0+$0x9F1C];
	[tilespmem:s31+$0x136D0] =	vst v1  }
0x33d: {  	v1 =	vld [tilespmem:s0+$0x9E00];
	[tilespmem:s31+$0x136E0] =	vst v2  }
0x33e: {  	v2 =	vld [tilespmem:s0+$0x9E10];
	[tilespmem:s31+$0x136F0] =	vst v3  }
0x33f: {  	v3 =	vld [tilespmem:s0+$0x9E20];
	[tilespmem:s31+$0x13700] =	vst v4;
	s31 =	smov.u32 s0  }
0x340: {  	v4 =	vld [tilespmem:s31+$0x9E30];
	[tilespmem:s31+$0x13710] =	vst v0  }
0x341: {  	v0 =	vld [tilespmem:s31+$0x9E40];
	[tilespmem:s31+$0x1371C] =	vst v5  }
0x342: {  	[tilespmem:s31+$0x13600] =	vst v1;
	v1 =	vld [tilespmem:s31+$0x9E50]  }
0x343: {  	[tilespmem:s31+$0x13610] =	vst v2;
	v2 =	vld [tilespmem:s31+$0x9E60]  }
0x344: {  	[tilespmem:s31+$0x13620] =	vst v3;
	v3 =	vld [tilespmem:s31+$0x9E70]  }
0x345: {  	[tilespmem:s31+$0x13630] =	vst v4;
	v4 =	vld [tilespmem:s31+$0x9E80]  }
0x346: {  	[tilespmem:s31+$0x13640] =	vst v0;
	v0 =	vld [tilespmem:s31+$0x9E90]  }
0x347: {  	[tilespmem:s31+$0x13650] =	vst v1;
	v5 =	vld [tilespmem:s31+$0x9EA0]  }
0x348: {  	[tilespmem:s31+$0x13660] =	vst v2;
	v6 =	vld [tilespmem:s31+$0x9EB0]  }
0x349: {  	[tilespmem:s31+$0x13670] =	vst v3;
	v7 =	vld [tilespmem:s31+$0x9EC0]  }
.Ltmp11:
0x34a: {  	[tilespmem:s31+$0x13680] =	vst v4;
	v1 =	vld [tilespmem:s31+$0x9ED0];
	(pc) =	sbr.rel @p0 .LBB2_24-.Ltmp11, $4  }
0x34b: {  	[tilespmem:s31+$0x13690] =	vst v0;
	v2 =	vld [tilespmem:s31+$0x9EE0]  }
0x34c: {  	[tilespmem:s31+$0x136A0] =	vst v5;
	v3 =	vld [tilespmem:s31+$0x9EF0]  }
0x34d: {  	s0 =	sshra.s32 s1, $0x2;
	[tilespmem:s31+$0x136B0] =	vst v6;
	v4 =	vld [tilespmem:s31+$0x9F00]  }
0x34e: {  	s1 =	sadd.s32 $0x4C0, s1;
	v0 =	vld [tilespmem:s0+$0x9F10];
	[tilespmem:s31+$0x136C0] =	vst v7  }
0x34f: {  	v5 =	vld [tilespmem:s0+$0x9F1C];
	[tilespmem:s31+$0x136D0] =	vst v1  }
0x350: {  	v1 =	vld [tilespmem:s0+$0x9E00];
	[tilespmem:s31+$0x136E0] =	vst v2  }
0x351: {  	v2 =	vld [tilespmem:s0+$0x9E10];
	[tilespmem:s31+$0x136F0] =	vst v3  }
0x352: {  	v3 =	vld [tilespmem:s0+$0x9E20];
	[tilespmem:s31+$0x13700] =	vst v4  }
0x353: {  	v4 =	vld [tilespmem:s0+$0x9E30];
	[tilespmem:s0+$0x13710] =	vst v0  }
0x354: {  	v51 =	vld [tilespmem:s0+$0x9E40];
	[tilespmem:s0+$0x1371C] =	vst v5  }
0x355: {  	v52 =	vld [tilespmem:s0+$0x9E50];
	[tilespmem:s0+$0x13600] =	vst v1  }
0x356: {  	v53 =	vld [tilespmem:s0+$0x9E60];
	[tilespmem:s0+$0x13610] =	vst v2  }
0x357: {  	v54 =	vld [tilespmem:s0+$0x9E70];
	[tilespmem:s0+$0x13620] =	vst v3  }
0x358: {  	v55 =	vld [tilespmem:s0+$0x9E80];
	[tilespmem:s0+$0x13630] =	vst v4  }
0x359: {  	v56 =	vld [tilespmem:s0+$0x9E90];
	[tilespmem:s0+$0x13640] =	vst v51  }
0x35a: {  	v57 =	vld [tilespmem:s0+$0x9EA0];
	[tilespmem:s0+$0x13650] =	vst v52  }
0x35b: {  	v58 =	vld [tilespmem:s0+$0x9EB0];
	[tilespmem:s0+$0x13660] =	vst v53  }
0x35c: {  	v59 =	vld [tilespmem:s0+$0x9EC0];
	[tilespmem:s0+$0x13670] =	vst v54  }
0x35d: {  	v60 =	vld [tilespmem:s0+$0x9ED0];
	[tilespmem:s0+$0x13680] =	vst v55  }
0x35e: {  	v61 =	vld [tilespmem:s0+$0x9EE0];
	[tilespmem:s0+$0x13690] =	vst v56  }
0x35f: {  	v62 =	vld [tilespmem:s0+$0x9EF0];
	[tilespmem:s0+$0x136A0] =	vst v57  }
0x360: {  	v63 =	vld [tilespmem:s0+$0x9F00];
	[tilespmem:s0+$0x136B0] =	vst v58  }
0x361: {  	[tilespmem:s0+$0x136C0] =	vst v59  }
0x362: {  	[tilespmem:s0+$0x136D0] =	vst v60  }
0x363: {  	s30 =	sadd.s32 $0x1, s30;
	[tilespmem:s0+$0x136E0] =	vst v61  }
0x364: {  	p0 =	sne.s32 s30, s19;
	[tilespmem:s0+$0x136F0] =	vst v62  }
.Ltmp12:
0x365: {  	[tilespmem:s0+$0x13700] =	vst v63;
	(pc) =	sbr.rel @p0 .LBB2_1-.Ltmp12, $4  }
0x366: {  	[hbm4b:s18+s2] =	stream.linear.scatter [tilespmem:s28], [sflag:$0x3], $0x9800, $0x38;
	[tilespmem:$0x1CE00] =	vst v63  }
0x367: {  	_ =	swait.ge [sflag:s20], $0x9800  }
0x368: {  	[sflag:s20] =	ssyncset.done $0x0  }
0x369: {  	[sflag:s20] =	ssyncadd.s32 $0xFFFF6800  }
0x36a: {  	_ =	sfence.sel $0x180000  }
0x36b: {  	[bflag:$0x0] =	sbarrier.arrive $0xFFFF  }
0x36c: {  	_ =	strace $0x90000047  }
0x36d: {  	s0 =	stileid.u32;
	[bflag:$0x2] =	sbarrier.arrive $0xFFFF  }
0x36e: {  	p0 =	sne.s32 s0, $0x0;
	s0 =	rddreg [dreg:$0x6]  }
0x36f: {  	s0 =	sadd.s32 @!p0 $0x100000, s0  }
0x370: {  	[sflag:s0] =	ssyncadd.tile.s32 @!p0 $0x1;
	_ =	shalt  }
.Lfunc_end2:
_tile_overlayer_lowered:
.L_overlay_start_2:
0x371: {  	(tag) =	ssettag $0x2  }
0x372: {  	s0 =	rddreg [dreg:$0x0];
	s2 =	stileid.u32  }
0x373: {  	s1 =	rddreg [dreg:$0x1];
	p0 =	sne.s32 s2, $0x0  }
0x374: {  	s3 =	rddreg [dreg:$0x2];
	[bflag:$0x3] =	sbarrier.arrive $0xFFFF;
	s2 =	simm.s32 @!p0 $0x1C03  }
0x375: {  	[timem:s3], [sflag:s2] =	dma.local @!p0 [hbm:s0], s1  }
0x376: {  	s0 =	simm.s32 @!p0 $0x3  }
0x377: {  	_ =	swait.ge @!p0 [sflag:s0], s1  }
0x378: {  	s1 =	ssub.s32 @!p0 $0x0, s1;
	[sflag:s0] =	ssyncset.done @!p0 $0x0  }
0x379: {  	[sflag:s0] =	ssyncadd.s32 @!p0 s1  }
0x37a: {  	[bflag:$0x3] =	sbarrier.arrive $0xFFFF  }
0x37b: {  	_ =	shalt  }

</sc_bundles>
